<compile_context>
chip_gen: v7x
topology: tpu7x:2x2x1
jax: 0.10.2.dev20260603
libtpu: 0.0.44.dev20260713+nightly
codegen_flags: <defaults>
</compile_context>

<pallas_src>
import functools

import jax
import jax.numpy as jnp
from jax import lax
from jax.experimental import pallas as pl
from jax.experimental.pallas import tpu as pltpu
from jax.experimental.pallas import tpu_sc as plsc

N = 10000
E = 320000
D = 128
H = 128
C = 40
G = 64

NSC = 2
NTILE = 16
NW = NSC * NTILE
CHUNK = 128
BLK = 128
NBLK = 79
NROWP = NBLK * BLK
RPT = NROWP // NTILE
NCHA = 95
NCHB = 62
NCH_MAX = NCHA
PCH = NCH_MAX // 2
EPAD = NTILE * (NCHA + NCHB) * CHUNK
NEA = NTILE * NCHA * CHUNK
TRASH = N

_mesh = plsc.VectorSubcoreMesh(core_axis_name="c", subcore_axis_name="s")



def _edge_scatter_kernel(width):

    @functools.partial(
        pl.kernel,
        out_type=jax.ShapeDtypeStruct((NSC, NROWP, width), jnp.float32),
        mesh=_mesh,
        scratch_types=[
            pltpu.VMEM((NCH_MAX, CHUNK), jnp.int32),
            pltpu.VMEM((NCH_MAX, CHUNK), jnp.int32),
            pltpu.VMEM((CHUNK, width), jnp.float32),
            pltpu.VMEM_SHARED((NROWP, width), jnp.float32),
            pltpu.SemaphoreType.DMA,
        ],
    )
    def k(g_hbm, gi_hbm, si_hbm, z_hbm, out_hbm, gi_v, si_v, rows_v, acc_sh, sem):
        c = lax.axis_index("c")
        s = lax.axis_index("s")
        wid = c * NTILE + s
        base = s * RPT
        nch = lax.select(c == 0, NCHA, NCHB)
        pltpu.sync_copy(z_hbm, rows_v)
        for kk in range(4):
            pltpu.sync_copy(rows_v, acc_sh.at[pl.ds(base + kk * CHUNK, CHUNK)])
        pltpu.sync_copy(rows_v.at[pl.ds(0, RPT - 4 * CHUNK)],
                        acc_sh.at[pl.ds(base + 4 * CHUNK, RPT - 4 * CHUNK)])
        pltpu.sync_copy(gi_hbm.at[wid], gi_v)
        pltpu.sync_copy(si_hbm.at[wid], si_v)
        plsc.subcore_barrier()

        def body(ch, carry):
            pltpu.async_copy(g_hbm.at[gi_v.at[ch]], rows_v, sem).wait()
            pltpu.sync_copy(rows_v, acc_sh.at[si_v.at[ch]], add=True)
            return carry

        lax.fori_loop(0, nch, body, 0)
        plsc.subcore_barrier()
        for kk in range(4):
            pltpu.sync_copy(acc_sh.at[pl.ds(base + kk * CHUNK, CHUNK)], rows_v)
            pltpu.sync_copy(rows_v, out_hbm.at[c, pl.ds(base + kk * CHUNK, CHUNK)])
        tail = RPT - 4 * CHUNK
        pltpu.sync_copy(acc_sh.at[pl.ds(base + 4 * CHUNK, tail)],
                        rows_v.at[pl.ds(0, tail)])
        pltpu.sync_copy(rows_v.at[pl.ds(0, tail)],
                        out_hbm.at[c, pl.ds(base + 4 * CHUNK, tail)])

    return k


_edge_scatter_h = _edge_scatter_kernel(H)


@functools.partial(
    pl.kernel,
    out_type=jax.ShapeDtypeStruct((NSC * NROWP,), jnp.float32),
    mesh=_mesh,
    scratch_types=[
        pltpu.VMEM((NCH_MAX, CHUNK), jnp.int32),
        pltpu.VMEM((CHUNK,), jnp.float32),
        pltpu.VMEM((RPT,), jnp.float32),
        pltpu.VMEM_SHARED((NROWP,), jnp.float32),
        pltpu.SemaphoreType.DMA,
    ],
)
def _degree_kernel(si_hbm, ones_hbm, z_hbm, out_hbm, si_v, ones_v, zb_v, acc_sh, sem):
    c = lax.axis_index("c")
    s = lax.axis_index("s")
    wid = c * NTILE + s
    base = s * RPT
    nch = lax.select(c == 0, NCHA, NCHB)
    pltpu.sync_copy(z_hbm, zb_v)
    pltpu.sync_copy(zb_v, acc_sh.at[pl.ds(base, RPT)])
    pltpu.sync_copy(ones_hbm, ones_v)
    pltpu.sync_copy(si_hbm.at[wid], si_v)
    plsc.subcore_barrier()

    def body(ch, carry):
        pltpu.sync_copy(ones_v, acc_sh.at[si_v.at[ch]], add=True)
        return carry

    lax.fori_loop(0, nch, body, 0)
    plsc.subcore_barrier()
    pltpu.sync_copy(acc_sh.at[pl.ds(base, RPT)], zb_v)
    pltpu.sync_copy(zb_v, out_hbm.at[pl.ds(c * NROWP + base, RPT)])



def _dis_body(deg_ref, out_ref):
    d = deg_ref[...]
    out_ref[...] = lax.rsqrt(d[0] + d[1] + 1.0)


_dis_call = pl.pallas_call(
    _dis_body,
    out_shape=jax.ShapeDtypeStruct((NBLK, BLK), jnp.float32),
)

TBLK = 632
TNB = NROWP // TBLK


def _prep_body(x_ref, dis_ref, w_ref, o_ref):
    d = dis_ref[0, 0, :]
    o_ref[...] = (x_ref[...] @ w_ref[...]) * d[:, None]


_prep_call = pl.pallas_call(
    _prep_body,
    grid=(NBLK,),
    in_specs=[
        pl.BlockSpec((BLK, D), lambda i: (i, 0)),
        pl.BlockSpec((1, 1, BLK), lambda i: (i, 0, 0)),
        pl.BlockSpec((D, H), lambda i: (0, 0)),
    ],
    out_specs=pl.BlockSpec((BLK, H), lambda i: (i, 0)),
    out_shape=jax.ShapeDtypeStruct((NROWP, H), jnp.float32),
)


def _layer_body(s_ref, g_ref, dis_ref, w_ref, b_ref, gn_ref, h_ref):
    d = dis_ref[...]
    sp = s_ref[...]
    h = jnp.maximum((sp[0] + sp[1] + g_ref[...]) * d + b_ref[...], 0.0)
    h_ref[...] = h
    gn_ref[...] = (h @ w_ref[...]) * d


_layer_call = pl.pallas_call(
    _layer_body,
    grid=(TNB,),
    in_specs=[
        pl.BlockSpec((NSC, TBLK, H), lambda i: (0, i, 0)),
        pl.BlockSpec((TBLK, H), lambda i: (i, 0)),
        pl.BlockSpec((TBLK, 1), lambda i: (i, 0)),
        pl.BlockSpec((H, H), lambda i: (0, 0)),
        pl.BlockSpec((1, H), lambda i: (0, 0)),
    ],
    out_specs=[
        pl.BlockSpec((TBLK, H), lambda i: (i, 0)),
        pl.BlockSpec((TBLK, H), lambda i: (i, 0)),
    ],
    out_shape=[
        jax.ShapeDtypeStruct((NROWP, H), jnp.float32),
        jax.ShapeDtypeStruct((NROWP, H), jnp.float32),
    ],
)


def _comb5_body(s_ref, g_ref, dis_ref, b_ref, h_ref):
    d = dis_ref[0, 0, :]
    sp = s_ref[...]
    h_ref[...] = jnp.maximum((sp[0] + sp[1] + g_ref[...]) * d[:, None] + b_ref[...], 0.0)


_comb5_call = pl.pallas_call(
    _comb5_body,
    grid=(NBLK,),
    in_specs=[
        pl.BlockSpec((NSC, BLK, H), lambda i: (0, i, 0)),
        pl.BlockSpec((BLK, H), lambda i: (i, 0)),
        pl.BlockSpec((1, 1, BLK), lambda i: (i, 0, 0)),
        pl.BlockSpec((1, H), lambda i: (0, 0)),
    ],
    out_specs=pl.BlockSpec((BLK, H), lambda i: (i, 0)),
    out_shape=jax.ShapeDtypeStruct((NROWP, H), jnp.float32),
)


def _cnt_body(b_ref, cnt_ref):
    @pl.when(pl.program_id(0) == 0)
    def _init():
        cnt_ref[...] = jnp.zeros_like(cnt_ref)

    bb = b_ref[0, 0, :]
    oh = (bb[:, None] == lax.broadcasted_iota(jnp.int32, (BLK, G), 1)).astype(jnp.float32)
    cnt_ref[...] += jnp.sum(oh, axis=0, keepdims=True)


_cnt_call = pl.pallas_call(
    _cnt_body,
    grid=(NBLK,),
    in_specs=[pl.BlockSpec((1, 1, BLK), lambda i: (i, 0, 0))],
    out_specs=pl.BlockSpec((1, G), lambda i: (0, 0)),
    out_shape=jax.ShapeDtypeStruct((1, G), jnp.float32),
)


def _u_body(b_ref, dis_ref, cnt_ref, u_ref):
    bb = b_ref[0, 0, :]
    d = dis_ref[0, 0, :]
    oh = (bb[:, None] == lax.broadcasted_iota(jnp.int32, (BLK, H), 1)).astype(jnp.float32)
    cinv = 1.0 / jnp.maximum(cnt_ref[...], 1.0)
    cinv_p = jnp.concatenate([cinv, jnp.ones((1, H - G), jnp.float32)], axis=1)
    u_ref[...] = oh * d[:, None] * cinv_p


_u_call = pl.pallas_call(
    _u_body,
    grid=(NBLK,),
    in_specs=[
        pl.BlockSpec((1, 1, BLK), lambda i: (i, 0, 0)),
        pl.BlockSpec((1, 1, BLK), lambda i: (i, 0, 0)),
        pl.BlockSpec((1, G), lambda i: (0, 0)),
    ],
    out_specs=pl.BlockSpec((BLK, H), lambda i: (i, 0)),
    out_shape=jax.ShapeDtypeStruct((NROWP, H), jnp.float32),
)


def _qt_body(t_ref, u_ref, dis_ref, qt_ref):
    d = dis_ref[0, 0, :]
    tp = t_ref[...]
    rid = pl.program_id(0) * BLK + lax.broadcasted_iota(jnp.int32, (BLK, G), 0)
    qt = ((tp[0] + tp[1] + u_ref[...]) * d[:, None])[:, :G]
    qt_ref[...] = jnp.where(rid < N, qt, 0.0)


_qt_call = pl.pallas_call(
    _qt_body,
    grid=(NBLK,),
    in_specs=[
        pl.BlockSpec((NSC, BLK, H), lambda i: (0, i, 0)),
        pl.BlockSpec((BLK, H), lambda i: (i, 0)),
        pl.BlockSpec((1, 1, BLK), lambda i: (i, 0, 0)),
    ],
    out_specs=pl.BlockSpec((BLK, G), lambda i: (i, 0)),
    out_shape=jax.ShapeDtypeStruct((NROWP, G), jnp.float32),
)


def _final_body(qt_ref, h_ref, w6_ref, wlin_ref, b6_ref, blin_ref, o_ref):
    pooled = lax.dot_general(qt_ref[...], h_ref[...], (((0,), (0,)), ((), ())),
                             preferred_element_type=jnp.float32)
    wc = w6_ref[...] @ wlin_ref[...]
    o_ref[...] = pooled @ wc + b6_ref[...] @ wlin_ref[...] + blin_ref[...]


_final_call = pl.pallas_call(
    _final_body,
    out_shape=jax.ShapeDtypeStruct((G, C), jnp.float32),
)



def kernel(x, edge_index, batch, W1, b1, W2, b2, W3, b3, W4, b4, W5, b5, W6, b6,
           Wlin, blin):
    f32 = jnp.float32
    src = edge_index[0]
    dst = edge_index[1]
    pad = EPAD - E

    def slab(idx, fill):
        idx_p = jnp.concatenate([idx, jnp.full((pad,), fill, jnp.int32)])
        part_a = idx_p[:NEA].reshape(NTILE, NCHA, CHUNK)
        part_a = jnp.pad(part_a, ((0, 0), (0, NCH_MAX - NCHA), (0, 0)),
                         constant_values=fill)
        part_b = idx_p[NEA:].reshape(NTILE, NCHB, CHUNK)
        part_b = jnp.pad(part_b, ((0, 0), (0, NCH_MAX - NCHB), (0, 0)),
                         constant_values=fill)
        return jnp.concatenate([part_a, part_b], axis=0)

    fwd_gi = slab(src, 0)
    fwd_si = slab(dst, TRASH)
    rev_gi = slab(dst, 0)
    rev_si = slab(src, TRASH)

    zeros_h = jnp.zeros((CHUNK, H), f32)
    zeros_1 = jnp.zeros((RPT,), f32)
    ones_1 = jnp.ones((CHUNK,), f32)

    x_p = jnp.pad(x, ((0, NROWP - N), (0, 0)))
    batch3 = jnp.concatenate(
        [batch, jnp.full((NROWP - N,), G, jnp.int32)]).reshape(NBLK, 1, BLK)
    b1r = b1.reshape(1, H); b2r = b2.reshape(1, H); b3r = b3.reshape(1, H)
    b4r = b4.reshape(1, H); b5r = b5.reshape(1, H); b6r = b6.reshape(1, H)
    blinr = blin.reshape(1, C)

    deg = _degree_kernel(fwd_si, ones_1, zeros_1)
    dis2d = _dis_call(deg.reshape(NSC, NBLK, BLK))
    dis3 = dis2d.reshape(NBLK, 1, BLK)
    dis_col = dis2d.reshape(NROWP, 1)

    cnt = _cnt_call(batch3)
    u = _u_call(batch3, dis3, cnt)
    t = _edge_scatter_h(u, rev_gi, rev_si, zeros_h)
    qt = _qt_call(t, u, dis3)

    g = _prep_call(x_p, dis3, W1)
    Ws = [W2, W3, W4, W5]
    bs = [b1r, b2r, b3r, b4r]
    for l in range(4):
        s = _edge_scatter_h(g, fwd_gi, fwd_si, zeros_h)
        g, _h = _layer_call(s, g, dis_col, Ws[l], bs[l])
    s = _edge_scatter_h(g, fwd_gi, fwd_si, zeros_h)
    h5 = _comb5_call(s, g, dis3, b5r)

    return _final_call(qt, h5, W6, Wlin, b6r, blinr)

# --- scband reference (transcript-rebuilt; emitter-appended) ---
"""Pipeline reference for scband-gcn-1597727834503 (READ-ONLY COPY).

The authoritative reference and input builder live on the scoring server;
editing this copy changes nothing except your own understanding.
"""

import jax, jax.numpy as jnp
import numpy as np

N = 10000
E = 320000
D = 128
H = 128
C = 40
G = 64


def setup_inputs(seed: int = 0) -> dict:
    key = jax.random.key(seed)
    ks = jax.random.split(key, 24)
    inp = {}
    inp["x"] = jax.random.normal(ks[0], (N, D), dtype=jnp.float32)
    inp["edge_index"] = jax.random.randint(ks[1], (2, E), 0, N, dtype=jnp.int32)
    inp["batch"] = jnp.sort(jax.random.randint(ks[2], (N,), 0, G, dtype=jnp.int32))
    for i in range(6):
        din = D if i == 0 else H
        inp[f"W{i+1}"] = jax.random.normal(ks[3 + i], (din, H), dtype=jnp.float32) * 0.05
        inp[f"b{i+1}"] = jnp.zeros((H,), dtype=jnp.float32)
    inp["Wlin"] = jax.random.normal(ks[10], (H, C), dtype=jnp.float32) * 0.05
    inp["blin"] = jnp.zeros((C,), dtype=jnp.float32)
    return inp


def gcn_conv(x, edge_index, W, b):
    # GCNConv: add self-loops, symmetric normalization D^-1/2 (A+I) D^-1/2
    loop = jnp.arange(N, dtype=edge_index.dtype)
    src = jnp.concatenate([edge_index[0], loop])
    dst = jnp.concatenate([edge_index[1], loop])
    deg = jnp.zeros((N,), jnp.float32).at[dst].add(1.0)
    dis = jnp.where(deg > 0, jax.lax.rsqrt(jnp.maximum(deg, 1e-12)), 0.0)
    norm = dis[src] * dis[dst]
    h = x @ W
    msg = h[src] * norm[:, None]
    out = jnp.zeros((N, W.shape[1]), jnp.float32).at[dst].add(msg)
    return out + b


def reference(x, edge_index, batch, W1, b1, W2, b2, W3, b3, W4, b4, W5, b5, W6, b6, Wlin, blin):
    h = jax.nn.relu(gcn_conv(x, edge_index, W1, b1))
    h = jax.nn.relu(gcn_conv(h, edge_index, W2, b2))
    h = jax.nn.relu(gcn_conv(h, edge_index, W3, b3))
    h = jax.nn.relu(gcn_conv(h, edge_index, W4, b4))
    h = jax.nn.relu(gcn_conv(h, edge_index, W5, b5))
    h = gcn_conv(h, edge_index, W6, b6)
    # global_mean_pool over graph ids in `batch`
    sums = jax.ops.segment_sum(h, batch, num_segments=G)
    cnt = jax.ops.segment_sum(jnp.ones((N,), jnp.float32), batch, num_segments=G)
    pooled = sums / jnp.maximum(cnt, 1.0)[:, None]
    # dropout is identity in eval mode
    return pooled @ Wlin + blin

if __name__ == "__main__":
    import jax
    _d = setup_inputs()
    print(jax.jit(kernel)(*tuple(_d.values())))

</pallas_src>

<mosaic_0001>
#map = affine_map<(d0, d1) -> (0, 0)>
#map1 = affine_map<(d0, d1) -> (0, 0, 0)>
module attributes {stable_mosaic.version = 14 : i64} {
  func.func @k(%arg0: i32, %arg1: i32, %arg2: memref<10112x128xf32, #tpu.memory_space<hbm>>, %arg3: memref<32x95x128xi32, #tpu.memory_space<hbm>>, %arg4: memref<32x95x128xi32, #tpu.memory_space<hbm>>, %arg5: memref<128x128xf32, #tpu.memory_space<hbm>>, %arg6: memref<2x10112x128xf32, #tpu.memory_space<hbm>>, %arg7: memref<95x128xi32, #tpu.memory_space<vmem>>, %arg8: memref<95x128xi32, #tpu.memory_space<vmem>>, %arg9: memref<128x128xf32, #tpu.memory_space<vmem>>, %arg10: memref<10112x128xf32, #tpu.memory_space<vmem_shared>>, %arg11: memref<!tpu.dma_semaphore, #tpu.memory_space<semaphore_mem>>) attributes {dimension_semantics = [#tpu.dimension_semantics<core_parallel>, #tpu.dimension_semantics<subcore_parallel>], iteration_bounds = array<i64: 2, 16>, scalar_prefetch = 0 : i64, scratch_operands = 5 : i64, tpu.core_type = #tpu.core_type<sc_vector_subcore>, window_params = [{transform_indices = #map}, {transform_indices = #map1}, {transform_indices = #map1}, {transform_indices = #map}, {transform_indices = #map1}]} {
    %mul3A = arith.constant 16 : i32
    %mul3A_0 = arith.muli %arg0, %mul3A : i32
    %add3A = arith.addi %mul3A_0, %arg1 : i32
    %mul3A_1 = arith.constant 632 : i32
    %mul3A_2 = arith.muli %arg1, %mul3A_1 : i32
    %eq3A = arith.constant 0 : i32
    %eq3A_3 = arith.cmpi eq, %arg0, %eq3A : i32
    %select_n3A = arith.constant 62 : i32
    %select_n3A_4 = arith.constant 95 : i32
    %select_n3A_5 = arith.select %eq3A_3, %select_n3A_4, %select_n3A : i32
    "tpu.region"() ({
      %run_scoped3A = tpu.sem_alloc : memref<!tpu.dma_semaphore, #tpu.memory_space<semaphore_mem>>
      tpu.enqueue_dma source(%arg5 : memref<128x128xf32, #tpu.memory_space<hbm>>) target(%arg9 : memref<128x128xf32, #tpu.memory_space<vmem>>) target_semaphore(%run_scoped3A : memref<!tpu.dma_semaphore, #tpu.memory_space<semaphore_mem>>)
      tpu.wait_dma2 semaphore(%run_scoped3A : memref<!tpu.dma_semaphore, #tpu.memory_space<semaphore_mem>>) src(%arg5 : memref<128x128xf32, #tpu.memory_space<hbm>>) dst(%arg9 : memref<128x128xf32, #tpu.memory_space<vmem>>)
      tpu.yield
    }) : () -> ()
    %add3A_6 = arith.constant 0 : i32
    %add3A_7 = arith.addi %mul3A_2, %add3A_6 : i32
    "tpu.region"() ({
      %run_scoped3A = tpu.sem_alloc : memref<!tpu.dma_semaphore, #tpu.memory_space<semaphore_mem>>
      %dma_start3A = arith.constant 0 : i32
      %dma_start3A_46 = tpu.memref_slice %arg10[%add3A_7, %dma_start3A] : memref<10112x128xf32, #tpu.memory_space<vmem_shared>> -> memref<128x128xf32, #tpu.memory_space<vmem_shared>>
      %dma_start3A_47 = arith.constant 0 : i32
      %dma_start3A_48 = tpu.memref_slice %arg10[%add3A_7, %dma_start3A_47] : memref<10112x128xf32, #tpu.memory_space<vmem_shared>> -> memref<128x128xf32, #tpu.memory_space<vmem_shared>>
      tpu.enqueue_dma source(%arg9 : memref<128x128xf32, #tpu.memory_space<vmem>>) target(%dma_start3A_48 : memref<128x128xf32, #tpu.memory_space<vmem_shared>>) target_semaphore(%run_scoped3A : memref<!tpu.dma_semaphore, #tpu.memory_space<semaphore_mem>>)
      %dma_wait3A = arith.constant 0 : i32
      %dma_wait3A_49 = tpu.memref_slice %arg10[%add3A_7, %dma_wait3A] : memref<10112x128xf32, #tpu.memory_space<vmem_shared>> -> memref<128x128xf32, #tpu.memory_space<vmem_shared>>
      %dma_wait3A_50 = arith.constant 0 : i32
      %dma_wait3A_51 = tpu.memref_slice %arg10[%add3A_7, %dma_wait3A_50] : memref<10112x128xf32, #tpu.memory_space<vmem_shared>> -> memref<128x128xf32, #tpu.memory_space<vmem_shared>>
      tpu.wait_dma2 semaphore(%run_scoped3A : memref<!tpu.dma_semaphore, #tpu.memory_space<semaphore_mem>>) src(%arg9 : memref<128x128xf32, #tpu.memory_space<vmem>>) dst(%dma_wait3A_51 : memref<128x128xf32, #tpu.memory_space<vmem_shared>>)
      tpu.yield
    }) : () -> ()
    %add3A_8 = arith.constant 128 : i32
    %add3A_9 = arith.addi %mul3A_2, %add3A_8 : i32
    "tpu.region"() ({
      %run_scoped3A = tpu.sem_alloc : memref<!tpu.dma_semaphore, #tpu.memory_space<semaphore_mem>>
      %dma_start3A = arith.constant 0 : i32
      %dma_start3A_46 = tpu.memref_slice %arg10[%add3A_9, %dma_start3A] : memref<10112x128xf32, #tpu.memory_space<vmem_shared>> -> memref<128x128xf32, #tpu.memory_space<vmem_shared>>
      %dma_start3A_47 = arith.constant 0 : i32
      %dma_start3A_48 = tpu.memref_slice %arg10[%add3A_9, %dma_start3A_47] : memref<10112x128xf32, #tpu.memory_space<vmem_shared>> -> memref<128x128xf32, #tpu.memory_space<vmem_shared>>
      tpu.enqueue_dma source(%arg9 : memref<128x128xf32, #tpu.memory_space<vmem>>) target(%dma_start3A_48 : memref<128x128xf32, #tpu.memory_space<vmem_shared>>) target_semaphore(%run_scoped3A : memref<!tpu.dma_semaphore, #tpu.memory_space<semaphore_mem>>)
      %dma_wait3A = arith.constant 0 : i32
      %dma_wait3A_49 = tpu.memref_slice %arg10[%add3A_9, %dma_wait3A] : memref<10112x128xf32, #tpu.memory_space<vmem_shared>> -> memref<128x128xf32, #tpu.memory_space<vmem_shared>>
      %dma_wait3A_50 = arith.constant 0 : i32
      %dma_wait3A_51 = tpu.memref_slice %arg10[%add3A_9, %dma_wait3A_50] : memref<10112x128xf32, #tpu.memory_space<vmem_shared>> -> memref<128x128xf32, #tpu.memory_space<vmem_shared>>
      tpu.wait_dma2 semaphore(%run_scoped3A : memref<!tpu.dma_semaphore, #tpu.memory_space<semaphore_mem>>) src(%arg9 : memref<128x128xf32, #tpu.memory_space<vmem>>) dst(%dma_wait3A_51 : memref<128x128xf32, #tpu.memory_space<vmem_shared>>)
      tpu.yield
    }) : () -> ()
    %add3A_10 = arith.constant 256 : i32
    %add3A_11 = arith.addi %mul3A_2, %add3A_10 : i32
    "tpu.region"() ({
      %run_scoped3A = tpu.sem_alloc : memref<!tpu.dma_semaphore, #tpu.memory_space<semaphore_mem>>
      %dma_start3A = arith.constant 0 : i32
      %dma_start3A_46 = tpu.memref_slice %arg10[%add3A_11, %dma_start3A] : memref<10112x128xf32, #tpu.memory_space<vmem_shared>> -> memref<128x128xf32, #tpu.memory_space<vmem_shared>>
      %dma_start3A_47 = arith.constant 0 : i32
      %dma_start3A_48 = tpu.memref_slice %arg10[%add3A_11, %dma_start3A_47] : memref<10112x128xf32, #tpu.memory_space<vmem_shared>> -> memref<128x128xf32, #tpu.memory_space<vmem_shared>>
      tpu.enqueue_dma source(%arg9 : memref<128x128xf32, #tpu.memory_space<vmem>>) target(%dma_start3A_48 : memref<128x128xf32, #tpu.memory_space<vmem_shared>>) target_semaphore(%run_scoped3A : memref<!tpu.dma_semaphore, #tpu.memory_space<semaphore_mem>>)
      %dma_wait3A = arith.constant 0 : i32
      %dma_wait3A_49 = tpu.memref_slice %arg10[%add3A_11, %dma_wait3A] : memref<10112x128xf32, #tpu.memory_space<vmem_shared>> -> memref<128x128xf32, #tpu.memory_space<vmem_shared>>
      %dma_wait3A_50 = arith.constant 0 : i32
      %dma_wait3A_51 = tpu.memref_slice %arg10[%add3A_11, %dma_wait3A_50] : memref<10112x128xf32, #tpu.memory_space<vmem_shared>> -> memref<128x128xf32, #tpu.memory_space<vmem_shared>>
      tpu.wait_dma2 semaphore(%run_scoped3A : memref<!tpu.dma_semaphore, #tpu.memory_space<semaphore_mem>>) src(%arg9 : memref<128x128xf32, #tpu.memory_space<vmem>>) dst(%dma_wait3A_51 : memref<128x128xf32, #tpu.memory_space<vmem_shared>>)
      tpu.yield
    }) : () -> ()
    %add3A_12 = arith.constant 384 : i32
    %add3A_13 = arith.addi %mul3A_2, %add3A_12 : i32
    "tpu.region"() ({
      %run_scoped3A = tpu.sem_alloc : memref<!tpu.dma_semaphore, #tpu.memory_space<semaphore_mem>>
      %dma_start3A = arith.constant 0 : i32
      %dma_start3A_46 = tpu.memref_slice %arg10[%add3A_13, %dma_start3A] : memref<10112x128xf32, #tpu.memory_space<vmem_shared>> -> memref<128x128xf32, #tpu.memory_space<vmem_shared>>
      %dma_start3A_47 = arith.constant 0 : i32
      %dma_start3A_48 = tpu.memref_slice %arg10[%add3A_13, %dma_start3A_47] : memref<10112x128xf32, #tpu.memory_space<vmem_shared>> -> memref<128x128xf32, #tpu.memory_space<vmem_shared>>
      tpu.enqueue_dma source(%arg9 : memref<128x128xf32, #tpu.memory_space<vmem>>) target(%dma_start3A_48 : memref<128x128xf32, #tpu.memory_space<vmem_shared>>) target_semaphore(%run_scoped3A : memref<!tpu.dma_semaphore, #tpu.memory_space<semaphore_mem>>)
      %dma_wait3A = arith.constant 0 : i32
      %dma_wait3A_49 = tpu.memref_slice %arg10[%add3A_13, %dma_wait3A] : memref<10112x128xf32, #tpu.memory_space<vmem_shared>> -> memref<128x128xf32, #tpu.memory_space<vmem_shared>>
      %dma_wait3A_50 = arith.constant 0 : i32
      %dma_wait3A_51 = tpu.memref_slice %arg10[%add3A_13, %dma_wait3A_50] : memref<10112x128xf32, #tpu.memory_space<vmem_shared>> -> memref<128x128xf32, #tpu.memory_space<vmem_shared>>
      tpu.wait_dma2 semaphore(%run_scoped3A : memref<!tpu.dma_semaphore, #tpu.memory_space<semaphore_mem>>) src(%arg9 : memref<128x128xf32, #tpu.memory_space<vmem>>) dst(%dma_wait3A_51 : memref<128x128xf32, #tpu.memory_space<vmem_shared>>)
      tpu.yield
    }) : () -> ()
    %add3A_14 = arith.constant 512 : i32
    %add3A_15 = arith.addi %mul3A_2, %add3A_14 : i32
    "tpu.region"() ({
      %run_scoped3A = tpu.sem_alloc : memref<!tpu.dma_semaphore, #tpu.memory_space<semaphore_mem>>
      %dma_start3A = arith.constant 0 : i32
      %dma_start3A_46 = arith.constant 0 : i32
      %dma_start3A_47 = tpu.memref_slice %arg9[%dma_start3A, %dma_start3A_46] : memref<128x128xf32, #tpu.memory_space<vmem>> -> memref<120x128xf32, #tpu.memory_space<vmem>>
      %dma_start3A_48 = arith.constant 0 : i32
      %dma_start3A_49 = tpu.memref_slice %arg10[%add3A_15, %dma_start3A_48] : memref<10112x128xf32, #tpu.memory_space<vmem_shared>> -> memref<120x128xf32, #tpu.memory_space<vmem_shared>>
      %dma_start3A_50 = arith.constant 0 : i32
      %dma_start3A_51 = tpu.memref_slice %arg10[%add3A_15, %dma_start3A_50] : memref<10112x128xf32, #tpu.memory_space<vmem_shared>> -> memref<120x128xf32, #tpu.memory_space<vmem_shared>>
      %dma_start3A_52 = arith.constant 0 : i32
      %dma_start3A_53 = arith.constant 0 : i32
      %dma_start3A_54 = tpu.memref_slice %arg9[%dma_start3A_52, %dma_start3A_53] : memref<128x128xf32, #tpu.memory_space<vmem>> -> memref<120x128xf32, #tpu.memory_space<vmem>>
      tpu.enqueue_dma source(%dma_start3A_54 : memref<120x128xf32, #tpu.memory_space<vmem>>) target(%dma_start3A_51 : memref<120x128xf32, #tpu.memory_space<vmem_shared>>) target_semaphore(%run_scoped3A : memref<!tpu.dma_semaphore, #tpu.memory_space<semaphore_mem>>)
      %dma_wait3A = arith.constant 0 : i32
      %dma_wait3A_55 = arith.constant 0 : i32
      %dma_wait3A_56 = tpu.memref_slice %arg9[%dma_wait3A, %dma_wait3A_55] : memref<128x128xf32, #tpu.memory_space<vmem>> -> memref<120x128xf32, #tpu.memory_space<vmem>>
      %dma_wait3A_57 = arith.constant 0 : i32
      %dma_wait3A_58 = tpu.memref_slice %arg10[%add3A_15, %dma_wait3A_57] : memref<10112x128xf32, #tpu.memory_space<vmem_shared>> -> memref<120x128xf32, #tpu.memory_space<vmem_shared>>
      %dma_wait3A_59 = arith.constant 0 : i32
      %dma_wait3A_60 = tpu.memref_slice %arg10[%add3A_15, %dma_wait3A_59] : memref<10112x128xf32, #tpu.memory_space<vmem_shared>> -> memref<120x128xf32, #tpu.memory_space<vmem_shared>>
      %dma_wait3A_61 = arith.constant 0 : i32
      %dma_wait3A_62 = arith.constant 0 : i32
      %dma_wait3A_63 = tpu.memref_slice %arg9[%dma_wait3A_61, %dma_wait3A_62] : memref<128x128xf32, #tpu.memory_space<vmem>> -> memref<120x128xf32, #tpu.memory_space<vmem>>
      tpu.wait_dma2 semaphore(%run_scoped3A : memref<!tpu.dma_semaphore, #tpu.memory_space<semaphore_mem>>) src(%dma_wait3A_63 : memref<120x128xf32, #tpu.memory_space<vmem>>) dst(%dma_wait3A_60 : memref<120x128xf32, #tpu.memory_space<vmem_shared>>)
      tpu.yield
    }) : () -> ()
    "tpu.region"() ({
      %run_scoped3A = tpu.sem_alloc : memref<!tpu.dma_semaphore, #tpu.memory_space<semaphore_mem>>
      %dma_start3A = arith.constant 0 : i32
      %dma_start3A_46 = arith.constant 0 : i32
      %dma_start3A_47 = tpu.memref_slice %arg3[%add3A, %dma_start3A, %dma_start3A_46] : memref<32x95x128xi32, #tpu.memory_space<hbm>> -> memref<1x95x128xi32, #tpu.memory_space<hbm>>
      %dma_start3A_48 = tpu.memref_squeeze %dma_start3A_47 : memref<1x95x128xi32, #tpu.memory_space<hbm>> -> memref<95x128xi32, #tpu.memory_space<hbm>>
      %dma_start3A_49 = arith.constant 0 : i32
      %dma_start3A_50 = arith.constant 0 : i32
      %dma_start3A_51 = tpu.memref_slice %arg3[%add3A, %dma_start3A_49, %dma_start3A_50] : memref<32x95x128xi32, #tpu.memory_space<hbm>> -> memref<1x95x128xi32, #tpu.memory_space<hbm>>
      %dma_start3A_52 = tpu.memref_squeeze %dma_start3A_51 : memref<1x95x128xi32, #tpu.memory_space<hbm>> -> memref<95x128xi32, #tpu.memory_space<hbm>>
      tpu.enqueue_dma source(%dma_start3A_52 : memref<95x128xi32, #tpu.memory_space<hbm>>) target(%arg7 : memref<95x128xi32, #tpu.memory_space<vmem>>) target_semaphore(%run_scoped3A : memref<!tpu.dma_semaphore, #tpu.memory_space<semaphore_mem>>)
      %dma_wait3A = arith.constant 0 : i32
      %dma_wait3A_53 = arith.constant 0 : i32
      %dma_wait3A_54 = tpu.memref_slice %arg3[%add3A, %dma_wait3A, %dma_wait3A_53] : memref<32x95x128xi32, #tpu.memory_space<hbm>> -> memref<1x95x128xi32, #tpu.memory_space<hbm>>
      %dma_wait3A_55 = tpu.memref_squeeze %dma_wait3A_54 : memref<1x95x128xi32, #tpu.memory_space<hbm>> -> memref<95x128xi32, #tpu.memory_space<hbm>>
      %dma_wait3A_56 = arith.constant 0 : i32
      %dma_wait3A_57 = arith.constant 0 : i32
      %dma_wait3A_58 = tpu.memref_slice %arg3[%add3A, %dma_wait3A_56, %dma_wait3A_57] : memref<32x95x128xi32, #tpu.memory_space<hbm>> -> memref<1x95x128xi32, #tpu.memory_space<hbm>>
      %dma_wait3A_59 = tpu.memref_squeeze %dma_wait3A_58 : memref<1x95x128xi32, #tpu.memory_space<hbm>> -> memref<95x128xi32, #tpu.memory_space<hbm>>
      tpu.wait_dma2 semaphore(%run_scoped3A : memref<!tpu.dma_semaphore, #tpu.memory_space<semaphore_mem>>) src(%dma_wait3A_59 : memref<95x128xi32, #tpu.memory_space<hbm>>) dst(%arg7 : memref<95x128xi32, #tpu.memory_space<vmem>>)
      tpu.yield
    }) : () -> ()
    "tpu.region"() ({
      %run_scoped3A = tpu.sem_alloc : memref<!tpu.dma_semaphore, #tpu.memory_space<semaphore_mem>>
      %dma_start3A = arith.constant 0 : i32
      %dma_start3A_46 = arith.constant 0 : i32
      %dma_start3A_47 = tpu.memref_slice %arg4[%add3A, %dma_start3A, %dma_start3A_46] : memref<32x95x128xi32, #tpu.memory_space<hbm>> -> memref<1x95x128xi32, #tpu.memory_space<hbm>>
      %dma_start3A_48 = tpu.memref_squeeze %dma_start3A_47 : memref<1x95x128xi32, #tpu.memory_space<hbm>> -> memref<95x128xi32, #tpu.memory_space<hbm>>
      %dma_start3A_49 = arith.constant 0 : i32
      %dma_start3A_50 = arith.constant 0 : i32
      %dma_start3A_51 = tpu.memref_slice %arg4[%add3A, %dma_start3A_49, %dma_start3A_50] : memref<32x95x128xi32, #tpu.memory_space<hbm>> -> memref<1x95x128xi32, #tpu.memory_space<hbm>>
      %dma_start3A_52 = tpu.memref_squeeze %dma_start3A_51 : memref<1x95x128xi32, #tpu.memory_space<hbm>> -> memref<95x128xi32, #tpu.memory_space<hbm>>
      tpu.enqueue_dma source(%dma_start3A_52 : memref<95x128xi32, #tpu.memory_space<hbm>>) target(%arg8 : memref<95x128xi32, #tpu.memory_space<vmem>>) target_semaphore(%run_scoped3A : memref<!tpu.dma_semaphore, #tpu.memory_space<semaphore_mem>>)
      %dma_wait3A = arith.constant 0 : i32
      %dma_wait3A_53 = arith.constant 0 : i32
      %dma_wait3A_54 = tpu.memref_slice %arg4[%add3A, %dma_wait3A, %dma_wait3A_53] : memref<32x95x128xi32, #tpu.memory_space<hbm>> -> memref<1x95x128xi32, #tpu.memory_space<hbm>>
      %dma_wait3A_55 = tpu.memref_squeeze %dma_wait3A_54 : memref<1x95x128xi32, #tpu.memory_space<hbm>> -> memref<95x128xi32, #tpu.memory_space<hbm>>
      %dma_wait3A_56 = arith.constant 0 : i32
      %dma_wait3A_57 = arith.constant 0 : i32
      %dma_wait3A_58 = tpu.memref_slice %arg4[%add3A, %dma_wait3A_56, %dma_wait3A_57] : memref<32x95x128xi32, #tpu.memory_space<hbm>> -> memref<1x95x128xi32, #tpu.memory_space<hbm>>
      %dma_wait3A_59 = tpu.memref_squeeze %dma_wait3A_58 : memref<1x95x128xi32, #tpu.memory_space<hbm>> -> memref<95x128xi32, #tpu.memory_space<hbm>>
      tpu.wait_dma2 semaphore(%run_scoped3A : memref<!tpu.dma_semaphore, #tpu.memory_space<semaphore_mem>>) src(%dma_wait3A_59 : memref<95x128xi32, #tpu.memory_space<hbm>>) dst(%arg8 : memref<95x128xi32, #tpu.memory_space<vmem>>)
      tpu.yield
    }) : () -> ()
    %barrier3A = arith.constant 0 : index
    tpu.barrier barrier_id(%barrier3A)
    %while3A = arith.constant 0 : i32
    %while3A_16 = arith.constant 0 : i32
    %while3A_17 = arith.subi %select_n3A_5, %while3A_16 : i32
    %while3A_18 = arith.addi %while3A_16, %while3A_17 : i32
    %while3A_19 = arith.constant 1 : i32
    %while3A_20 = arith.divsi %while3A_17, %while3A_19 : i32
    %while3A_21 = arith.muli %while3A_20, %while3A_19 : i32
    %while3A_22 = arith.addi %while3A_16, %while3A_21 : i32
    %while3A_23 = arith.constant 1 : i32
    scf.for %while3A_46 = %while3A_16 to %while3A_22 step %while3A_23  : i32 {
      %dma_start3A = arith.constant 0 : i32
      %dma_start3A_47 = tpu.memref_slice %arg7[%while3A_46, %dma_start3A] : memref<95x128xi32, #tpu.memory_space<vmem>> -> memref<1x128xi32, #tpu.memory_space<vmem>>
      %dma_start3A_48 = tpu.memref_squeeze %dma_start3A_47 : memref<1x128xi32, #tpu.memory_space<vmem>> -> memref<128xi32, #tpu.memory_space<vmem>>
      %dma_start3A_49 = arith.constant 0 : i32
      %dma_start3A_50 = arith.constant 0 : i32
      %dma_start3A_51 = tpu.memref_slice %arg2[%dma_start3A_49, %dma_start3A_50] : memref<10112x128xf32, #tpu.memory_space<hbm>> -> memref<10112x128xf32, #tpu.memory_space<hbm>>
      tpu.enqueue_indirect_dma source(%dma_start3A_51 : memref<10112x128xf32, #tpu.memory_space<hbm>>) target(%arg9 : memref<128x128xf32, #tpu.memory_space<vmem>>) offsets(%dma_start3A_48 : memref<128xi32, #tpu.memory_space<vmem>>) semaphore(%arg11 : memref<!tpu.dma_semaphore, #tpu.memory_space<semaphore_mem>>)
      %dma_wait3A = arith.constant 0 : i32
      %dma_wait3A_52 = tpu.memref_slice %arg7[%while3A_46, %dma_wait3A] : memref<95x128xi32, #tpu.memory_space<vmem>> -> memref<1x128xi32, #tpu.memory_space<vmem>>
      %dma_wait3A_53 = tpu.memref_squeeze %dma_wait3A_52 : memref<1x128xi32, #tpu.memory_space<vmem>> -> memref<128xi32, #tpu.memory_space<vmem>>
      %dma_wait3A_54 = arith.constant 0 : i32
      %dma_wait3A_55 = arith.constant 0 : i32
      %dma_wait3A_56 = tpu.memref_slice %arg2[%dma_wait3A_54, %dma_wait3A_55] : memref<10112x128xf32, #tpu.memory_space<hbm>> -> memref<10112x128xf32, #tpu.memory_space<hbm>>
      tpu.wait_indirect_dma semaphore(%arg11 : memref<!tpu.dma_semaphore, #tpu.memory_space<semaphore_mem>>) src(%dma_wait3A_56 : memref<10112x128xf32, #tpu.memory_space<hbm>>) dst(%arg9 : memref<128x128xf32, #tpu.memory_space<vmem>>)
      "tpu.region"() ({
        %run_scoped3A = tpu.sem_alloc : memref<!tpu.dma_semaphore, #tpu.memory_space<semaphore_mem>>
        %dma_start3A_57 = arith.constant 0 : i32
        %dma_start3A_58 = tpu.memref_slice %arg8[%while3A_46, %dma_start3A_57] : memref<95x128xi32, #tpu.memory_space<vmem>> -> memref<1x128xi32, #tpu.memory_space<vmem>>
        %dma_start3A_59 = tpu.memref_squeeze %dma_start3A_58 : memref<1x128xi32, #tpu.memory_space<vmem>> -> memref<128xi32, #tpu.memory_space<vmem>>
        %dma_start3A_60 = arith.constant 0 : i32
        %dma_start3A_61 = arith.constant 0 : i32
        %dma_start3A_62 = tpu.memref_slice %arg10[%dma_start3A_60, %dma_start3A_61] : memref<10112x128xf32, #tpu.memory_space<vmem_shared>> -> memref<10112x128xf32, #tpu.memory_space<vmem_shared>>
        tpu.enqueue_indirect_dma source(%arg9 : memref<128x128xf32, #tpu.memory_space<vmem>>) target(%dma_start3A_62 : memref<10112x128xf32, #tpu.memory_space<vmem_shared>>) offsets(%dma_start3A_59 : memref<128xi32, #tpu.memory_space<vmem>>) semaphore(%run_scoped3A : memref<!tpu.dma_semaphore, #tpu.memory_space<semaphore_mem>>) {add = true}
        %dma_wait3A_63 = arith.constant 0 : i32
        %dma_wait3A_64 = tpu.memref_slice %arg8[%while3A_46, %dma_wait3A_63] : memref<95x128xi32, #tpu.memory_space<vmem>> -> memref<1x128xi32, #tpu.memory_space<vmem>>
        %dma_wait3A_65 = tpu.memref_squeeze %dma_wait3A_64 : memref<1x128xi32, #tpu.memory_space<vmem>> -> memref<128xi32, #tpu.memory_space<vmem>>
        %dma_wait3A_66 = arith.constant 0 : i32
        %dma_wait3A_67 = arith.constant 0 : i32
        %dma_wait3A_68 = tpu.memref_slice %arg10[%dma_wait3A_66, %dma_wait3A_67] : memref<10112x128xf32, #tpu.memory_space<vmem_shared>> -> memref<10112x128xf32, #tpu.memory_space<vmem_shared>>
        tpu.wait_indirect_dma semaphore(%run_scoped3A : memref<!tpu.dma_semaphore, #tpu.memory_space<semaphore_mem>>) src(%arg9 : memref<128x128xf32, #tpu.memory_space<vmem>>) dst(%dma_wait3A_68 : memref<10112x128xf32, #tpu.memory_space<vmem_shared>>)
        tpu.yield
      }) : () -> ()
    }
    %while3A_24 = arith.constant 1 : i32
    scf.for %while3A_46 = %while3A_22 to %while3A_18 step %while3A_24  : i32 {
      %dma_start3A = arith.constant 0 : i32
      %dma_start3A_47 = tpu.memref_slice %arg7[%while3A_46, %dma_start3A] : memref<95x128xi32, #tpu.memory_space<vmem>> -> memref<1x128xi32, #tpu.memory_space<vmem>>
      %dma_start3A_48 = tpu.memref_squeeze %dma_start3A_47 : memref<1x128xi32, #tpu.memory_space<vmem>> -> memref<128xi32, #tpu.memory_space<vmem>>
      %dma_start3A_49 = arith.constant 0 : i32
      %dma_start3A_50 = arith.constant 0 : i32
      %dma_start3A_51 = tpu.memref_slice %arg2[%dma_start3A_49, %dma_start3A_50] : memref<10112x128xf32, #tpu.memory_space<hbm>> -> memref<10112x128xf32, #tpu.memory_space<hbm>>
      tpu.enqueue_indirect_dma source(%dma_start3A_51 : memref<10112x128xf32, #tpu.memory_space<hbm>>) target(%arg9 : memref<128x128xf32, #tpu.memory_space<vmem>>) offsets(%dma_start3A_48 : memref<128xi32, #tpu.memory_space<vmem>>) semaphore(%arg11 : memref<!tpu.dma_semaphore, #tpu.memory_space<semaphore_mem>>)
      %dma_wait3A = arith.constant 0 : i32
      %dma_wait3A_52 = tpu.memref_slice %arg7[%while3A_46, %dma_wait3A] : memref<95x128xi32, #tpu.memory_space<vmem>> -> memref<1x128xi32, #tpu.memory_space<vmem>>
      %dma_wait3A_53 = tpu.memref_squeeze %dma_wait3A_52 : memref<1x128xi32, #tpu.memory_space<vmem>> -> memref<128xi32, #tpu.memory_space<vmem>>
      %dma_wait3A_54 = arith.constant 0 : i32
      %dma_wait3A_55 = arith.constant 0 : i32
      %dma_wait3A_56 = tpu.memref_slice %arg2[%dma_wait3A_54, %dma_wait3A_55] : memref<10112x128xf32, #tpu.memory_space<hbm>> -> memref<10112x128xf32, #tpu.memory_space<hbm>>
      tpu.wait_indirect_dma semaphore(%arg11 : memref<!tpu.dma_semaphore, #tpu.memory_space<semaphore_mem>>) src(%dma_wait3A_56 : memref<10112x128xf32, #tpu.memory_space<hbm>>) dst(%arg9 : memref<128x128xf32, #tpu.memory_space<vmem>>)
      "tpu.region"() ({
        %run_scoped3A = tpu.sem_alloc : memref<!tpu.dma_semaphore, #tpu.memory_space<semaphore_mem>>
        %dma_start3A_57 = arith.constant 0 : i32
        %dma_start3A_58 = tpu.memref_slice %arg8[%while3A_46, %dma_start3A_57] : memref<95x128xi32, #tpu.memory_space<vmem>> -> memref<1x128xi32, #tpu.memory_space<vmem>>
        %dma_start3A_59 = tpu.memref_squeeze %dma_start3A_58 : memref<1x128xi32, #tpu.memory_space<vmem>> -> memref<128xi32, #tpu.memory_space<vmem>>
        %dma_start3A_60 = arith.constant 0 : i32
        %dma_start3A_61 = arith.constant 0 : i32
        %dma_start3A_62 = tpu.memref_slice %arg10[%dma_start3A_60, %dma_start3A_61] : memref<10112x128xf32, #tpu.memory_space<vmem_shared>> -> memref<10112x128xf32, #tpu.memory_space<vmem_shared>>
        tpu.enqueue_indirect_dma source(%arg9 : memref<128x128xf32, #tpu.memory_space<vmem>>) target(%dma_start3A_62 : memref<10112x128xf32, #tpu.memory_space<vmem_shared>>) offsets(%dma_start3A_59 : memref<128xi32, #tpu.memory_space<vmem>>) semaphore(%run_scoped3A : memref<!tpu.dma_semaphore, #tpu.memory_space<semaphore_mem>>) {add = true}
        %dma_wait3A_63 = arith.constant 0 : i32
        %dma_wait3A_64 = tpu.memref_slice %arg8[%while3A_46, %dma_wait3A_63] : memref<95x128xi32, #tpu.memory_space<vmem>> -> memref<1x128xi32, #tpu.memory_space<vmem>>
        %dma_wait3A_65 = tpu.memref_squeeze %dma_wait3A_64 : memref<1x128xi32, #tpu.memory_space<vmem>> -> memref<128xi32, #tpu.memory_space<vmem>>
        %dma_wait3A_66 = arith.constant 0 : i32
        %dma_wait3A_67 = arith.constant 0 : i32
        %dma_wait3A_68 = tpu.memref_slice %arg10[%dma_wait3A_66, %dma_wait3A_67] : memref<10112x128xf32, #tpu.memory_space<vmem_shared>> -> memref<10112x128xf32, #tpu.memory_space<vmem_shared>>
        tpu.wait_indirect_dma semaphore(%run_scoped3A : memref<!tpu.dma_semaphore, #tpu.memory_space<semaphore_mem>>) src(%arg9 : memref<128x128xf32, #tpu.memory_space<vmem>>) dst(%dma_wait3A_68 : memref<10112x128xf32, #tpu.memory_space<vmem_shared>>)
        tpu.yield
      }) : () -> ()
    }
    %barrier3A_25 = arith.constant 0 : index
    tpu.barrier barrier_id(%barrier3A_25)
    %add3A_26 = arith.constant 0 : i32
    %add3A_27 = arith.addi %mul3A_2, %add3A_26 : i32
    "tpu.region"() ({
      %run_scoped3A = tpu.sem_alloc : memref<!tpu.dma_semaphore, #tpu.memory_space<semaphore_mem>>
      %dma_start3A = arith.constant 0 : i32
      %dma_start3A_46 = tpu.memref_slice %arg10[%add3A_27, %dma_start3A] : memref<10112x128xf32, #tpu.memory_space<vmem_shared>> -> memref<128x128xf32, #tpu.memory_space<vmem_shared>>
      %dma_start3A_47 = arith.constant 0 : i32
      %dma_start3A_48 = tpu.memref_slice %arg10[%add3A_27, %dma_start3A_47] : memref<10112x128xf32, #tpu.memory_space<vmem_shared>> -> memref<128x128xf32, #tpu.memory_space<vmem_shared>>
      tpu.enqueue_dma source(%dma_start3A_48 : memref<128x128xf32, #tpu.memory_space<vmem_shared>>) target(%arg9 : memref<128x128xf32, #tpu.memory_space<vmem>>) target_semaphore(%run_scoped3A : memref<!tpu.dma_semaphore, #tpu.memory_space<semaphore_mem>>)
      %dma_wait3A = arith.constant 0 : i32
      %dma_wait3A_49 = tpu.memref_slice %arg10[%add3A_27, %dma_wait3A] : memref<10112x128xf32, #tpu.memory_space<vmem_shared>> -> memref<128x128xf32, #tpu.memory_space<vmem_shared>>
      %dma_wait3A_50 = arith.constant 0 : i32
      %dma_wait3A_51 = tpu.memref_slice %arg10[%add3A_27, %dma_wait3A_50] : memref<10112x128xf32, #tpu.memory_space<vmem_shared>> -> memref<128x128xf32, #tpu.memory_space<vmem_shared>>
      tpu.wait_dma2 semaphore(%run_scoped3A : memref<!tpu.dma_semaphore, #tpu.memory_space<semaphore_mem>>) src(%dma_wait3A_51 : memref<128x128xf32, #tpu.memory_space<vmem_shared>>) dst(%arg9 : memref<128x128xf32, #tpu.memory_space<vmem>>)
      tpu.yield
    }) : () -> ()
    %add3A_28 = arith.constant 0 : i32
    %add3A_29 = arith.addi %mul3A_2, %add3A_28 : i32
    "tpu.region"() ({
      %run_scoped3A = tpu.sem_alloc : memref<!tpu.dma_semaphore, #tpu.memory_space<semaphore_mem>>
      %dma_start3A = arith.constant 0 : i32
      %dma_start3A_46 = tpu.memref_slice %arg6[%arg0, %add3A_29, %dma_start3A] : memref<2x10112x128xf32, #tpu.memory_space<hbm>> -> memref<1x128x128xf32, #tpu.memory_space<hbm>>
      %dma_start3A_47 = tpu.memref_squeeze %dma_start3A_46 : memref<1x128x128xf32, #tpu.memory_space<hbm>> -> memref<128x128xf32, #tpu.memory_space<hbm>>
      %dma_start3A_48 = arith.constant 0 : i32
      %dma_start3A_49 = tpu.memref_slice %arg6[%arg0, %add3A_29, %dma_start3A_48] : memref<2x10112x128xf32, #tpu.memory_space<hbm>> -> memref<1x128x128xf32, #tpu.memory_space<hbm>>
      %dma_start3A_50 = tpu.memref_squeeze %dma_start3A_49 : memref<1x128x128xf32, #tpu.memory_space<hbm>> -> memref<128x128xf32, #tpu.memory_space<hbm>>
      tpu.enqueue_dma source(%arg9 : memref<128x128xf32, #tpu.memory_space<vmem>>) target(%dma_start3A_50 : memref<128x128xf32, #tpu.memory_space<hbm>>) target_semaphore(%run_scoped3A : memref<!tpu.dma_semaphore, #tpu.memory_space<semaphore_mem>>)
      %dma_wait3A = arith.constant 0 : i32
      %dma_wait3A_51 = tpu.memref_slice %arg6[%arg0, %add3A_29, %dma_wait3A] : memref<2x10112x128xf32, #tpu.memory_space<hbm>> -> memref<1x128x128xf32, #tpu.memory_space<hbm>>
      %dma_wait3A_52 = tpu.memref_squeeze %dma_wait3A_51 : memref<1x128x128xf32, #tpu.memory_space<hbm>> -> memref<128x128xf32, #tpu.memory_space<hbm>>
      %dma_wait3A_53 = arith.constant 0 : i32
      %dma_wait3A_54 = tpu.memref_slice %arg6[%arg0, %add3A_29, %dma_wait3A_53] : memref<2x10112x128xf32, #tpu.memory_space<hbm>> -> memref<1x128x128xf32, #tpu.memory_space<hbm>>
      %dma_wait3A_55 = tpu.memref_squeeze %dma_wait3A_54 : memref<1x128x128xf32, #tpu.memory_space<hbm>> -> memref<128x128xf32, #tpu.memory_space<hbm>>
      tpu.wait_dma2 semaphore(%run_scoped3A : memref<!tpu.dma_semaphore, #tpu.memory_space<semaphore_mem>>) src(%arg9 : memref<128x128xf32, #tpu.memory_space<vmem>>) dst(%dma_wait3A_55 : memref<128x128xf32, #tpu.memory_space<hbm>>)
      tpu.yield
    }) : () -> ()
    %add3A_30 = arith.constant 128 : i32
    %add3A_31 = arith.addi %mul3A_2, %add3A_30 : i32
    "tpu.region"() ({
      %run_scoped3A = tpu.sem_alloc : memref<!tpu.dma_semaphore, #tpu.memory_space<semaphore_mem>>
      %dma_start3A = arith.constant 0 : i32
      %dma_start3A_46 = tpu.memref_slice %arg10[%add3A_31, %dma_start3A] : memref<10112x128xf32, #tpu.memory_space<vmem_shared>> -> memref<128x128xf32, #tpu.memory_space<vmem_shared>>
      %dma_start3A_47 = arith.constant 0 : i32
      %dma_start3A_48 = tpu.memref_slice %arg10[%add3A_31, %dma_start3A_47] : memref<10112x128xf32, #tpu.memory_space<vmem_shared>> -> memref<128x128xf32, #tpu.memory_space<vmem_shared>>
      tpu.enqueue_dma source(%dma_start3A_48 : memref<128x128xf32, #tpu.memory_space<vmem_shared>>) target(%arg9 : memref<128x128xf32, #tpu.memory_space<vmem>>) target_semaphore(%run_scoped3A : memref<!tpu.dma_semaphore, #tpu.memory_space<semaphore_mem>>)
      %dma_wait3A = arith.constant 0 : i32
      %dma_wait3A_49 = tpu.memref_slice %arg10[%add3A_31, %dma_wait3A] : memref<10112x128xf32, #tpu.memory_space<vmem_shared>> -> memref<128x128xf32, #tpu.memory_space<vmem_shared>>
      %dma_wait3A_50 = arith.constant 0 : i32
      %dma_wait3A_51 = tpu.memref_slice %arg10[%add3A_31, %dma_wait3A_50] : memref<10112x128xf32, #tpu.memory_space<vmem_shared>> -> memref<128x128xf32, #tpu.memory_space<vmem_shared>>
      tpu.wait_dma2 semaphore(%run_scoped3A : memref<!tpu.dma_semaphore, #tpu.memory_space<semaphore_mem>>) src(%dma_wait3A_51 : memref<128x128xf32, #tpu.memory_space<vmem_shared>>) dst(%arg9 : memref<128x128xf32, #tpu.memory_space<vmem>>)
      tpu.yield
    }) : () -> ()
    %add3A_32 = arith.constant 128 : i32
    %add3A_33 = arith.addi %mul3A_2, %add3A_32 : i32
    "tpu.region"() ({
      %run_scoped3A = tpu.sem_alloc : memref<!tpu.dma_semaphore, #tpu.memory_space<semaphore_mem>>
      %dma_start3A = arith.constant 0 : i32
      %dma_start3A_46 = tpu.memref_slice %arg6[%arg0, %add3A_33, %dma_start3A] : memref<2x10112x128xf32, #tpu.memory_space<hbm>> -> memref<1x128x128xf32, #tpu.memory_space<hbm>>
      %dma_start3A_47 = tpu.memref_squeeze %dma_start3A_46 : memref<1x128x128xf32, #tpu.memory_space<hbm>> -> memref<128x128xf32, #tpu.memory_space<hbm>>
      %dma_start3A_48 = arith.constant 0 : i32
      %dma_start3A_49 = tpu.memref_slice %arg6[%arg0, %add3A_33, %dma_start3A_48] : memref<2x10112x128xf32, #tpu.memory_space<hbm>> -> memref<1x128x128xf32, #tpu.memory_space<hbm>>
      %dma_start3A_50 = tpu.memref_squeeze %dma_start3A_49 : memref<1x128x128xf32, #tpu.memory_space<hbm>> -> memref<128x128xf32, #tpu.memory_space<hbm>>
      tpu.enqueue_dma source(%arg9 : memref<128x128xf32, #tpu.memory_space<vmem>>) target(%dma_start3A_50 : memref<128x128xf32, #tpu.memory_space<hbm>>) target_semaphore(%run_scoped3A : memref<!tpu.dma_semaphore, #tpu.memory_space<semaphore_mem>>)
      %dma_wait3A = arith.constant 0 : i32
      %dma_wait3A_51 = tpu.memref_slice %arg6[%arg0, %add3A_33, %dma_wait3A] : memref<2x10112x128xf32, #tpu.memory_space<hbm>> -> memref<1x128x128xf32, #tpu.memory_space<hbm>>
      %dma_wait3A_52 = tpu.memref_squeeze %dma_wait3A_51 : memref<1x128x128xf32, #tpu.memory_space<hbm>> -> memref<128x128xf32, #tpu.memory_space<hbm>>
      %dma_wait3A_53 = arith.constant 0 : i32
      %dma_wait3A_54 = tpu.memref_slice %arg6[%arg0, %add3A_33, %dma_wait3A_53] : memref<2x10112x128xf32, #tpu.memory_space<hbm>> -> memref<1x128x128xf32, #tpu.memory_space<hbm>>
      %dma_wait3A_55 = tpu.memref_squeeze %dma_wait3A_54 : memref<1x128x128xf32, #tpu.memory_space<hbm>> -> memref<128x128xf32, #tpu.memory_space<hbm>>
      tpu.wait_dma2 semaphore(%run_scoped3A : memref<!tpu.dma_semaphore, #tpu.memory_space<semaphore_mem>>) src(%arg9 : memref<128x128xf32, #tpu.memory_space<vmem>>) dst(%dma_wait3A_55 : memref<128x128xf32, #tpu.memory_space<hbm>>)
      tpu.yield
    }) : () -> ()
    %add3A_34 = arith.constant 256 : i32
    %add3A_35 = arith.addi %mul3A_2, %add3A_34 : i32
    "tpu.region"() ({
      %run_scoped3A = tpu.sem_alloc : memref<!tpu.dma_semaphore, #tpu.memory_space<semaphore_mem>>
      %dma_start3A = arith.constant 0 : i32
      %dma_start3A_46 = tpu.memref_slice %arg10[%add3A_35, %dma_start3A] : memref<10112x128xf32, #tpu.memory_space<vmem_shared>> -> memref<128x128xf32, #tpu.memory_space<vmem_shared>>
      %dma_start3A_47 = arith.constant 0 : i32
      %dma_start3A_48 = tpu.memref_slice %arg10[%add3A_35, %dma_start3A_47] : memref<10112x128xf32, #tpu.memory_space<vmem_shared>> -> memref<128x128xf32, #tpu.memory_space<vmem_shared>>
      tpu.enqueue_dma source(%dma_start3A_48 : memref<128x128xf32, #tpu.memory_space<vmem_shared>>) target(%arg9 : memref<128x128xf32, #tpu.memory_space<vmem>>) target_semaphore(%run_scoped3A : memref<!tpu.dma_semaphore, #tpu.memory_space<semaphore_mem>>)
      %dma_wait3A = arith.constant 0 : i32
      %dma_wait3A_49 = tpu.memref_slice %arg10[%add3A_35, %dma_wait3A] : memref<10112x128xf32, #tpu.memory_space<vmem_shared>> -> memref<128x128xf32, #tpu.memory_space<vmem_shared>>
      %dma_wait3A_50 = arith.constant 0 : i32
      %dma_wait3A_51 = tpu.memref_slice %arg10[%add3A_35, %dma_wait3A_50] : memref<10112x128xf32, #tpu.memory_space<vmem_shared>> -> memref<128x128xf32, #tpu.memory_space<vmem_shared>>
      tpu.wait_dma2 semaphore(%run_scoped3A : memref<!tpu.dma_semaphore, #tpu.memory_space<semaphore_mem>>) src(%dma_wait3A_51 : memref<128x128xf32, #tpu.memory_space<vmem_shared>>) dst(%arg9 : memref<128x128xf32, #tpu.memory_space<vmem>>)
      tpu.yield
    }) : () -> ()
    %add3A_36 = arith.constant 256 : i32
    %add3A_37 = arith.addi %mul3A_2, %add3A_36 : i32
    "tpu.region"() ({
      %run_scoped3A = tpu.sem_alloc : memref<!tpu.dma_semaphore, #tpu.memory_space<semaphore_mem>>
      %dma_start3A = arith.constant 0 : i32
      %dma_start3A_46 = tpu.memref_slice %arg6[%arg0, %add3A_37, %dma_start3A] : memref<2x10112x128xf32, #tpu.memory_space<hbm>> -> memref<1x128x128xf32, #tpu.memory_space<hbm>>
      %dma_start3A_47 = tpu.memref_squeeze %dma_start3A_46 : memref<1x128x128xf32, #tpu.memory_space<hbm>> -> memref<128x128xf32, #tpu.memory_space<hbm>>
      %dma_start3A_48 = arith.constant 0 : i32
      %dma_start3A_49 = tpu.memref_slice %arg6[%arg0, %add3A_37, %dma_start3A_48] : memref<2x10112x128xf32, #tpu.memory_space<hbm>> -> memref<1x128x128xf32, #tpu.memory_space<hbm>>
      %dma_start3A_50 = tpu.memref_squeeze %dma_start3A_49 : memref<1x128x128xf32, #tpu.memory_space<hbm>> -> memref<128x128xf32, #tpu.memory_space<hbm>>
      tpu.enqueue_dma source(%arg9 : memref<128x128xf32, #tpu.memory_space<vmem>>) target(%dma_start3A_50 : memref<128x128xf32, #tpu.memory_space<hbm>>) target_semaphore(%run_scoped3A : memref<!tpu.dma_semaphore, #tpu.memory_space<semaphore_mem>>)
      %dma_wait3A = arith.constant 0 : i32
      %dma_wait3A_51 = tpu.memref_slice %arg6[%arg0, %add3A_37, %dma_wait3A] : memref<2x10112x128xf32, #tpu.memory_space<hbm>> -> memref<1x128x128xf32, #tpu.memory_space<hbm>>
      %dma_wait3A_52 = tpu.memref_squeeze %dma_wait3A_51 : memref<1x128x128xf32, #tpu.memory_space<hbm>> -> memref<128x128xf32, #tpu.memory_space<hbm>>
      %dma_wait3A_53 = arith.constant 0 : i32
      %dma_wait3A_54 = tpu.memref_slice %arg6[%arg0, %add3A_37, %dma_wait3A_53] : memref<2x10112x128xf32, #tpu.memory_space<hbm>> -> memref<1x128x128xf32, #tpu.memory_space<hbm>>
      %dma_wait3A_55 = tpu.memref_squeeze %dma_wait3A_54 : memref<1x128x128xf32, #tpu.memory_space<hbm>> -> memref<128x128xf32, #tpu.memory_space<hbm>>
      tpu.wait_dma2 semaphore(%run_scoped3A : memref<!tpu.dma_semaphore, #tpu.memory_space<semaphore_mem>>) src(%arg9 : memref<128x128xf32, #tpu.memory_space<vmem>>) dst(%dma_wait3A_55 : memref<128x128xf32, #tpu.memory_space<hbm>>)
      tpu.yield
    }) : () -> ()
    %add3A_38 = arith.constant 384 : i32
    %add3A_39 = arith.addi %mul3A_2, %add3A_38 : i32
    "tpu.region"() ({
      %run_scoped3A = tpu.sem_alloc : memref<!tpu.dma_semaphore, #tpu.memory_space<semaphore_mem>>
      %dma_start3A = arith.constant 0 : i32
      %dma_start3A_46 = tpu.memref_slice %arg10[%add3A_39, %dma_start3A] : memref<10112x128xf32, #tpu.memory_space<vmem_shared>> -> memref<128x128xf32, #tpu.memory_space<vmem_shared>>
      %dma_start3A_47 = arith.constant 0 : i32
      %dma_start3A_48 = tpu.memref_slice %arg10[%add3A_39, %dma_start3A_47] : memref<10112x128xf32, #tpu.memory_space<vmem_shared>> -> memref<128x128xf32, #tpu.memory_space<vmem_shared>>
      tpu.enqueue_dma source(%dma_start3A_48 : memref<128x128xf32, #tpu.memory_space<vmem_shared>>) target(%arg9 : memref<128x128xf32, #tpu.memory_space<vmem>>) target_semaphore(%run_scoped3A : memref<!tpu.dma_semaphore, #tpu.memory_space<semaphore_mem>>)
      %dma_wait3A = arith.constant 0 : i32
      %dma_wait3A_49 = tpu.memref_slice %arg10[%add3A_39, %dma_wait3A] : memref<10112x128xf32, #tpu.memory_space<vmem_shared>> -> memref<128x128xf32, #tpu.memory_space<vmem_shared>>
      %dma_wait3A_50 = arith.constant 0 : i32
      %dma_wait3A_51 = tpu.memref_slice %arg10[%add3A_39, %dma_wait3A_50] : memref<10112x128xf32, #tpu.memory_space<vmem_shared>> -> memref<128x128xf32, #tpu.memory_space<vmem_shared>>
      tpu.wait_dma2 semaphore(%run_scoped3A : memref<!tpu.dma_semaphore, #tpu.memory_space<semaphore_mem>>) src(%dma_wait3A_51 : memref<128x128xf32, #tpu.memory_space<vmem_shared>>) dst(%arg9 : memref<128x128xf32, #tpu.memory_space<vmem>>)
      tpu.yield
    }) : () -> ()
    %add3A_40 = arith.constant 384 : i32
    %add3A_41 = arith.addi %mul3A_2, %add3A_40 : i32
    "tpu.region"() ({
      %run_scoped3A = tpu.sem_alloc : memref<!tpu.dma_semaphore, #tpu.memory_space<semaphore_mem>>
      %dma_start3A = arith.constant 0 : i32
      %dma_start3A_46 = tpu.memref_slice %arg6[%arg0, %add3A_41, %dma_start3A] : memref<2x10112x128xf32, #tpu.memory_space<hbm>> -> memref<1x128x128xf32, #tpu.memory_space<hbm>>
      %dma_start3A_47 = tpu.memref_squeeze %dma_start3A_46 : memref<1x128x128xf32, #tpu.memory_space<hbm>> -> memref<128x128xf32, #tpu.memory_space<hbm>>
      %dma_start3A_48 = arith.constant 0 : i32
      %dma_start3A_49 = tpu.memref_slice %arg6[%arg0, %add3A_41, %dma_start3A_48] : memref<2x10112x128xf32, #tpu.memory_space<hbm>> -> memref<1x128x128xf32, #tpu.memory_space<hbm>>
      %dma_start3A_50 = tpu.memref_squeeze %dma_start3A_49 : memref<1x128x128xf32, #tpu.memory_space<hbm>> -> memref<128x128xf32, #tpu.memory_space<hbm>>
      tpu.enqueue_dma source(%arg9 : memref<128x128xf32, #tpu.memory_space<vmem>>) target(%dma_start3A_50 : memref<128x128xf32, #tpu.memory_space<hbm>>) target_semaphore(%run_scoped3A : memref<!tpu.dma_semaphore, #tpu.memory_space<semaphore_mem>>)
      %dma_wait3A = arith.constant 0 : i32
      %dma_wait3A_51 = tpu.memref_slice %arg6[%arg0, %add3A_41, %dma_wait3A] : memref<2x10112x128xf32, #tpu.memory_space<hbm>> -> memref<1x128x128xf32, #tpu.memory_space<hbm>>
      %dma_wait3A_52 = tpu.memref_squeeze %dma_wait3A_51 : memref<1x128x128xf32, #tpu.memory_space<hbm>> -> memref<128x128xf32, #tpu.memory_space<hbm>>
      %dma_wait3A_53 = arith.constant 0 : i32
      %dma_wait3A_54 = tpu.memref_slice %arg6[%arg0, %add3A_41, %dma_wait3A_53] : memref<2x10112x128xf32, #tpu.memory_space<hbm>> -> memref<1x128x128xf32, #tpu.memory_space<hbm>>
      %dma_wait3A_55 = tpu.memref_squeeze %dma_wait3A_54 : memref<1x128x128xf32, #tpu.memory_space<hbm>> -> memref<128x128xf32, #tpu.memory_space<hbm>>
      tpu.wait_dma2 semaphore(%run_scoped3A : memref<!tpu.dma_semaphore, #tpu.memory_space<semaphore_mem>>) src(%arg9 : memref<128x128xf32, #tpu.memory_space<vmem>>) dst(%dma_wait3A_55 : memref<128x128xf32, #tpu.memory_space<hbm>>)
      tpu.yield
    }) : () -> ()
    %add3A_42 = arith.constant 512 : i32
    %add3A_43 = arith.addi %mul3A_2, %add3A_42 : i32
    "tpu.region"() ({
      %run_scoped3A = tpu.sem_alloc : memref<!tpu.dma_semaphore, #tpu.memory_space<semaphore_mem>>
      %dma_start3A = arith.constant 0 : i32
      %dma_start3A_46 = arith.constant 0 : i32
      %dma_start3A_47 = tpu.memref_slice %arg9[%dma_start3A, %dma_start3A_46] : memref<128x128xf32, #tpu.memory_space<vmem>> -> memref<120x128xf32, #tpu.memory_space<vmem>>
      %dma_start3A_48 = arith.constant 0 : i32
      %dma_start3A_49 = tpu.memref_slice %arg10[%add3A_43, %dma_start3A_48] : memref<10112x128xf32, #tpu.memory_space<vmem_shared>> -> memref<120x128xf32, #tpu.memory_space<vmem_shared>>
      %dma_start3A_50 = arith.constant 0 : i32
      %dma_start3A_51 = arith.constant 0 : i32
      %dma_start3A_52 = tpu.memref_slice %arg9[%dma_start3A_50, %dma_start3A_51] : memref<128x128xf32, #tpu.memory_space<vmem>> -> memref<120x128xf32, #tpu.memory_space<vmem>>
      %dma_start3A_53 = arith.constant 0 : i32
      %dma_start3A_54 = tpu.memref_slice %arg10[%add3A_43, %dma_start3A_53] : memref<10112x128xf32, #tpu.memory_space<vmem_shared>> -> memref<120x128xf32, #tpu.memory_space<vmem_shared>>
      tpu.enqueue_dma source(%dma_start3A_54 : memref<120x128xf32, #tpu.memory_space<vmem_shared>>) target(%dma_start3A_52 : memref<120x128xf32, #tpu.memory_space<vmem>>) target_semaphore(%run_scoped3A : memref<!tpu.dma_semaphore, #tpu.memory_space<semaphore_mem>>)
      %dma_wait3A = arith.constant 0 : i32
      %dma_wait3A_55 = arith.constant 0 : i32
      %dma_wait3A_56 = tpu.memref_slice %arg9[%dma_wait3A, %dma_wait3A_55] : memref<128x128xf32, #tpu.memory_space<vmem>> -> memref<120x128xf32, #tpu.memory_space<vmem>>
      %dma_wait3A_57 = arith.constant 0 : i32
      %dma_wait3A_58 = tpu.memref_slice %arg10[%add3A_43, %dma_wait3A_57] : memref<10112x128xf32, #tpu.memory_space<vmem_shared>> -> memref<120x128xf32, #tpu.memory_space<vmem_shared>>
      %dma_wait3A_59 = arith.constant 0 : i32
      %dma_wait3A_60 = arith.constant 0 : i32
      %dma_wait3A_61 = tpu.memref_slice %arg9[%dma_wait3A_59, %dma_wait3A_60] : memref<128x128xf32, #tpu.memory_space<vmem>> -> memref<120x128xf32, #tpu.memory_space<vmem>>
      %dma_wait3A_62 = arith.constant 0 : i32
      %dma_wait3A_63 = tpu.memref_slice %arg10[%add3A_43, %dma_wait3A_62] : memref<10112x128xf32, #tpu.memory_space<vmem_shared>> -> memref<120x128xf32, #tpu.memory_space<vmem_shared>>
      tpu.wait_dma2 semaphore(%run_scoped3A : memref<!tpu.dma_semaphore, #tpu.memory_space<semaphore_mem>>) src(%dma_wait3A_63 : memref<120x128xf32, #tpu.memory_space<vmem_shared>>) dst(%dma_wait3A_61 : memref<120x128xf32, #tpu.memory_space<vmem>>)
      tpu.yield
    }) : () -> ()
    %add3A_44 = arith.constant 512 : i32
    %add3A_45 = arith.addi %mul3A_2, %add3A_44 : i32
    "tpu.region"() ({
      %run_scoped3A = tpu.sem_alloc : memref<!tpu.dma_semaphore, #tpu.memory_space<semaphore_mem>>
      %dma_start3A = arith.constant 0 : i32
      %dma_start3A_46 = arith.constant 0 : i32
      %dma_start3A_47 = tpu.memref_slice %arg9[%dma_start3A, %dma_start3A_46] : memref<128x128xf32, #tpu.memory_space<vmem>> -> memref<120x128xf32, #tpu.memory_space<vmem>>
      %dma_start3A_48 = arith.constant 0 : i32
      %dma_start3A_49 = tpu.memref_slice %arg6[%arg0, %add3A_45, %dma_start3A_48] : memref<2x10112x128xf32, #tpu.memory_space<hbm>> -> memref<1x120x128xf32, #tpu.memory_space<hbm>>
      %dma_start3A_50 = tpu.memref_squeeze %dma_start3A_49 : memref<1x120x128xf32, #tpu.memory_space<hbm>> -> memref<120x128xf32, #tpu.memory_space<hbm>>
      %dma_start3A_51 = arith.constant 0 : i32
      %dma_start3A_52 = tpu.memref_slice %arg6[%arg0, %add3A_45, %dma_start3A_51] : memref<2x10112x128xf32, #tpu.memory_space<hbm>> -> memref<1x120x128xf32, #tpu.memory_space<hbm>>
      %dma_start3A_53 = tpu.memref_squeeze %dma_start3A_52 : memref<1x120x128xf32, #tpu.memory_space<hbm>> -> memref<120x128xf32, #tpu.memory_space<hbm>>
      %dma_start3A_54 = arith.constant 0 : i32
      %dma_start3A_55 = arith.constant 0 : i32
      %dma_start3A_56 = tpu.memref_slice %arg9[%dma_start3A_54, %dma_start3A_55] : memref<128x128xf32, #tpu.memory_space<vmem>> -> memref<120x128xf32, #tpu.memory_space<vmem>>
      tpu.enqueue_dma source(%dma_start3A_56 : memref<120x128xf32, #tpu.memory_space<vmem>>) target(%dma_start3A_53 : memref<120x128xf32, #tpu.memory_space<hbm>>) target_semaphore(%run_scoped3A : memref<!tpu.dma_semaphore, #tpu.memory_space<semaphore_mem>>)
      %dma_wait3A = arith.constant 0 : i32
      %dma_wait3A_57 = arith.constant 0 : i32
      %dma_wait3A_58 = tpu.memref_slice %arg9[%dma_wait3A, %dma_wait3A_57] : memref<128x128xf32, #tpu.memory_space<vmem>> -> memref<120x128xf32, #tpu.memory_space<vmem>>
      %dma_wait3A_59 = arith.constant 0 : i32
      %dma_wait3A_60 = tpu.memref_slice %arg6[%arg0, %add3A_45, %dma_wait3A_59] : memref<2x10112x128xf32, #tpu.memory_space<hbm>> -> memref<1x120x128xf32, #tpu.memory_space<hbm>>
      %dma_wait3A_61 = tpu.memref_squeeze %dma_wait3A_60 : memref<1x120x128xf32, #tpu.memory_space<hbm>> -> memref<120x128xf32, #tpu.memory_space<hbm>>
      %dma_wait3A_62 = arith.constant 0 : i32
      %dma_wait3A_63 = tpu.memref_slice %arg6[%arg0, %add3A_45, %dma_wait3A_62] : memref<2x10112x128xf32, #tpu.memory_space<hbm>> -> memref<1x120x128xf32, #tpu.memory_space<hbm>>
      %dma_wait3A_64 = tpu.memref_squeeze %dma_wait3A_63 : memref<1x120x128xf32, #tpu.memory_space<hbm>> -> memref<120x128xf32, #tpu.memory_space<hbm>>
      %dma_wait3A_65 = arith.constant 0 : i32
      %dma_wait3A_66 = arith.constant 0 : i32
      %dma_wait3A_67 = tpu.memref_slice %arg9[%dma_wait3A_65, %dma_wait3A_66] : memref<128x128xf32, #tpu.memory_space<vmem>> -> memref<120x128xf32, #tpu.memory_space<vmem>>
      tpu.wait_dma2 semaphore(%run_scoped3A : memref<!tpu.dma_semaphore, #tpu.memory_space<semaphore_mem>>) src(%dma_wait3A_67 : memref<120x128xf32, #tpu.memory_space<vmem>>) dst(%dma_wait3A_64 : memref<120x128xf32, #tpu.memory_space<hbm>>)
      tpu.yield
    }) : () -> ()
    return
  }
}

#map = affine_map<(d0, d1) -> (0, 0, 0)>
#map1 = affine_map<(d0, d1) -> (0)>
module attributes {stable_mosaic.version = 14 : i64} {
  func.func @_degree_kernel(%arg0: i32, %arg1: i32, %arg2: memref<32x95x128xi32, #tpu.memory_space<hbm>>, %arg3: memref<128xf32, #tpu.memory_space<hbm>>, %arg4: memref<632xf32, #tpu.memory_space<hbm>>, %arg5: memref<20224xf32, #tpu.memory_space<hbm>>, %arg6: memref<95x128xi32, #tpu.memory_space<vmem>>, %arg7: memref<128xf32, #tpu.memory_space<vmem>>, %arg8: memref<632xf32, #tpu.memory_space<vmem>>, %arg9: memref<10112xf32, #tpu.memory_space<vmem_shared>>, %arg10: memref<!tpu.dma_semaphore, #tpu.memory_space<semaphore_mem>>) attributes {dimension_semantics = [#tpu.dimension_semantics<core_parallel>, #tpu.dimension_semantics<subcore_parallel>], iteration_bounds = array<i64: 2, 16>, scalar_prefetch = 0 : i64, scratch_operands = 5 : i64, tpu.core_type = #tpu.core_type<sc_vector_subcore>, window_params = [{transform_indices = #map}, {transform_indices = #map1}, {transform_indices = #map1}, {transform_indices = #map1}]} {
    %mul3A = arith.constant 16 : i32
    %mul3A_0 = arith.muli %arg0, %mul3A : i32
    %add3A = arith.addi %mul3A_0, %arg1 : i32
    %mul3A_1 = arith.constant 632 : i32
    %mul3A_2 = arith.muli %arg1, %mul3A_1 : i32
    %eq3A = arith.constant 0 : i32
    %eq3A_3 = arith.cmpi eq, %arg0, %eq3A : i32
    %select_n3A = arith.constant 62 : i32
    %select_n3A_4 = arith.constant 95 : i32
    %select_n3A_5 = arith.select %eq3A_3, %select_n3A_4, %select_n3A : i32
    "tpu.region"() ({
      %run_scoped3A = tpu.sem_alloc : memref<!tpu.dma_semaphore, #tpu.memory_space<semaphore_mem>>
      tpu.enqueue_dma source(%arg4 : memref<632xf32, #tpu.memory_space<hbm>>) target(%arg8 : memref<632xf32, #tpu.memory_space<vmem>>) target_semaphore(%run_scoped3A : memref<!tpu.dma_semaphore, #tpu.memory_space<semaphore_mem>>)
      tpu.wait_dma2 semaphore(%run_scoped3A : memref<!tpu.dma_semaphore, #tpu.memory_space<semaphore_mem>>) src(%arg4 : memref<632xf32, #tpu.memory_space<hbm>>) dst(%arg8 : memref<632xf32, #tpu.memory_space<vmem>>)
      tpu.yield
    }) : () -> ()
    "tpu.region"() ({
      %run_scoped3A = tpu.sem_alloc : memref<!tpu.dma_semaphore, #tpu.memory_space<semaphore_mem>>
      %dma_start3A = tpu.memref_slice %arg9[%mul3A_2] : memref<10112xf32, #tpu.memory_space<vmem_shared>> -> memref<632xf32, #tpu.memory_space<vmem_shared>>
      %dma_start3A_19 = tpu.memref_slice %arg9[%mul3A_2] : memref<10112xf32, #tpu.memory_space<vmem_shared>> -> memref<632xf32, #tpu.memory_space<vmem_shared>>
      tpu.enqueue_dma source(%arg8 : memref<632xf32, #tpu.memory_space<vmem>>) target(%dma_start3A_19 : memref<632xf32, #tpu.memory_space<vmem_shared>>) target_semaphore(%run_scoped3A : memref<!tpu.dma_semaphore, #tpu.memory_space<semaphore_mem>>)
      %dma_wait3A = tpu.memref_slice %arg9[%mul3A_2] : memref<10112xf32, #tpu.memory_space<vmem_shared>> -> memref<632xf32, #tpu.memory_space<vmem_shared>>
      %dma_wait3A_20 = tpu.memref_slice %arg9[%mul3A_2] : memref<10112xf32, #tpu.memory_space<vmem_shared>> -> memref<632xf32, #tpu.memory_space<vmem_shared>>
      tpu.wait_dma2 semaphore(%run_scoped3A : memref<!tpu.dma_semaphore, #tpu.memory_space<semaphore_mem>>) src(%arg8 : memref<632xf32, #tpu.memory_space<vmem>>) dst(%dma_wait3A_20 : memref<632xf32, #tpu.memory_space<vmem_shared>>)
      tpu.yield
    }) : () -> ()
    "tpu.region"() ({
      %run_scoped3A = tpu.sem_alloc : memref<!tpu.dma_semaphore, #tpu.memory_space<semaphore_mem>>
      tpu.enqueue_dma source(%arg3 : memref<128xf32, #tpu.memory_space<hbm>>) target(%arg7 : memref<128xf32, #tpu.memory_space<vmem>>) target_semaphore(%run_scoped3A : memref<!tpu.dma_semaphore, #tpu.memory_space<semaphore_mem>>)
      tpu.wait_dma2 semaphore(%run_scoped3A : memref<!tpu.dma_semaphore, #tpu.memory_space<semaphore_mem>>) src(%arg3 : memref<128xf32, #tpu.memory_space<hbm>>) dst(%arg7 : memref<128xf32, #tpu.memory_space<vmem>>)
      tpu.yield
    }) : () -> ()
    "tpu.region"() ({
      %run_scoped3A = tpu.sem_alloc : memref<!tpu.dma_semaphore, #tpu.memory_space<semaphore_mem>>
      %dma_start3A = arith.constant 0 : i32
      %dma_start3A_19 = arith.constant 0 : i32
      %dma_start3A_20 = tpu.memref_slice %arg2[%add3A, %dma_start3A, %dma_start3A_19] : memref<32x95x128xi32, #tpu.memory_space<hbm>> -> memref<1x95x128xi32, #tpu.memory_space<hbm>>
      %dma_start3A_21 = tpu.memref_squeeze %dma_start3A_20 : memref<1x95x128xi32, #tpu.memory_space<hbm>> -> memref<95x128xi32, #tpu.memory_space<hbm>>
      %dma_start3A_22 = arith.constant 0 : i32
      %dma_start3A_23 = arith.constant 0 : i32
      %dma_start3A_24 = tpu.memref_slice %arg2[%add3A, %dma_start3A_22, %dma_start3A_23] : memref<32x95x128xi32, #tpu.memory_space<hbm>> -> memref<1x95x128xi32, #tpu.memory_space<hbm>>
      %dma_start3A_25 = tpu.memref_squeeze %dma_start3A_24 : memref<1x95x128xi32, #tpu.memory_space<hbm>> -> memref<95x128xi32, #tpu.memory_space<hbm>>
      tpu.enqueue_dma source(%dma_start3A_25 : memref<95x128xi32, #tpu.memory_space<hbm>>) target(%arg6 : memref<95x128xi32, #tpu.memory_space<vmem>>) target_semaphore(%run_scoped3A : memref<!tpu.dma_semaphore, #tpu.memory_space<semaphore_mem>>)
      %dma_wait3A = arith.constant 0 : i32
      %dma_wait3A_26 = arith.constant 0 : i32
      %dma_wait3A_27 = tpu.memref_slice %arg2[%add3A, %dma_wait3A, %dma_wait3A_26] : memref<32x95x128xi32, #tpu.memory_space<hbm>> -> memref<1x95x128xi32, #tpu.memory_space<hbm>>
      %dma_wait3A_28 = tpu.memref_squeeze %dma_wait3A_27 : memref<1x95x128xi32, #tpu.memory_space<hbm>> -> memref<95x128xi32, #tpu.memory_space<hbm>>
      %dma_wait3A_29 = arith.constant 0 : i32
      %dma_wait3A_30 = arith.constant 0 : i32
      %dma_wait3A_31 = tpu.memref_slice %arg2[%add3A, %dma_wait3A_29, %dma_wait3A_30] : memref<32x95x128xi32, #tpu.memory_space<hbm>> -> memref<1x95x128xi32, #tpu.memory_space<hbm>>
      %dma_wait3A_32 = tpu.memref_squeeze %dma_wait3A_31 : memref<1x95x128xi32, #tpu.memory_space<hbm>> -> memref<95x128xi32, #tpu.memory_space<hbm>>
      tpu.wait_dma2 semaphore(%run_scoped3A : memref<!tpu.dma_semaphore, #tpu.memory_space<semaphore_mem>>) src(%dma_wait3A_32 : memref<95x128xi32, #tpu.memory_space<hbm>>) dst(%arg6 : memref<95x128xi32, #tpu.memory_space<vmem>>)
      tpu.yield
    }) : () -> ()
    %barrier3A = arith.constant 0 : index
    tpu.barrier barrier_id(%barrier3A)
    %while3A = arith.constant 0 : i32
    %while3A_6 = arith.constant 0 : i32
    %while3A_7 = arith.subi %select_n3A_5, %while3A_6 : i32
    %while3A_8 = arith.addi %while3A_6, %while3A_7 : i32
    %while3A_9 = arith.constant 1 : i32
    %while3A_10 = arith.divsi %while3A_7, %while3A_9 : i32
    %while3A_11 = arith.muli %while3A_10, %while3A_9 : i32
    %while3A_12 = arith.addi %while3A_6, %while3A_11 : i32
    %while3A_13 = arith.constant 1 : i32
    scf.for %while3A_19 = %while3A_6 to %while3A_12 step %while3A_13  : i32 {
      "tpu.region"() ({
        %run_scoped3A = tpu.sem_alloc : memref<!tpu.dma_semaphore, #tpu.memory_space<semaphore_mem>>
        %dma_start3A = arith.constant 0 : i32
        %dma_start3A_20 = tpu.memref_slice %arg6[%while3A_19, %dma_start3A] : memref<95x128xi32, #tpu.memory_space<vmem>> -> memref<1x128xi32, #tpu.memory_space<vmem>>
        %dma_start3A_21 = tpu.memref_squeeze %dma_start3A_20 : memref<1x128xi32, #tpu.memory_space<vmem>> -> memref<128xi32, #tpu.memory_space<vmem>>
        %dma_start3A_22 = arith.constant 0 : i32
        %dma_start3A_23 = tpu.memref_slice %arg9[%dma_start3A_22] : memref<10112xf32, #tpu.memory_space<vmem_shared>> -> memref<10112xf32, #tpu.memory_space<vmem_shared>>
        tpu.enqueue_indirect_dma source(%arg7 : memref<128xf32, #tpu.memory_space<vmem>>) target(%dma_start3A_23 : memref<10112xf32, #tpu.memory_space<vmem_shared>>) offsets(%dma_start3A_21 : memref<128xi32, #tpu.memory_space<vmem>>) semaphore(%run_scoped3A : memref<!tpu.dma_semaphore, #tpu.memory_space<semaphore_mem>>) {add = true}
        %dma_wait3A = arith.constant 0 : i32
        %dma_wait3A_24 = tpu.memref_slice %arg6[%while3A_19, %dma_wait3A] : memref<95x128xi32, #tpu.memory_space<vmem>> -> memref<1x128xi32, #tpu.memory_space<vmem>>
        %dma_wait3A_25 = tpu.memref_squeeze %dma_wait3A_24 : memref<1x128xi32, #tpu.memory_space<vmem>> -> memref<128xi32, #tpu.memory_space<vmem>>
        %dma_wait3A_26 = arith.constant 0 : i32
        %dma_wait3A_27 = tpu.memref_slice %arg9[%dma_wait3A_26] : memref<10112xf32, #tpu.memory_space<vmem_shared>> -> memref<10112xf32, #tpu.memory_space<vmem_shared>>
        tpu.wait_indirect_dma semaphore(%run_scoped3A : memref<!tpu.dma_semaphore, #tpu.memory_space<semaphore_mem>>) src(%arg7 : memref<128xf32, #tpu.memory_space<vmem>>) dst(%dma_wait3A_27 : memref<10112xf32, #tpu.memory_space<vmem_shared>>)
        tpu.yield
      }) : () -> ()
    }
    %while3A_14 = arith.constant 1 : i32
    scf.for %while3A_19 = %while3A_12 to %while3A_8 step %while3A_14  : i32 {
      "tpu.region"() ({
        %run_scoped3A = tpu.sem_alloc : memref<!tpu.dma_semaphore, #tpu.memory_space<semaphore_mem>>
        %dma_start3A = arith.constant 0 : i32
        %dma_start3A_20 = tpu.memref_slice %arg6[%while3A_19, %dma_start3A] : memref<95x128xi32, #tpu.memory_space<vmem>> -> memref<1x128xi32, #tpu.memory_space<vmem>>
        %dma_start3A_21 = tpu.memref_squeeze %dma_start3A_20 : memref<1x128xi32, #tpu.memory_space<vmem>> -> memref<128xi32, #tpu.memory_space<vmem>>
        %dma_start3A_22 = arith.constant 0 : i32
        %dma_start3A_23 = tpu.memref_slice %arg9[%dma_start3A_22] : memref<10112xf32, #tpu.memory_space<vmem_shared>> -> memref<10112xf32, #tpu.memory_space<vmem_shared>>
        tpu.enqueue_indirect_dma source(%arg7 : memref<128xf32, #tpu.memory_space<vmem>>) target(%dma_start3A_23 : memref<10112xf32, #tpu.memory_space<vmem_shared>>) offsets(%dma_start3A_21 : memref<128xi32, #tpu.memory_space<vmem>>) semaphore(%run_scoped3A : memref<!tpu.dma_semaphore, #tpu.memory_space<semaphore_mem>>) {add = true}
        %dma_wait3A = arith.constant 0 : i32
        %dma_wait3A_24 = tpu.memref_slice %arg6[%while3A_19, %dma_wait3A] : memref<95x128xi32, #tpu.memory_space<vmem>> -> memref<1x128xi32, #tpu.memory_space<vmem>>
        %dma_wait3A_25 = tpu.memref_squeeze %dma_wait3A_24 : memref<1x128xi32, #tpu.memory_space<vmem>> -> memref<128xi32, #tpu.memory_space<vmem>>
        %dma_wait3A_26 = arith.constant 0 : i32
        %dma_wait3A_27 = tpu.memref_slice %arg9[%dma_wait3A_26] : memref<10112xf32, #tpu.memory_space<vmem_shared>> -> memref<10112xf32, #tpu.memory_space<vmem_shared>>
        tpu.wait_indirect_dma semaphore(%run_scoped3A : memref<!tpu.dma_semaphore, #tpu.memory_space<semaphore_mem>>) src(%arg7 : memref<128xf32, #tpu.memory_space<vmem>>) dst(%dma_wait3A_27 : memref<10112xf32, #tpu.memory_space<vmem_shared>>)
        tpu.yield
      }) : () -> ()
    }
    %barrier3A_15 = arith.constant 0 : index
    tpu.barrier barrier_id(%barrier3A_15)
    "tpu.region"() ({
      %run_scoped3A = tpu.sem_alloc : memref<!tpu.dma_semaphore, #tpu.memory_space<semaphore_mem>>
      %dma_start3A = tpu.memref_slice %arg9[%mul3A_2] : memref<10112xf32, #tpu.memory_space<vmem_shared>> -> memref<632xf32, #tpu.memory_space<vmem_shared>>
      %dma_start3A_19 = tpu.memref_slice %arg9[%mul3A_2] : memref<10112xf32, #tpu.memory_space<vmem_shared>> -> memref<632xf32, #tpu.memory_space<vmem_shared>>
      tpu.enqueue_dma source(%dma_start3A_19 : memref<632xf32, #tpu.memory_space<vmem_shared>>) target(%arg8 : memref<632xf32, #tpu.memory_space<vmem>>) target_semaphore(%run_scoped3A : memref<!tpu.dma_semaphore, #tpu.memory_space<semaphore_mem>>)
      %dma_wait3A = tpu.memref_slice %arg9[%mul3A_2] : memref<10112xf32, #tpu.memory_space<vmem_shared>> -> memref<632xf32, #tpu.memory_space<vmem_shared>>
      %dma_wait3A_20 = tpu.memref_slice %arg9[%mul3A_2] : memref<10112xf32, #tpu.memory_space<vmem_shared>> -> memref<632xf32, #tpu.memory_space<vmem_shared>>
      tpu.wait_dma2 semaphore(%run_scoped3A : memref<!tpu.dma_semaphore, #tpu.memory_space<semaphore_mem>>) src(%dma_wait3A_20 : memref<632xf32, #tpu.memory_space<vmem_shared>>) dst(%arg8 : memref<632xf32, #tpu.memory_space<vmem>>)
      tpu.yield
    }) : () -> ()
    %mul3A_16 = arith.constant 10112 : i32
    %mul3A_17 = arith.muli %arg0, %mul3A_16 : i32
    %add3A_18 = arith.addi %mul3A_17, %mul3A_2 : i32
    "tpu.region"() ({
      %run_scoped3A = tpu.sem_alloc : memref<!tpu.dma_semaphore, #tpu.memory_space<semaphore_mem>>
      %dma_start3A = tpu.memref_slice %arg5[%add3A_18] : memref<20224xf32, #tpu.memory_space<hbm>> -> memref<632xf32, #tpu.memory_space<hbm>>
      %dma_start3A_19 = tpu.memref_slice %arg5[%add3A_18] : memref<20224xf32, #tpu.memory_space<hbm>> -> memref<632xf32, #tpu.memory_space<hbm>>
      tpu.enqueue_dma source(%arg8 : memref<632xf32, #tpu.memory_space<vmem>>) target(%dma_start3A_19 : memref<632xf32, #tpu.memory_space<hbm>>) target_semaphore(%run_scoped3A : memref<!tpu.dma_semaphore, #tpu.memory_space<semaphore_mem>>)
      %dma_wait3A = tpu.memref_slice %arg5[%add3A_18] : memref<20224xf32, #tpu.memory_space<hbm>> -> memref<632xf32, #tpu.memory_space<hbm>>
      %dma_wait3A_20 = tpu.memref_slice %arg5[%add3A_18] : memref<20224xf32, #tpu.memory_space<hbm>> -> memref<632xf32, #tpu.memory_space<hbm>>
      tpu.wait_dma2 semaphore(%run_scoped3A : memref<!tpu.dma_semaphore, #tpu.memory_space<semaphore_mem>>) src(%arg8 : memref<632xf32, #tpu.memory_space<vmem>>) dst(%dma_wait3A_20 : memref<632xf32, #tpu.memory_space<hbm>>)
      tpu.yield
    }) : () -> ()
    return
  }
}

#map = affine_map<(d0, d1) -> (0, 0)>
#map1 = affine_map<(d0, d1) -> (0, 0, 0)>
module attributes {stable_mosaic.version = 14 : i64} {
  func.func @k(%arg0: i32, %arg1: i32, %arg2: memref<10112x128xf32, #tpu.memory_space<hbm>>, %arg3: memref<32x95x128xi32, #tpu.memory_space<hbm>>, %arg4: memref<32x95x128xi32, #tpu.memory_space<hbm>>, %arg5: memref<128x128xf32, #tpu.memory_space<hbm>>, %arg6: memref<2x10112x128xf32, #tpu.memory_space<hbm>>, %arg7: memref<95x128xi32, #tpu.memory_space<vmem>>, %arg8: memref<95x128xi32, #tpu.memory_space<vmem>>, %arg9: memref<128x128xf32, #tpu.memory_space<vmem>>, %arg10: memref<10112x128xf32, #tpu.memory_space<vmem_shared>>, %arg11: memref<!tpu.dma_semaphore, #tpu.memory_space<semaphore_mem>>) attributes {dimension_semantics = [#tpu.dimension_semantics<core_parallel>, #tpu.dimension_semantics<subcore_parallel>], iteration_bounds = array<i64: 2, 16>, scalar_prefetch = 0 : i64, scratch_operands = 5 : i64, tpu.core_type = #tpu.core_type<sc_vector_subcore>, window_params = [{transform_indices = #map}, {transform_indices = #map1}, {transform_indices = #map1}, {transform_indices = #map}, {transform_indices = #map1}]} {
    %mul3A = arith.constant 16 : i32
    %mul3A_0 = arith.muli %arg0, %mul3A : i32
    %add3A = arith.addi %mul3A_0, %arg1 : i32
    %mul3A_1 = arith.constant 632 : i32
    %mul3A_2 = arith.muli %arg1, %mul3A_1 : i32
    %eq3A = arith.constant 0 : i32
    %eq3A_3 = arith.cmpi eq, %arg0, %eq3A : i32
    %select_n3A = arith.constant 62 : i32
    %select_n3A_4 = arith.constant 95 : i32
    %select_n3A_5 = arith.select %eq3A_3, %select_n3A_4, %select_n3A : i32
    "tpu.region"() ({
      %run_scoped3A = tpu.sem_alloc : memref<!tpu.dma_semaphore, #tpu.memory_space<semaphore_mem>>
      tpu.enqueue_dma source(%arg5 : memref<128x128xf32, #tpu.memory_space<hbm>>) target(%arg9 : memref<128x128xf32, #tpu.memory_space<vmem>>) target_semaphore(%run_scoped3A : memref<!tpu.dma_semaphore, #tpu.memory_space<semaphore_mem>>)
      tpu.wait_dma2 semaphore(%run_scoped3A : memref<!tpu.dma_semaphore, #tpu.memory_space<semaphore_mem>>) src(%arg5 : memref<128x128xf32, #tpu.memory_space<hbm>>) dst(%arg9 : memref<128x128xf32, #tpu.memory_space<vmem>>)
      tpu.yield
    }) : () -> ()
    %add3A_6 = arith.constant 0 : i32
    %add3A_7 = arith.addi %mul3A_2, %add3A_6 : i32
    "tpu.region"() ({
      %run_scoped3A = tpu.sem_alloc : memref<!tpu.dma_semaphore, #tpu.memory_space<semaphore_mem>>
      %dma_start3A = arith.constant 0 : i32
      %dma_start3A_46 = tpu.memref_slice %arg10[%add3A_7, %dma_start3A] : memref<10112x128xf32, #tpu.memory_space<vmem_shared>> -> memref<128x128xf32, #tpu.memory_space<vmem_shared>>
      %dma_start3A_47 = arith.constant 0 : i32
      %dma_start3A_48 = tpu.memref_slice %arg10[%add3A_7, %dma_start3A_47] : memref<10112x128xf32, #tpu.memory_space<vmem_shared>> -> memref<128x128xf32, #tpu.memory_space<vmem_shared>>
      tpu.enqueue_dma source(%arg9 : memref<128x128xf32, #tpu.memory_space<vmem>>) target(%dma_start3A_48 : memref<128x128xf32, #tpu.memory_space<vmem_shared>>) target_semaphore(%run_scoped3A : memref<!tpu.dma_semaphore, #tpu.memory_space<semaphore_mem>>)
      %dma_wait3A = arith.constant 0 : i32
      %dma_wait3A_49 = tpu.memref_slice %arg10[%add3A_7, %dma_wait3A] : memref<10112x128xf32, #tpu.memory_space<vmem_shared>> -> memref<128x128xf32, #tpu.memory_space<vmem_shared>>
      %dma_wait3A_50 = arith.constant 0 : i32
      %dma_wait3A_51 = tpu.memref_slice %arg10[%add3A_7, %dma_wait3A_50] : memref<10112x128xf32, #tpu.memory_space<vmem_shared>> -> memref<128x128xf32, #tpu.memory_space<vmem_shared>>
      tpu.wait_dma2 semaphore(%run_scoped3A : memref<!tpu.dma_semaphore, #tpu.memory_space<semaphore_mem>>) src(%arg9 : memref<128x128xf32, #tpu.memory_space<vmem>>) dst(%dma_wait3A_51 : memref<128x128xf32, #tpu.memory_space<vmem_shared>>)
      tpu.yield
    }) : () -> ()
    %add3A_8 = arith.constant 128 : i32
    %add3A_9 = arith.addi %mul3A_2, %add3A_8 : i32
    "tpu.region"() ({
      %run_scoped3A = tpu.sem_alloc : memref<!tpu.dma_semaphore, #tpu.memory_space<semaphore_mem>>
      %dma_start3A = arith.constant 0 : i32
      %dma_start3A_46 = tpu.memref_slice %arg10[%add3A_9, %dma_start3A] : memref<10112x128xf32, #tpu.memory_space<vmem_shared>> -> memref<128x128xf32, #tpu.memory_space<vmem_shared>>
      %dma_start3A_47 = arith.constant 0 : i32
      %dma_start3A_48 = tpu.memref_slice %arg10[%add3A_9, %dma_start3A_47] : memref<10112x128xf32, #tpu.memory_space<vmem_shared>> -> memref<128x128xf32, #tpu.memory_space<vmem_shared>>
      tpu.enqueue_dma source(%arg9 : memref<128x128xf32, #tpu.memory_space<vmem>>) target(%dma_start3A_48 : memref<128x128xf32, #tpu.memory_space<vmem_shared>>) target_semaphore(%run_scoped3A : memref<!tpu.dma_semaphore, #tpu.memory_space<semaphore_mem>>)
      %dma_wait3A = arith.constant 0 : i32
      %dma_wait3A_49 = tpu.memref_slice %arg10[%add3A_9, %dma_wait3A] : memref<10112x128xf32, #tpu.memory_space<vmem_shared>> -> memref<128x128xf32, #tpu.memory_space<vmem_shared>>
      %dma_wait3A_50 = arith.constant 0 : i32
      %dma_wait3A_51 = tpu.memref_slice %arg10[%add3A_9, %dma_wait3A_50] : memref<10112x128xf32, #tpu.memory_space<vmem_shared>> -> memref<128x128xf32, #tpu.memory_space<vmem_shared>>
      tpu.wait_dma2 semaphore(%run_scoped3A : memref<!tpu.dma_semaphore, #tpu.memory_space<semaphore_mem>>) src(%arg9 : memref<128x128xf32, #tpu.memory_space<vmem>>) dst(%dma_wait3A_51 : memref<128x128xf32, #tpu.memory_space<vmem_shared>>)
      tpu.yield
    }) : () -> ()
    %add3A_10 = arith.constant 256 : i32
    %add3A_11 = arith.addi %mul3A_2, %add3A_10 : i32
    "tpu.region"() ({
      %run_scoped3A = tpu.sem_alloc : memref<!tpu.dma_semaphore, #tpu.memory_space<semaphore_mem>>
      %dma_start3A = arith.constant 0 : i32
      %dma_start3A_46 = tpu.memref_slice %arg10[%add3A_11, %dma_start3A] : memref<10112x128xf32, #tpu.memory_space<vmem_shared>> -> memref<128x128xf32, #tpu.memory_space<vmem_shared>>
      %dma_start3A_47 = arith.constant 0 : i32
      %dma_start3A_48 = tpu.memref_slice %arg10[%add3A_11, %dma_start3A_47] : memref<10112x128xf32, #tpu.memory_space<vmem_shared>> -> memref<128x128xf32, #tpu.memory_space<vmem_shared>>
      tpu.enqueue_dma source(%arg9 : memref<128x128xf32, #tpu.memory_space<vmem>>) target(%dma_start3A_48 : memref<128x128xf32, #tpu.memory_space<vmem_shared>>) target_semaphore(%run_scoped3A : memref<!tpu.dma_semaphore, #tpu.memory_space<semaphore_mem>>)
      %dma_wait3A = arith.constant 0 : i32
      %dma_wait3A_49 = tpu.memref_slice %arg10[%add3A_11, %dma_wait3A] : memref<10112x128xf32, #tpu.memory_space<vmem_shared>> -> memref<128x128xf32, #tpu.memory_space<vmem_shared>>
      %dma_wait3A_50 = arith.constant 0 : i32
      %dma_wait3A_51 = tpu.memref_slice %arg10[%add3A_11, %dma_wait3A_50] : memref<10112x128xf32, #tpu.memory_space<vmem_shared>> -> memref<128x128xf32, #tpu.memory_space<vmem_shared>>
      tpu.wait_dma2 semaphore(%run_scoped3A : memref<!tpu.dma_semaphore, #tpu.memory_space<semaphore_mem>>) src(%arg9 : memref<128x128xf32, #tpu.memory_space<vmem>>) dst(%dma_wait3A_51 : memref<128x128xf32, #tpu.memory_space<vmem_shared>>)
      tpu.yield
    }) : () -> ()
    %add3A_12 = arith.constant 384 : i32
    %add3A_13 = arith.addi %mul3A_2, %add3A_12 : i32
    "tpu.region"() ({
      %run_scoped3A = tpu.sem_alloc : memref<!tpu.dma_semaphore, #tpu.memory_space<semaphore_mem>>
      %dma_start3A = arith.constant 0 : i32
      %dma_start3A_46 = tpu.memref_slice %arg10[%add3A_13, %dma_start3A] : memref<10112x128xf32, #tpu.memory_space<vmem_shared>> -> memref<128x128xf32, #tpu.memory_space<vmem_shared>>
      %dma_start3A_47 = arith.constant 0 : i32
      %dma_start3A_48 = tpu.memref_slice %arg10[%add3A_13, %dma_start3A_47] : memref<10112x128xf32, #tpu.memory_space<vmem_shared>> -> memref<128x128xf32, #tpu.memory_space<vmem_shared>>
      tpu.enqueue_dma source(%arg9 : memref<128x128xf32, #tpu.memory_space<vmem>>) target(%dma_start3A_48 : memref<128x128xf32, #tpu.memory_space<vmem_shared>>) target_semaphore(%run_scoped3A : memref<!tpu.dma_semaphore, #tpu.memory_space<semaphore_mem>>)
      %dma_wait3A = arith.constant 0 : i32
      %dma_wait3A_49 = tpu.memref_slice %arg10[%add3A_13, %dma_wait3A] : memref<10112x128xf32, #tpu.memory_space<vmem_shared>> -> memref<128x128xf32, #tpu.memory_space<vmem_shared>>
      %dma_wait3A_50 = arith.constant 0 : i32
      %dma_wait3A_51 = tpu.memref_slice %arg10[%add3A_13, %dma_wait3A_50] : memref<10112x128xf32, #tpu.memory_space<vmem_shared>> -> memref<128x128xf32, #tpu.memory_space<vmem_shared>>
      tpu.wait_dma2 semaphore(%run_scoped3A : memref<!tpu.dma_semaphore, #tpu.memory_space<semaphore_mem>>) src(%arg9 : memref<128x128xf32, #tpu.memory_space<vmem>>) dst(%dma_wait3A_51 : memref<128x128xf32, #tpu.memory_space<vmem_shared>>)
      tpu.yield
    }) : () -> ()
    %add3A_14 = arith.constant 512 : i32
    %add3A_15 = arith.addi %mul3A_2, %add3A_14 : i32
    "tpu.region"() ({
      %run_scoped3A = tpu.sem_alloc : memref<!tpu.dma_semaphore, #tpu.memory_space<semaphore_mem>>
      %dma_start3A = arith.constant 0 : i32
      %dma_start3A_46 = arith.constant 0 : i32
      %dma_start3A_47 = tpu.memref_slice %arg9[%dma_start3A, %dma_start3A_46] : memref<128x128xf32, #tpu.memory_space<vmem>> -> memref<120x128xf32, #tpu.memory_space<vmem>>
      %dma_start3A_48 = arith.constant 0 : i32
      %dma_start3A_49 = tpu.memref_slice %arg10[%add3A_15, %dma_start3A_48] : memref<10112x128xf32, #tpu.memory_space<vmem_shared>> -> memref<120x128xf32, #tpu.memory_space<vmem_shared>>
      %dma_start3A_50 = arith.constant 0 : i32
      %dma_start3A_51 = tpu.memref_slice %arg10[%add3A_15, %dma_start3A_50] : memref<10112x128xf32, #tpu.memory_space<vmem_shared>> -> memref<120x128xf32, #tpu.memory_space<vmem_shared>>
      %dma_start3A_52 = arith.constant 0 : i32
      %dma_start3A_53 = arith.constant 0 : i32
      %dma_start3A_54 = tpu.memref_slice %arg9[%dma_start3A_52, %dma_start3A_53] : memref<128x128xf32, #tpu.memory_space<vmem>> -> memref<120x128xf32, #tpu.memory_space<vmem>>
      tpu.enqueue_dma source(%dma_start3A_54 : memref<120x128xf32, #tpu.memory_space<vmem>>) target(%dma_start3A_51 : memref<120x128xf32, #tpu.memory_space<vmem_shared>>) target_semaphore(%run_scoped3A : memref<!tpu.dma_semaphore, #tpu.memory_space<semaphore_mem>>)
      %dma_wait3A = arith.constant 0 : i32
      %dma_wait3A_55 = arith.constant 0 : i32
      %dma_wait3A_56 = tpu.memref_slice %arg9[%dma_wait3A, %dma_wait3A_55] : memref<128x128xf32, #tpu.memory_space<vmem>> -> memref<120x128xf32, #tpu.memory_space<vmem>>
      %dma_wait3A_57 = arith.constant 0 : i32
      %dma_wait3A_58 = tpu.memref_slice %arg10[%add3A_15, %dma_wait3A_57] : memref<10112x128xf32, #tpu.memory_space<vmem_shared>> -> memref<120x128xf32, #tpu.memory_space<vmem_shared>>
      %dma_wait3A_59 = arith.constant 0 : i32
      %dma_wait3A_60 = tpu.memref_slice %arg10[%add3A_15, %dma_wait3A_59] : memref<10112x128xf32, #tpu.memory_space<vmem_shared>> -> memref<120x128xf32, #tpu.memory_space<vmem_shared>>
      %dma_wait3A_61 = arith.constant 0 : i32
      %dma_wait3A_62 = arith.constant 0 : i32
      %dma_wait3A_63 = tpu.memref_slice %arg9[%dma_wait3A_61, %dma_wait3A_62] : memref<128x128xf32, #tpu.memory_space<vmem>> -> memref<120x128xf32, #tpu.memory_space<vmem>>
      tpu.wait_dma2 semaphore(%run_scoped3A : memref<!tpu.dma_semaphore, #tpu.memory_space<semaphore_mem>>) src(%dma_wait3A_63 : memref<120x128xf32, #tpu.memory_space<vmem>>) dst(%dma_wait3A_60 : memref<120x128xf32, #tpu.memory_space<vmem_shared>>)
      tpu.yield
    }) : () -> ()
    "tpu.region"() ({
      %run_scoped3A = tpu.sem_alloc : memref<!tpu.dma_semaphore, #tpu.memory_space<semaphore_mem>>
      %dma_start3A = arith.constant 0 : i32
      %dma_start3A_46 = arith.constant 0 : i32
      %dma_start3A_47 = tpu.memref_slice %arg3[%add3A, %dma_start3A, %dma_start3A_46] : memref<32x95x128xi32, #tpu.memory_space<hbm>> -> memref<1x95x128xi32, #tpu.memory_space<hbm>>
      %dma_start3A_48 = tpu.memref_squeeze %dma_start3A_47 : memref<1x95x128xi32, #tpu.memory_space<hbm>> -> memref<95x128xi32, #tpu.memory_space<hbm>>
      %dma_start3A_49 = arith.constant 0 : i32
      %dma_start3A_50 = arith.constant 0 : i32
      %dma_start3A_51 = tpu.memref_slice %arg3[%add3A, %dma_start3A_49, %dma_start3A_50] : memref<32x95x128xi32, #tpu.memory_space<hbm>> -> memref<1x95x128xi32, #tpu.memory_space<hbm>>
      %dma_start3A_52 = tpu.memref_squeeze %dma_start3A_51 : memref<1x95x128xi32, #tpu.memory_space<hbm>> -> memref<95x128xi32, #tpu.memory_space<hbm>>
      tpu.enqueue_dma source(%dma_start3A_52 : memref<95x128xi32, #tpu.memory_space<hbm>>) target(%arg7 : memref<95x128xi32, #tpu.memory_space<vmem>>) target_semaphore(%run_scoped3A : memref<!tpu.dma_semaphore, #tpu.memory_space<semaphore_mem>>)
      %dma_wait3A = arith.constant 0 : i32
      %dma_wait3A_53 = arith.constant 0 : i32
      %dma_wait3A_54 = tpu.memref_slice %arg3[%add3A, %dma_wait3A, %dma_wait3A_53] : memref<32x95x128xi32, #tpu.memory_space<hbm>> -> memref<1x95x128xi32, #tpu.memory_space<hbm>>
      %dma_wait3A_55 = tpu.memref_squeeze %dma_wait3A_54 : memref<1x95x128xi32, #tpu.memory_space<hbm>> -> memref<95x128xi32, #tpu.memory_space<hbm>>
      %dma_wait3A_56 = arith.constant 0 : i32
      %dma_wait3A_57 = arith.constant 0 : i32
      %dma_wait3A_58 = tpu.memref_slice %arg3[%add3A, %dma_wait3A_56, %dma_wait3A_57] : memref<32x95x128xi32, #tpu.memory_space<hbm>> -> memref<1x95x128xi32, #tpu.memory_space<hbm>>
      %dma_wait3A_59 = tpu.memref_squeeze %dma_wait3A_58 : memref<1x95x128xi32, #tpu.memory_space<hbm>> -> memref<95x128xi32, #tpu.memory_space<hbm>>
      tpu.wait_dma2 semaphore(%run_scoped3A : memref<!tpu.dma_semaphore, #tpu.memory_space<semaphore_mem>>) src(%dma_wait3A_59 : memref<95x128xi32, #tpu.memory_space<hbm>>) dst(%arg7 : memref<95x128xi32, #tpu.memory_space<vmem>>)
      tpu.yield
    }) : () -> ()
    "tpu.region"() ({
      %run_scoped3A = tpu.sem_alloc : memref<!tpu.dma_semaphore, #tpu.memory_space<semaphore_mem>>
      %dma_start3A = arith.constant 0 : i32
      %dma_start3A_46 = arith.constant 0 : i32
      %dma_start3A_47 = tpu.memref_slice %arg4[%add3A, %dma_start3A, %dma_start3A_46] : memref<32x95x128xi32, #tpu.memory_space<hbm>> -> memref<1x95x128xi32, #tpu.memory_space<hbm>>
      %dma_start3A_48 = tpu.memref_squeeze %dma_start3A_47 : memref<1x95x128xi32, #tpu.memory_space<hbm>> -> memref<95x128xi32, #tpu.memory_space<hbm>>
      %dma_start3A_49 = arith.constant 0 : i32
      %dma_start3A_50 = arith.constant 0 : i32
      %dma_start3A_51 = tpu.memref_slice %arg4[%add3A, %dma_start3A_49, %dma_start3A_50] : memref<32x95x128xi32, #tpu.memory_space<hbm>> -> memref<1x95x128xi32, #tpu.memory_space<hbm>>
      %dma_start3A_52 = tpu.memref_squeeze %dma_start3A_51 : memref<1x95x128xi32, #tpu.memory_space<hbm>> -> memref<95x128xi32, #tpu.memory_space<hbm>>
      tpu.enqueue_dma source(%dma_start3A_52 : memref<95x128xi32, #tpu.memory_space<hbm>>) target(%arg8 : memref<95x128xi32, #tpu.memory_space<vmem>>) target_semaphore(%run_scoped3A : memref<!tpu.dma_semaphore, #tpu.memory_space<semaphore_mem>>)
      %dma_wait3A = arith.constant 0 : i32
      %dma_wait3A_53 = arith.constant 0 : i32
      %dma_wait3A_54 = tpu.memref_slice %arg4[%add3A, %dma_wait3A, %dma_wait3A_53] : memref<32x95x128xi32, #tpu.memory_space<hbm>> -> memref<1x95x128xi32, #tpu.memory_space<hbm>>
      %dma_wait3A_55 = tpu.memref_squeeze %dma_wait3A_54 : memref<1x95x128xi32, #tpu.memory_space<hbm>> -> memref<95x128xi32, #tpu.memory_space<hbm>>
      %dma_wait3A_56 = arith.constant 0 : i32
      %dma_wait3A_57 = arith.constant 0 : i32
      %dma_wait3A_58 = tpu.memref_slice %arg4[%add3A, %dma_wait3A_56, %dma_wait3A_57] : memref<32x95x128xi32, #tpu.memory_space<hbm>> -> memref<1x95x128xi32, #tpu.memory_space<hbm>>
      %dma_wait3A_59 = tpu.memref_squeeze %dma_wait3A_58 : memref<1x95x128xi32, #tpu.memory_space<hbm>> -> memref<95x128xi32, #tpu.memory_space<hbm>>
      tpu.wait_dma2 semaphore(%run_scoped3A : memref<!tpu.dma_semaphore, #tpu.memory_space<semaphore_mem>>) src(%dma_wait3A_59 : memref<95x128xi32, #tpu.memory_space<hbm>>) dst(%arg8 : memref<95x128xi32, #tpu.memory_space<vmem>>)
      tpu.yield
    }) : () -> ()
    %barrier3A = arith.constant 0 : index
    tpu.barrier barrier_id(%barrier3A)
    %while3A = arith.constant 0 : i32
    %while3A_16 = arith.constant 0 : i32
    %while3A_17 = arith.subi %select_n3A_5, %while3A_16 : i32
    %while3A_18 = arith.addi %while3A_16, %while3A_17 : i32
    %while3A_19 = arith.constant 1 : i32
    %while3A_20 = arith.divsi %while3A_17, %while3A_19 : i32
    %while3A_21 = arith.muli %while3A_20, %while3A_19 : i32
    %while3A_22 = arith.addi %while3A_16, %while3A_21 : i32
    %while3A_23 = arith.constant 1 : i32
    scf.for %while3A_46 = %while3A_16 to %while3A_22 step %while3A_23  : i32 {
      %dma_start3A = arith.constant 0 : i32
      %dma_start3A_47 = tpu.memref_slice %arg7[%while3A_46, %dma_start3A] : memref<95x128xi32, #tpu.memory_space<vmem>> -> memref<1x128xi32, #tpu.memory_space<vmem>>
      %dma_start3A_48 = tpu.memref_squeeze %dma_start3A_47 : memref<1x128xi32, #tpu.memory_space<vmem>> -> memref<128xi32, #tpu.memory_space<vmem>>
      %dma_start3A_49 = arith.constant 0 : i32
      %dma_start3A_50 = arith.constant 0 : i32
      %dma_start3A_51 = tpu.memref_slice %arg2[%dma_start3A_49, %dma_start3A_50] : memref<10112x128xf32, #tpu.memory_space<hbm>> -> memref<10112x128xf32, #tpu.memory_space<hbm>>
      tpu.enqueue_indirect_dma source(%dma_start3A_51 : memref<10112x128xf32, #tpu.memory_space<hbm>>) target(%arg9 : memref<128x128xf32, #tpu.memory_space<vmem>>) offsets(%dma_start3A_48 : memref<128xi32, #tpu.memory_space<vmem>>) semaphore(%arg11 : memref<!tpu.dma_semaphore, #tpu.memory_space<semaphore_mem>>)
      %dma_wait3A = arith.constant 0 : i32
      %dma_wait3A_52 = tpu.memref_slice %arg7[%while3A_46, %dma_wait3A] : memref<95x128xi32, #tpu.memory_space<vmem>> -> memref<1x128xi32, #tpu.memory_space<vmem>>
      %dma_wait3A_53 = tpu.memref_squeeze %dma_wait3A_52 : memref<1x128xi32, #tpu.memory_space<vmem>> -> memref<128xi32, #tpu.memory_space<vmem>>
      %dma_wait3A_54 = arith.constant 0 : i32
      %dma_wait3A_55 = arith.constant 0 : i32
      %dma_wait3A_56 = tpu.memref_slice %arg2[%dma_wait3A_54, %dma_wait3A_55] : memref<10112x128xf32, #tpu.memory_space<hbm>> -> memref<10112x128xf32, #tpu.memory_space<hbm>>
      tpu.wait_indirect_dma semaphore(%arg11 : memref<!tpu.dma_semaphore, #tpu.memory_space<semaphore_mem>>) src(%dma_wait3A_56 : memref<10112x128xf32, #tpu.memory_space<hbm>>) dst(%arg9 : memref<128x128xf32, #tpu.memory_space<vmem>>)
      "tpu.region"() ({
        %run_scoped3A = tpu.sem_alloc : memref<!tpu.dma_semaphore, #tpu.memory_space<semaphore_mem>>
        %dma_start3A_57 = arith.constant 0 : i32
        %dma_start3A_58 = tpu.memref_slice %arg8[%while3A_46, %dma_start3A_57] : memref<95x128xi32, #tpu.memory_space<vmem>> -> memref<1x128xi32, #tpu.memory_space<vmem>>
        %dma_start3A_59 = tpu.memref_squeeze %dma_start3A_58 : memref<1x128xi32, #tpu.memory_space<vmem>> -> memref<128xi32, #tpu.memory_space<vmem>>
        %dma_start3A_60 = arith.constant 0 : i32
        %dma_start3A_61 = arith.constant 0 : i32
        %dma_start3A_62 = tpu.memref_slice %arg10[%dma_start3A_60, %dma_start3A_61] : memref<10112x128xf32, #tpu.memory_space<vmem_shared>> -> memref<10112x128xf32, #tpu.memory_space<vmem_shared>>
        tpu.enqueue_indirect_dma source(%arg9 : memref<128x128xf32, #tpu.memory_space<vmem>>) target(%dma_start3A_62 : memref<10112x128xf32, #tpu.memory_space<vmem_shared>>) offsets(%dma_start3A_59 : memref<128xi32, #tpu.memory_space<vmem>>) semaphore(%run_scoped3A : memref<!tpu.dma_semaphore, #tpu.memory_space<semaphore_mem>>) {add = true}
        %dma_wait3A_63 = arith.constant 0 : i32
        %dma_wait3A_64 = tpu.memref_slice %arg8[%while3A_46, %dma_wait3A_63] : memref<95x128xi32, #tpu.memory_space<vmem>> -> memref<1x128xi32, #tpu.memory_space<vmem>>
        %dma_wait3A_65 = tpu.memref_squeeze %dma_wait3A_64 : memref<1x128xi32, #tpu.memory_space<vmem>> -> memref<128xi32, #tpu.memory_space<vmem>>
        %dma_wait3A_66 = arith.constant 0 : i32
        %dma_wait3A_67 = arith.constant 0 : i32
        %dma_wait3A_68 = tpu.memref_slice %arg10[%dma_wait3A_66, %dma_wait3A_67] : memref<10112x128xf32, #tpu.memory_space<vmem_shared>> -> memref<10112x128xf32, #tpu.memory_space<vmem_shared>>
        tpu.wait_indirect_dma semaphore(%run_scoped3A : memref<!tpu.dma_semaphore, #tpu.memory_space<semaphore_mem>>) src(%arg9 : memref<128x128xf32, #tpu.memory_space<vmem>>) dst(%dma_wait3A_68 : memref<10112x128xf32, #tpu.memory_space<vmem_shared>>)
        tpu.yield
      }) : () -> ()
    }
    %while3A_24 = arith.constant 1 : i32
    scf.for %while3A_46 = %while3A_22 to %while3A_18 step %while3A_24  : i32 {
      %dma_start3A = arith.constant 0 : i32
      %dma_start3A_47 = tpu.memref_slice %arg7[%while3A_46, %dma_start3A] : memref<95x128xi32, #tpu.memory_space<vmem>> -> memref<1x128xi32, #tpu.memory_space<vmem>>
      %dma_start3A_48 = tpu.memref_squeeze %dma_start3A_47 : memref<1x128xi32, #tpu.memory_space<vmem>> -> memref<128xi32, #tpu.memory_space<vmem>>
      %dma_start3A_49 = arith.constant 0 : i32
      %dma_start3A_50 = arith.constant 0 : i32
      %dma_start3A_51 = tpu.memref_slice %arg2[%dma_start3A_49, %dma_start3A_50] : memref<10112x128xf32, #tpu.memory_space<hbm>> -> memref<10112x128xf32, #tpu.memory_space<hbm>>
      tpu.enqueue_indirect_dma source(%dma_start3A_51 : memref<10112x128xf32, #tpu.memory_space<hbm>>) target(%arg9 : memref<128x128xf32, #tpu.memory_space<vmem>>) offsets(%dma_start3A_48 : memref<128xi32, #tpu.memory_space<vmem>>) semaphore(%arg11 : memref<!tpu.dma_semaphore, #tpu.memory_space<semaphore_mem>>)
      %dma_wait3A = arith.constant 0 : i32
      %dma_wait3A_52 = tpu.memref_slice %arg7[%while3A_46, %dma_wait3A] : memref<95x128xi32, #tpu.memory_space<vmem>> -> memref<1x128xi32, #tpu.memory_space<vmem>>
      %dma_wait3A_53 = tpu.memref_squeeze %dma_wait3A_52 : memref<1x128xi32, #tpu.memory_space<vmem>> -> memref<128xi32, #tpu.memory_space<vmem>>
      %dma_wait3A_54 = arith.constant 0 : i32
      %dma_wait3A_55 = arith.constant 0 : i32
      %dma_wait3A_56 = tpu.memref_slice %arg2[%dma_wait3A_54, %dma_wait3A_55] : memref<10112x128xf32, #tpu.memory_space<hbm>> -> memref<10112x128xf32, #tpu.memory_space<hbm>>
      tpu.wait_indirect_dma semaphore(%arg11 : memref<!tpu.dma_semaphore, #tpu.memory_space<semaphore_mem>>) src(%dma_wait3A_56 : memref<10112x128xf32, #tpu.memory_space<hbm>>) dst(%arg9 : memref<128x128xf32, #tpu.memory_space<vmem>>)
      "tpu.region"() ({
        %run_scoped3A = tpu.sem_alloc : memref<!tpu.dma_semaphore, #tpu.memory_space<semaphore_mem>>
        %dma_start3A_57 = arith.constant 0 : i32
        %dma_start3A_58 = tpu.memref_slice %arg8[%while3A_46, %dma_start3A_57] : memref<95x128xi32, #tpu.memory_space<vmem>> -> memref<1x128xi32, #tpu.memory_space<vmem>>
        %dma_start3A_59 = tpu.memref_squeeze %dma_start3A_58 : memref<1x128xi32, #tpu.memory_space<vmem>> -> memref<128xi32, #tpu.memory_space<vmem>>
        %dma_start3A_60 = arith.constant 0 : i32
        %dma_start3A_61 = arith.constant 0 : i32
        %dma_start3A_62 = tpu.memref_slice %arg10[%dma_start3A_60, %dma_start3A_61] : memref<10112x128xf32, #tpu.memory_space<vmem_shared>> -> memref<10112x128xf32, #tpu.memory_space<vmem_shared>>
        tpu.enqueue_indirect_dma source(%arg9 : memref<128x128xf32, #tpu.memory_space<vmem>>) target(%dma_start3A_62 : memref<10112x128xf32, #tpu.memory_space<vmem_shared>>) offsets(%dma_start3A_59 : memref<128xi32, #tpu.memory_space<vmem>>) semaphore(%run_scoped3A : memref<!tpu.dma_semaphore, #tpu.memory_space<semaphore_mem>>) {add = true}
        %dma_wait3A_63 = arith.constant 0 : i32
        %dma_wait3A_64 = tpu.memref_slice %arg8[%while3A_46, %dma_wait3A_63] : memref<95x128xi32, #tpu.memory_space<vmem>> -> memref<1x128xi32, #tpu.memory_space<vmem>>
        %dma_wait3A_65 = tpu.memref_squeeze %dma_wait3A_64 : memref<1x128xi32, #tpu.memory_space<vmem>> -> memref<128xi32, #tpu.memory_space<vmem>>
        %dma_wait3A_66 = arith.constant 0 : i32
        %dma_wait3A_67 = arith.constant 0 : i32
        %dma_wait3A_68 = tpu.memref_slice %arg10[%dma_wait3A_66, %dma_wait3A_67] : memref<10112x128xf32, #tpu.memory_space<vmem_shared>> -> memref<10112x128xf32, #tpu.memory_space<vmem_shared>>
        tpu.wait_indirect_dma semaphore(%run_scoped3A : memref<!tpu.dma_semaphore, #tpu.memory_space<semaphore_mem>>) src(%arg9 : memref<128x128xf32, #tpu.memory_space<vmem>>) dst(%dma_wait3A_68 : memref<10112x128xf32, #tpu.memory_space<vmem_shared>>)
        tpu.yield
      }) : () -> ()
    }
    %barrier3A_25 = arith.constant 0 : index
    tpu.barrier barrier_id(%barrier3A_25)
    %add3A_26 = arith.constant 0 : i32
    %add3A_27 = arith.addi %mul3A_2, %add3A_26 : i32
    "tpu.region"() ({
      %run_scoped3A = tpu.sem_alloc : memref<!tpu.dma_semaphore, #tpu.memory_space<semaphore_mem>>
      %dma_start3A = arith.constant 0 : i32
      %dma_start3A_46 = tpu.memref_slice %arg10[%add3A_27, %dma_start3A] : memref<10112x128xf32, #tpu.memory_space<vmem_shared>> -> memref<128x128xf32, #tpu.memory_space<vmem_shared>>
      %dma_start3A_47 = arith.constant 0 : i32
      %dma_start3A_48 = tpu.memref_slice %arg10[%add3A_27, %dma_start3A_47] : memref<10112x128xf32, #tpu.memory_space<vmem_shared>> -> memref<128x128xf32, #tpu.memory_space<vmem_shared>>
      tpu.enqueue_dma source(%dma_start3A_48 : memref<128x128xf32, #tpu.memory_space<vmem_shared>>) target(%arg9 : memref<128x128xf32, #tpu.memory_space<vmem>>) target_semaphore(%run_scoped3A : memref<!tpu.dma_semaphore, #tpu.memory_space<semaphore_mem>>)
      %dma_wait3A = arith.constant 0 : i32
      %dma_wait3A_49 = tpu.memref_slice %arg10[%add3A_27, %dma_wait3A] : memref<10112x128xf32, #tpu.memory_space<vmem_shared>> -> memref<128x128xf32, #tpu.memory_space<vmem_shared>>
      %dma_wait3A_50 = arith.constant 0 : i32
      %dma_wait3A_51 = tpu.memref_slice %arg10[%add3A_27, %dma_wait3A_50] : memref<10112x128xf32, #tpu.memory_space<vmem_shared>> -> memref<128x128xf32, #tpu.memory_space<vmem_shared>>
      tpu.wait_dma2 semaphore(%run_scoped3A : memref<!tpu.dma_semaphore, #tpu.memory_space<semaphore_mem>>) src(%dma_wait3A_51 : memref<128x128xf32, #tpu.memory_space<vmem_shared>>) dst(%arg9 : memref<128x128xf32, #tpu.memory_space<vmem>>)
      tpu.yield
    }) : () -> ()
    %add3A_28 = arith.constant 0 : i32
    %add3A_29 = arith.addi %mul3A_2, %add3A_28 : i32
    "tpu.region"() ({
      %run_scoped3A = tpu.sem_alloc : memref<!tpu.dma_semaphore, #tpu.memory_space<semaphore_mem>>
      %dma_start3A = arith.constant 0 : i32
      %dma_start3A_46 = tpu.memref_slice %arg6[%arg0, %add3A_29, %dma_start3A] : memref<2x10112x128xf32, #tpu.memory_space<hbm>> -> memref<1x128x128xf32, #tpu.memory_space<hbm>>
      %dma_start3A_47 = tpu.memref_squeeze %dma_start3A_46 : memref<1x128x128xf32, #tpu.memory_space<hbm>> -> memref<128x128xf32, #tpu.memory_space<hbm>>
      %dma_start3A_48 = arith.constant 0 : i32
      %dma_start3A_49 = tpu.memref_slice %arg6[%arg0, %add3A_29, %dma_start3A_48] : memref<2x10112x128xf32, #tpu.memory_space<hbm>> -> memref<1x128x128xf32, #tpu.memory_space<hbm>>
      %dma_start3A_50 = tpu.memref_squeeze %dma_start3A_49 : memref<1x128x128xf32, #tpu.memory_space<hbm>> -> memref<128x128xf32, #tpu.memory_space<hbm>>
      tpu.enqueue_dma source(%arg9 : memref<128x128xf32, #tpu.memory_space<vmem>>) target(%dma_start3A_50 : memref<128x128xf32, #tpu.memory_space<hbm>>) target_semaphore(%run_scoped3A : memref<!tpu.dma_semaphore, #tpu.memory_space<semaphore_mem>>)
      %dma_wait3A = arith.constant 0 : i32
      %dma_wait3A_51 = tpu.memref_slice %arg6[%arg0, %add3A_29, %dma_wait3A] : memref<2x10112x128xf32, #tpu.memory_space<hbm>> -> memref<1x128x128xf32, #tpu.memory_space<hbm>>
      %dma_wait3A_52 = tpu.memref_squeeze %dma_wait3A_51 : memref<1x128x128xf32, #tpu.memory_space<hbm>> -> memref<128x128xf32, #tpu.memory_space<hbm>>
      %dma_wait3A_53 = arith.constant 0 : i32
      %dma_wait3A_54 = tpu.memref_slice %arg6[%arg0, %add3A_29, %dma_wait3A_53] : memref<2x10112x128xf32, #tpu.memory_space<hbm>> -> memref<1x128x128xf32, #tpu.memory_space<hbm>>
      %dma_wait3A_55 = tpu.memref_squeeze %dma_wait3A_54 : memref<1x128x128xf32, #tpu.memory_space<hbm>> -> memref<128x128xf32, #tpu.memory_space<hbm>>
      tpu.wait_dma2 semaphore(%run_scoped3A : memref<!tpu.dma_semaphore, #tpu.memory_space<semaphore_mem>>) src(%arg9 : memref<128x128xf32, #tpu.memory_space<vmem>>) dst(%dma_wait3A_55 : memref<128x128xf32, #tpu.memory_space<hbm>>)
      tpu.yield
    }) : () -> ()
    %add3A_30 = arith.constant 128 : i32
    %add3A_31 = arith.addi %mul3A_2, %add3A_30 : i32
    "tpu.region"() ({
      %run_scoped3A = tpu.sem_alloc : memref<!tpu.dma_semaphore, #tpu.memory_space<semaphore_mem>>
      %dma_start3A = arith.constant 0 : i32
      %dma_start3A_46 = tpu.memref_slice %arg10[%add3A_31, %dma_start3A] : memref<10112x128xf32, #tpu.memory_space<vmem_shared>> -> memref<128x128xf32, #tpu.memory_space<vmem_shared>>
      %dma_start3A_47 = arith.constant 0 : i32
      %dma_start3A_48 = tpu.memref_slice %arg10[%add3A_31, %dma_start3A_47] : memref<10112x128xf32, #tpu.memory_space<vmem_shared>> -> memref<128x128xf32, #tpu.memory_space<vmem_shared>>
      tpu.enqueue_dma source(%dma_start3A_48 : memref<128x128xf32, #tpu.memory_space<vmem_shared>>) target(%arg9 : memref<128x128xf32, #tpu.memory_space<vmem>>) target_semaphore(%run_scoped3A : memref<!tpu.dma_semaphore, #tpu.memory_space<semaphore_mem>>)
      %dma_wait3A = arith.constant 0 : i32
      %dma_wait3A_49 = tpu.memref_slice %arg10[%add3A_31, %dma_wait3A] : memref<10112x128xf32, #tpu.memory_space<vmem_shared>> -> memref<128x128xf32, #tpu.memory_space<vmem_shared>>
      %dma_wait3A_50 = arith.constant 0 : i32
      %dma_wait3A_51 = tpu.memref_slice %arg10[%add3A_31, %dma_wait3A_50] : memref<10112x128xf32, #tpu.memory_space<vmem_shared>> -> memref<128x128xf32, #tpu.memory_space<vmem_shared>>
      tpu.wait_dma2 semaphore(%run_scoped3A : memref<!tpu.dma_semaphore, #tpu.memory_space<semaphore_mem>>) src(%dma_wait3A_51 : memref<128x128xf32, #tpu.memory_space<vmem_shared>>) dst(%arg9 : memref<128x128xf32, #tpu.memory_space<vmem>>)
      tpu.yield
    }) : () -> ()
    %add3A_32 = arith.constant 128 : i32
    %add3A_33 = arith.addi %mul3A_2, %add3A_32 : i32
    "tpu.region"() ({
      %run_scoped3A = tpu.sem_alloc : memref<!tpu.dma_semaphore, #tpu.memory_space<semaphore_mem>>
      %dma_start3A = arith.constant 0 : i32
      %dma_start3A_46 = tpu.memref_slice %arg6[%arg0, %add3A_33, %dma_start3A] : memref<2x10112x128xf32, #tpu.memory_space<hbm>> -> memref<1x128x128xf32, #tpu.memory_space<hbm>>
      %dma_start3A_47 = tpu.memref_squeeze %dma_start3A_46 : memref<1x128x128xf32, #tpu.memory_space<hbm>> -> memref<128x128xf32, #tpu.memory_space<hbm>>
      %dma_start3A_48 = arith.constant 0 : i32
      %dma_start3A_49 = tpu.memref_slice %arg6[%arg0, %add3A_33, %dma_start3A_48] : memref<2x10112x128xf32, #tpu.memory_space<hbm>> -> memref<1x128x128xf32, #tpu.memory_space<hbm>>
      %dma_start3A_50 = tpu.memref_squeeze %dma_start3A_49 : memref<1x128x128xf32, #tpu.memory_space<hbm>> -> memref<128x128xf32, #tpu.memory_space<hbm>>
      tpu.enqueue_dma source(%arg9 : memref<128x128xf32, #tpu.memory_space<vmem>>) target(%dma_start3A_50 : memref<128x128xf32, #tpu.memory_space<hbm>>) target_semaphore(%run_scoped3A : memref<!tpu.dma_semaphore, #tpu.memory_space<semaphore_mem>>)
      %dma_wait3A = arith.constant 0 : i32
      %dma_wait3A_51 = tpu.memref_slice %arg6[%arg0, %add3A_33, %dma_wait3A] : memref<2x10112x128xf32, #tpu.memory_space<hbm>> -> memref<1x128x128xf32, #tpu.memory_space<hbm>>
      %dma_wait3A_52 = tpu.memref_squeeze %dma_wait3A_51 : memref<1x128x128xf32, #tpu.memory_space<hbm>> -> memref<128x128xf32, #tpu.memory_space<hbm>>
      %dma_wait3A_53 = arith.constant 0 : i32
      %dma_wait3A_54 = tpu.memref_slice %arg6[%arg0, %add3A_33, %dma_wait3A_53] : memref<2x10112x128xf32, #tpu.memory_space<hbm>> -> memref<1x128x128xf32, #tpu.memory_space<hbm>>
      %dma_wait3A_55 = tpu.memref_squeeze %dma_wait3A_54 : memref<1x128x128xf32, #tpu.memory_space<hbm>> -> memref<128x128xf32, #tpu.memory_space<hbm>>
      tpu.wait_dma2 semaphore(%run_scoped3A : memref<!tpu.dma_semaphore, #tpu.memory_space<semaphore_mem>>) src(%arg9 : memref<128x128xf32, #tpu.memory_space<vmem>>) dst(%dma_wait3A_55 : memref<128x128xf32, #tpu.memory_space<hbm>>)
      tpu.yield
    }) : () -> ()
    %add3A_34 = arith.constant 256 : i32
    %add3A_35 = arith.addi %mul3A_2, %add3A_34 : i32
    "tpu.region"() ({
      %run_scoped3A = tpu.sem_alloc : memref<!tpu.dma_semaphore, #tpu.memory_space<semaphore_mem>>
      %dma_start3A = arith.constant 0 : i32
      %dma_start3A_46 = tpu.memref_slice %arg10[%add3A_35, %dma_start3A] : memref<10112x128xf32, #tpu.memory_space<vmem_shared>> -> memref<128x128xf32, #tpu.memory_space<vmem_shared>>
      %dma_start3A_47 = arith.constant 0 : i32
      %dma_start3A_48 = tpu.memref_slice %arg10[%add3A_35, %dma_start3A_47] : memref<10112x128xf32, #tpu.memory_space<vmem_shared>> -> memref<128x128xf32, #tpu.memory_space<vmem_shared>>
      tpu.enqueue_dma source(%dma_start3A_48 : memref<128x128xf32, #tpu.memory_space<vmem_shared>>) target(%arg9 : memref<128x128xf32, #tpu.memory_space<vmem>>) target_semaphore(%run_scoped3A : memref<!tpu.dma_semaphore, #tpu.memory_space<semaphore_mem>>)
      %dma_wait3A = arith.constant 0 : i32
      %dma_wait3A_49 = tpu.memref_slice %arg10[%add3A_35, %dma_wait3A] : memref<10112x128xf32, #tpu.memory_space<vmem_shared>> -> memref<128x128xf32, #tpu.memory_space<vmem_shared>>
      %dma_wait3A_50 = arith.constant 0 : i32
      %dma_wait3A_51 = tpu.memref_slice %arg10[%add3A_35, %dma_wait3A_50] : memref<10112x128xf32, #tpu.memory_space<vmem_shared>> -> memref<128x128xf32, #tpu.memory_space<vmem_shared>>
      tpu.wait_dma2 semaphore(%run_scoped3A : memref<!tpu.dma_semaphore, #tpu.memory_space<semaphore_mem>>) src(%dma_wait3A_51 : memref<128x128xf32, #tpu.memory_space<vmem_shared>>) dst(%arg9 : memref<128x128xf32, #tpu.memory_space<vmem>>)
      tpu.yield
    }) : () -> ()
    %add3A_36 = arith.constant 256 : i32
    %add3A_37 = arith.addi %mul3A_2, %add3A_36 : i32
    "tpu.region"() ({
      %run_scoped3A = tpu.sem_alloc : memref<!tpu.dma_semaphore, #tpu.memory_space<semaphore_mem>>
      %dma_start3A = arith.constant 0 : i32
      %dma_start3A_46 = tpu.memref_slice %arg6[%arg0, %add3A_37, %dma_start3A] : memref<2x10112x128xf32, #tpu.memory_space<hbm>> -> memref<1x128x128xf32, #tpu.memory_space<hbm>>
      %dma_start3A_47 = tpu.memref_squeeze %dma_start3A_46 : memref<1x128x128xf32, #tpu.memory_space<hbm>> -> memref<128x128xf32, #tpu.memory_space<hbm>>
      %dma_start3A_48 = arith.constant 0 : i32
      %dma_start3A_49 = tpu.memref_slice %arg6[%arg0, %add3A_37, %dma_start3A_48] : memref<2x10112x128xf32, #tpu.memory_space<hbm>> -> memref<1x128x128xf32, #tpu.memory_space<hbm>>
      %dma_start3A_50 = tpu.memref_squeeze %dma_start3A_49 : memref<1x128x128xf32, #tpu.memory_space<hbm>> -> memref<128x128xf32, #tpu.memory_space<hbm>>
      tpu.enqueue_dma source(%arg9 : memref<128x128xf32, #tpu.memory_space<vmem>>) target(%dma_start3A_50 : memref<128x128xf32, #tpu.memory_space<hbm>>) target_semaphore(%run_scoped3A : memref<!tpu.dma_semaphore, #tpu.memory_space<semaphore_mem>>)
      %dma_wait3A = arith.constant 0 : i32
      %dma_wait3A_51 = tpu.memref_slice %arg6[%arg0, %add3A_37, %dma_wait3A] : memref<2x10112x128xf32, #tpu.memory_space<hbm>> -> memref<1x128x128xf32, #tpu.memory_space<hbm>>
      %dma_wait3A_52 = tpu.memref_squeeze %dma_wait3A_51 : memref<1x128x128xf32, #tpu.memory_space<hbm>> -> memref<128x128xf32, #tpu.memory_space<hbm>>
      %dma_wait3A_53 = arith.constant 0 : i32
      %dma_wait3A_54 = tpu.memref_slice %arg6[%arg0, %add3A_37, %dma_wait3A_53] : memref<2x10112x128xf32, #tpu.memory_space<hbm>> -> memref<1x128x128xf32, #tpu.memory_space<hbm>>
      %dma_wait3A_55 = tpu.memref_squeeze %dma_wait3A_54 : memref<1x128x128xf32, #tpu.memory_space<hbm>> -> memref<128x128xf32, #tpu.memory_space<hbm>>
      tpu.wait_dma2 semaphore(%run_scoped3A : memref<!tpu.dma_semaphore, #tpu.memory_space<semaphore_mem>>) src(%arg9 : memref<128x128xf32, #tpu.memory_space<vmem>>) dst(%dma_wait3A_55 : memref<128x128xf32, #tpu.memory_space<hbm>>)
      tpu.yield
    }) : () -> ()
    %add3A_38 = arith.constant 384 : i32
    %add3A_39 = arith.addi %mul3A_2, %add3A_38 : i32
    "tpu.region"() ({
      %run_scoped3A = tpu.sem_alloc : memref<!tpu.dma_semaphore, #tpu.memory_space<semaphore_mem>>
      %dma_start3A = arith.constant 0 : i32
      %dma_start3A_46 = tpu.memref_slice %arg10[%add3A_39, %dma_start3A] : memref<10112x128xf32, #tpu.memory_space<vmem_shared>> -> memref<128x128xf32, #tpu.memory_space<vmem_shared>>
      %dma_start3A_47 = arith.constant 0 : i32
      %dma_start3A_48 = tpu.memref_slice %arg10[%add3A_39, %dma_start3A_47] : memref<10112x128xf32, #tpu.memory_space<vmem_shared>> -> memref<128x128xf32, #tpu.memory_space<vmem_shared>>
      tpu.enqueue_dma source(%dma_start3A_48 : memref<128x128xf32, #tpu.memory_space<vmem_shared>>) target(%arg9 : memref<128x128xf32, #tpu.memory_space<vmem>>) target_semaphore(%run_scoped3A : memref<!tpu.dma_semaphore, #tpu.memory_space<semaphore_mem>>)
      %dma_wait3A = arith.constant 0 : i32
      %dma_wait3A_49 = tpu.memref_slice %arg10[%add3A_39, %dma_wait3A] : memref<10112x128xf32, #tpu.memory_space<vmem_shared>> -> memref<128x128xf32, #tpu.memory_space<vmem_shared>>
      %dma_wait3A_50 = arith.constant 0 : i32
      %dma_wait3A_51 = tpu.memref_slice %arg10[%add3A_39, %dma_wait3A_50] : memref<10112x128xf32, #tpu.memory_space<vmem_shared>> -> memref<128x128xf32, #tpu.memory_space<vmem_shared>>
      tpu.wait_dma2 semaphore(%run_scoped3A : memref<!tpu.dma_semaphore, #tpu.memory_space<semaphore_mem>>) src(%dma_wait3A_51 : memref<128x128xf32, #tpu.memory_space<vmem_shared>>) dst(%arg9 : memref<128x128xf32, #tpu.memory_space<vmem>>)
      tpu.yield
    }) : () -> ()
    %add3A_40 = arith.constant 384 : i32
    %add3A_41 = arith.addi %mul3A_2, %add3A_40 : i32
    "tpu.region"() ({
      %run_scoped3A = tpu.sem_alloc : memref<!tpu.dma_semaphore, #tpu.memory_space<semaphore_mem>>
      %dma_start3A = arith.constant 0 : i32
      %dma_start3A_46 = tpu.memref_slice %arg6[%arg0, %add3A_41, %dma_start3A] : memref<2x10112x128xf32, #tpu.memory_space<hbm>> -> memref<1x128x128xf32, #tpu.memory_space<hbm>>
      %dma_start3A_47 = tpu.memref_squeeze %dma_start3A_46 : memref<1x128x128xf32, #tpu.memory_space<hbm>> -> memref<128x128xf32, #tpu.memory_space<hbm>>
      %dma_start3A_48 = arith.constant 0 : i32
      %dma_start3A_49 = tpu.memref_slice %arg6[%arg0, %add3A_41, %dma_start3A_48] : memref<2x10112x128xf32, #tpu.memory_space<hbm>> -> memref<1x128x128xf32, #tpu.memory_space<hbm>>
      %dma_start3A_50 = tpu.memref_squeeze %dma_start3A_49 : memref<1x128x128xf32, #tpu.memory_space<hbm>> -> memref<128x128xf32, #tpu.memory_space<hbm>>
      tpu.enqueue_dma source(%arg9 : memref<128x128xf32, #tpu.memory_space<vmem>>) target(%dma_start3A_50 : memref<128x128xf32, #tpu.memory_space<hbm>>) target_semaphore(%run_scoped3A : memref<!tpu.dma_semaphore, #tpu.memory_space<semaphore_mem>>)
      %dma_wait3A = arith.constant 0 : i32
      %dma_wait3A_51 = tpu.memref_slice %arg6[%arg0, %add3A_41, %dma_wait3A] : memref<2x10112x128xf32, #tpu.memory_space<hbm>> -> memref<1x128x128xf32, #tpu.memory_space<hbm>>
      %dma_wait3A_52 = tpu.memref_squeeze %dma_wait3A_51 : memref<1x128x128xf32, #tpu.memory_space<hbm>> -> memref<128x128xf32, #tpu.memory_space<hbm>>
      %dma_wait3A_53 = arith.constant 0 : i32
      %dma_wait3A_54 = tpu.memref_slice %arg6[%arg0, %add3A_41, %dma_wait3A_53] : memref<2x10112x128xf32, #tpu.memory_space<hbm>> -> memref<1x128x128xf32, #tpu.memory_space<hbm>>
      %dma_wait3A_55 = tpu.memref_squeeze %dma_wait3A_54 : memref<1x128x128xf32, #tpu.memory_space<hbm>> -> memref<128x128xf32, #tpu.memory_space<hbm>>
      tpu.wait_dma2 semaphore(%run_scoped3A : memref<!tpu.dma_semaphore, #tpu.memory_space<semaphore_mem>>) src(%arg9 : memref<128x128xf32, #tpu.memory_space<vmem>>) dst(%dma_wait3A_55 : memref<128x128xf32, #tpu.memory_space<hbm>>)
      tpu.yield
    }) : () -> ()
    %add3A_42 = arith.constant 512 : i32
    %add3A_43 = arith.addi %mul3A_2, %add3A_42 : i32
    "tpu.region"() ({
      %run_scoped3A = tpu.sem_alloc : memref<!tpu.dma_semaphore, #tpu.memory_space<semaphore_mem>>
      %dma_start3A = arith.constant 0 : i32
      %dma_start3A_46 = arith.constant 0 : i32
      %dma_start3A_47 = tpu.memref_slice %arg9[%dma_start3A, %dma_start3A_46] : memref<128x128xf32, #tpu.memory_space<vmem>> -> memref<120x128xf32, #tpu.memory_space<vmem>>
      %dma_start3A_48 = arith.constant 0 : i32
      %dma_start3A_49 = tpu.memref_slice %arg10[%add3A_43, %dma_start3A_48] : memref<10112x128xf32, #tpu.memory_space<vmem_shared>> -> memref<120x128xf32, #tpu.memory_space<vmem_shared>>
      %dma_start3A_50 = arith.constant 0 : i32
      %dma_start3A_51 = arith.constant 0 : i32
      %dma_start3A_52 = tpu.memref_slice %arg9[%dma_start3A_50, %dma_start3A_51] : memref<128x128xf32, #tpu.memory_space<vmem>> -> memref<120x128xf32, #tpu.memory_space<vmem>>
      %dma_start3A_53 = arith.constant 0 : i32
      %dma_start3A_54 = tpu.memref_slice %arg10[%add3A_43, %dma_start3A_53] : memref<10112x128xf32, #tpu.memory_space<vmem_shared>> -> memref<120x128xf32, #tpu.memory_space<vmem_shared>>
      tpu.enqueue_dma source(%dma_start3A_54 : memref<120x128xf32, #tpu.memory_space<vmem_shared>>) target(%dma_start3A_52 : memref<120x128xf32, #tpu.memory_space<vmem>>) target_semaphore(%run_scoped3A : memref<!tpu.dma_semaphore, #tpu.memory_space<semaphore_mem>>)
      %dma_wait3A = arith.constant 0 : i32
      %dma_wait3A_55 = arith.constant 0 : i32
      %dma_wait3A_56 = tpu.memref_slice %arg9[%dma_wait3A, %dma_wait3A_55] : memref<128x128xf32, #tpu.memory_space<vmem>> -> memref<120x128xf32, #tpu.memory_space<vmem>>
      %dma_wait3A_57 = arith.constant 0 : i32
      %dma_wait3A_58 = tpu.memref_slice %arg10[%add3A_43, %dma_wait3A_57] : memref<10112x128xf32, #tpu.memory_space<vmem_shared>> -> memref<120x128xf32, #tpu.memory_space<vmem_shared>>
      %dma_wait3A_59 = arith.constant 0 : i32
      %dma_wait3A_60 = arith.constant 0 : i32
      %dma_wait3A_61 = tpu.memref_slice %arg9[%dma_wait3A_59, %dma_wait3A_60] : memref<128x128xf32, #tpu.memory_space<vmem>> -> memref<120x128xf32, #tpu.memory_space<vmem>>
      %dma_wait3A_62 = arith.constant 0 : i32
      %dma_wait3A_63 = tpu.memref_slice %arg10[%add3A_43, %dma_wait3A_62] : memref<10112x128xf32, #tpu.memory_space<vmem_shared>> -> memref<120x128xf32, #tpu.memory_space<vmem_shared>>
      tpu.wait_dma2 semaphore(%run_scoped3A : memref<!tpu.dma_semaphore, #tpu.memory_space<semaphore_mem>>) src(%dma_wait3A_63 : memref<120x128xf32, #tpu.memory_space<vmem_shared>>) dst(%dma_wait3A_61 : memref<120x128xf32, #tpu.memory_space<vmem>>)
      tpu.yield
    }) : () -> ()
    %add3A_44 = arith.constant 512 : i32
    %add3A_45 = arith.addi %mul3A_2, %add3A_44 : i32
    "tpu.region"() ({
      %run_scoped3A = tpu.sem_alloc : memref<!tpu.dma_semaphore, #tpu.memory_space<semaphore_mem>>
      %dma_start3A = arith.constant 0 : i32
      %dma_start3A_46 = arith.constant 0 : i32
      %dma_start3A_47 = tpu.memref_slice %arg9[%dma_start3A, %dma_start3A_46] : memref<128x128xf32, #tpu.memory_space<vmem>> -> memref<120x128xf32, #tpu.memory_space<vmem>>
      %dma_start3A_48 = arith.constant 0 : i32
      %dma_start3A_49 = tpu.memref_slice %arg6[%arg0, %add3A_45, %dma_start3A_48] : memref<2x10112x128xf32, #tpu.memory_space<hbm>> -> memref<1x120x128xf32, #tpu.memory_space<hbm>>
      %dma_start3A_50 = tpu.memref_squeeze %dma_start3A_49 : memref<1x120x128xf32, #tpu.memory_space<hbm>> -> memref<120x128xf32, #tpu.memory_space<hbm>>
      %dma_start3A_51 = arith.constant 0 : i32
      %dma_start3A_52 = tpu.memref_slice %arg6[%arg0, %add3A_45, %dma_start3A_51] : memref<2x10112x128xf32, #tpu.memory_space<hbm>> -> memref<1x120x128xf32, #tpu.memory_space<hbm>>
      %dma_start3A_53 = tpu.memref_squeeze %dma_start3A_52 : memref<1x120x128xf32, #tpu.memory_space<hbm>> -> memref<120x128xf32, #tpu.memory_space<hbm>>
      %dma_start3A_54 = arith.constant 0 : i32
      %dma_start3A_55 = arith.constant 0 : i32
      %dma_start3A_56 = tpu.memref_slice %arg9[%dma_start3A_54, %dma_start3A_55] : memref<128x128xf32, #tpu.memory_space<vmem>> -> memref<120x128xf32, #tpu.memory_space<vmem>>
      tpu.enqueue_dma source(%dma_start3A_56 : memref<120x128xf32, #tpu.memory_space<vmem>>) target(%dma_start3A_53 : memref<120x128xf32, #tpu.memory_space<hbm>>) target_semaphore(%run_scoped3A : memref<!tpu.dma_semaphore, #tpu.memory_space<semaphore_mem>>)
      %dma_wait3A = arith.constant 0 : i32
      %dma_wait3A_57 = arith.constant 0 : i32
      %dma_wait3A_58 = tpu.memref_slice %arg9[%dma_wait3A, %dma_wait3A_57] : memref<128x128xf32, #tpu.memory_space<vmem>> -> memref<120x128xf32, #tpu.memory_space<vmem>>
      %dma_wait3A_59 = arith.constant 0 : i32
      %dma_wait3A_60 = tpu.memref_slice %arg6[%arg0, %add3A_45, %dma_wait3A_59] : memref<2x10112x128xf32, #tpu.memory_space<hbm>> -> memref<1x120x128xf32, #tpu.memory_space<hbm>>
      %dma_wait3A_61 = tpu.memref_squeeze %dma_wait3A_60 : memref<1x120x128xf32, #tpu.memory_space<hbm>> -> memref<120x128xf32, #tpu.memory_space<hbm>>
      %dma_wait3A_62 = arith.constant 0 : i32
      %dma_wait3A_63 = tpu.memref_slice %arg6[%arg0, %add3A_45, %dma_wait3A_62] : memref<2x10112x128xf32, #tpu.memory_space<hbm>> -> memref<1x120x128xf32, #tpu.memory_space<hbm>>
      %dma_wait3A_64 = tpu.memref_squeeze %dma_wait3A_63 : memref<1x120x128xf32, #tpu.memory_space<hbm>> -> memref<120x128xf32, #tpu.memory_space<hbm>>
      %dma_wait3A_65 = arith.constant 0 : i32
      %dma_wait3A_66 = arith.constant 0 : i32
      %dma_wait3A_67 = tpu.memref_slice %arg9[%dma_wait3A_65, %dma_wait3A_66] : memref<128x128xf32, #tpu.memory_space<vmem>> -> memref<120x128xf32, #tpu.memory_space<vmem>>
      tpu.wait_dma2 semaphore(%run_scoped3A : memref<!tpu.dma_semaphore, #tpu.memory_space<semaphore_mem>>) src(%dma_wait3A_67 : memref<120x128xf32, #tpu.memory_space<vmem>>) dst(%dma_wait3A_64 : memref<120x128xf32, #tpu.memory_space<hbm>>)
      tpu.yield
    }) : () -> ()
    return
  }
}

#map = affine_map<(d0, d1) -> (0, 0)>
#map1 = affine_map<(d0, d1) -> (0, 0, 0)>
module attributes {stable_mosaic.version = 14 : i64} {
  func.func @k(%arg0: i32, %arg1: i32, %arg2: memref<10112x128xf32, #tpu.memory_space<hbm>>, %arg3: memref<32x95x128xi32, #tpu.memory_space<hbm>>, %arg4: memref<32x95x128xi32, #tpu.memory_space<hbm>>, %arg5: memref<128x128xf32, #tpu.memory_space<hbm>>, %arg6: memref<2x10112x128xf32, #tpu.memory_space<hbm>>, %arg7: memref<95x128xi32, #tpu.memory_space<vmem>>, %arg8: memref<95x128xi32, #tpu.memory_space<vmem>>, %arg9: memref<128x128xf32, #tpu.memory_space<vmem>>, %arg10: memref<10112x128xf32, #tpu.memory_space<vmem_shared>>, %arg11: memref<!tpu.dma_semaphore, #tpu.memory_space<semaphore_mem>>) attributes {dimension_semantics = [#tpu.dimension_semantics<core_parallel>, #tpu.dimension_semantics<subcore_parallel>], iteration_bounds = array<i64: 2, 16>, scalar_prefetch = 0 : i64, scratch_operands = 5 : i64, tpu.core_type = #tpu.core_type<sc_vector_subcore>, window_params = [{transform_indices = #map}, {transform_indices = #map1}, {transform_indices = #map1}, {transform_indices = #map}, {transform_indices = #map1}]} {
    %mul3A = arith.constant 16 : i32
    %mul3A_0 = arith.muli %arg0, %mul3A : i32
    %add3A = arith.addi %mul3A_0, %arg1 : i32
    %mul3A_1 = arith.constant 632 : i32
    %mul3A_2 = arith.muli %arg1, %mul3A_1 : i32
    %eq3A = arith.constant 0 : i32
    %eq3A_3 = arith.cmpi eq, %arg0, %eq3A : i32
    %select_n3A = arith.constant 62 : i32
    %select_n3A_4 = arith.constant 95 : i32
    %select_n3A_5 = arith.select %eq3A_3, %select_n3A_4, %select_n3A : i32
    "tpu.region"() ({
      %run_scoped3A = tpu.sem_alloc : memref<!tpu.dma_semaphore, #tpu.memory_space<semaphore_mem>>
      tpu.enqueue_dma source(%arg5 : memref<128x128xf32, #tpu.memory_space<hbm>>) target(%arg9 : memref<128x128xf32, #tpu.memory_space<vmem>>) target_semaphore(%run_scoped3A : memref<!tpu.dma_semaphore, #tpu.memory_space<semaphore_mem>>)
      tpu.wait_dma2 semaphore(%run_scoped3A : memref<!tpu.dma_semaphore, #tpu.memory_space<semaphore_mem>>) src(%arg5 : memref<128x128xf32, #tpu.memory_space<hbm>>) dst(%arg9 : memref<128x128xf32, #tpu.memory_space<vmem>>)
      tpu.yield
    }) : () -> ()
    %add3A_6 = arith.constant 0 : i32
    %add3A_7 = arith.addi %mul3A_2, %add3A_6 : i32
    "tpu.region"() ({
      %run_scoped3A = tpu.sem_alloc : memref<!tpu.dma_semaphore, #tpu.memory_space<semaphore_mem>>
      %dma_start3A = arith.constant 0 : i32
      %dma_start3A_46 = tpu.memref_slice %arg10[%add3A_7, %dma_start3A] : memref<10112x128xf32, #tpu.memory_space<vmem_shared>> -> memref<128x128xf32, #tpu.memory_space<vmem_shared>>
      %dma_start3A_47 = arith.constant 0 : i32
      %dma_start3A_48 = tpu.memref_slice %arg10[%add3A_7, %dma_start3A_47] : memref<10112x128xf32, #tpu.memory_space<vmem_shared>> -> memref<128x128xf32, #tpu.memory_space<vmem_shared>>
      tpu.enqueue_dma source(%arg9 : memref<128x128xf32, #tpu.memory_space<vmem>>) target(%dma_start3A_48 : memref<128x128xf32, #tpu.memory_space<vmem_shared>>) target_semaphore(%run_scoped3A : memref<!tpu.dma_semaphore, #tpu.memory_space<semaphore_mem>>)
      %dma_wait3A = arith.constant 0 : i32
      %dma_wait3A_49 = tpu.memref_slice %arg10[%add3A_7, %dma_wait3A] : memref<10112x128xf32, #tpu.memory_space<vmem_shared>> -> memref<128x128xf32, #tpu.memory_space<vmem_shared>>
      %dma_wait3A_50 = arith.constant 0 : i32
      %dma_wait3A_51 = tpu.memref_slice %arg10[%add3A_7, %dma_wait3A_50] : memref<10112x128xf32, #tpu.memory_space<vmem_shared>> -> memref<128x128xf32, #tpu.memory_space<vmem_shared>>
      tpu.wait_dma2 semaphore(%run_scoped3A : memref<!tpu.dma_semaphore, #tpu.memory_space<semaphore_mem>>) src(%arg9 : memref<128x128xf32, #tpu.memory_space<vmem>>) dst(%dma_wait3A_51 : memref<128x128xf32, #tpu.memory_space<vmem_shared>>)
      tpu.yield
    }) : () -> ()
    %add3A_8 = arith.constant 128 : i32
    %add3A_9 = arith.addi %mul3A_2, %add3A_8 : i32
    "tpu.region"() ({
      %run_scoped3A = tpu.sem_alloc : memref<!tpu.dma_semaphore, #tpu.memory_space<semaphore_mem>>
      %dma_start3A = arith.constant 0 : i32
      %dma_start3A_46 = tpu.memref_slice %arg10[%add3A_9, %dma_start3A] : memref<10112x128xf32, #tpu.memory_space<vmem_shared>> -> memref<128x128xf32, #tpu.memory_space<vmem_shared>>
      %dma_start3A_47 = arith.constant 0 : i32
      %dma_start3A_48 = tpu.memref_slice %arg10[%add3A_9, %dma_start3A_47] : memref<10112x128xf32, #tpu.memory_space<vmem_shared>> -> memref<128x128xf32, #tpu.memory_space<vmem_shared>>
      tpu.enqueue_dma source(%arg9 : memref<128x128xf32, #tpu.memory_space<vmem>>) target(%dma_start3A_48 : memref<128x128xf32, #tpu.memory_space<vmem_shared>>) target_semaphore(%run_scoped3A : memref<!tpu.dma_semaphore, #tpu.memory_space<semaphore_mem>>)
      %dma_wait3A = arith.constant 0 : i32
      %dma_wait3A_49 = tpu.memref_slice %arg10[%add3A_9, %dma_wait3A] : memref<10112x128xf32, #tpu.memory_space<vmem_shared>> -> memref<128x128xf32, #tpu.memory_space<vmem_shared>>
      %dma_wait3A_50 = arith.constant 0 : i32
      %dma_wait3A_51 = tpu.memref_slice %arg10[%add3A_9, %dma_wait3A_50] : memref<10112x128xf32, #tpu.memory_space<vmem_shared>> -> memref<128x128xf32, #tpu.memory_space<vmem_shared>>
      tpu.wait_dma2 semaphore(%run_scoped3A : memref<!tpu.dma_semaphore, #tpu.memory_space<semaphore_mem>>) src(%arg9 : memref<128x128xf32, #tpu.memory_space<vmem>>) dst(%dma_wait3A_51 : memref<128x128xf32, #tpu.memory_space<vmem_shared>>)
      tpu.yield
    }) : () -> ()
    %add3A_10 = arith.constant 256 : i32
    %add3A_11 = arith.addi %mul3A_2, %add3A_10 : i32
    "tpu.region"() ({
      %run_scoped3A = tpu.sem_alloc : memref<!tpu.dma_semaphore, #tpu.memory_space<semaphore_mem>>
      %dma_start3A = arith.constant 0 : i32
      %dma_start3A_46 = tpu.memref_slice %arg10[%add3A_11, %dma_start3A] : memref<10112x128xf32, #tpu.memory_space<vmem_shared>> -> memref<128x128xf32, #tpu.memory_space<vmem_shared>>
      %dma_start3A_47 = arith.constant 0 : i32
      %dma_start3A_48 = tpu.memref_slice %arg10[%add3A_11, %dma_start3A_47] : memref<10112x128xf32, #tpu.memory_space<vmem_shared>> -> memref<128x128xf32, #tpu.memory_space<vmem_shared>>
      tpu.enqueue_dma source(%arg9 : memref<128x128xf32, #tpu.memory_space<vmem>>) target(%dma_start3A_48 : memref<128x128xf32, #tpu.memory_space<vmem_shared>>) target_semaphore(%run_scoped3A : memref<!tpu.dma_semaphore, #tpu.memory_space<semaphore_mem>>)
      %dma_wait3A = arith.constant 0 : i32
      %dma_wait3A_49 = tpu.memref_slice %arg10[%add3A_11, %dma_wait3A] : memref<10112x128xf32, #tpu.memory_space<vmem_shared>> -> memref<128x128xf32, #tpu.memory_space<vmem_shared>>
      %dma_wait3A_50 = arith.constant 0 : i32
      %dma_wait3A_51 = tpu.memref_slice %arg10[%add3A_11, %dma_wait3A_50] : memref<10112x128xf32, #tpu.memory_space<vmem_shared>> -> memref<128x128xf32, #tpu.memory_space<vmem_shared>>
      tpu.wait_dma2 semaphore(%run_scoped3A : memref<!tpu.dma_semaphore, #tpu.memory_space<semaphore_mem>>) src(%arg9 : memref<128x128xf32, #tpu.memory_space<vmem>>) dst(%dma_wait3A_51 : memref<128x128xf32, #tpu.memory_space<vmem_shared>>)
      tpu.yield
    }) : () -> ()
    %add3A_12 = arith.constant 384 : i32
    %add3A_13 = arith.addi %mul3A_2, %add3A_12 : i32
    "tpu.region"() ({
      %run_scoped3A = tpu.sem_alloc : memref<!tpu.dma_semaphore, #tpu.memory_space<semaphore_mem>>
      %dma_start3A = arith.constant 0 : i32
      %dma_start3A_46 = tpu.memref_slice %arg10[%add3A_13, %dma_start3A] : memref<10112x128xf32, #tpu.memory_space<vmem_shared>> -> memref<128x128xf32, #tpu.memory_space<vmem_shared>>
      %dma_start3A_47 = arith.constant 0 : i32
      %dma_start3A_48 = tpu.memref_slice %arg10[%add3A_13, %dma_start3A_47] : memref<10112x128xf32, #tpu.memory_space<vmem_shared>> -> memref<128x128xf32, #tpu.memory_space<vmem_shared>>
      tpu.enqueue_dma source(%arg9 : memref<128x128xf32, #tpu.memory_space<vmem>>) target(%dma_start3A_48 : memref<128x128xf32, #tpu.memory_space<vmem_shared>>) target_semaphore(%run_scoped3A : memref<!tpu.dma_semaphore, #tpu.memory_space<semaphore_mem>>)
      %dma_wait3A = arith.constant 0 : i32
      %dma_wait3A_49 = tpu.memref_slice %arg10[%add3A_13, %dma_wait3A] : memref<10112x128xf32, #tpu.memory_space<vmem_shared>> -> memref<128x128xf32, #tpu.memory_space<vmem_shared>>
      %dma_wait3A_50 = arith.constant 0 : i32
      %dma_wait3A_51 = tpu.memref_slice %arg10[%add3A_13, %dma_wait3A_50] : memref<10112x128xf32, #tpu.memory_space<vmem_shared>> -> memref<128x128xf32, #tpu.memory_space<vmem_shared>>
      tpu.wait_dma2 semaphore(%run_scoped3A : memref<!tpu.dma_semaphore, #tpu.memory_space<semaphore_mem>>) src(%arg9 : memref<128x128xf32, #tpu.memory_space<vmem>>) dst(%dma_wait3A_51 : memref<128x128xf32, #tpu.memory_space<vmem_shared>>)
      tpu.yield
    }) : () -> ()
    %add3A_14 = arith.constant 512 : i32
    %add3A_15 = arith.addi %mul3A_2, %add3A_14 : i32
    "tpu.region"() ({
      %run_scoped3A = tpu.sem_alloc : memref<!tpu.dma_semaphore, #tpu.memory_space<semaphore_mem>>
      %dma_start3A = arith.constant 0 : i32
      %dma_start3A_46 = arith.constant 0 : i32
      %dma_start3A_47 = tpu.memref_slice %arg9[%dma_start3A, %dma_start3A_46] : memref<128x128xf32, #tpu.memory_space<vmem>> -> memref<120x128xf32, #tpu.memory_space<vmem>>
      %dma_start3A_48 = arith.constant 0 : i32
      %dma_start3A_49 = tpu.memref_slice %arg10[%add3A_15, %dma_start3A_48] : memref<10112x128xf32, #tpu.memory_space<vmem_shared>> -> memref<120x128xf32, #tpu.memory_space<vmem_shared>>
      %dma_start3A_50 = arith.constant 0 : i32
      %dma_start3A_51 = tpu.memref_slice %arg10[%add3A_15, %dma_start3A_50] : memref<10112x128xf32, #tpu.memory_space<vmem_shared>> -> memref<120x128xf32, #tpu.memory_space<vmem_shared>>
      %dma_start3A_52 = arith.constant 0 : i32
      %dma_start3A_53 = arith.constant 0 : i32
      %dma_start3A_54 = tpu.memref_slice %arg9[%dma_start3A_52, %dma_start3A_53] : memref<128x128xf32, #tpu.memory_space<vmem>> -> memref<120x128xf32, #tpu.memory_space<vmem>>
      tpu.enqueue_dma source(%dma_start3A_54 : memref<120x128xf32, #tpu.memory_space<vmem>>) target(%dma_start3A_51 : memref<120x128xf32, #tpu.memory_space<vmem_shared>>) target_semaphore(%run_scoped3A : memref<!tpu.dma_semaphore, #tpu.memory_space<semaphore_mem>>)
      %dma_wait3A = arith.constant 0 : i32
      %dma_wait3A_55 = arith.constant 0 : i32
      %dma_wait3A_56 = tpu.memref_slice %arg9[%dma_wait3A, %dma_wait3A_55] : memref<128x128xf32, #tpu.memory_space<vmem>> -> memref<120x128xf32, #tpu.memory_space<vmem>>
      %dma_wait3A_57 = arith.constant 0 : i32
      %dma_wait3A_58 = tpu.memref_slice %arg10[%add3A_15, %dma_wait3A_57] : memref<10112x128xf32, #tpu.memory_space<vmem_shared>> -> memref<120x128xf32, #tpu.memory_space<vmem_shared>>
      %dma_wait3A_59 = arith.constant 0 : i32
      %dma_wait3A_60 = tpu.memref_slice %arg10[%add3A_15, %dma_wait3A_59] : memref<10112x128xf32, #tpu.memory_space<vmem_shared>> -> memref<120x128xf32, #tpu.memory_space<vmem_shared>>
      %dma_wait3A_61 = arith.constant 0 : i32
      %dma_wait3A_62 = arith.constant 0 : i32
      %dma_wait3A_63 = tpu.memref_slice %arg9[%dma_wait3A_61, %dma_wait3A_62] : memref<128x128xf32, #tpu.memory_space<vmem>> -> memref<120x128xf32, #tpu.memory_space<vmem>>
      tpu.wait_dma2 semaphore(%run_scoped3A : memref<!tpu.dma_semaphore, #tpu.memory_space<semaphore_mem>>) src(%dma_wait3A_63 : memref<120x128xf32, #tpu.memory_space<vmem>>) dst(%dma_wait3A_60 : memref<120x128xf32, #tpu.memory_space<vmem_shared>>)
      tpu.yield
    }) : () -> ()
    "tpu.region"() ({
      %run_scoped3A = tpu.sem_alloc : memref<!tpu.dma_semaphore, #tpu.memory_space<semaphore_mem>>
      %dma_start3A = arith.constant 0 : i32
      %dma_start3A_46 = arith.constant 0 : i32
      %dma_start3A_47 = tpu.memref_slice %arg3[%add3A, %dma_start3A, %dma_start3A_46] : memref<32x95x128xi32, #tpu.memory_space<hbm>> -> memref<1x95x128xi32, #tpu.memory_space<hbm>>
      %dma_start3A_48 = tpu.memref_squeeze %dma_start3A_47 : memref<1x95x128xi32, #tpu.memory_space<hbm>> -> memref<95x128xi32, #tpu.memory_space<hbm>>
      %dma_start3A_49 = arith.constant 0 : i32
      %dma_start3A_50 = arith.constant 0 : i32
      %dma_start3A_51 = tpu.memref_slice %arg3[%add3A, %dma_start3A_49, %dma_start3A_50] : memref<32x95x128xi32, #tpu.memory_space<hbm>> -> memref<1x95x128xi32, #tpu.memory_space<hbm>>
      %dma_start3A_52 = tpu.memref_squeeze %dma_start3A_51 : memref<1x95x128xi32, #tpu.memory_space<hbm>> -> memref<95x128xi32, #tpu.memory_space<hbm>>
      tpu.enqueue_dma source(%dma_start3A_52 : memref<95x128xi32, #tpu.memory_space<hbm>>) target(%arg7 : memref<95x128xi32, #tpu.memory_space<vmem>>) target_semaphore(%run_scoped3A : memref<!tpu.dma_semaphore, #tpu.memory_space<semaphore_mem>>)
      %dma_wait3A = arith.constant 0 : i32
      %dma_wait3A_53 = arith.constant 0 : i32
      %dma_wait3A_54 = tpu.memref_slice %arg3[%add3A, %dma_wait3A, %dma_wait3A_53] : memref<32x95x128xi32, #tpu.memory_space<hbm>> -> memref<1x95x128xi32, #tpu.memory_space<hbm>>
      %dma_wait3A_55 = tpu.memref_squeeze %dma_wait3A_54 : memref<1x95x128xi32, #tpu.memory_space<hbm>> -> memref<95x128xi32, #tpu.memory_space<hbm>>
      %dma_wait3A_56 = arith.constant 0 : i32
      %dma_wait3A_57 = arith.constant 0 : i32
      %dma_wait3A_58 = tpu.memref_slice %arg3[%add3A, %dma_wait3A_56, %dma_wait3A_57] : memref<32x95x128xi32, #tpu.memory_space<hbm>> -> memref<1x95x128xi32, #tpu.memory_space<hbm>>
      %dma_wait3A_59 = tpu.memref_squeeze %dma_wait3A_58 : memref<1x95x128xi32, #tpu.memory_space<hbm>> -> memref<95x128xi32, #tpu.memory_space<hbm>>
      tpu.wait_dma2 semaphore(%run_scoped3A : memref<!tpu.dma_semaphore, #tpu.memory_space<semaphore_mem>>) src(%dma_wait3A_59 : memref<95x128xi32, #tpu.memory_space<hbm>>) dst(%arg7 : memref<95x128xi32, #tpu.memory_space<vmem>>)
      tpu.yield
    }) : () -> ()
    "tpu.region"() ({
      %run_scoped3A = tpu.sem_alloc : memref<!tpu.dma_semaphore, #tpu.memory_space<semaphore_mem>>
      %dma_start3A = arith.constant 0 : i32
      %dma_start3A_46 = arith.constant 0 : i32
      %dma_start3A_47 = tpu.memref_slice %arg4[%add3A, %dma_start3A, %dma_start3A_46] : memref<32x95x128xi32, #tpu.memory_space<hbm>> -> memref<1x95x128xi32, #tpu.memory_space<hbm>>
      %dma_start3A_48 = tpu.memref_squeeze %dma_start3A_47 : memref<1x95x128xi32, #tpu.memory_space<hbm>> -> memref<95x128xi32, #tpu.memory_space<hbm>>
      %dma_start3A_49 = arith.constant 0 : i32
      %dma_start3A_50 = arith.constant 0 : i32
      %dma_start3A_51 = tpu.memref_slice %arg4[%add3A, %dma_start3A_49, %dma_start3A_50] : memref<32x95x128xi32, #tpu.memory_space<hbm>> -> memref<1x95x128xi32, #tpu.memory_space<hbm>>
      %dma_start3A_52 = tpu.memref_squeeze %dma_start3A_51 : memref<1x95x128xi32, #tpu.memory_space<hbm>> -> memref<95x128xi32, #tpu.memory_space<hbm>>
      tpu.enqueue_dma source(%dma_start3A_52 : memref<95x128xi32, #tpu.memory_space<hbm>>) target(%arg8 : memref<95x128xi32, #tpu.memory_space<vmem>>) target_semaphore(%run_scoped3A : memref<!tpu.dma_semaphore, #tpu.memory_space<semaphore_mem>>)
      %dma_wait3A = arith.constant 0 : i32
      %dma_wait3A_53 = arith.constant 0 : i32
      %dma_wait3A_54 = tpu.memref_slice %arg4[%add3A, %dma_wait3A, %dma_wait3A_53] : memref<32x95x128xi32, #tpu.memory_space<hbm>> -> memref<1x95x128xi32, #tpu.memory_space<hbm>>
      %dma_wait3A_55 = tpu.memref_squeeze %dma_wait3A_54 : memref<1x95x128xi32, #tpu.memory_space<hbm>> -> memref<95x128xi32, #tpu.memory_space<hbm>>
      %dma_wait3A_56 = arith.constant 0 : i32
      %dma_wait3A_57 = arith.constant 0 : i32
      %dma_wait3A_58 = tpu.memref_slice %arg4[%add3A, %dma_wait3A_56, %dma_wait3A_57] : memref<32x95x128xi32, #tpu.memory_space<hbm>> -> memref<1x95x128xi32, #tpu.memory_space<hbm>>
      %dma_wait3A_59 = tpu.memref_squeeze %dma_wait3A_58 : memref<1x95x128xi32, #tpu.memory_space<hbm>> -> memref<95x128xi32, #tpu.memory_space<hbm>>
      tpu.wait_dma2 semaphore(%run_scoped3A : memref<!tpu.dma_semaphore, #tpu.memory_space<semaphore_mem>>) src(%dma_wait3A_59 : memref<95x128xi32, #tpu.memory_space<hbm>>) dst(%arg8 : memref<95x128xi32, #tpu.memory_space<vmem>>)
      tpu.yield
    }) : () -> ()
    %barrier3A = arith.constant 0 : index
    tpu.barrier barrier_id(%barrier3A)
    %while3A = arith.constant 0 : i32
    %while3A_16 = arith.constant 0 : i32
    %while3A_17 = arith.subi %select_n3A_5, %while3A_16 : i32
    %while3A_18 = arith.addi %while3A_16, %while3A_17 : i32
    %while3A_19 = arith.constant 1 : i32
    %while3A_20 = arith.divsi %while3A_17, %while3A_19 : i32
    %while3A_21 = arith.muli %while3A_20, %while3A_19 : i32
    %while3A_22 = arith.addi %while3A_16, %while3A_21 : i32
    %while3A_23 = arith.constant 1 : i32
    scf.for %while3A_46 = %while3A_16 to %while3A_22 step %while3A_23  : i32 {
      %dma_start3A = arith.constant 0 : i32
      %dma_start3A_47 = tpu.memref_slice %arg7[%while3A_46, %dma_start3A] : memref<95x128xi32, #tpu.memory_space<vmem>> -> memref<1x128xi32, #tpu.memory_space<vmem>>
      %dma_start3A_48 = tpu.memref_squeeze %dma_start3A_47 : memref<1x128xi32, #tpu.memory_space<vmem>> -> memref<128xi32, #tpu.memory_space<vmem>>
      %dma_start3A_49 = arith.constant 0 : i32
      %dma_start3A_50 = arith.constant 0 : i32
      %dma_start3A_51 = tpu.memref_slice %arg2[%dma_start3A_49, %dma_start3A_50] : memref<10112x128xf32, #tpu.memory_space<hbm>> -> memref<10112x128xf32, #tpu.memory_space<hbm>>
      tpu.enqueue_indirect_dma source(%dma_start3A_51 : memref<10112x128xf32, #tpu.memory_space<hbm>>) target(%arg9 : memref<128x128xf32, #tpu.memory_space<vmem>>) offsets(%dma_start3A_48 : memref<128xi32, #tpu.memory_space<vmem>>) semaphore(%arg11 : memref<!tpu.dma_semaphore, #tpu.memory_space<semaphore_mem>>)
      %dma_wait3A = arith.constant 0 : i32
      %dma_wait3A_52 = tpu.memref_slice %arg7[%while3A_46, %dma_wait3A] : memref<95x128xi32, #tpu.memory_space<vmem>> -> memref<1x128xi32, #tpu.memory_space<vmem>>
      %dma_wait3A_53 = tpu.memref_squeeze %dma_wait3A_52 : memref<1x128xi32, #tpu.memory_space<vmem>> -> memref<128xi32, #tpu.memory_space<vmem>>
      %dma_wait3A_54 = arith.constant 0 : i32
      %dma_wait3A_55 = arith.constant 0 : i32
      %dma_wait3A_56 = tpu.memref_slice %arg2[%dma_wait3A_54, %dma_wait3A_55] : memref<10112x128xf32, #tpu.memory_space<hbm>> -> memref<10112x128xf32, #tpu.memory_space<hbm>>
      tpu.wait_indirect_dma semaphore(%arg11 : memref<!tpu.dma_semaphore, #tpu.memory_space<semaphore_mem>>) src(%dma_wait3A_56 : memref<10112x128xf32, #tpu.memory_space<hbm>>) dst(%arg9 : memref<128x128xf32, #tpu.memory_space<vmem>>)
      "tpu.region"() ({
        %run_scoped3A = tpu.sem_alloc : memref<!tpu.dma_semaphore, #tpu.memory_space<semaphore_mem>>
        %dma_start3A_57 = arith.constant 0 : i32
        %dma_start3A_58 = tpu.memref_slice %arg8[%while3A_46, %dma_start3A_57] : memref<95x128xi32, #tpu.memory_space<vmem>> -> memref<1x128xi32, #tpu.memory_space<vmem>>
        %dma_start3A_59 = tpu.memref_squeeze %dma_start3A_58 : memref<1x128xi32, #tpu.memory_space<vmem>> -> memref<128xi32, #tpu.memory_space<vmem>>
        %dma_start3A_60 = arith.constant 0 : i32
        %dma_start3A_61 = arith.constant 0 : i32
        %dma_start3A_62 = tpu.memref_slice %arg10[%dma_start3A_60, %dma_start3A_61] : memref<10112x128xf32, #tpu.memory_space<vmem_shared>> -> memref<10112x128xf32, #tpu.memory_space<vmem_shared>>
        tpu.enqueue_indirect_dma source(%arg9 : memref<128x128xf32, #tpu.memory_space<vmem>>) target(%dma_start3A_62 : memref<10112x128xf32, #tpu.memory_space<vmem_shared>>) offsets(%dma_start3A_59 : memref<128xi32, #tpu.memory_space<vmem>>) semaphore(%run_scoped3A : memref<!tpu.dma_semaphore, #tpu.memory_space<semaphore_mem>>) {add = true}
        %dma_wait3A_63 = arith.constant 0 : i32
        %dma_wait3A_64 = tpu.memref_slice %arg8[%while3A_46, %dma_wait3A_63] : memref<95x128xi32, #tpu.memory_space<vmem>> -> memref<1x128xi32, #tpu.memory_space<vmem>>
        %dma_wait3A_65 = tpu.memref_squeeze %dma_wait3A_64 : memref<1x128xi32, #tpu.memory_space<vmem>> -> memref<128xi32, #tpu.memory_space<vmem>>
        %dma_wait3A_66 = arith.constant 0 : i32
        %dma_wait3A_67 = arith.constant 0 : i32
        %dma_wait3A_68 = tpu.memref_slice %arg10[%dma_wait3A_66, %dma_wait3A_67] : memref<10112x128xf32, #tpu.memory_space<vmem_shared>> -> memref<10112x128xf32, #tpu.memory_space<vmem_shared>>
        tpu.wait_indirect_dma semaphore(%run_scoped3A : memref<!tpu.dma_semaphore, #tpu.memory_space<semaphore_mem>>) src(%arg9 : memref<128x128xf32, #tpu.memory_space<vmem>>) dst(%dma_wait3A_68 : memref<10112x128xf32, #tpu.memory_space<vmem_shared>>)
        tpu.yield
      }) : () -> ()
    }
    %while3A_24 = arith.constant 1 : i32
    scf.for %while3A_46 = %while3A_22 to %while3A_18 step %while3A_24  : i32 {
      %dma_start3A = arith.constant 0 : i32
      %dma_start3A_47 = tpu.memref_slice %arg7[%while3A_46, %dma_start3A] : memref<95x128xi32, #tpu.memory_space<vmem>> -> memref<1x128xi32, #tpu.memory_space<vmem>>
      %dma_start3A_48 = tpu.memref_squeeze %dma_start3A_47 : memref<1x128xi32, #tpu.memory_space<vmem>> -> memref<128xi32, #tpu.memory_space<vmem>>
      %dma_start3A_49 = arith.constant 0 : i32
      %dma_start3A_50 = arith.constant 0 : i32
      %dma_start3A_51 = tpu.memref_slice %arg2[%dma_start3A_49, %dma_start3A_50] : memref<10112x128xf32, #tpu.memory_space<hbm>> -> memref<10112x128xf32, #tpu.memory_space<hbm>>
      tpu.enqueue_indirect_dma source(%dma_start3A_51 : memref<10112x128xf32, #tpu.memory_space<hbm>>) target(%arg9 : memref<128x128xf32, #tpu.memory_space<vmem>>) offsets(%dma_start3A_48 : memref<128xi32, #tpu.memory_space<vmem>>) semaphore(%arg11 : memref<!tpu.dma_semaphore, #tpu.memory_space<semaphore_mem>>)
      %dma_wait3A = arith.constant 0 : i32
      %dma_wait3A_52 = tpu.memref_slice %arg7[%while3A_46, %dma_wait3A] : memref<95x128xi32, #tpu.memory_space<vmem>> -> memref<1x128xi32, #tpu.memory_space<vmem>>
      %dma_wait3A_53 = tpu.memref_squeeze %dma_wait3A_52 : memref<1x128xi32, #tpu.memory_space<vmem>> -> memref<128xi32, #tpu.memory_space<vmem>>
      %dma_wait3A_54 = arith.constant 0 : i32
      %dma_wait3A_55 = arith.constant 0 : i32
      %dma_wait3A_56 = tpu.memref_slice %arg2[%dma_wait3A_54, %dma_wait3A_55] : memref<10112x128xf32, #tpu.memory_space<hbm>> -> memref<10112x128xf32, #tpu.memory_space<hbm>>
      tpu.wait_indirect_dma semaphore(%arg11 : memref<!tpu.dma_semaphore, #tpu.memory_space<semaphore_mem>>) src(%dma_wait3A_56 : memref<10112x128xf32, #tpu.memory_space<hbm>>) dst(%arg9 : memref<128x128xf32, #tpu.memory_space<vmem>>)
      "tpu.region"() ({
        %run_scoped3A = tpu.sem_alloc : memref<!tpu.dma_semaphore, #tpu.memory_space<semaphore_mem>>
        %dma_start3A_57 = arith.constant 0 : i32
        %dma_start3A_58 = tpu.memref_slice %arg8[%while3A_46, %dma_start3A_57] : memref<95x128xi32, #tpu.memory_space<vmem>> -> memref<1x128xi32, #tpu.memory_space<vmem>>
        %dma_start3A_59 = tpu.memref_squeeze %dma_start3A_58 : memref<1x128xi32, #tpu.memory_space<vmem>> -> memref<128xi32, #tpu.memory_space<vmem>>
        %dma_start3A_60 = arith.constant 0 : i32
        %dma_start3A_61 = arith.constant 0 : i32
        %dma_start3A_62 = tpu.memref_slice %arg10[%dma_start3A_60, %dma_start3A_61] : memref<10112x128xf32, #tpu.memory_space<vmem_shared>> -> memref<10112x128xf32, #tpu.memory_space<vmem_shared>>
        tpu.enqueue_indirect_dma source(%arg9 : memref<128x128xf32, #tpu.memory_space<vmem>>) target(%dma_start3A_62 : memref<10112x128xf32, #tpu.memory_space<vmem_shared>>) offsets(%dma_start3A_59 : memref<128xi32, #tpu.memory_space<vmem>>) semaphore(%run_scoped3A : memref<!tpu.dma_semaphore, #tpu.memory_space<semaphore_mem>>) {add = true}
        %dma_wait3A_63 = arith.constant 0 : i32
        %dma_wait3A_64 = tpu.memref_slice %arg8[%while3A_46, %dma_wait3A_63] : memref<95x128xi32, #tpu.memory_space<vmem>> -> memref<1x128xi32, #tpu.memory_space<vmem>>
        %dma_wait3A_65 = tpu.memref_squeeze %dma_wait3A_64 : memref<1x128xi32, #tpu.memory_space<vmem>> -> memref<128xi32, #tpu.memory_space<vmem>>
        %dma_wait3A_66 = arith.constant 0 : i32
        %dma_wait3A_67 = arith.constant 0 : i32
        %dma_wait3A_68 = tpu.memref_slice %arg10[%dma_wait3A_66, %dma_wait3A_67] : memref<10112x128xf32, #tpu.memory_space<vmem_shared>> -> memref<10112x128xf32, #tpu.memory_space<vmem_shared>>
        tpu.wait_indirect_dma semaphore(%run_scoped3A : memref<!tpu.dma_semaphore, #tpu.memory_space<semaphore_mem>>) src(%arg9 : memref<128x128xf32, #tpu.memory_space<vmem>>) dst(%dma_wait3A_68 : memref<10112x128xf32, #tpu.memory_space<vmem_shared>>)
        tpu.yield
      }) : () -> ()
    }
    %barrier3A_25 = arith.constant 0 : index
    tpu.barrier barrier_id(%barrier3A_25)
    %add3A_26 = arith.constant 0 : i32
    %add3A_27 = arith.addi %mul3A_2, %add3A_26 : i32
    "tpu.region"() ({
      %run_scoped3A = tpu.sem_alloc : memref<!tpu.dma_semaphore, #tpu.memory_space<semaphore_mem>>
      %dma_start3A = arith.constant 0 : i32
      %dma_start3A_46 = tpu.memref_slice %arg10[%add3A_27, %dma_start3A] : memref<10112x128xf32, #tpu.memory_space<vmem_shared>> -> memref<128x128xf32, #tpu.memory_space<vmem_shared>>
      %dma_start3A_47 = arith.constant 0 : i32
      %dma_start3A_48 = tpu.memref_slice %arg10[%add3A_27, %dma_start3A_47] : memref<10112x128xf32, #tpu.memory_space<vmem_shared>> -> memref<128x128xf32, #tpu.memory_space<vmem_shared>>
      tpu.enqueue_dma source(%dma_start3A_48 : memref<128x128xf32, #tpu.memory_space<vmem_shared>>) target(%arg9 : memref<128x128xf32, #tpu.memory_space<vmem>>) target_semaphore(%run_scoped3A : memref<!tpu.dma_semaphore, #tpu.memory_space<semaphore_mem>>)
      %dma_wait3A = arith.constant 0 : i32
      %dma_wait3A_49 = tpu.memref_slice %arg10[%add3A_27, %dma_wait3A] : memref<10112x128xf32, #tpu.memory_space<vmem_shared>> -> memref<128x128xf32, #tpu.memory_space<vmem_shared>>
      %dma_wait3A_50 = arith.constant 0 : i32
      %dma_wait3A_51 = tpu.memref_slice %arg10[%add3A_27, %dma_wait3A_50] : memref<10112x128xf32, #tpu.memory_space<vmem_shared>> -> memref<128x128xf32, #tpu.memory_space<vmem_shared>>
      tpu.wait_dma2 semaphore(%run_scoped3A : memref<!tpu.dma_semaphore, #tpu.memory_space<semaphore_mem>>) src(%dma_wait3A_51 : memref<128x128xf32, #tpu.memory_space<vmem_shared>>) dst(%arg9 : memref<128x128xf32, #tpu.memory_space<vmem>>)
      tpu.yield
    }) : () -> ()
    %add3A_28 = arith.constant 0 : i32
    %add3A_29 = arith.addi %mul3A_2, %add3A_28 : i32
    "tpu.region"() ({
      %run_scoped3A = tpu.sem_alloc : memref<!tpu.dma_semaphore, #tpu.memory_space<semaphore_mem>>
      %dma_start3A = arith.constant 0 : i32
      %dma_start3A_46 = tpu.memref_slice %arg6[%arg0, %add3A_29, %dma_start3A] : memref<2x10112x128xf32, #tpu.memory_space<hbm>> -> memref<1x128x128xf32, #tpu.memory_space<hbm>>
      %dma_start3A_47 = tpu.memref_squeeze %dma_start3A_46 : memref<1x128x128xf32, #tpu.memory_space<hbm>> -> memref<128x128xf32, #tpu.memory_space<hbm>>
      %dma_start3A_48 = arith.constant 0 : i32
      %dma_start3A_49 = tpu.memref_slice %arg6[%arg0, %add3A_29, %dma_start3A_48] : memref<2x10112x128xf32, #tpu.memory_space<hbm>> -> memref<1x128x128xf32, #tpu.memory_space<hbm>>
      %dma_start3A_50 = tpu.memref_squeeze %dma_start3A_49 : memref<1x128x128xf32, #tpu.memory_space<hbm>> -> memref<128x128xf32, #tpu.memory_space<hbm>>
      tpu.enqueue_dma source(%arg9 : memref<128x128xf32, #tpu.memory_space<vmem>>) target(%dma_start3A_50 : memref<128x128xf32, #tpu.memory_space<hbm>>) target_semaphore(%run_scoped3A : memref<!tpu.dma_semaphore, #tpu.memory_space<semaphore_mem>>)
      %dma_wait3A = arith.constant 0 : i32
      %dma_wait3A_51 = tpu.memref_slice %arg6[%arg0, %add3A_29, %dma_wait3A] : memref<2x10112x128xf32, #tpu.memory_space<hbm>> -> memref<1x128x128xf32, #tpu.memory_space<hbm>>
      %dma_wait3A_52 = tpu.memref_squeeze %dma_wait3A_51 : memref<1x128x128xf32, #tpu.memory_space<hbm>> -> memref<128x128xf32, #tpu.memory_space<hbm>>
      %dma_wait3A_53 = arith.constant 0 : i32
      %dma_wait3A_54 = tpu.memref_slice %arg6[%arg0, %add3A_29, %dma_wait3A_53] : memref<2x10112x128xf32, #tpu.memory_space<hbm>> -> memref<1x128x128xf32, #tpu.memory_space<hbm>>
      %dma_wait3A_55 = tpu.memref_squeeze %dma_wait3A_54 : memref<1x128x128xf32, #tpu.memory_space<hbm>> -> memref<128x128xf32, #tpu.memory_space<hbm>>
      tpu.wait_dma2 semaphore(%run_scoped3A : memref<!tpu.dma_semaphore, #tpu.memory_space<semaphore_mem>>) src(%arg9 : memref<128x128xf32, #tpu.memory_space<vmem>>) dst(%dma_wait3A_55 : memref<128x128xf32, #tpu.memory_space<hbm>>)
      tpu.yield
    }) : () -> ()
    %add3A_30 = arith.constant 128 : i32
    %add3A_31 = arith.addi %mul3A_2, %add3A_30 : i32
    "tpu.region"() ({
      %run_scoped3A = tpu.sem_alloc : memref<!tpu.dma_semaphore, #tpu.memory_space<semaphore_mem>>
      %dma_start3A = arith.constant 0 : i32
      %dma_start3A_46 = tpu.memref_slice %arg10[%add3A_31, %dma_start3A] : memref<10112x128xf32, #tpu.memory_space<vmem_shared>> -> memref<128x128xf32, #tpu.memory_space<vmem_shared>>
      %dma_start3A_47 = arith.constant 0 : i32
      %dma_start3A_48 = tpu.memref_slice %arg10[%add3A_31, %dma_start3A_47] : memref<10112x128xf32, #tpu.memory_space<vmem_shared>> -> memref<128x128xf32, #tpu.memory_space<vmem_shared>>
      tpu.enqueue_dma source(%dma_start3A_48 : memref<128x128xf32, #tpu.memory_space<vmem_shared>>) target(%arg9 : memref<128x128xf32, #tpu.memory_space<vmem>>) target_semaphore(%run_scoped3A : memref<!tpu.dma_semaphore, #tpu.memory_space<semaphore_mem>>)
      %dma_wait3A = arith.constant 0 : i32
      %dma_wait3A_49 = tpu.memref_slice %arg10[%add3A_31, %dma_wait3A] : memref<10112x128xf32, #tpu.memory_space<vmem_shared>> -> memref<128x128xf32, #tpu.memory_space<vmem_shared>>
      %dma_wait3A_50 = arith.constant 0 : i32
      %dma_wait3A_51 = tpu.memref_slice %arg10[%add3A_31, %dma_wait3A_50] : memref<10112x128xf32, #tpu.memory_space<vmem_shared>> -> memref<128x128xf32, #tpu.memory_space<vmem_shared>>
      tpu.wait_dma2 semaphore(%run_scoped3A : memref<!tpu.dma_semaphore, #tpu.memory_space<semaphore_mem>>) src(%dma_wait3A_51 : memref<128x128xf32, #tpu.memory_space<vmem_shared>>) dst(%arg9 : memref<128x128xf32, #tpu.memory_space<vmem>>)
      tpu.yield
    }) : () -> ()
    %add3A_32 = arith.constant 128 : i32
    %add3A_33 = arith.addi %mul3A_2, %add3A_32 : i32
    "tpu.region"() ({
      %run_scoped3A = tpu.sem_alloc : memref<!tpu.dma_semaphore, #tpu.memory_space<semaphore_mem>>
      %dma_start3A = arith.constant 0 : i32
      %dma_start3A_46 = tpu.memref_slice %arg6[%arg0, %add3A_33, %dma_start3A] : memref<2x10112x128xf32, #tpu.memory_space<hbm>> -> memref<1x128x128xf32, #tpu.memory_space<hbm>>
      %dma_start3A_47 = tpu.memref_squeeze %dma_start3A_46 : memref<1x128x128xf32, #tpu.memory_space<hbm>> -> memref<128x128xf32, #tpu.memory_space<hbm>>
      %dma_start3A_48 = arith.constant 0 : i32
      %dma_start3A_49 = tpu.memref_slice %arg6[%arg0, %add3A_33, %dma_start3A_48] : memref<2x10112x128xf32, #tpu.memory_space<hbm>> -> memref<1x128x128xf32, #tpu.memory_space<hbm>>
      %dma_start3A_50 = tpu.memref_squeeze %dma_start3A_49 : memref<1x128x128xf32, #tpu.memory_space<hbm>> -> memref<128x128xf32, #tpu.memory_space<hbm>>
      tpu.enqueue_dma source(%arg9 : memref<128x128xf32, #tpu.memory_space<vmem>>) target(%dma_start3A_50 : memref<128x128xf32, #tpu.memory_space<hbm>>) target_semaphore(%run_scoped3A : memref<!tpu.dma_semaphore, #tpu.memory_space<semaphore_mem>>)
      %dma_wait3A = arith.constant 0 : i32
      %dma_wait3A_51 = tpu.memref_slice %arg6[%arg0, %add3A_33, %dma_wait3A] : memref<2x10112x128xf32, #tpu.memory_space<hbm>> -> memref<1x128x128xf32, #tpu.memory_space<hbm>>
      %dma_wait3A_52 = tpu.memref_squeeze %dma_wait3A_51 : memref<1x128x128xf32, #tpu.memory_space<hbm>> -> memref<128x128xf32, #tpu.memory_space<hbm>>
      %dma_wait3A_53 = arith.constant 0 : i32
      %dma_wait3A_54 = tpu.memref_slice %arg6[%arg0, %add3A_33, %dma_wait3A_53] : memref<2x10112x128xf32, #tpu.memory_space<hbm>> -> memref<1x128x128xf32, #tpu.memory_space<hbm>>
      %dma_wait3A_55 = tpu.memref_squeeze %dma_wait3A_54 : memref<1x128x128xf32, #tpu.memory_space<hbm>> -> memref<128x128xf32, #tpu.memory_space<hbm>>
      tpu.wait_dma2 semaphore(%run_scoped3A : memref<!tpu.dma_semaphore, #tpu.memory_space<semaphore_mem>>) src(%arg9 : memref<128x128xf32, #tpu.memory_space<vmem>>) dst(%dma_wait3A_55 : memref<128x128xf32, #tpu.memory_space<hbm>>)
      tpu.yield
    }) : () -> ()
    %add3A_34 = arith.constant 256 : i32
    %add3A_35 = arith.addi %mul3A_2, %add3A_34 : i32
    "tpu.region"() ({
      %run_scoped3A = tpu.sem_alloc : memref<!tpu.dma_semaphore, #tpu.memory_space<semaphore_mem>>
      %dma_start3A = arith.constant 0 : i32
      %dma_start3A_46 = tpu.memref_slice %arg10[%add3A_35, %dma_start3A] : memref<10112x128xf32, #tpu.memory_space<vmem_shared>> -> memref<128x128xf32, #tpu.memory_space<vmem_shared>>
      %dma_start3A_47 = arith.constant 0 : i32
      %dma_start3A_48 = tpu.memref_slice %arg10[%add3A_35, %dma_start3A_47] : memref<10112x128xf32, #tpu.memory_space<vmem_shared>> -> memref<128x128xf32, #tpu.memory_space<vmem_shared>>
      tpu.enqueue_dma source(%dma_start3A_48 : memref<128x128xf32, #tpu.memory_space<vmem_shared>>) target(%arg9 : memref<128x128xf32, #tpu.memory_space<vmem>>) target_semaphore(%run_scoped3A : memref<!tpu.dma_semaphore, #tpu.memory_space<semaphore_mem>>)
      %dma_wait3A = arith.constant 0 : i32
      %dma_wait3A_49 = tpu.memref_slice %arg10[%add3A_35, %dma_wait3A] : memref<10112x128xf32, #tpu.memory_space<vmem_shared>> -> memref<128x128xf32, #tpu.memory_space<vmem_shared>>
      %dma_wait3A_50 = arith.constant 0 : i32
      %dma_wait3A_51 = tpu.memref_slice %arg10[%add3A_35, %dma_wait3A_50] : memref<10112x128xf32, #tpu.memory_space<vmem_shared>> -> memref<128x128xf32, #tpu.memory_space<vmem_shared>>
      tpu.wait_dma2 semaphore(%run_scoped3A : memref<!tpu.dma_semaphore, #tpu.memory_space<semaphore_mem>>) src(%dma_wait3A_51 : memref<128x128xf32, #tpu.memory_space<vmem_shared>>) dst(%arg9 : memref<128x128xf32, #tpu.memory_space<vmem>>)
      tpu.yield
    }) : () -> ()
    %add3A_36 = arith.constant 256 : i32
    %add3A_37 = arith.addi %mul3A_2, %add3A_36 : i32
    "tpu.region"() ({
      %run_scoped3A = tpu.sem_alloc : memref<!tpu.dma_semaphore, #tpu.memory_space<semaphore_mem>>
      %dma_start3A = arith.constant 0 : i32
      %dma_start3A_46 = tpu.memref_slice %arg6[%arg0, %add3A_37, %dma_start3A] : memref<2x10112x128xf32, #tpu.memory_space<hbm>> -> memref<1x128x128xf32, #tpu.memory_space<hbm>>
      %dma_start3A_47 = tpu.memref_squeeze %dma_start3A_46 : memref<1x128x128xf32, #tpu.memory_space<hbm>> -> memref<128x128xf32, #tpu.memory_space<hbm>>
      %dma_start3A_48 = arith.constant 0 : i32
      %dma_start3A_49 = tpu.memref_slice %arg6[%arg0, %add3A_37, %dma_start3A_48] : memref<2x10112x128xf32, #tpu.memory_space<hbm>> -> memref<1x128x128xf32, #tpu.memory_space<hbm>>
      %dma_start3A_50 = tpu.memref_squeeze %dma_start3A_49 : memref<1x128x128xf32, #tpu.memory_space<hbm>> -> memref<128x128xf32, #tpu.memory_space<hbm>>
      tpu.enqueue_dma source(%arg9 : memref<128x128xf32, #tpu.memory_space<vmem>>) target(%dma_start3A_50 : memref<128x128xf32, #tpu.memory_space<hbm>>) target_semaphore(%run_scoped3A : memref<!tpu.dma_semaphore, #tpu.memory_space<semaphore_mem>>)
      %dma_wait3A = arith.constant 0 : i32
      %dma_wait3A_51 = tpu.memref_slice %arg6[%arg0, %add3A_37, %dma_wait3A] : memref<2x10112x128xf32, #tpu.memory_space<hbm>> -> memref<1x128x128xf32, #tpu.memory_space<hbm>>
      %dma_wait3A_52 = tpu.memref_squeeze %dma_wait3A_51 : memref<1x128x128xf32, #tpu.memory_space<hbm>> -> memref<128x128xf32, #tpu.memory_space<hbm>>
      %dma_wait3A_53 = arith.constant 0 : i32
      %dma_wait3A_54 = tpu.memref_slice %arg6[%arg0, %add3A_37, %dma_wait3A_53] : memref<2x10112x128xf32, #tpu.memory_space<hbm>> -> memref<1x128x128xf32, #tpu.memory_space<hbm>>
      %dma_wait3A_55 = tpu.memref_squeeze %dma_wait3A_54 : memref<1x128x128xf32, #tpu.memory_space<hbm>> -> memref<128x128xf32, #tpu.memory_space<hbm>>
      tpu.wait_dma2 semaphore(%run_scoped3A : memref<!tpu.dma_semaphore, #tpu.memory_space<semaphore_mem>>) src(%arg9 : memref<128x128xf32, #tpu.memory_space<vmem>>) dst(%dma_wait3A_55 : memref<128x128xf32, #tpu.memory_space<hbm>>)
      tpu.yield
    }) : () -> ()
    %add3A_38 = arith.constant 384 : i32
    %add3A_39 = arith.addi %mul3A_2, %add3A_38 : i32
    "tpu.region"() ({
      %run_scoped3A = tpu.sem_alloc : memref<!tpu.dma_semaphore, #tpu.memory_space<semaphore_mem>>
      %dma_start3A = arith.constant 0 : i32
      %dma_start3A_46 = tpu.memref_slice %arg10[%add3A_39, %dma_start3A] : memref<10112x128xf32, #tpu.memory_space<vmem_shared>> -> memref<128x128xf32, #tpu.memory_space<vmem_shared>>
      %dma_start3A_47 = arith.constant 0 : i32
      %dma_start3A_48 = tpu.memref_slice %arg10[%add3A_39, %dma_start3A_47] : memref<10112x128xf32, #tpu.memory_space<vmem_shared>> -> memref<128x128xf32, #tpu.memory_space<vmem_shared>>
      tpu.enqueue_dma source(%dma_start3A_48 : memref<128x128xf32, #tpu.memory_space<vmem_shared>>) target(%arg9 : memref<128x128xf32, #tpu.memory_space<vmem>>) target_semaphore(%run_scoped3A : memref<!tpu.dma_semaphore, #tpu.memory_space<semaphore_mem>>)
      %dma_wait3A = arith.constant 0 : i32
      %dma_wait3A_49 = tpu.memref_slice %arg10[%add3A_39, %dma_wait3A] : memref<10112x128xf32, #tpu.memory_space<vmem_shared>> -> memref<128x128xf32, #tpu.memory_space<vmem_shared>>
      %dma_wait3A_50 = arith.constant 0 : i32
      %dma_wait3A_51 = tpu.memref_slice %arg10[%add3A_39, %dma_wait3A_50] : memref<10112x128xf32, #tpu.memory_space<vmem_shared>> -> memref<128x128xf32, #tpu.memory_space<vmem_shared>>
      tpu.wait_dma2 semaphore(%run_scoped3A : memref<!tpu.dma_semaphore, #tpu.memory_space<semaphore_mem>>) src(%dma_wait3A_51 : memref<128x128xf32, #tpu.memory_space<vmem_shared>>) dst(%arg9 : memref<128x128xf32, #tpu.memory_space<vmem>>)
      tpu.yield
    }) : () -> ()
    %add3A_40 = arith.constant 384 : i32
    %add3A_41 = arith.addi %mul3A_2, %add3A_40 : i32
    "tpu.region"() ({
      %run_scoped3A = tpu.sem_alloc : memref<!tpu.dma_semaphore, #tpu.memory_space<semaphore_mem>>
      %dma_start3A = arith.constant 0 : i32
      %dma_start3A_46 = tpu.memref_slice %arg6[%arg0, %add3A_41, %dma_start3A] : memref<2x10112x128xf32, #tpu.memory_space<hbm>> -> memref<1x128x128xf32, #tpu.memory_space<hbm>>
      %dma_start3A_47 = tpu.memref_squeeze %dma_start3A_46 : memref<1x128x128xf32, #tpu.memory_space<hbm>> -> memref<128x128xf32, #tpu.memory_space<hbm>>
      %dma_start3A_48 = arith.constant 0 : i32
      %dma_start3A_49 = tpu.memref_slice %arg6[%arg0, %add3A_41, %dma_start3A_48] : memref<2x10112x128xf32, #tpu.memory_space<hbm>> -> memref<1x128x128xf32, #tpu.memory_space<hbm>>
      %dma_start3A_50 = tpu.memref_squeeze %dma_start3A_49 : memref<1x128x128xf32, #tpu.memory_space<hbm>> -> memref<128x128xf32, #tpu.memory_space<hbm>>
      tpu.enqueue_dma source(%arg9 : memref<128x128xf32, #tpu.memory_space<vmem>>) target(%dma_start3A_50 : memref<128x128xf32, #tpu.memory_space<hbm>>) target_semaphore(%run_scoped3A : memref<!tpu.dma_semaphore, #tpu.memory_space<semaphore_mem>>)
      %dma_wait3A = arith.constant 0 : i32
      %dma_wait3A_51 = tpu.memref_slice %arg6[%arg0, %add3A_41, %dma_wait3A] : memref<2x10112x128xf32, #tpu.memory_space<hbm>> -> memref<1x128x128xf32, #tpu.memory_space<hbm>>
      %dma_wait3A_52 = tpu.memref_squeeze %dma_wait3A_51 : memref<1x128x128xf32, #tpu.memory_space<hbm>> -> memref<128x128xf32, #tpu.memory_space<hbm>>
      %dma_wait3A_53 = arith.constant 0 : i32
      %dma_wait3A_54 = tpu.memref_slice %arg6[%arg0, %add3A_41, %dma_wait3A_53] : memref<2x10112x128xf32, #tpu.memory_space<hbm>> -> memref<1x128x128xf32, #tpu.memory_space<hbm>>
      %dma_wait3A_55 = tpu.memref_squeeze %dma_wait3A_54 : memref<1x128x128xf32, #tpu.memory_space<hbm>> -> memref<128x128xf32, #tpu.memory_space<hbm>>
      tpu.wait_dma2 semaphore(%run_scoped3A : memref<!tpu.dma_semaphore, #tpu.memory_space<semaphore_mem>>) src(%arg9 : memref<128x128xf32, #tpu.memory_space<vmem>>) dst(%dma_wait3A_55 : memref<128x128xf32, #tpu.memory_space<hbm>>)
      tpu.yield
    }) : () -> ()
    %add3A_42 = arith.constant 512 : i32
    %add3A_43 = arith.addi %mul3A_2, %add3A_42 : i32
    "tpu.region"() ({
      %run_scoped3A = tpu.sem_alloc : memref<!tpu.dma_semaphore, #tpu.memory_space<semaphore_mem>>
      %dma_start3A = arith.constant 0 : i32
      %dma_start3A_46 = arith.constant 0 : i32
      %dma_start3A_47 = tpu.memref_slice %arg9[%dma_start3A, %dma_start3A_46] : memref<128x128xf32, #tpu.memory_space<vmem>> -> memref<120x128xf32, #tpu.memory_space<vmem>>
      %dma_start3A_48 = arith.constant 0 : i32
      %dma_start3A_49 = tpu.memref_slice %arg10[%add3A_43, %dma_start3A_48] : memref<10112x128xf32, #tpu.memory_space<vmem_shared>> -> memref<120x128xf32, #tpu.memory_space<vmem_shared>>
      %dma_start3A_50 = arith.constant 0 : i32
      %dma_start3A_51 = arith.constant 0 : i32
      %dma_start3A_52 = tpu.memref_slice %arg9[%dma_start3A_50, %dma_start3A_51] : memref<128x128xf32, #tpu.memory_space<vmem>> -> memref<120x128xf32, #tpu.memory_space<vmem>>
      %dma_start3A_53 = arith.constant 0 : i32
      %dma_start3A_54 = tpu.memref_slice %arg10[%add3A_43, %dma_start3A_53] : memref<10112x128xf32, #tpu.memory_space<vmem_shared>> -> memref<120x128xf32, #tpu.memory_space<vmem_shared>>
      tpu.enqueue_dma source(%dma_start3A_54 : memref<120x128xf32, #tpu.memory_space<vmem_shared>>) target(%dma_start3A_52 : memref<120x128xf32, #tpu.memory_space<vmem>>) target_semaphore(%run_scoped3A : memref<!tpu.dma_semaphore, #tpu.memory_space<semaphore_mem>>)
      %dma_wait3A = arith.constant 0 : i32
      %dma_wait3A_55 = arith.constant 0 : i32
      %dma_wait3A_56 = tpu.memref_slice %arg9[%dma_wait3A, %dma_wait3A_55] : memref<128x128xf32, #tpu.memory_space<vmem>> -> memref<120x128xf32, #tpu.memory_space<vmem>>
      %dma_wait3A_57 = arith.constant 0 : i32
      %dma_wait3A_58 = tpu.memref_slice %arg10[%add3A_43, %dma_wait3A_57] : memref<10112x128xf32, #tpu.memory_space<vmem_shared>> -> memref<120x128xf32, #tpu.memory_space<vmem_shared>>
      %dma_wait3A_59 = arith.constant 0 : i32
      %dma_wait3A_60 = arith.constant 0 : i32
      %dma_wait3A_61 = tpu.memref_slice %arg9[%dma_wait3A_59, %dma_wait3A_60] : memref<128x128xf32, #tpu.memory_space<vmem>> -> memref<120x128xf32, #tpu.memory_space<vmem>>
      %dma_wait3A_62 = arith.constant 0 : i32
      %dma_wait3A_63 = tpu.memref_slice %arg10[%add3A_43, %dma_wait3A_62] : memref<10112x128xf32, #tpu.memory_space<vmem_shared>> -> memref<120x128xf32, #tpu.memory_space<vmem_shared>>
      tpu.wait_dma2 semaphore(%run_scoped3A : memref<!tpu.dma_semaphore, #tpu.memory_space<semaphore_mem>>) src(%dma_wait3A_63 : memref<120x128xf32, #tpu.memory_space<vmem_shared>>) dst(%dma_wait3A_61 : memref<120x128xf32, #tpu.memory_space<vmem>>)
      tpu.yield
    }) : () -> ()
    %add3A_44 = arith.constant 512 : i32
    %add3A_45 = arith.addi %mul3A_2, %add3A_44 : i32
    "tpu.region"() ({
      %run_scoped3A = tpu.sem_alloc : memref<!tpu.dma_semaphore, #tpu.memory_space<semaphore_mem>>
      %dma_start3A = arith.constant 0 : i32
      %dma_start3A_46 = arith.constant 0 : i32
      %dma_start3A_47 = tpu.memref_slice %arg9[%dma_start3A, %dma_start3A_46] : memref<128x128xf32, #tpu.memory_space<vmem>> -> memref<120x128xf32, #tpu.memory_space<vmem>>
      %dma_start3A_48 = arith.constant 0 : i32
      %dma_start3A_49 = tpu.memref_slice %arg6[%arg0, %add3A_45, %dma_start3A_48] : memref<2x10112x128xf32, #tpu.memory_space<hbm>> -> memref<1x120x128xf32, #tpu.memory_space<hbm>>
      %dma_start3A_50 = tpu.memref_squeeze %dma_start3A_49 : memref<1x120x128xf32, #tpu.memory_space<hbm>> -> memref<120x128xf32, #tpu.memory_space<hbm>>
      %dma_start3A_51 = arith.constant 0 : i32
      %dma_start3A_52 = tpu.memref_slice %arg6[%arg0, %add3A_45, %dma_start3A_51] : memref<2x10112x128xf32, #tpu.memory_space<hbm>> -> memref<1x120x128xf32, #tpu.memory_space<hbm>>
      %dma_start3A_53 = tpu.memref_squeeze %dma_start3A_52 : memref<1x120x128xf32, #tpu.memory_space<hbm>> -> memref<120x128xf32, #tpu.memory_space<hbm>>
      %dma_start3A_54 = arith.constant 0 : i32
      %dma_start3A_55 = arith.constant 0 : i32
      %dma_start3A_56 = tpu.memref_slice %arg9[%dma_start3A_54, %dma_start3A_55] : memref<128x128xf32, #tpu.memory_space<vmem>> -> memref<120x128xf32, #tpu.memory_space<vmem>>
      tpu.enqueue_dma source(%dma_start3A_56 : memref<120x128xf32, #tpu.memory_space<vmem>>) target(%dma_start3A_53 : memref<120x128xf32, #tpu.memory_space<hbm>>) target_semaphore(%run_scoped3A : memref<!tpu.dma_semaphore, #tpu.memory_space<semaphore_mem>>)
      %dma_wait3A = arith.constant 0 : i32
      %dma_wait3A_57 = arith.constant 0 : i32
      %dma_wait3A_58 = tpu.memref_slice %arg9[%dma_wait3A, %dma_wait3A_57] : memref<128x128xf32, #tpu.memory_space<vmem>> -> memref<120x128xf32, #tpu.memory_space<vmem>>
      %dma_wait3A_59 = arith.constant 0 : i32
      %dma_wait3A_60 = tpu.memref_slice %arg6[%arg0, %add3A_45, %dma_wait3A_59] : memref<2x10112x128xf32, #tpu.memory_space<hbm>> -> memref<1x120x128xf32, #tpu.memory_space<hbm>>
      %dma_wait3A_61 = tpu.memref_squeeze %dma_wait3A_60 : memref<1x120x128xf32, #tpu.memory_space<hbm>> -> memref<120x128xf32, #tpu.memory_space<hbm>>
      %dma_wait3A_62 = arith.constant 0 : i32
      %dma_wait3A_63 = tpu.memref_slice %arg6[%arg0, %add3A_45, %dma_wait3A_62] : memref<2x10112x128xf32, #tpu.memory_space<hbm>> -> memref<1x120x128xf32, #tpu.memory_space<hbm>>
      %dma_wait3A_64 = tpu.memref_squeeze %dma_wait3A_63 : memref<1x120x128xf32, #tpu.memory_space<hbm>> -> memref<120x128xf32, #tpu.memory_space<hbm>>
      %dma_wait3A_65 = arith.constant 0 : i32
      %dma_wait3A_66 = arith.constant 0 : i32
      %dma_wait3A_67 = tpu.memref_slice %arg9[%dma_wait3A_65, %dma_wait3A_66] : memref<128x128xf32, #tpu.memory_space<vmem>> -> memref<120x128xf32, #tpu.memory_space<vmem>>
      tpu.wait_dma2 semaphore(%run_scoped3A : memref<!tpu.dma_semaphore, #tpu.memory_space<semaphore_mem>>) src(%dma_wait3A_67 : memref<120x128xf32, #tpu.memory_space<vmem>>) dst(%dma_wait3A_64 : memref<120x128xf32, #tpu.memory_space<hbm>>)
      tpu.yield
    }) : () -> ()
    return
  }
}

#map = affine_map<(d0, d1) -> (0, 0)>
#map1 = affine_map<(d0, d1) -> (0, 0, 0)>
module attributes {stable_mosaic.version = 14 : i64} {
  func.func @k(%arg0: i32, %arg1: i32, %arg2: memref<10112x128xf32, #tpu.memory_space<hbm>>, %arg3: memref<32x95x128xi32, #tpu.memory_space<hbm>>, %arg4: memref<32x95x128xi32, #tpu.memory_space<hbm>>, %arg5: memref<128x128xf32, #tpu.memory_space<hbm>>, %arg6: memref<2x10112x128xf32, #tpu.memory_space<hbm>>, %arg7: memref<95x128xi32, #tpu.memory_space<vmem>>, %arg8: memref<95x128xi32, #tpu.memory_space<vmem>>, %arg9: memref<128x128xf32, #tpu.memory_space<vmem>>, %arg10: memref<10112x128xf32, #tpu.memory_space<vmem_shared>>, %arg11: memref<!tpu.dma_semaphore, #tpu.memory_space<semaphore_mem>>) attributes {dimension_semantics = [#tpu.dimension_semantics<core_parallel>, #tpu.dimension_semantics<subcore_parallel>], iteration_bounds = array<i64: 2, 16>, scalar_prefetch = 0 : i64, scratch_operands = 5 : i64, tpu.core_type = #tpu.core_type<sc_vector_subcore>, window_params = [{transform_indices = #map}, {transform_indices = #map1}, {transform_indices = #map1}, {transform_indices = #map}, {transform_indices = #map1}]} {
    %mul3A = arith.constant 16 : i32
    %mul3A_0 = arith.muli %arg0, %mul3A : i32
    %add3A = arith.addi %mul3A_0, %arg1 : i32
    %mul3A_1 = arith.constant 632 : i32
    %mul3A_2 = arith.muli %arg1, %mul3A_1 : i32
    %eq3A = arith.constant 0 : i32
    %eq3A_3 = arith.cmpi eq, %arg0, %eq3A : i32
    %select_n3A = arith.constant 62 : i32
    %select_n3A_4 = arith.constant 95 : i32
    %select_n3A_5 = arith.select %eq3A_3, %select_n3A_4, %select_n3A : i32
    "tpu.region"() ({
      %run_scoped3A = tpu.sem_alloc : memref<!tpu.dma_semaphore, #tpu.memory_space<semaphore_mem>>
      tpu.enqueue_dma source(%arg5 : memref<128x128xf32, #tpu.memory_space<hbm>>) target(%arg9 : memref<128x128xf32, #tpu.memory_space<vmem>>) target_semaphore(%run_scoped3A : memref<!tpu.dma_semaphore, #tpu.memory_space<semaphore_mem>>)
      tpu.wait_dma2 semaphore(%run_scoped3A : memref<!tpu.dma_semaphore, #tpu.memory_space<semaphore_mem>>) src(%arg5 : memref<128x128xf32, #tpu.memory_space<hbm>>) dst(%arg9 : memref<128x128xf32, #tpu.memory_space<vmem>>)
      tpu.yield
    }) : () -> ()
    %add3A_6 = arith.constant 0 : i32
    %add3A_7 = arith.addi %mul3A_2, %add3A_6 : i32
    "tpu.region"() ({
      %run_scoped3A = tpu.sem_alloc : memref<!tpu.dma_semaphore, #tpu.memory_space<semaphore_mem>>
      %dma_start3A = arith.constant 0 : i32
      %dma_start3A_46 = tpu.memref_slice %arg10[%add3A_7, %dma_start3A] : memref<10112x128xf32, #tpu.memory_space<vmem_shared>> -> memref<128x128xf32, #tpu.memory_space<vmem_shared>>
      %dma_start3A_47 = arith.constant 0 : i32
      %dma_start3A_48 = tpu.memref_slice %arg10[%add3A_7, %dma_start3A_47] : memref<10112x128xf32, #tpu.memory_space<vmem_shared>> -> memref<128x128xf32, #tpu.memory_space<vmem_shared>>
      tpu.enqueue_dma source(%arg9 : memref<128x128xf32, #tpu.memory_space<vmem>>) target(%dma_start3A_48 : memref<128x128xf32, #tpu.memory_space<vmem_shared>>) target_semaphore(%run_scoped3A : memref<!tpu.dma_semaphore, #tpu.memory_space<semaphore_mem>>)
      %dma_wait3A = arith.constant 0 : i32
      %dma_wait3A_49 = tpu.memref_slice %arg10[%add3A_7, %dma_wait3A] : memref<10112x128xf32, #tpu.memory_space<vmem_shared>> -> memref<128x128xf32, #tpu.memory_space<vmem_shared>>
      %dma_wait3A_50 = arith.constant 0 : i32
      %dma_wait3A_51 = tpu.memref_slice %arg10[%add3A_7, %dma_wait3A_50] : memref<10112x128xf32, #tpu.memory_space<vmem_shared>> -> memref<128x128xf32, #tpu.memory_space<vmem_shared>>
      tpu.wait_dma2 semaphore(%run_scoped3A : memref<!tpu.dma_semaphore, #tpu.memory_space<semaphore_mem>>) src(%arg9 : memref<128x128xf32, #tpu.memory_space<vmem>>) dst(%dma_wait3A_51 : memref<128x128xf32, #tpu.memory_space<vmem_shared>>)
      tpu.yield
    }) : () -> ()
    %add3A_8 = arith.constant 128 : i32
    %add3A_9 = arith.addi %mul3A_2, %add3A_8 : i32
    "tpu.region"() ({
      %run_scoped3A = tpu.sem_alloc : memref<!tpu.dma_semaphore, #tpu.memory_space<semaphore_mem>>
      %dma_start3A = arith.constant 0 : i32
      %dma_start3A_46 = tpu.memref_slice %arg10[%add3A_9, %dma_start3A] : memref<10112x128xf32, #tpu.memory_space<vmem_shared>> -> memref<128x128xf32, #tpu.memory_space<vmem_shared>>
      %dma_start3A_47 = arith.constant 0 : i32
      %dma_start3A_48 = tpu.memref_slice %arg10[%add3A_9, %dma_start3A_47] : memref<10112x128xf32, #tpu.memory_space<vmem_shared>> -> memref<128x128xf32, #tpu.memory_space<vmem_shared>>
      tpu.enqueue_dma source(%arg9 : memref<128x128xf32, #tpu.memory_space<vmem>>) target(%dma_start3A_48 : memref<128x128xf32, #tpu.memory_space<vmem_shared>>) target_semaphore(%run_scoped3A : memref<!tpu.dma_semaphore, #tpu.memory_space<semaphore_mem>>)
      %dma_wait3A = arith.constant 0 : i32
      %dma_wait3A_49 = tpu.memref_slice %arg10[%add3A_9, %dma_wait3A] : memref<10112x128xf32, #tpu.memory_space<vmem_shared>> -> memref<128x128xf32, #tpu.memory_space<vmem_shared>>
      %dma_wait3A_50 = arith.constant 0 : i32
      %dma_wait3A_51 = tpu.memref_slice %arg10[%add3A_9, %dma_wait3A_50] : memref<10112x128xf32, #tpu.memory_space<vmem_shared>> -> memref<128x128xf32, #tpu.memory_space<vmem_shared>>
      tpu.wait_dma2 semaphore(%run_scoped3A : memref<!tpu.dma_semaphore, #tpu.memory_space<semaphore_mem>>) src(%arg9 : memref<128x128xf32, #tpu.memory_space<vmem>>) dst(%dma_wait3A_51 : memref<128x128xf32, #tpu.memory_space<vmem_shared>>)
      tpu.yield
    }) : () -> ()
    %add3A_10 = arith.constant 256 : i32
    %add3A_11 = arith.addi %mul3A_2, %add3A_10 : i32
    "tpu.region"() ({
      %run_scoped3A = tpu.sem_alloc : memref<!tpu.dma_semaphore, #tpu.memory_space<semaphore_mem>>
      %dma_start3A = arith.constant 0 : i32
      %dma_start3A_46 = tpu.memref_slice %arg10[%add3A_11, %dma_start3A] : memref<10112x128xf32, #tpu.memory_space<vmem_shared>> -> memref<128x128xf32, #tpu.memory_space<vmem_shared>>
      %dma_start3A_47 = arith.constant 0 : i32
      %dma_start3A_48 = tpu.memref_slice %arg10[%add3A_11, %dma_start3A_47] : memref<10112x128xf32, #tpu.memory_space<vmem_shared>> -> memref<128x128xf32, #tpu.memory_space<vmem_shared>>
      tpu.enqueue_dma source(%arg9 : memref<128x128xf32, #tpu.memory_space<vmem>>) target(%dma_start3A_48 : memref<128x128xf32, #tpu.memory_space<vmem_shared>>) target_semaphore(%run_scoped3A : memref<!tpu.dma_semaphore, #tpu.memory_space<semaphore_mem>>)
      %dma_wait3A = arith.constant 0 : i32
      %dma_wait3A_49 = tpu.memref_slice %arg10[%add3A_11, %dma_wait3A] : memref<10112x128xf32, #tpu.memory_space<vmem_shared>> -> memref<128x128xf32, #tpu.memory_space<vmem_shared>>
      %dma_wait3A_50 = arith.constant 0 : i32
      %dma_wait3A_51 = tpu.memref_slice %arg10[%add3A_11, %dma_wait3A_50] : memref<10112x128xf32, #tpu.memory_space<vmem_shared>> -> memref<128x128xf32, #tpu.memory_space<vmem_shared>>
      tpu.wait_dma2 semaphore(%run_scoped3A : memref<!tpu.dma_semaphore, #tpu.memory_space<semaphore_mem>>) src(%arg9 : memref<128x128xf32, #tpu.memory_space<vmem>>) dst(%dma_wait3A_51 : memref<128x128xf32, #tpu.memory_space<vmem_shared>>)
      tpu.yield
    }) : () -> ()
    %add3A_12 = arith.constant 384 : i32
    %add3A_13 = arith.addi %mul3A_2, %add3A_12 : i32
    "tpu.region"() ({
      %run_scoped3A = tpu.sem_alloc : memref<!tpu.dma_semaphore, #tpu.memory_space<semaphore_mem>>
      %dma_start3A = arith.constant 0 : i32
      %dma_start3A_46 = tpu.memref_slice %arg10[%add3A_13, %dma_start3A] : memref<10112x128xf32, #tpu.memory_space<vmem_shared>> -> memref<128x128xf32, #tpu.memory_space<vmem_shared>>
      %dma_start3A_47 = arith.constant 0 : i32
      %dma_start3A_48 = tpu.memref_slice %arg10[%add3A_13, %dma_start3A_47] : memref<10112x128xf32, #tpu.memory_space<vmem_shared>> -> memref<128x128xf32, #tpu.memory_space<vmem_shared>>
      tpu.enqueue_dma source(%arg9 : memref<128x128xf32, #tpu.memory_space<vmem>>) target(%dma_start3A_48 : memref<128x128xf32, #tpu.memory_space<vmem_shared>>) target_semaphore(%run_scoped3A : memref<!tpu.dma_semaphore, #tpu.memory_space<semaphore_mem>>)
      %dma_wait3A = arith.constant 0 : i32
      %dma_wait3A_49 = tpu.memref_slice %arg10[%add3A_13, %dma_wait3A] : memref<10112x128xf32, #tpu.memory_space<vmem_shared>> -> memref<128x128xf32, #tpu.memory_space<vmem_shared>>
      %dma_wait3A_50 = arith.constant 0 : i32
      %dma_wait3A_51 = tpu.memref_slice %arg10[%add3A_13, %dma_wait3A_50] : memref<10112x128xf32, #tpu.memory_space<vmem_shared>> -> memref<128x128xf32, #tpu.memory_space<vmem_shared>>
      tpu.wait_dma2 semaphore(%run_scoped3A : memref<!tpu.dma_semaphore, #tpu.memory_space<semaphore_mem>>) src(%arg9 : memref<128x128xf32, #tpu.memory_space<vmem>>) dst(%dma_wait3A_51 : memref<128x128xf32, #tpu.memory_space<vmem_shared>>)
      tpu.yield
    }) : () -> ()
    %add3A_14 = arith.constant 512 : i32
    %add3A_15 = arith.addi %mul3A_2, %add3A_14 : i32
    "tpu.region"() ({
      %run_scoped3A = tpu.sem_alloc : memref<!tpu.dma_semaphore, #tpu.memory_space<semaphore_mem>>
      %dma_start3A = arith.constant 0 : i32
      %dma_start3A_46 = arith.constant 0 : i32
      %dma_start3A_47 = tpu.memref_slice %arg9[%dma_start3A, %dma_start3A_46] : memref<128x128xf32, #tpu.memory_space<vmem>> -> memref<120x128xf32, #tpu.memory_space<vmem>>
      %dma_start3A_48 = arith.constant 0 : i32
      %dma_start3A_49 = tpu.memref_slice %arg10[%add3A_15, %dma_start3A_48] : memref<10112x128xf32, #tpu.memory_space<vmem_shared>> -> memref<120x128xf32, #tpu.memory_space<vmem_shared>>
      %dma_start3A_50 = arith.constant 0 : i32
      %dma_start3A_51 = tpu.memref_slice %arg10[%add3A_15, %dma_start3A_50] : memref<10112x128xf32, #tpu.memory_space<vmem_shared>> -> memref<120x128xf32, #tpu.memory_space<vmem_shared>>
      %dma_start3A_52 = arith.constant 0 : i32
      %dma_start3A_53 = arith.constant 0 : i32
      %dma_start3A_54 = tpu.memref_slice %arg9[%dma_start3A_52, %dma_start3A_53] : memref<128x128xf32, #tpu.memory_space<vmem>> -> memref<120x128xf32, #tpu.memory_space<vmem>>
      tpu.enqueue_dma source(%dma_start3A_54 : memref<120x128xf32, #tpu.memory_space<vmem>>) target(%dma_start3A_51 : memref<120x128xf32, #tpu.memory_space<vmem_shared>>) target_semaphore(%run_scoped3A : memref<!tpu.dma_semaphore, #tpu.memory_space<semaphore_mem>>)
      %dma_wait3A = arith.constant 0 : i32
      %dma_wait3A_55 = arith.constant 0 : i32
      %dma_wait3A_56 = tpu.memref_slice %arg9[%dma_wait3A, %dma_wait3A_55] : memref<128x128xf32, #tpu.memory_space<vmem>> -> memref<120x128xf32, #tpu.memory_space<vmem>>
      %dma_wait3A_57 = arith.constant 0 : i32
      %dma_wait3A_58 = tpu.memref_slice %arg10[%add3A_15, %dma_wait3A_57] : memref<10112x128xf32, #tpu.memory_space<vmem_shared>> -> memref<120x128xf32, #tpu.memory_space<vmem_shared>>
      %dma_wait3A_59 = arith.constant 0 : i32
      %dma_wait3A_60 = tpu.memref_slice %arg10[%add3A_15, %dma_wait3A_59] : memref<10112x128xf32, #tpu.memory_space<vmem_shared>> -> memref<120x128xf32, #tpu.memory_space<vmem_shared>>
      %dma_wait3A_61 = arith.constant 0 : i32
      %dma_wait3A_62 = arith.constant 0 : i32
      %dma_wait3A_63 = tpu.memref_slice %arg9[%dma_wait3A_61, %dma_wait3A_62] : memref<128x128xf32, #tpu.memory_space<vmem>> -> memref<120x128xf32, #tpu.memory_space<vmem>>
      tpu.wait_dma2 semaphore(%run_scoped3A : memref<!tpu.dma_semaphore, #tpu.memory_space<semaphore_mem>>) src(%dma_wait3A_63 : memref<120x128xf32, #tpu.memory_space<vmem>>) dst(%dma_wait3A_60 : memref<120x128xf32, #tpu.memory_space<vmem_shared>>)
      tpu.yield
    }) : () -> ()
    "tpu.region"() ({
      %run_scoped3A = tpu.sem_alloc : memref<!tpu.dma_semaphore, #tpu.memory_space<semaphore_mem>>
      %dma_start3A = arith.constant 0 : i32
      %dma_start3A_46 = arith.constant 0 : i32
      %dma_start3A_47 = tpu.memref_slice %arg3[%add3A, %dma_start3A, %dma_start3A_46] : memref<32x95x128xi32, #tpu.memory_space<hbm>> -> memref<1x95x128xi32, #tpu.memory_space<hbm>>
      %dma_start3A_48 = tpu.memref_squeeze %dma_start3A_47 : memref<1x95x128xi32, #tpu.memory_space<hbm>> -> memref<95x128xi32, #tpu.memory_space<hbm>>
      %dma_start3A_49 = arith.constant 0 : i32
      %dma_start3A_50 = arith.constant 0 : i32
      %dma_start3A_51 = tpu.memref_slice %arg3[%add3A, %dma_start3A_49, %dma_start3A_50] : memref<32x95x128xi32, #tpu.memory_space<hbm>> -> memref<1x95x128xi32, #tpu.memory_space<hbm>>
      %dma_start3A_52 = tpu.memref_squeeze %dma_start3A_51 : memref<1x95x128xi32, #tpu.memory_space<hbm>> -> memref<95x128xi32, #tpu.memory_space<hbm>>
      tpu.enqueue_dma source(%dma_start3A_52 : memref<95x128xi32, #tpu.memory_space<hbm>>) target(%arg7 : memref<95x128xi32, #tpu.memory_space<vmem>>) target_semaphore(%run_scoped3A : memref<!tpu.dma_semaphore, #tpu.memory_space<semaphore_mem>>)
      %dma_wait3A = arith.constant 0 : i32
      %dma_wait3A_53 = arith.constant 0 : i32
      %dma_wait3A_54 = tpu.memref_slice %arg3[%add3A, %dma_wait3A, %dma_wait3A_53] : memref<32x95x128xi32, #tpu.memory_space<hbm>> -> memref<1x95x128xi32, #tpu.memory_space<hbm>>
      %dma_wait3A_55 = tpu.memref_squeeze %dma_wait3A_54 : memref<1x95x128xi32, #tpu.memory_space<hbm>> -> memref<95x128xi32, #tpu.memory_space<hbm>>
      %dma_wait3A_56 = arith.constant 0 : i32
      %dma_wait3A_57 = arith.constant 0 : i32
      %dma_wait3A_58 = tpu.memref_slice %arg3[%add3A, %dma_wait3A_56, %dma_wait3A_57] : memref<32x95x128xi32, #tpu.memory_space<hbm>> -> memref<1x95x128xi32, #tpu.memory_space<hbm>>
      %dma_wait3A_59 = tpu.memref_squeeze %dma_wait3A_58 : memref<1x95x128xi32, #tpu.memory_space<hbm>> -> memref<95x128xi32, #tpu.memory_space<hbm>>
      tpu.wait_dma2 semaphore(%run_scoped3A : memref<!tpu.dma_semaphore, #tpu.memory_space<semaphore_mem>>) src(%dma_wait3A_59 : memref<95x128xi32, #tpu.memory_space<hbm>>) dst(%arg7 : memref<95x128xi32, #tpu.memory_space<vmem>>)
      tpu.yield
    }) : () -> ()
    "tpu.region"() ({
      %run_scoped3A = tpu.sem_alloc : memref<!tpu.dma_semaphore, #tpu.memory_space<semaphore_mem>>
      %dma_start3A = arith.constant 0 : i32
      %dma_start3A_46 = arith.constant 0 : i32
      %dma_start3A_47 = tpu.memref_slice %arg4[%add3A, %dma_start3A, %dma_start3A_46] : memref<32x95x128xi32, #tpu.memory_space<hbm>> -> memref<1x95x128xi32, #tpu.memory_space<hbm>>
      %dma_start3A_48 = tpu.memref_squeeze %dma_start3A_47 : memref<1x95x128xi32, #tpu.memory_space<hbm>> -> memref<95x128xi32, #tpu.memory_space<hbm>>
      %dma_start3A_49 = arith.constant 0 : i32
      %dma_start3A_50 = arith.constant 0 : i32
      %dma_start3A_51 = tpu.memref_slice %arg4[%add3A, %dma_start3A_49, %dma_start3A_50] : memref<32x95x128xi32, #tpu.memory_space<hbm>> -> memref<1x95x128xi32, #tpu.memory_space<hbm>>
      %dma_start3A_52 = tpu.memref_squeeze %dma_start3A_51 : memref<1x95x128xi32, #tpu.memory_space<hbm>> -> memref<95x128xi32, #tpu.memory_space<hbm>>
      tpu.enqueue_dma source(%dma_start3A_52 : memref<95x128xi32, #tpu.memory_space<hbm>>) target(%arg8 : memref<95x128xi32, #tpu.memory_space<vmem>>) target_semaphore(%run_scoped3A : memref<!tpu.dma_semaphore, #tpu.memory_space<semaphore_mem>>)
      %dma_wait3A = arith.constant 0 : i32
      %dma_wait3A_53 = arith.constant 0 : i32
      %dma_wait3A_54 = tpu.memref_slice %arg4[%add3A, %dma_wait3A, %dma_wait3A_53] : memref<32x95x128xi32, #tpu.memory_space<hbm>> -> memref<1x95x128xi32, #tpu.memory_space<hbm>>
      %dma_wait3A_55 = tpu.memref_squeeze %dma_wait3A_54 : memref<1x95x128xi32, #tpu.memory_space<hbm>> -> memref<95x128xi32, #tpu.memory_space<hbm>>
      %dma_wait3A_56 = arith.constant 0 : i32
      %dma_wait3A_57 = arith.constant 0 : i32
      %dma_wait3A_58 = tpu.memref_slice %arg4[%add3A, %dma_wait3A_56, %dma_wait3A_57] : memref<32x95x128xi32, #tpu.memory_space<hbm>> -> memref<1x95x128xi32, #tpu.memory_space<hbm>>
      %dma_wait3A_59 = tpu.memref_squeeze %dma_wait3A_58 : memref<1x95x128xi32, #tpu.memory_space<hbm>> -> memref<95x128xi32, #tpu.memory_space<hbm>>
      tpu.wait_dma2 semaphore(%run_scoped3A : memref<!tpu.dma_semaphore, #tpu.memory_space<semaphore_mem>>) src(%dma_wait3A_59 : memref<95x128xi32, #tpu.memory_space<hbm>>) dst(%arg8 : memref<95x128xi32, #tpu.memory_space<vmem>>)
      tpu.yield
    }) : () -> ()
    %barrier3A = arith.constant 0 : index
    tpu.barrier barrier_id(%barrier3A)
    %while3A = arith.constant 0 : i32
    %while3A_16 = arith.constant 0 : i32
    %while3A_17 = arith.subi %select_n3A_5, %while3A_16 : i32
    %while3A_18 = arith.addi %while3A_16, %while3A_17 : i32
    %while3A_19 = arith.constant 1 : i32
    %while3A_20 = arith.divsi %while3A_17, %while3A_19 : i32
    %while3A_21 = arith.muli %while3A_20, %while3A_19 : i32
    %while3A_22 = arith.addi %while3A_16, %while3A_21 : i32
    %while3A_23 = arith.constant 1 : i32
    scf.for %while3A_46 = %while3A_16 to %while3A_22 step %while3A_23  : i32 {
      %dma_start3A = arith.constant 0 : i32
      %dma_start3A_47 = tpu.memref_slice %arg7[%while3A_46, %dma_start3A] : memref<95x128xi32, #tpu.memory_space<vmem>> -> memref<1x128xi32, #tpu.memory_space<vmem>>
      %dma_start3A_48 = tpu.memref_squeeze %dma_start3A_47 : memref<1x128xi32, #tpu.memory_space<vmem>> -> memref<128xi32, #tpu.memory_space<vmem>>
      %dma_start3A_49 = arith.constant 0 : i32
      %dma_start3A_50 = arith.constant 0 : i32
      %dma_start3A_51 = tpu.memref_slice %arg2[%dma_start3A_49, %dma_start3A_50] : memref<10112x128xf32, #tpu.memory_space<hbm>> -> memref<10112x128xf32, #tpu.memory_space<hbm>>
      tpu.enqueue_indirect_dma source(%dma_start3A_51 : memref<10112x128xf32, #tpu.memory_space<hbm>>) target(%arg9 : memref<128x128xf32, #tpu.memory_space<vmem>>) offsets(%dma_start3A_48 : memref<128xi32, #tpu.memory_space<vmem>>) semaphore(%arg11 : memref<!tpu.dma_semaphore, #tpu.memory_space<semaphore_mem>>)
      %dma_wait3A = arith.constant 0 : i32
      %dma_wait3A_52 = tpu.memref_slice %arg7[%while3A_46, %dma_wait3A] : memref<95x128xi32, #tpu.memory_space<vmem>> -> memref<1x128xi32, #tpu.memory_space<vmem>>
      %dma_wait3A_53 = tpu.memref_squeeze %dma_wait3A_52 : memref<1x128xi32, #tpu.memory_space<vmem>> -> memref<128xi32, #tpu.memory_space<vmem>>
      %dma_wait3A_54 = arith.constant 0 : i32
      %dma_wait3A_55 = arith.constant 0 : i32
      %dma_wait3A_56 = tpu.memref_slice %arg2[%dma_wait3A_54, %dma_wait3A_55] : memref<10112x128xf32, #tpu.memory_space<hbm>> -> memref<10112x128xf32, #tpu.memory_space<hbm>>
      tpu.wait_indirect_dma semaphore(%arg11 : memref<!tpu.dma_semaphore, #tpu.memory_space<semaphore_mem>>) src(%dma_wait3A_56 : memref<10112x128xf32, #tpu.memory_space<hbm>>) dst(%arg9 : memref<128x128xf32, #tpu.memory_space<vmem>>)
      "tpu.region"() ({
        %run_scoped3A = tpu.sem_alloc : memref<!tpu.dma_semaphore, #tpu.memory_space<semaphore_mem>>
        %dma_start3A_57 = arith.constant 0 : i32
        %dma_start3A_58 = tpu.memref_slice %arg8[%while3A_46, %dma_start3A_57] : memref<95x128xi32, #tpu.memory_space<vmem>> -> memref<1x128xi32, #tpu.memory_space<vmem>>
        %dma_start3A_59 = tpu.memref_squeeze %dma_start3A_58 : memref<1x128xi32, #tpu.memory_space<vmem>> -> memref<128xi32, #tpu.memory_space<vmem>>
        %dma_start3A_60 = arith.constant 0 : i32
        %dma_start3A_61 = arith.constant 0 : i32
        %dma_start3A_62 = tpu.memref_slice %arg10[%dma_start3A_60, %dma_start3A_61] : memref<10112x128xf32, #tpu.memory_space<vmem_shared>> -> memref<10112x128xf32, #tpu.memory_space<vmem_shared>>
        tpu.enqueue_indirect_dma source(%arg9 : memref<128x128xf32, #tpu.memory_space<vmem>>) target(%dma_start3A_62 : memref<10112x128xf32, #tpu.memory_space<vmem_shared>>) offsets(%dma_start3A_59 : memref<128xi32, #tpu.memory_space<vmem>>) semaphore(%run_scoped3A : memref<!tpu.dma_semaphore, #tpu.memory_space<semaphore_mem>>) {add = true}
        %dma_wait3A_63 = arith.constant 0 : i32
        %dma_wait3A_64 = tpu.memref_slice %arg8[%while3A_46, %dma_wait3A_63] : memref<95x128xi32, #tpu.memory_space<vmem>> -> memref<1x128xi32, #tpu.memory_space<vmem>>
        %dma_wait3A_65 = tpu.memref_squeeze %dma_wait3A_64 : memref<1x128xi32, #tpu.memory_space<vmem>> -> memref<128xi32, #tpu.memory_space<vmem>>
        %dma_wait3A_66 = arith.constant 0 : i32
        %dma_wait3A_67 = arith.constant 0 : i32
        %dma_wait3A_68 = tpu.memref_slice %arg10[%dma_wait3A_66, %dma_wait3A_67] : memref<10112x128xf32, #tpu.memory_space<vmem_shared>> -> memref<10112x128xf32, #tpu.memory_space<vmem_shared>>
        tpu.wait_indirect_dma semaphore(%run_scoped3A : memref<!tpu.dma_semaphore, #tpu.memory_space<semaphore_mem>>) src(%arg9 : memref<128x128xf32, #tpu.memory_space<vmem>>) dst(%dma_wait3A_68 : memref<10112x128xf32, #tpu.memory_space<vmem_shared>>)
        tpu.yield
      }) : () -> ()
    }
    %while3A_24 = arith.constant 1 : i32
    scf.for %while3A_46 = %while3A_22 to %while3A_18 step %while3A_24  : i32 {
      %dma_start3A = arith.constant 0 : i32
      %dma_start3A_47 = tpu.memref_slice %arg7[%while3A_46, %dma_start3A] : memref<95x128xi32, #tpu.memory_space<vmem>> -> memref<1x128xi32, #tpu.memory_space<vmem>>
      %dma_start3A_48 = tpu.memref_squeeze %dma_start3A_47 : memref<1x128xi32, #tpu.memory_space<vmem>> -> memref<128xi32, #tpu.memory_space<vmem>>
      %dma_start3A_49 = arith.constant 0 : i32
      %dma_start3A_50 = arith.constant 0 : i32
      %dma_start3A_51 = tpu.memref_slice %arg2[%dma_start3A_49, %dma_start3A_50] : memref<10112x128xf32, #tpu.memory_space<hbm>> -> memref<10112x128xf32, #tpu.memory_space<hbm>>
      tpu.enqueue_indirect_dma source(%dma_start3A_51 : memref<10112x128xf32, #tpu.memory_space<hbm>>) target(%arg9 : memref<128x128xf32, #tpu.memory_space<vmem>>) offsets(%dma_start3A_48 : memref<128xi32, #tpu.memory_space<vmem>>) semaphore(%arg11 : memref<!tpu.dma_semaphore, #tpu.memory_space<semaphore_mem>>)
      %dma_wait3A = arith.constant 0 : i32
      %dma_wait3A_52 = tpu.memref_slice %arg7[%while3A_46, %dma_wait3A] : memref<95x128xi32, #tpu.memory_space<vmem>> -> memref<1x128xi32, #tpu.memory_space<vmem>>
      %dma_wait3A_53 = tpu.memref_squeeze %dma_wait3A_52 : memref<1x128xi32, #tpu.memory_space<vmem>> -> memref<128xi32, #tpu.memory_space<vmem>>
      %dma_wait3A_54 = arith.constant 0 : i32
      %dma_wait3A_55 = arith.constant 0 : i32
      %dma_wait3A_56 = tpu.memref_slice %arg2[%dma_wait3A_54, %dma_wait3A_55] : memref<10112x128xf32, #tpu.memory_space<hbm>> -> memref<10112x128xf32, #tpu.memory_space<hbm>>
      tpu.wait_indirect_dma semaphore(%arg11 : memref<!tpu.dma_semaphore, #tpu.memory_space<semaphore_mem>>) src(%dma_wait3A_56 : memref<10112x128xf32, #tpu.memory_space<hbm>>) dst(%arg9 : memref<128x128xf32, #tpu.memory_space<vmem>>)
      "tpu.region"() ({
        %run_scoped3A = tpu.sem_alloc : memref<!tpu.dma_semaphore, #tpu.memory_space<semaphore_mem>>
        %dma_start3A_57 = arith.constant 0 : i32
        %dma_start3A_58 = tpu.memref_slice %arg8[%while3A_46, %dma_start3A_57] : memref<95x128xi32, #tpu.memory_space<vmem>> -> memref<1x128xi32, #tpu.memory_space<vmem>>
        %dma_start3A_59 = tpu.memref_squeeze %dma_start3A_58 : memref<1x128xi32, #tpu.memory_space<vmem>> -> memref<128xi32, #tpu.memory_space<vmem>>
        %dma_start3A_60 = arith.constant 0 : i32
        %dma_start3A_61 = arith.constant 0 : i32
        %dma_start3A_62 = tpu.memref_slice %arg10[%dma_start3A_60, %dma_start3A_61] : memref<10112x128xf32, #tpu.memory_space<vmem_shared>> -> memref<10112x128xf32, #tpu.memory_space<vmem_shared>>
        tpu.enqueue_indirect_dma source(%arg9 : memref<128x128xf32, #tpu.memory_space<vmem>>) target(%dma_start3A_62 : memref<10112x128xf32, #tpu.memory_space<vmem_shared>>) offsets(%dma_start3A_59 : memref<128xi32, #tpu.memory_space<vmem>>) semaphore(%run_scoped3A : memref<!tpu.dma_semaphore, #tpu.memory_space<semaphore_mem>>) {add = true}
        %dma_wait3A_63 = arith.constant 0 : i32
        %dma_wait3A_64 = tpu.memref_slice %arg8[%while3A_46, %dma_wait3A_63] : memref<95x128xi32, #tpu.memory_space<vmem>> -> memref<1x128xi32, #tpu.memory_space<vmem>>
        %dma_wait3A_65 = tpu.memref_squeeze %dma_wait3A_64 : memref<1x128xi32, #tpu.memory_space<vmem>> -> memref<128xi32, #tpu.memory_space<vmem>>
        %dma_wait3A_66 = arith.constant 0 : i32
        %dma_wait3A_67 = arith.constant 0 : i32
        %dma_wait3A_68 = tpu.memref_slice %arg10[%dma_wait3A_66, %dma_wait3A_67] : memref<10112x128xf32, #tpu.memory_space<vmem_shared>> -> memref<10112x128xf32, #tpu.memory_space<vmem_shared>>
        tpu.wait_indirect_dma semaphore(%run_scoped3A : memref<!tpu.dma_semaphore, #tpu.memory_space<semaphore_mem>>) src(%arg9 : memref<128x128xf32, #tpu.memory_space<vmem>>) dst(%dma_wait3A_68 : memref<10112x128xf32, #tpu.memory_space<vmem_shared>>)
        tpu.yield
      }) : () -> ()
    }
    %barrier3A_25 = arith.constant 0 : index
    tpu.barrier barrier_id(%barrier3A_25)
    %add3A_26 = arith.constant 0 : i32
    %add3A_27 = arith.addi %mul3A_2, %add3A_26 : i32
    "tpu.region"() ({
      %run_scoped3A = tpu.sem_alloc : memref<!tpu.dma_semaphore, #tpu.memory_space<semaphore_mem>>
      %dma_start3A = arith.constant 0 : i32
      %dma_start3A_46 = tpu.memref_slice %arg10[%add3A_27, %dma_start3A] : memref<10112x128xf32, #tpu.memory_space<vmem_shared>> -> memref<128x128xf32, #tpu.memory_space<vmem_shared>>
      %dma_start3A_47 = arith.constant 0 : i32
      %dma_start3A_48 = tpu.memref_slice %arg10[%add3A_27, %dma_start3A_47] : memref<10112x128xf32, #tpu.memory_space<vmem_shared>> -> memref<128x128xf32, #tpu.memory_space<vmem_shared>>
      tpu.enqueue_dma source(%dma_start3A_48 : memref<128x128xf32, #tpu.memory_space<vmem_shared>>) target(%arg9 : memref<128x128xf32, #tpu.memory_space<vmem>>) target_semaphore(%run_scoped3A : memref<!tpu.dma_semaphore, #tpu.memory_space<semaphore_mem>>)
      %dma_wait3A = arith.constant 0 : i32
      %dma_wait3A_49 = tpu.memref_slice %arg10[%add3A_27, %dma_wait3A] : memref<10112x128xf32, #tpu.memory_space<vmem_shared>> -> memref<128x128xf32, #tpu.memory_space<vmem_shared>>
      %dma_wait3A_50 = arith.constant 0 : i32
      %dma_wait3A_51 = tpu.memref_slice %arg10[%add3A_27, %dma_wait3A_50] : memref<10112x128xf32, #tpu.memory_space<vmem_shared>> -> memref<128x128xf32, #tpu.memory_space<vmem_shared>>
      tpu.wait_dma2 semaphore(%run_scoped3A : memref<!tpu.dma_semaphore, #tpu.memory_space<semaphore_mem>>) src(%dma_wait3A_51 : memref<128x128xf32, #tpu.memory_space<vmem_shared>>) dst(%arg9 : memref<128x128xf32, #tpu.memory_space<vmem>>)
      tpu.yield
    }) : () -> ()
    %add3A_28 = arith.constant 0 : i32
    %add3A_29 = arith.addi %mul3A_2, %add3A_28 : i32
    "tpu.region"() ({
      %run_scoped3A = tpu.sem_alloc : memref<!tpu.dma_semaphore, #tpu.memory_space<semaphore_mem>>
      %dma_start3A = arith.constant 0 : i32
      %dma_start3A_46 = tpu.memref_slice %arg6[%arg0, %add3A_29, %dma_start3A] : memref<2x10112x128xf32, #tpu.memory_space<hbm>> -> memref<1x128x128xf32, #tpu.memory_space<hbm>>
      %dma_start3A_47 = tpu.memref_squeeze %dma_start3A_46 : memref<1x128x128xf32, #tpu.memory_space<hbm>> -> memref<128x128xf32, #tpu.memory_space<hbm>>
      %dma_start3A_48 = arith.constant 0 : i32
      %dma_start3A_49 = tpu.memref_slice %arg6[%arg0, %add3A_29, %dma_start3A_48] : memref<2x10112x128xf32, #tpu.memory_space<hbm>> -> memref<1x128x128xf32, #tpu.memory_space<hbm>>
      %dma_start3A_50 = tpu.memref_squeeze %dma_start3A_49 : memref<1x128x128xf32, #tpu.memory_space<hbm>> -> memref<128x128xf32, #tpu.memory_space<hbm>>
      tpu.enqueue_dma source(%arg9 : memref<128x128xf32, #tpu.memory_space<vmem>>) target(%dma_start3A_50 : memref<128x128xf32, #tpu.memory_space<hbm>>) target_semaphore(%run_scoped3A : memref<!tpu.dma_semaphore, #tpu.memory_space<semaphore_mem>>)
      %dma_wait3A = arith.constant 0 : i32
      %dma_wait3A_51 = tpu.memref_slice %arg6[%arg0, %add3A_29, %dma_wait3A] : memref<2x10112x128xf32, #tpu.memory_space<hbm>> -> memref<1x128x128xf32, #tpu.memory_space<hbm>>
      %dma_wait3A_52 = tpu.memref_squeeze %dma_wait3A_51 : memref<1x128x128xf32, #tpu.memory_space<hbm>> -> memref<128x128xf32, #tpu.memory_space<hbm>>
      %dma_wait3A_53 = arith.constant 0 : i32
      %dma_wait3A_54 = tpu.memref_slice %arg6[%arg0, %add3A_29, %dma_wait3A_53] : memref<2x10112x128xf32, #tpu.memory_space<hbm>> -> memref<1x128x128xf32, #tpu.memory_space<hbm>>
      %dma_wait3A_55 = tpu.memref_squeeze %dma_wait3A_54 : memref<1x128x128xf32, #tpu.memory_space<hbm>> -> memref<128x128xf32, #tpu.memory_space<hbm>>
      tpu.wait_dma2 semaphore(%run_scoped3A : memref<!tpu.dma_semaphore, #tpu.memory_space<semaphore_mem>>) src(%arg9 : memref<128x128xf32, #tpu.memory_space<vmem>>) dst(%dma_wait3A_55 : memref<128x128xf32, #tpu.memory_space<hbm>>)
      tpu.yield
    }) : () -> ()
    %add3A_30 = arith.constant 128 : i32
    %add3A_31 = arith.addi %mul3A_2, %add3A_30 : i32
    "tpu.region"() ({
      %run_scoped3A = tpu.sem_alloc : memref<!tpu.dma_semaphore, #tpu.memory_space<semaphore_mem>>
      %dma_start3A = arith.constant 0 : i32
      %dma_start3A_46 = tpu.memref_slice %arg10[%add3A_31, %dma_start3A] : memref<10112x128xf32, #tpu.memory_space<vmem_shared>> -> memref<128x128xf32, #tpu.memory_space<vmem_shared>>
      %dma_start3A_47 = arith.constant 0 : i32
      %dma_start3A_48 = tpu.memref_slice %arg10[%add3A_31, %dma_start3A_47] : memref<10112x128xf32, #tpu.memory_space<vmem_shared>> -> memref<128x128xf32, #tpu.memory_space<vmem_shared>>
      tpu.enqueue_dma source(%dma_start3A_48 : memref<128x128xf32, #tpu.memory_space<vmem_shared>>) target(%arg9 : memref<128x128xf32, #tpu.memory_space<vmem>>) target_semaphore(%run_scoped3A : memref<!tpu.dma_semaphore, #tpu.memory_space<semaphore_mem>>)
      %dma_wait3A = arith.constant 0 : i32
      %dma_wait3A_49 = tpu.memref_slice %arg10[%add3A_31, %dma_wait3A] : memref<10112x128xf32, #tpu.memory_space<vmem_shared>> -> memref<128x128xf32, #tpu.memory_space<vmem_shared>>
      %dma_wait3A_50 = arith.constant 0 : i32
      %dma_wait3A_51 = tpu.memref_slice %arg10[%add3A_31, %dma_wait3A_50] : memref<10112x128xf32, #tpu.memory_space<vmem_shared>> -> memref<128x128xf32, #tpu.memory_space<vmem_shared>>
      tpu.wait_dma2 semaphore(%run_scoped3A : memref<!tpu.dma_semaphore, #tpu.memory_space<semaphore_mem>>) src(%dma_wait3A_51 : memref<128x128xf32, #tpu.memory_space<vmem_shared>>) dst(%arg9 : memref<128x128xf32, #tpu.memory_space<vmem>>)
      tpu.yield
    }) : () -> ()
    %add3A_32 = arith.constant 128 : i32
    %add3A_33 = arith.addi %mul3A_2, %add3A_32 : i32
    "tpu.region"() ({
      %run_scoped3A = tpu.sem_alloc : memref<!tpu.dma_semaphore, #tpu.memory_space<semaphore_mem>>
      %dma_start3A = arith.constant 0 : i32
      %dma_start3A_46 = tpu.memref_slice %arg6[%arg0, %add3A_33, %dma_start3A] : memref<2x10112x128xf32, #tpu.memory_space<hbm>> -> memref<1x128x128xf32, #tpu.memory_space<hbm>>
      %dma_start3A_47 = tpu.memref_squeeze %dma_start3A_46 : memref<1x128x128xf32, #tpu.memory_space<hbm>> -> memref<128x128xf32, #tpu.memory_space<hbm>>
      %dma_start3A_48 = arith.constant 0 : i32
      %dma_start3A_49 = tpu.memref_slice %arg6[%arg0, %add3A_33, %dma_start3A_48] : memref<2x10112x128xf32, #tpu.memory_space<hbm>> -> memref<1x128x128xf32, #tpu.memory_space<hbm>>
      %dma_start3A_50 = tpu.memref_squeeze %dma_start3A_49 : memref<1x128x128xf32, #tpu.memory_space<hbm>> -> memref<128x128xf32, #tpu.memory_space<hbm>>
      tpu.enqueue_dma source(%arg9 : memref<128x128xf32, #tpu.memory_space<vmem>>) target(%dma_start3A_50 : memref<128x128xf32, #tpu.memory_space<hbm>>) target_semaphore(%run_scoped3A : memref<!tpu.dma_semaphore, #tpu.memory_space<semaphore_mem>>)
      %dma_wait3A = arith.constant 0 : i32
      %dma_wait3A_51 = tpu.memref_slice %arg6[%arg0, %add3A_33, %dma_wait3A] : memref<2x10112x128xf32, #tpu.memory_space<hbm>> -> memref<1x128x128xf32, #tpu.memory_space<hbm>>
      %dma_wait3A_52 = tpu.memref_squeeze %dma_wait3A_51 : memref<1x128x128xf32, #tpu.memory_space<hbm>> -> memref<128x128xf32, #tpu.memory_space<hbm>>
      %dma_wait3A_53 = arith.constant 0 : i32
      %dma_wait3A_54 = tpu.memref_slice %arg6[%arg0, %add3A_33, %dma_wait3A_53] : memref<2x10112x128xf32, #tpu.memory_space<hbm>> -> memref<1x128x128xf32, #tpu.memory_space<hbm>>
      %dma_wait3A_55 = tpu.memref_squeeze %dma_wait3A_54 : memref<1x128x128xf32, #tpu.memory_space<hbm>> -> memref<128x128xf32, #tpu.memory_space<hbm>>
      tpu.wait_dma2 semaphore(%run_scoped3A : memref<!tpu.dma_semaphore, #tpu.memory_space<semaphore_mem>>) src(%arg9 : memref<128x128xf32, #tpu.memory_space<vmem>>) dst(%dma_wait3A_55 : memref<128x128xf32, #tpu.memory_space<hbm>>)
      tpu.yield
    }) : () -> ()
    %add3A_34 = arith.constant 256 : i32
    %add3A_35 = arith.addi %mul3A_2, %add3A_34 : i32
    "tpu.region"() ({
      %run_scoped3A = tpu.sem_alloc : memref<!tpu.dma_semaphore, #tpu.memory_space<semaphore_mem>>
      %dma_start3A = arith.constant 0 : i32
      %dma_start3A_46 = tpu.memref_slice %arg10[%add3A_35, %dma_start3A] : memref<10112x128xf32, #tpu.memory_space<vmem_shared>> -> memref<128x128xf32, #tpu.memory_space<vmem_shared>>
      %dma_start3A_47 = arith.constant 0 : i32
      %dma_start3A_48 = tpu.memref_slice %arg10[%add3A_35, %dma_start3A_47] : memref<10112x128xf32, #tpu.memory_space<vmem_shared>> -> memref<128x128xf32, #tpu.memory_space<vmem_shared>>
      tpu.enqueue_dma source(%dma_start3A_48 : memref<128x128xf32, #tpu.memory_space<vmem_shared>>) target(%arg9 : memref<128x128xf32, #tpu.memory_space<vmem>>) target_semaphore(%run_scoped3A : memref<!tpu.dma_semaphore, #tpu.memory_space<semaphore_mem>>)
      %dma_wait3A = arith.constant 0 : i32
      %dma_wait3A_49 = tpu.memref_slice %arg10[%add3A_35, %dma_wait3A] : memref<10112x128xf32, #tpu.memory_space<vmem_shared>> -> memref<128x128xf32, #tpu.memory_space<vmem_shared>>
      %dma_wait3A_50 = arith.constant 0 : i32
      %dma_wait3A_51 = tpu.memref_slice %arg10[%add3A_35, %dma_wait3A_50] : memref<10112x128xf32, #tpu.memory_space<vmem_shared>> -> memref<128x128xf32, #tpu.memory_space<vmem_shared>>
      tpu.wait_dma2 semaphore(%run_scoped3A : memref<!tpu.dma_semaphore, #tpu.memory_space<semaphore_mem>>) src(%dma_wait3A_51 : memref<128x128xf32, #tpu.memory_space<vmem_shared>>) dst(%arg9 : memref<128x128xf32, #tpu.memory_space<vmem>>)
      tpu.yield
    }) : () -> ()
    %add3A_36 = arith.constant 256 : i32
    %add3A_37 = arith.addi %mul3A_2, %add3A_36 : i32
    "tpu.region"() ({
      %run_scoped3A = tpu.sem_alloc : memref<!tpu.dma_semaphore, #tpu.memory_space<semaphore_mem>>
      %dma_start3A = arith.constant 0 : i32
      %dma_start3A_46 = tpu.memref_slice %arg6[%arg0, %add3A_37, %dma_start3A] : memref<2x10112x128xf32, #tpu.memory_space<hbm>> -> memref<1x128x128xf32, #tpu.memory_space<hbm>>
      %dma_start3A_47 = tpu.memref_squeeze %dma_start3A_46 : memref<1x128x128xf32, #tpu.memory_space<hbm>> -> memref<128x128xf32, #tpu.memory_space<hbm>>
      %dma_start3A_48 = arith.constant 0 : i32
      %dma_start3A_49 = tpu.memref_slice %arg6[%arg0, %add3A_37, %dma_start3A_48] : memref<2x10112x128xf32, #tpu.memory_space<hbm>> -> memref<1x128x128xf32, #tpu.memory_space<hbm>>
      %dma_start3A_50 = tpu.memref_squeeze %dma_start3A_49 : memref<1x128x128xf32, #tpu.memory_space<hbm>> -> memref<128x128xf32, #tpu.memory_space<hbm>>
      tpu.enqueue_dma source(%arg9 : memref<128x128xf32, #tpu.memory_space<vmem>>) target(%dma_start3A_50 : memref<128x128xf32, #tpu.memory_space<hbm>>) target_semaphore(%run_scoped3A : memref<!tpu.dma_semaphore, #tpu.memory_space<semaphore_mem>>)
      %dma_wait3A = arith.constant 0 : i32
      %dma_wait3A_51 = tpu.memref_slice %arg6[%arg0, %add3A_37, %dma_wait3A] : memref<2x10112x128xf32, #tpu.memory_space<hbm>> -> memref<1x128x128xf32, #tpu.memory_space<hbm>>
      %dma_wait3A_52 = tpu.memref_squeeze %dma_wait3A_51 : memref<1x128x128xf32, #tpu.memory_space<hbm>> -> memref<128x128xf32, #tpu.memory_space<hbm>>
      %dma_wait3A_53 = arith.constant 0 : i32
      %dma_wait3A_54 = tpu.memref_slice %arg6[%arg0, %add3A_37, %dma_wait3A_53] : memref<2x10112x128xf32, #tpu.memory_space<hbm>> -> memref<1x128x128xf32, #tpu.memory_space<hbm>>
      %dma_wait3A_55 = tpu.memref_squeeze %dma_wait3A_54 : memref<1x128x128xf32, #tpu.memory_space<hbm>> -> memref<128x128xf32, #tpu.memory_space<hbm>>
      tpu.wait_dma2 semaphore(%run_scoped3A : memref<!tpu.dma_semaphore, #tpu.memory_space<semaphore_mem>>) src(%arg9 : memref<128x128xf32, #tpu.memory_space<vmem>>) dst(%dma_wait3A_55 : memref<128x128xf32, #tpu.memory_space<hbm>>)
      tpu.yield
    }) : () -> ()
    %add3A_38 = arith.constant 384 : i32
    %add3A_39 = arith.addi %mul3A_2, %add3A_38 : i32
    "tpu.region"() ({
      %run_scoped3A = tpu.sem_alloc : memref<!tpu.dma_semaphore, #tpu.memory_space<semaphore_mem>>
      %dma_start3A = arith.constant 0 : i32
      %dma_start3A_46 = tpu.memref_slice %arg10[%add3A_39, %dma_start3A] : memref<10112x128xf32, #tpu.memory_space<vmem_shared>> -> memref<128x128xf32, #tpu.memory_space<vmem_shared>>
      %dma_start3A_47 = arith.constant 0 : i32
      %dma_start3A_48 = tpu.memref_slice %arg10[%add3A_39, %dma_start3A_47] : memref<10112x128xf32, #tpu.memory_space<vmem_shared>> -> memref<128x128xf32, #tpu.memory_space<vmem_shared>>
      tpu.enqueue_dma source(%dma_start3A_48 : memref<128x128xf32, #tpu.memory_space<vmem_shared>>) target(%arg9 : memref<128x128xf32, #tpu.memory_space<vmem>>) target_semaphore(%run_scoped3A : memref<!tpu.dma_semaphore, #tpu.memory_space<semaphore_mem>>)
      %dma_wait3A = arith.constant 0 : i32
      %dma_wait3A_49 = tpu.memref_slice %arg10[%add3A_39, %dma_wait3A] : memref<10112x128xf32, #tpu.memory_space<vmem_shared>> -> memref<128x128xf32, #tpu.memory_space<vmem_shared>>
      %dma_wait3A_50 = arith.constant 0 : i32
      %dma_wait3A_51 = tpu.memref_slice %arg10[%add3A_39, %dma_wait3A_50] : memref<10112x128xf32, #tpu.memory_space<vmem_shared>> -> memref<128x128xf32, #tpu.memory_space<vmem_shared>>
      tpu.wait_dma2 semaphore(%run_scoped3A : memref<!tpu.dma_semaphore, #tpu.memory_space<semaphore_mem>>) src(%dma_wait3A_51 : memref<128x128xf32, #tpu.memory_space<vmem_shared>>) dst(%arg9 : memref<128x128xf32, #tpu.memory_space<vmem>>)
      tpu.yield
    }) : () -> ()
    %add3A_40 = arith.constant 384 : i32
    %add3A_41 = arith.addi %mul3A_2, %add3A_40 : i32
    "tpu.region"() ({
      %run_scoped3A = tpu.sem_alloc : memref<!tpu.dma_semaphore, #tpu.memory_space<semaphore_mem>>
      %dma_start3A = arith.constant 0 : i32
      %dma_start3A_46 = tpu.memref_slice %arg6[%arg0, %add3A_41, %dma_start3A] : memref<2x10112x128xf32, #tpu.memory_space<hbm>> -> memref<1x128x128xf32, #tpu.memory_space<hbm>>
      %dma_start3A_47 = tpu.memref_squeeze %dma_start3A_46 : memref<1x128x128xf32, #tpu.memory_space<hbm>> -> memref<128x128xf32, #tpu.memory_space<hbm>>
      %dma_start3A_48 = arith.constant 0 : i32
      %dma_start3A_49 = tpu.memref_slice %arg6[%arg0, %add3A_41, %dma_start3A_48] : memref<2x10112x128xf32, #tpu.memory_space<hbm>> -> memref<1x128x128xf32, #tpu.memory_space<hbm>>
      %dma_start3A_50 = tpu.memref_squeeze %dma_start3A_49 : memref<1x128x128xf32, #tpu.memory_space<hbm>> -> memref<128x128xf32, #tpu.memory_space<hbm>>
      tpu.enqueue_dma source(%arg9 : memref<128x128xf32, #tpu.memory_space<vmem>>) target(%dma_start3A_50 : memref<128x128xf32, #tpu.memory_space<hbm>>) target_semaphore(%run_scoped3A : memref<!tpu.dma_semaphore, #tpu.memory_space<semaphore_mem>>)
      %dma_wait3A = arith.constant 0 : i32
      %dma_wait3A_51 = tpu.memref_slice %arg6[%arg0, %add3A_41, %dma_wait3A] : memref<2x10112x128xf32, #tpu.memory_space<hbm>> -> memref<1x128x128xf32, #tpu.memory_space<hbm>>
      %dma_wait3A_52 = tpu.memref_squeeze %dma_wait3A_51 : memref<1x128x128xf32, #tpu.memory_space<hbm>> -> memref<128x128xf32, #tpu.memory_space<hbm>>
      %dma_wait3A_53 = arith.constant 0 : i32
      %dma_wait3A_54 = tpu.memref_slice %arg6[%arg0, %add3A_41, %dma_wait3A_53] : memref<2x10112x128xf32, #tpu.memory_space<hbm>> -> memref<1x128x128xf32, #tpu.memory_space<hbm>>
      %dma_wait3A_55 = tpu.memref_squeeze %dma_wait3A_54 : memref<1x128x128xf32, #tpu.memory_space<hbm>> -> memref<128x128xf32, #tpu.memory_space<hbm>>
      tpu.wait_dma2 semaphore(%run_scoped3A : memref<!tpu.dma_semaphore, #tpu.memory_space<semaphore_mem>>) src(%arg9 : memref<128x128xf32, #tpu.memory_space<vmem>>) dst(%dma_wait3A_55 : memref<128x128xf32, #tpu.memory_space<hbm>>)
      tpu.yield
    }) : () -> ()
    %add3A_42 = arith.constant 512 : i32
    %add3A_43 = arith.addi %mul3A_2, %add3A_42 : i32
    "tpu.region"() ({
      %run_scoped3A = tpu.sem_alloc : memref<!tpu.dma_semaphore, #tpu.memory_space<semaphore_mem>>
      %dma_start3A = arith.constant 0 : i32
      %dma_start3A_46 = arith.constant 0 : i32
      %dma_start3A_47 = tpu.memref_slice %arg9[%dma_start3A, %dma_start3A_46] : memref<128x128xf32, #tpu.memory_space<vmem>> -> memref<120x128xf32, #tpu.memory_space<vmem>>
      %dma_start3A_48 = arith.constant 0 : i32
      %dma_start3A_49 = tpu.memref_slice %arg10[%add3A_43, %dma_start3A_48] : memref<10112x128xf32, #tpu.memory_space<vmem_shared>> -> memref<120x128xf32, #tpu.memory_space<vmem_shared>>
      %dma_start3A_50 = arith.constant 0 : i32
      %dma_start3A_51 = arith.constant 0 : i32
      %dma_start3A_52 = tpu.memref_slice %arg9[%dma_start3A_50, %dma_start3A_51] : memref<128x128xf32, #tpu.memory_space<vmem>> -> memref<120x128xf32, #tpu.memory_space<vmem>>
      %dma_start3A_53 = arith.constant 0 : i32
      %dma_start3A_54 = tpu.memref_slice %arg10[%add3A_43, %dma_start3A_53] : memref<10112x128xf32, #tpu.memory_space<vmem_shared>> -> memref<120x128xf32, #tpu.memory_space<vmem_shared>>
      tpu.enqueue_dma source(%dma_start3A_54 : memref<120x128xf32, #tpu.memory_space<vmem_shared>>) target(%dma_start3A_52 : memref<120x128xf32, #tpu.memory_space<vmem>>) target_semaphore(%run_scoped3A : memref<!tpu.dma_semaphore, #tpu.memory_space<semaphore_mem>>)
      %dma_wait3A = arith.constant 0 : i32
      %dma_wait3A_55 = arith.constant 0 : i32
      %dma_wait3A_56 = tpu.memref_slice %arg9[%dma_wait3A, %dma_wait3A_55] : memref<128x128xf32, #tpu.memory_space<vmem>> -> memref<120x128xf32, #tpu.memory_space<vmem>>
      %dma_wait3A_57 = arith.constant 0 : i32
      %dma_wait3A_58 = tpu.memref_slice %arg10[%add3A_43, %dma_wait3A_57] : memref<10112x128xf32, #tpu.memory_space<vmem_shared>> -> memref<120x128xf32, #tpu.memory_space<vmem_shared>>
      %dma_wait3A_59 = arith.constant 0 : i32
      %dma_wait3A_60 = arith.constant 0 : i32
      %dma_wait3A_61 = tpu.memref_slice %arg9[%dma_wait3A_59, %dma_wait3A_60] : memref<128x128xf32, #tpu.memory_space<vmem>> -> memref<120x128xf32, #tpu.memory_space<vmem>>
      %dma_wait3A_62 = arith.constant 0 : i32
      %dma_wait3A_63 = tpu.memref_slice %arg10[%add3A_43, %dma_wait3A_62] : memref<10112x128xf32, #tpu.memory_space<vmem_shared>> -> memref<120x128xf32, #tpu.memory_space<vmem_shared>>
      tpu.wait_dma2 semaphore(%run_scoped3A : memref<!tpu.dma_semaphore, #tpu.memory_space<semaphore_mem>>) src(%dma_wait3A_63 : memref<120x128xf32, #tpu.memory_space<vmem_shared>>) dst(%dma_wait3A_61 : memref<120x128xf32, #tpu.memory_space<vmem>>)
      tpu.yield
    }) : () -> ()
    %add3A_44 = arith.constant 512 : i32
    %add3A_45 = arith.addi %mul3A_2, %add3A_44 : i32
    "tpu.region"() ({
      %run_scoped3A = tpu.sem_alloc : memref<!tpu.dma_semaphore, #tpu.memory_space<semaphore_mem>>
      %dma_start3A = arith.constant 0 : i32
      %dma_start3A_46 = arith.constant 0 : i32
      %dma_start3A_47 = tpu.memref_slice %arg9[%dma_start3A, %dma_start3A_46] : memref<128x128xf32, #tpu.memory_space<vmem>> -> memref<120x128xf32, #tpu.memory_space<vmem>>
      %dma_start3A_48 = arith.constant 0 : i32
      %dma_start3A_49 = tpu.memref_slice %arg6[%arg0, %add3A_45, %dma_start3A_48] : memref<2x10112x128xf32, #tpu.memory_space<hbm>> -> memref<1x120x128xf32, #tpu.memory_space<hbm>>
      %dma_start3A_50 = tpu.memref_squeeze %dma_start3A_49 : memref<1x120x128xf32, #tpu.memory_space<hbm>> -> memref<120x128xf32, #tpu.memory_space<hbm>>
      %dma_start3A_51 = arith.constant 0 : i32
      %dma_start3A_52 = tpu.memref_slice %arg6[%arg0, %add3A_45, %dma_start3A_51] : memref<2x10112x128xf32, #tpu.memory_space<hbm>> -> memref<1x120x128xf32, #tpu.memory_space<hbm>>
      %dma_start3A_53 = tpu.memref_squeeze %dma_start3A_52 : memref<1x120x128xf32, #tpu.memory_space<hbm>> -> memref<120x128xf32, #tpu.memory_space<hbm>>
      %dma_start3A_54 = arith.constant 0 : i32
      %dma_start3A_55 = arith.constant 0 : i32
      %dma_start3A_56 = tpu.memref_slice %arg9[%dma_start3A_54, %dma_start3A_55] : memref<128x128xf32, #tpu.memory_space<vmem>> -> memref<120x128xf32, #tpu.memory_space<vmem>>
      tpu.enqueue_dma source(%dma_start3A_56 : memref<120x128xf32, #tpu.memory_space<vmem>>) target(%dma_start3A_53 : memref<120x128xf32, #tpu.memory_space<hbm>>) target_semaphore(%run_scoped3A : memref<!tpu.dma_semaphore, #tpu.memory_space<semaphore_mem>>)
      %dma_wait3A = arith.constant 0 : i32
      %dma_wait3A_57 = arith.constant 0 : i32
      %dma_wait3A_58 = tpu.memref_slice %arg9[%dma_wait3A, %dma_wait3A_57] : memref<128x128xf32, #tpu.memory_space<vmem>> -> memref<120x128xf32, #tpu.memory_space<vmem>>
      %dma_wait3A_59 = arith.constant 0 : i32
      %dma_wait3A_60 = tpu.memref_slice %arg6[%arg0, %add3A_45, %dma_wait3A_59] : memref<2x10112x128xf32, #tpu.memory_space<hbm>> -> memref<1x120x128xf32, #tpu.memory_space<hbm>>
      %dma_wait3A_61 = tpu.memref_squeeze %dma_wait3A_60 : memref<1x120x128xf32, #tpu.memory_space<hbm>> -> memref<120x128xf32, #tpu.memory_space<hbm>>
      %dma_wait3A_62 = arith.constant 0 : i32
      %dma_wait3A_63 = tpu.memref_slice %arg6[%arg0, %add3A_45, %dma_wait3A_62] : memref<2x10112x128xf32, #tpu.memory_space<hbm>> -> memref<1x120x128xf32, #tpu.memory_space<hbm>>
      %dma_wait3A_64 = tpu.memref_squeeze %dma_wait3A_63 : memref<1x120x128xf32, #tpu.memory_space<hbm>> -> memref<120x128xf32, #tpu.memory_space<hbm>>
      %dma_wait3A_65 = arith.constant 0 : i32
      %dma_wait3A_66 = arith.constant 0 : i32
      %dma_wait3A_67 = tpu.memref_slice %arg9[%dma_wait3A_65, %dma_wait3A_66] : memref<128x128xf32, #tpu.memory_space<vmem>> -> memref<120x128xf32, #tpu.memory_space<vmem>>
      tpu.wait_dma2 semaphore(%run_scoped3A : memref<!tpu.dma_semaphore, #tpu.memory_space<semaphore_mem>>) src(%dma_wait3A_67 : memref<120x128xf32, #tpu.memory_space<vmem>>) dst(%dma_wait3A_64 : memref<120x128xf32, #tpu.memory_space<hbm>>)
      tpu.yield
    }) : () -> ()
    return
  }
}

#map = affine_map<(d0, d1) -> (0, 0)>
#map1 = affine_map<(d0, d1) -> (0, 0, 0)>
module attributes {stable_mosaic.version = 14 : i64} {
  func.func @k(%arg0: i32, %arg1: i32, %arg2: memref<10112x128xf32, #tpu.memory_space<hbm>>, %arg3: memref<32x95x128xi32, #tpu.memory_space<hbm>>, %arg4: memref<32x95x128xi32, #tpu.memory_space<hbm>>, %arg5: memref<128x128xf32, #tpu.memory_space<hbm>>, %arg6: memref<2x10112x128xf32, #tpu.memory_space<hbm>>, %arg7: memref<95x128xi32, #tpu.memory_space<vmem>>, %arg8: memref<95x128xi32, #tpu.memory_space<vmem>>, %arg9: memref<128x128xf32, #tpu.memory_space<vmem>>, %arg10: memref<10112x128xf32, #tpu.memory_space<vmem_shared>>, %arg11: memref<!tpu.dma_semaphore, #tpu.memory_space<semaphore_mem>>) attributes {dimension_semantics = [#tpu.dimension_semantics<core_parallel>, #tpu.dimension_semantics<subcore_parallel>], iteration_bounds = array<i64: 2, 16>, scalar_prefetch = 0 : i64, scratch_operands = 5 : i64, tpu.core_type = #tpu.core_type<sc_vector_subcore>, window_params = [{transform_indices = #map}, {transform_indices = #map1}, {transform_indices = #map1}, {transform_indices = #map}, {transform_indices = #map1}]} {
    %mul3A = arith.constant 16 : i32
    %mul3A_0 = arith.muli %arg0, %mul3A : i32
    %add3A = arith.addi %mul3A_0, %arg1 : i32
    %mul3A_1 = arith.constant 632 : i32
    %mul3A_2 = arith.muli %arg1, %mul3A_1 : i32
    %eq3A = arith.constant 0 : i32
    %eq3A_3 = arith.cmpi eq, %arg0, %eq3A : i32
    %select_n3A = arith.constant 62 : i32
    %select_n3A_4 = arith.constant 95 : i32
    %select_n3A_5 = arith.select %eq3A_3, %select_n3A_4, %select_n3A : i32
    "tpu.region"() ({
      %run_scoped3A = tpu.sem_alloc : memref<!tpu.dma_semaphore, #tpu.memory_space<semaphore_mem>>
      tpu.enqueue_dma source(%arg5 : memref<128x128xf32, #tpu.memory_space<hbm>>) target(%arg9 : memref<128x128xf32, #tpu.memory_space<vmem>>) target_semaphore(%run_scoped3A : memref<!tpu.dma_semaphore, #tpu.memory_space<semaphore_mem>>)
      tpu.wait_dma2 semaphore(%run_scoped3A : memref<!tpu.dma_semaphore, #tpu.memory_space<semaphore_mem>>) src(%arg5 : memref<128x128xf32, #tpu.memory_space<hbm>>) dst(%arg9 : memref<128x128xf32, #tpu.memory_space<vmem>>)
      tpu.yield
    }) : () -> ()
    %add3A_6 = arith.constant 0 : i32
    %add3A_7 = arith.addi %mul3A_2, %add3A_6 : i32
    "tpu.region"() ({
      %run_scoped3A = tpu.sem_alloc : memref<!tpu.dma_semaphore, #tpu.memory_space<semaphore_mem>>
      %dma_start3A = arith.constant 0 : i32
      %dma_start3A_46 = tpu.memref_slice %arg10[%add3A_7, %dma_start3A] : memref<10112x128xf32, #tpu.memory_space<vmem_shared>> -> memref<128x128xf32, #tpu.memory_space<vmem_shared>>
      %dma_start3A_47 = arith.constant 0 : i32
      %dma_start3A_48 = tpu.memref_slice %arg10[%add3A_7, %dma_start3A_47] : memref<10112x128xf32, #tpu.memory_space<vmem_shared>> -> memref<128x128xf32, #tpu.memory_space<vmem_shared>>
      tpu.enqueue_dma source(%arg9 : memref<128x128xf32, #tpu.memory_space<vmem>>) target(%dma_start3A_48 : memref<128x128xf32, #tpu.memory_space<vmem_shared>>) target_semaphore(%run_scoped3A : memref<!tpu.dma_semaphore, #tpu.memory_space<semaphore_mem>>)
      %dma_wait3A = arith.constant 0 : i32
      %dma_wait3A_49 = tpu.memref_slice %arg10[%add3A_7, %dma_wait3A] : memref<10112x128xf32, #tpu.memory_space<vmem_shared>> -> memref<128x128xf32, #tpu.memory_space<vmem_shared>>
      %dma_wait3A_50 = arith.constant 0 : i32
      %dma_wait3A_51 = tpu.memref_slice %arg10[%add3A_7, %dma_wait3A_50] : memref<10112x128xf32, #tpu.memory_space<vmem_shared>> -> memref<128x128xf32, #tpu.memory_space<vmem_shared>>
      tpu.wait_dma2 semaphore(%run_scoped3A : memref<!tpu.dma_semaphore, #tpu.memory_space<semaphore_mem>>) src(%arg9 : memref<128x128xf32, #tpu.memory_space<vmem>>) dst(%dma_wait3A_51 : memref<128x128xf32, #tpu.memory_space<vmem_shared>>)
      tpu.yield
    }) : () -> ()
    %add3A_8 = arith.constant 128 : i32
    %add3A_9 = arith.addi %mul3A_2, %add3A_8 : i32
    "tpu.region"() ({
      %run_scoped3A = tpu.sem_alloc : memref<!tpu.dma_semaphore, #tpu.memory_space<semaphore_mem>>
      %dma_start3A = arith.constant 0 : i32
      %dma_start3A_46 = tpu.memref_slice %arg10[%add3A_9, %dma_start3A] : memref<10112x128xf32, #tpu.memory_space<vmem_shared>> -> memref<128x128xf32, #tpu.memory_space<vmem_shared>>
      %dma_start3A_47 = arith.constant 0 : i32
      %dma_start3A_48 = tpu.memref_slice %arg10[%add3A_9, %dma_start3A_47] : memref<10112x128xf32, #tpu.memory_space<vmem_shared>> -> memref<128x128xf32, #tpu.memory_space<vmem_shared>>
      tpu.enqueue_dma source(%arg9 : memref<128x128xf32, #tpu.memory_space<vmem>>) target(%dma_start3A_48 : memref<128x128xf32, #tpu.memory_space<vmem_shared>>) target_semaphore(%run_scoped3A : memref<!tpu.dma_semaphore, #tpu.memory_space<semaphore_mem>>)
      %dma_wait3A = arith.constant 0 : i32
      %dma_wait3A_49 = tpu.memref_slice %arg10[%add3A_9, %dma_wait3A] : memref<10112x128xf32, #tpu.memory_space<vmem_shared>> -> memref<128x128xf32, #tpu.memory_space<vmem_shared>>
      %dma_wait3A_50 = arith.constant 0 : i32
      %dma_wait3A_51 = tpu.memref_slice %arg10[%add3A_9, %dma_wait3A_50] : memref<10112x128xf32, #tpu.memory_space<vmem_shared>> -> memref<128x128xf32, #tpu.memory_space<vmem_shared>>
      tpu.wait_dma2 semaphore(%run_scoped3A : memref<!tpu.dma_semaphore, #tpu.memory_space<semaphore_mem>>) src(%arg9 : memref<128x128xf32, #tpu.memory_space<vmem>>) dst(%dma_wait3A_51 : memref<128x128xf32, #tpu.memory_space<vmem_shared>>)
      tpu.yield
    }) : () -> ()
    %add3A_10 = arith.constant 256 : i32
    %add3A_11 = arith.addi %mul3A_2, %add3A_10 : i32
    "tpu.region"() ({
      %run_scoped3A = tpu.sem_alloc : memref<!tpu.dma_semaphore, #tpu.memory_space<semaphore_mem>>
      %dma_start3A = arith.constant 0 : i32
      %dma_start3A_46 = tpu.memref_slice %arg10[%add3A_11, %dma_start3A] : memref<10112x128xf32, #tpu.memory_space<vmem_shared>> -> memref<128x128xf32, #tpu.memory_space<vmem_shared>>
      %dma_start3A_47 = arith.constant 0 : i32
      %dma_start3A_48 = tpu.memref_slice %arg10[%add3A_11, %dma_start3A_47] : memref<10112x128xf32, #tpu.memory_space<vmem_shared>> -> memref<128x128xf32, #tpu.memory_space<vmem_shared>>
      tpu.enqueue_dma source(%arg9 : memref<128x128xf32, #tpu.memory_space<vmem>>) target(%dma_start3A_48 : memref<128x128xf32, #tpu.memory_space<vmem_shared>>) target_semaphore(%run_scoped3A : memref<!tpu.dma_semaphore, #tpu.memory_space<semaphore_mem>>)
      %dma_wait3A = arith.constant 0 : i32
      %dma_wait3A_49 = tpu.memref_slice %arg10[%add3A_11, %dma_wait3A] : memref<10112x128xf32, #tpu.memory_space<vmem_shared>> -> memref<128x128xf32, #tpu.memory_space<vmem_shared>>
      %dma_wait3A_50 = arith.constant 0 : i32
      %dma_wait3A_51 = tpu.memref_slice %arg10[%add3A_11, %dma_wait3A_50] : memref<10112x128xf32, #tpu.memory_space<vmem_shared>> -> memref<128x128xf32, #tpu.memory_space<vmem_shared>>
      tpu.wait_dma2 semaphore(%run_scoped3A : memref<!tpu.dma_semaphore, #tpu.memory_space<semaphore_mem>>) src(%arg9 : memref<128x128xf32, #tpu.memory_space<vmem>>) dst(%dma_wait3A_51 : memref<128x128xf32, #tpu.memory_space<vmem_shared>>)
      tpu.yield
    }) : () -> ()
    %add3A_12 = arith.constant 384 : i32
    %add3A_13 = arith.addi %mul3A_2, %add3A_12 : i32
    "tpu.region"() ({
      %run_scoped3A = tpu.sem_alloc : memref<!tpu.dma_semaphore, #tpu.memory_space<semaphore_mem>>
      %dma_start3A = arith.constant 0 : i32
      %dma_start3A_46 = tpu.memref_slice %arg10[%add3A_13, %dma_start3A] : memref<10112x128xf32, #tpu.memory_space<vmem_shared>> -> memref<128x128xf32, #tpu.memory_space<vmem_shared>>
      %dma_start3A_47 = arith.constant 0 : i32
      %dma_start3A_48 = tpu.memref_slice %arg10[%add3A_13, %dma_start3A_47] : memref<10112x128xf32, #tpu.memory_space<vmem_shared>> -> memref<128x128xf32, #tpu.memory_space<vmem_shared>>
      tpu.enqueue_dma source(%arg9 : memref<128x128xf32, #tpu.memory_space<vmem>>) target(%dma_start3A_48 : memref<128x128xf32, #tpu.memory_space<vmem_shared>>) target_semaphore(%run_scoped3A : memref<!tpu.dma_semaphore, #tpu.memory_space<semaphore_mem>>)
      %dma_wait3A = arith.constant 0 : i32
      %dma_wait3A_49 = tpu.memref_slice %arg10[%add3A_13, %dma_wait3A] : memref<10112x128xf32, #tpu.memory_space<vmem_shared>> -> memref<128x128xf32, #tpu.memory_space<vmem_shared>>
      %dma_wait3A_50 = arith.constant 0 : i32
      %dma_wait3A_51 = tpu.memref_slice %arg10[%add3A_13, %dma_wait3A_50] : memref<10112x128xf32, #tpu.memory_space<vmem_shared>> -> memref<128x128xf32, #tpu.memory_space<vmem_shared>>
      tpu.wait_dma2 semaphore(%run_scoped3A : memref<!tpu.dma_semaphore, #tpu.memory_space<semaphore_mem>>) src(%arg9 : memref<128x128xf32, #tpu.memory_space<vmem>>) dst(%dma_wait3A_51 : memref<128x128xf32, #tpu.memory_space<vmem_shared>>)
      tpu.yield
    }) : () -> ()
    %add3A_14 = arith.constant 512 : i32
    %add3A_15 = arith.addi %mul3A_2, %add3A_14 : i32
    "tpu.region"() ({
      %run_scoped3A = tpu.sem_alloc : memref<!tpu.dma_semaphore, #tpu.memory_space<semaphore_mem>>
      %dma_start3A = arith.constant 0 : i32
      %dma_start3A_46 = arith.constant 0 : i32
      %dma_start3A_47 = tpu.memref_slice %arg9[%dma_start3A, %dma_start3A_46] : memref<128x128xf32, #tpu.memory_space<vmem>> -> memref<120x128xf32, #tpu.memory_space<vmem>>
      %dma_start3A_48 = arith.constant 0 : i32
      %dma_start3A_49 = tpu.memref_slice %arg10[%add3A_15, %dma_start3A_48] : memref<10112x128xf32, #tpu.memory_space<vmem_shared>> -> memref<120x128xf32, #tpu.memory_space<vmem_shared>>
      %dma_start3A_50 = arith.constant 0 : i32
      %dma_start3A_51 = tpu.memref_slice %arg10[%add3A_15, %dma_start3A_50] : memref<10112x128xf32, #tpu.memory_space<vmem_shared>> -> memref<120x128xf32, #tpu.memory_space<vmem_shared>>
      %dma_start3A_52 = arith.constant 0 : i32
      %dma_start3A_53 = arith.constant 0 : i32
      %dma_start3A_54 = tpu.memref_slice %arg9[%dma_start3A_52, %dma_start3A_53] : memref<128x128xf32, #tpu.memory_space<vmem>> -> memref<120x128xf32, #tpu.memory_space<vmem>>
      tpu.enqueue_dma source(%dma_start3A_54 : memref<120x128xf32, #tpu.memory_space<vmem>>) target(%dma_start3A_51 : memref<120x128xf32, #tpu.memory_space<vmem_shared>>) target_semaphore(%run_scoped3A : memref<!tpu.dma_semaphore, #tpu.memory_space<semaphore_mem>>)
      %dma_wait3A = arith.constant 0 : i32
      %dma_wait3A_55 = arith.constant 0 : i32
      %dma_wait3A_56 = tpu.memref_slice %arg9[%dma_wait3A, %dma_wait3A_55] : memref<128x128xf32, #tpu.memory_space<vmem>> -> memref<120x128xf32, #tpu.memory_space<vmem>>
      %dma_wait3A_57 = arith.constant 0 : i32
      %dma_wait3A_58 = tpu.memref_slice %arg10[%add3A_15, %dma_wait3A_57] : memref<10112x128xf32, #tpu.memory_space<vmem_shared>> -> memref<120x128xf32, #tpu.memory_space<vmem_shared>>
      %dma_wait3A_59 = arith.constant 0 : i32
      %dma_wait3A_60 = tpu.memref_slice %arg10[%add3A_15, %dma_wait3A_59] : memref<10112x128xf32, #tpu.memory_space<vmem_shared>> -> memref<120x128xf32, #tpu.memory_space<vmem_shared>>
      %dma_wait3A_61 = arith.constant 0 : i32
      %dma_wait3A_62 = arith.constant 0 : i32
      %dma_wait3A_63 = tpu.memref_slice %arg9[%dma_wait3A_61, %dma_wait3A_62] : memref<128x128xf32, #tpu.memory_space<vmem>> -> memref<120x128xf32, #tpu.memory_space<vmem>>
      tpu.wait_dma2 semaphore(%run_scoped3A : memref<!tpu.dma_semaphore, #tpu.memory_space<semaphore_mem>>) src(%dma_wait3A_63 : memref<120x128xf32, #tpu.memory_space<vmem>>) dst(%dma_wait3A_60 : memref<120x128xf32, #tpu.memory_space<vmem_shared>>)
      tpu.yield
    }) : () -> ()
    "tpu.region"() ({
      %run_scoped3A = tpu.sem_alloc : memref<!tpu.dma_semaphore, #tpu.memory_space<semaphore_mem>>
      %dma_start3A = arith.constant 0 : i32
      %dma_start3A_46 = arith.constant 0 : i32
      %dma_start3A_47 = tpu.memref_slice %arg3[%add3A, %dma_start3A, %dma_start3A_46] : memref<32x95x128xi32, #tpu.memory_space<hbm>> -> memref<1x95x128xi32, #tpu.memory_space<hbm>>
      %dma_start3A_48 = tpu.memref_squeeze %dma_start3A_47 : memref<1x95x128xi32, #tpu.memory_space<hbm>> -> memref<95x128xi32, #tpu.memory_space<hbm>>
      %dma_start3A_49 = arith.constant 0 : i32
      %dma_start3A_50 = arith.constant 0 : i32
      %dma_start3A_51 = tpu.memref_slice %arg3[%add3A, %dma_start3A_49, %dma_start3A_50] : memref<32x95x128xi32, #tpu.memory_space<hbm>> -> memref<1x95x128xi32, #tpu.memory_space<hbm>>
      %dma_start3A_52 = tpu.memref_squeeze %dma_start3A_51 : memref<1x95x128xi32, #tpu.memory_space<hbm>> -> memref<95x128xi32, #tpu.memory_space<hbm>>
      tpu.enqueue_dma source(%dma_start3A_52 : memref<95x128xi32, #tpu.memory_space<hbm>>) target(%arg7 : memref<95x128xi32, #tpu.memory_space<vmem>>) target_semaphore(%run_scoped3A : memref<!tpu.dma_semaphore, #tpu.memory_space<semaphore_mem>>)
      %dma_wait3A = arith.constant 0 : i32
      %dma_wait3A_53 = arith.constant 0 : i32
      %dma_wait3A_54 = tpu.memref_slice %arg3[%add3A, %dma_wait3A, %dma_wait3A_53] : memref<32x95x128xi32, #tpu.memory_space<hbm>> -> memref<1x95x128xi32, #tpu.memory_space<hbm>>
      %dma_wait3A_55 = tpu.memref_squeeze %dma_wait3A_54 : memref<1x95x128xi32, #tpu.memory_space<hbm>> -> memref<95x128xi32, #tpu.memory_space<hbm>>
      %dma_wait3A_56 = arith.constant 0 : i32
      %dma_wait3A_57 = arith.constant 0 : i32
      %dma_wait3A_58 = tpu.memref_slice %arg3[%add3A, %dma_wait3A_56, %dma_wait3A_57] : memref<32x95x128xi32, #tpu.memory_space<hbm>> -> memref<1x95x128xi32, #tpu.memory_space<hbm>>
      %dma_wait3A_59 = tpu.memref_squeeze %dma_wait3A_58 : memref<1x95x128xi32, #tpu.memory_space<hbm>> -> memref<95x128xi32, #tpu.memory_space<hbm>>
      tpu.wait_dma2 semaphore(%run_scoped3A : memref<!tpu.dma_semaphore, #tpu.memory_space<semaphore_mem>>) src(%dma_wait3A_59 : memref<95x128xi32, #tpu.memory_space<hbm>>) dst(%arg7 : memref<95x128xi32, #tpu.memory_space<vmem>>)
      tpu.yield
    }) : () -> ()
    "tpu.region"() ({
      %run_scoped3A = tpu.sem_alloc : memref<!tpu.dma_semaphore, #tpu.memory_space<semaphore_mem>>
      %dma_start3A = arith.constant 0 : i32
      %dma_start3A_46 = arith.constant 0 : i32
      %dma_start3A_47 = tpu.memref_slice %arg4[%add3A, %dma_start3A, %dma_start3A_46] : memref<32x95x128xi32, #tpu.memory_space<hbm>> -> memref<1x95x128xi32, #tpu.memory_space<hbm>>
      %dma_start3A_48 = tpu.memref_squeeze %dma_start3A_47 : memref<1x95x128xi32, #tpu.memory_space<hbm>> -> memref<95x128xi32, #tpu.memory_space<hbm>>
      %dma_start3A_49 = arith.constant 0 : i32
      %dma_start3A_50 = arith.constant 0 : i32
      %dma_start3A_51 = tpu.memref_slice %arg4[%add3A, %dma_start3A_49, %dma_start3A_50] : memref<32x95x128xi32, #tpu.memory_space<hbm>> -> memref<1x95x128xi32, #tpu.memory_space<hbm>>
      %dma_start3A_52 = tpu.memref_squeeze %dma_start3A_51 : memref<1x95x128xi32, #tpu.memory_space<hbm>> -> memref<95x128xi32, #tpu.memory_space<hbm>>
      tpu.enqueue_dma source(%dma_start3A_52 : memref<95x128xi32, #tpu.memory_space<hbm>>) target(%arg8 : memref<95x128xi32, #tpu.memory_space<vmem>>) target_semaphore(%run_scoped3A : memref<!tpu.dma_semaphore, #tpu.memory_space<semaphore_mem>>)
      %dma_wait3A = arith.constant 0 : i32
      %dma_wait3A_53 = arith.constant 0 : i32
      %dma_wait3A_54 = tpu.memref_slice %arg4[%add3A, %dma_wait3A, %dma_wait3A_53] : memref<32x95x128xi32, #tpu.memory_space<hbm>> -> memref<1x95x128xi32, #tpu.memory_space<hbm>>
      %dma_wait3A_55 = tpu.memref_squeeze %dma_wait3A_54 : memref<1x95x128xi32, #tpu.memory_space<hbm>> -> memref<95x128xi32, #tpu.memory_space<hbm>>
      %dma_wait3A_56 = arith.constant 0 : i32
      %dma_wait3A_57 = arith.constant 0 : i32
      %dma_wait3A_58 = tpu.memref_slice %arg4[%add3A, %dma_wait3A_56, %dma_wait3A_57] : memref<32x95x128xi32, #tpu.memory_space<hbm>> -> memref<1x95x128xi32, #tpu.memory_space<hbm>>
      %dma_wait3A_59 = tpu.memref_squeeze %dma_wait3A_58 : memref<1x95x128xi32, #tpu.memory_space<hbm>> -> memref<95x128xi32, #tpu.memory_space<hbm>>
      tpu.wait_dma2 semaphore(%run_scoped3A : memref<!tpu.dma_semaphore, #tpu.memory_space<semaphore_mem>>) src(%dma_wait3A_59 : memref<95x128xi32, #tpu.memory_space<hbm>>) dst(%arg8 : memref<95x128xi32, #tpu.memory_space<vmem>>)
      tpu.yield
    }) : () -> ()
    %barrier3A = arith.constant 0 : index
    tpu.barrier barrier_id(%barrier3A)
    %while3A = arith.constant 0 : i32
    %while3A_16 = arith.constant 0 : i32
    %while3A_17 = arith.subi %select_n3A_5, %while3A_16 : i32
    %while3A_18 = arith.addi %while3A_16, %while3A_17 : i32
    %while3A_19 = arith.constant 1 : i32
    %while3A_20 = arith.divsi %while3A_17, %while3A_19 : i32
    %while3A_21 = arith.muli %while3A_20, %while3A_19 : i32
    %while3A_22 = arith.addi %while3A_16, %while3A_21 : i32
    %while3A_23 = arith.constant 1 : i32
    scf.for %while3A_46 = %while3A_16 to %while3A_22 step %while3A_23  : i32 {
      %dma_start3A = arith.constant 0 : i32
      %dma_start3A_47 = tpu.memref_slice %arg7[%while3A_46, %dma_start3A] : memref<95x128xi32, #tpu.memory_space<vmem>> -> memref<1x128xi32, #tpu.memory_space<vmem>>
      %dma_start3A_48 = tpu.memref_squeeze %dma_start3A_47 : memref<1x128xi32, #tpu.memory_space<vmem>> -> memref<128xi32, #tpu.memory_space<vmem>>
      %dma_start3A_49 = arith.constant 0 : i32
      %dma_start3A_50 = arith.constant 0 : i32
      %dma_start3A_51 = tpu.memref_slice %arg2[%dma_start3A_49, %dma_start3A_50] : memref<10112x128xf32, #tpu.memory_space<hbm>> -> memref<10112x128xf32, #tpu.memory_space<hbm>>
      tpu.enqueue_indirect_dma source(%dma_start3A_51 : memref<10112x128xf32, #tpu.memory_space<hbm>>) target(%arg9 : memref<128x128xf32, #tpu.memory_space<vmem>>) offsets(%dma_start3A_48 : memref<128xi32, #tpu.memory_space<vmem>>) semaphore(%arg11 : memref<!tpu.dma_semaphore, #tpu.memory_space<semaphore_mem>>)
      %dma_wait3A = arith.constant 0 : i32
      %dma_wait3A_52 = tpu.memref_slice %arg7[%while3A_46, %dma_wait3A] : memref<95x128xi32, #tpu.memory_space<vmem>> -> memref<1x128xi32, #tpu.memory_space<vmem>>
      %dma_wait3A_53 = tpu.memref_squeeze %dma_wait3A_52 : memref<1x128xi32, #tpu.memory_space<vmem>> -> memref<128xi32, #tpu.memory_space<vmem>>
      %dma_wait3A_54 = arith.constant 0 : i32
      %dma_wait3A_55 = arith.constant 0 : i32
      %dma_wait3A_56 = tpu.memref_slice %arg2[%dma_wait3A_54, %dma_wait3A_55] : memref<10112x128xf32, #tpu.memory_space<hbm>> -> memref<10112x128xf32, #tpu.memory_space<hbm>>
      tpu.wait_indirect_dma semaphore(%arg11 : memref<!tpu.dma_semaphore, #tpu.memory_space<semaphore_mem>>) src(%dma_wait3A_56 : memref<10112x128xf32, #tpu.memory_space<hbm>>) dst(%arg9 : memref<128x128xf32, #tpu.memory_space<vmem>>)
      "tpu.region"() ({
        %run_scoped3A = tpu.sem_alloc : memref<!tpu.dma_semaphore, #tpu.memory_space<semaphore_mem>>
        %dma_start3A_57 = arith.constant 0 : i32
        %dma_start3A_58 = tpu.memref_slice %arg8[%while3A_46, %dma_start3A_57] : memref<95x128xi32, #tpu.memory_space<vmem>> -> memref<1x128xi32, #tpu.memory_space<vmem>>
        %dma_start3A_59 = tpu.memref_squeeze %dma_start3A_58 : memref<1x128xi32, #tpu.memory_space<vmem>> -> memref<128xi32, #tpu.memory_space<vmem>>
        %dma_start3A_60 = arith.constant 0 : i32
        %dma_start3A_61 = arith.constant 0 : i32
        %dma_start3A_62 = tpu.memref_slice %arg10[%dma_start3A_60, %dma_start3A_61] : memref<10112x128xf32, #tpu.memory_space<vmem_shared>> -> memref<10112x128xf32, #tpu.memory_space<vmem_shared>>
        tpu.enqueue_indirect_dma source(%arg9 : memref<128x128xf32, #tpu.memory_space<vmem>>) target(%dma_start3A_62 : memref<10112x128xf32, #tpu.memory_space<vmem_shared>>) offsets(%dma_start3A_59 : memref<128xi32, #tpu.memory_space<vmem>>) semaphore(%run_scoped3A : memref<!tpu.dma_semaphore, #tpu.memory_space<semaphore_mem>>) {add = true}
        %dma_wait3A_63 = arith.constant 0 : i32
        %dma_wait3A_64 = tpu.memref_slice %arg8[%while3A_46, %dma_wait3A_63] : memref<95x128xi32, #tpu.memory_space<vmem>> -> memref<1x128xi32, #tpu.memory_space<vmem>>
        %dma_wait3A_65 = tpu.memref_squeeze %dma_wait3A_64 : memref<1x128xi32, #tpu.memory_space<vmem>> -> memref<128xi32, #tpu.memory_space<vmem>>
        %dma_wait3A_66 = arith.constant 0 : i32
        %dma_wait3A_67 = arith.constant 0 : i32
        %dma_wait3A_68 = tpu.memref_slice %arg10[%dma_wait3A_66, %dma_wait3A_67] : memref<10112x128xf32, #tpu.memory_space<vmem_shared>> -> memref<10112x128xf32, #tpu.memory_space<vmem_shared>>
        tpu.wait_indirect_dma semaphore(%run_scoped3A : memref<!tpu.dma_semaphore, #tpu.memory_space<semaphore_mem>>) src(%arg9 : memref<128x128xf32, #tpu.memory_space<vmem>>) dst(%dma_wait3A_68 : memref<10112x128xf32, #tpu.memory_space<vmem_shared>>)
        tpu.yield
      }) : () -> ()
    }
    %while3A_24 = arith.constant 1 : i32
    scf.for %while3A_46 = %while3A_22 to %while3A_18 step %while3A_24  : i32 {
      %dma_start3A = arith.constant 0 : i32
      %dma_start3A_47 = tpu.memref_slice %arg7[%while3A_46, %dma_start3A] : memref<95x128xi32, #tpu.memory_space<vmem>> -> memref<1x128xi32, #tpu.memory_space<vmem>>
      %dma_start3A_48 = tpu.memref_squeeze %dma_start3A_47 : memref<1x128xi32, #tpu.memory_space<vmem>> -> memref<128xi32, #tpu.memory_space<vmem>>
      %dma_start3A_49 = arith.constant 0 : i32
      %dma_start3A_50 = arith.constant 0 : i32
      %dma_start3A_51 = tpu.memref_slice %arg2[%dma_start3A_49, %dma_start3A_50] : memref<10112x128xf32, #tpu.memory_space<hbm>> -> memref<10112x128xf32, #tpu.memory_space<hbm>>
      tpu.enqueue_indirect_dma source(%dma_start3A_51 : memref<10112x128xf32, #tpu.memory_space<hbm>>) target(%arg9 : memref<128x128xf32, #tpu.memory_space<vmem>>) offsets(%dma_start3A_48 : memref<128xi32, #tpu.memory_space<vmem>>) semaphore(%arg11 : memref<!tpu.dma_semaphore, #tpu.memory_space<semaphore_mem>>)
      %dma_wait3A = arith.constant 0 : i32
      %dma_wait3A_52 = tpu.memref_slice %arg7[%while3A_46, %dma_wait3A] : memref<95x128xi32, #tpu.memory_space<vmem>> -> memref<1x128xi32, #tpu.memory_space<vmem>>
      %dma_wait3A_53 = tpu.memref_squeeze %dma_wait3A_52 : memref<1x128xi32, #tpu.memory_space<vmem>> -> memref<128xi32, #tpu.memory_space<vmem>>
      %dma_wait3A_54 = arith.constant 0 : i32
      %dma_wait3A_55 = arith.constant 0 : i32
      %dma_wait3A_56 = tpu.memref_slice %arg2[%dma_wait3A_54, %dma_wait3A_55] : memref<10112x128xf32, #tpu.memory_space<hbm>> -> memref<10112x128xf32, #tpu.memory_space<hbm>>
      tpu.wait_indirect_dma semaphore(%arg11 : memref<!tpu.dma_semaphore, #tpu.memory_space<semaphore_mem>>) src(%dma_wait3A_56 : memref<10112x128xf32, #tpu.memory_space<hbm>>) dst(%arg9 : memref<128x128xf32, #tpu.memory_space<vmem>>)
      "tpu.region"() ({
        %run_scoped3A = tpu.sem_alloc : memref<!tpu.dma_semaphore, #tpu.memory_space<semaphore_mem>>
        %dma_start3A_57 = arith.constant 0 : i32
        %dma_start3A_58 = tpu.memref_slice %arg8[%while3A_46, %dma_start3A_57] : memref<95x128xi32, #tpu.memory_space<vmem>> -> memref<1x128xi32, #tpu.memory_space<vmem>>
        %dma_start3A_59 = tpu.memref_squeeze %dma_start3A_58 : memref<1x128xi32, #tpu.memory_space<vmem>> -> memref<128xi32, #tpu.memory_space<vmem>>
        %dma_start3A_60 = arith.constant 0 : i32
        %dma_start3A_61 = arith.constant 0 : i32
        %dma_start3A_62 = tpu.memref_slice %arg10[%dma_start3A_60, %dma_start3A_61] : memref<10112x128xf32, #tpu.memory_space<vmem_shared>> -> memref<10112x128xf32, #tpu.memory_space<vmem_shared>>
        tpu.enqueue_indirect_dma source(%arg9 : memref<128x128xf32, #tpu.memory_space<vmem>>) target(%dma_start3A_62 : memref<10112x128xf32, #tpu.memory_space<vmem_shared>>) offsets(%dma_start3A_59 : memref<128xi32, #tpu.memory_space<vmem>>) semaphore(%run_scoped3A : memref<!tpu.dma_semaphore, #tpu.memory_space<semaphore_mem>>) {add = true}
        %dma_wait3A_63 = arith.constant 0 : i32
        %dma_wait3A_64 = tpu.memref_slice %arg8[%while3A_46, %dma_wait3A_63] : memref<95x128xi32, #tpu.memory_space<vmem>> -> memref<1x128xi32, #tpu.memory_space<vmem>>
        %dma_wait3A_65 = tpu.memref_squeeze %dma_wait3A_64 : memref<1x128xi32, #tpu.memory_space<vmem>> -> memref<128xi32, #tpu.memory_space<vmem>>
        %dma_wait3A_66 = arith.constant 0 : i32
        %dma_wait3A_67 = arith.constant 0 : i32
        %dma_wait3A_68 = tpu.memref_slice %arg10[%dma_wait3A_66, %dma_wait3A_67] : memref<10112x128xf32, #tpu.memory_space<vmem_shared>> -> memref<10112x128xf32, #tpu.memory_space<vmem_shared>>
        tpu.wait_indirect_dma semaphore(%run_scoped3A : memref<!tpu.dma_semaphore, #tpu.memory_space<semaphore_mem>>) src(%arg9 : memref<128x128xf32, #tpu.memory_space<vmem>>) dst(%dma_wait3A_68 : memref<10112x128xf32, #tpu.memory_space<vmem_shared>>)
        tpu.yield
      }) : () -> ()
    }
    %barrier3A_25 = arith.constant 0 : index
    tpu.barrier barrier_id(%barrier3A_25)
    %add3A_26 = arith.constant 0 : i32
    %add3A_27 = arith.addi %mul3A_2, %add3A_26 : i32
    "tpu.region"() ({
      %run_scoped3A = tpu.sem_alloc : memref<!tpu.dma_semaphore, #tpu.memory_space<semaphore_mem>>
      %dma_start3A = arith.constant 0 : i32
      %dma_start3A_46 = tpu.memref_slice %arg10[%add3A_27, %dma_start3A] : memref<10112x128xf32, #tpu.memory_space<vmem_shared>> -> memref<128x128xf32, #tpu.memory_space<vmem_shared>>
      %dma_start3A_47 = arith.constant 0 : i32
      %dma_start3A_48 = tpu.memref_slice %arg10[%add3A_27, %dma_start3A_47] : memref<10112x128xf32, #tpu.memory_space<vmem_shared>> -> memref<128x128xf32, #tpu.memory_space<vmem_shared>>
      tpu.enqueue_dma source(%dma_start3A_48 : memref<128x128xf32, #tpu.memory_space<vmem_shared>>) target(%arg9 : memref<128x128xf32, #tpu.memory_space<vmem>>) target_semaphore(%run_scoped3A : memref<!tpu.dma_semaphore, #tpu.memory_space<semaphore_mem>>)
      %dma_wait3A = arith.constant 0 : i32
      %dma_wait3A_49 = tpu.memref_slice %arg10[%add3A_27, %dma_wait3A] : memref<10112x128xf32, #tpu.memory_space<vmem_shared>> -> memref<128x128xf32, #tpu.memory_space<vmem_shared>>
      %dma_wait3A_50 = arith.constant 0 : i32
      %dma_wait3A_51 = tpu.memref_slice %arg10[%add3A_27, %dma_wait3A_50] : memref<10112x128xf32, #tpu.memory_space<vmem_shared>> -> memref<128x128xf32, #tpu.memory_space<vmem_shared>>
      tpu.wait_dma2 semaphore(%run_scoped3A : memref<!tpu.dma_semaphore, #tpu.memory_space<semaphore_mem>>) src(%dma_wait3A_51 : memref<128x128xf32, #tpu.memory_space<vmem_shared>>) dst(%arg9 : memref<128x128xf32, #tpu.memory_space<vmem>>)
      tpu.yield
    }) : () -> ()
    %add3A_28 = arith.constant 0 : i32
    %add3A_29 = arith.addi %mul3A_2, %add3A_28 : i32
    "tpu.region"() ({
      %run_scoped3A = tpu.sem_alloc : memref<!tpu.dma_semaphore, #tpu.memory_space<semaphore_mem>>
      %dma_start3A = arith.constant 0 : i32
      %dma_start3A_46 = tpu.memref_slice %arg6[%arg0, %add3A_29, %dma_start3A] : memref<2x10112x128xf32, #tpu.memory_space<hbm>> -> memref<1x128x128xf32, #tpu.memory_space<hbm>>
      %dma_start3A_47 = tpu.memref_squeeze %dma_start3A_46 : memref<1x128x128xf32, #tpu.memory_space<hbm>> -> memref<128x128xf32, #tpu.memory_space<hbm>>
      %dma_start3A_48 = arith.constant 0 : i32
      %dma_start3A_49 = tpu.memref_slice %arg6[%arg0, %add3A_29, %dma_start3A_48] : memref<2x10112x128xf32, #tpu.memory_space<hbm>> -> memref<1x128x128xf32, #tpu.memory_space<hbm>>
      %dma_start3A_50 = tpu.memref_squeeze %dma_start3A_49 : memref<1x128x128xf32, #tpu.memory_space<hbm>> -> memref<128x128xf32, #tpu.memory_space<hbm>>
      tpu.enqueue_dma source(%arg9 : memref<128x128xf32, #tpu.memory_space<vmem>>) target(%dma_start3A_50 : memref<128x128xf32, #tpu.memory_space<hbm>>) target_semaphore(%run_scoped3A : memref<!tpu.dma_semaphore, #tpu.memory_space<semaphore_mem>>)
      %dma_wait3A = arith.constant 0 : i32
      %dma_wait3A_51 = tpu.memref_slice %arg6[%arg0, %add3A_29, %dma_wait3A] : memref<2x10112x128xf32, #tpu.memory_space<hbm>> -> memref<1x128x128xf32, #tpu.memory_space<hbm>>
      %dma_wait3A_52 = tpu.memref_squeeze %dma_wait3A_51 : memref<1x128x128xf32, #tpu.memory_space<hbm>> -> memref<128x128xf32, #tpu.memory_space<hbm>>
      %dma_wait3A_53 = arith.constant 0 : i32
      %dma_wait3A_54 = tpu.memref_slice %arg6[%arg0, %add3A_29, %dma_wait3A_53] : memref<2x10112x128xf32, #tpu.memory_space<hbm>> -> memref<1x128x128xf32, #tpu.memory_space<hbm>>
      %dma_wait3A_55 = tpu.memref_squeeze %dma_wait3A_54 : memref<1x128x128xf32, #tpu.memory_space<hbm>> -> memref<128x128xf32, #tpu.memory_space<hbm>>
      tpu.wait_dma2 semaphore(%run_scoped3A : memref<!tpu.dma_semaphore, #tpu.memory_space<semaphore_mem>>) src(%arg9 : memref<128x128xf32, #tpu.memory_space<vmem>>) dst(%dma_wait3A_55 : memref<128x128xf32, #tpu.memory_space<hbm>>)
      tpu.yield
    }) : () -> ()
    %add3A_30 = arith.constant 128 : i32
    %add3A_31 = arith.addi %mul3A_2, %add3A_30 : i32
    "tpu.region"() ({
      %run_scoped3A = tpu.sem_alloc : memref<!tpu.dma_semaphore, #tpu.memory_space<semaphore_mem>>
      %dma_start3A = arith.constant 0 : i32
      %dma_start3A_46 = tpu.memref_slice %arg10[%add3A_31, %dma_start3A] : memref<10112x128xf32, #tpu.memory_space<vmem_shared>> -> memref<128x128xf32, #tpu.memory_space<vmem_shared>>
      %dma_start3A_47 = arith.constant 0 : i32
      %dma_start3A_48 = tpu.memref_slice %arg10[%add3A_31, %dma_start3A_47] : memref<10112x128xf32, #tpu.memory_space<vmem_shared>> -> memref<128x128xf32, #tpu.memory_space<vmem_shared>>
      tpu.enqueue_dma source(%dma_start3A_48 : memref<128x128xf32, #tpu.memory_space<vmem_shared>>) target(%arg9 : memref<128x128xf32, #tpu.memory_space<vmem>>) target_semaphore(%run_scoped3A : memref<!tpu.dma_semaphore, #tpu.memory_space<semaphore_mem>>)
      %dma_wait3A = arith.constant 0 : i32
      %dma_wait3A_49 = tpu.memref_slice %arg10[%add3A_31, %dma_wait3A] : memref<10112x128xf32, #tpu.memory_space<vmem_shared>> -> memref<128x128xf32, #tpu.memory_space<vmem_shared>>
      %dma_wait3A_50 = arith.constant 0 : i32
      %dma_wait3A_51 = tpu.memref_slice %arg10[%add3A_31, %dma_wait3A_50] : memref<10112x128xf32, #tpu.memory_space<vmem_shared>> -> memref<128x128xf32, #tpu.memory_space<vmem_shared>>
      tpu.wait_dma2 semaphore(%run_scoped3A : memref<!tpu.dma_semaphore, #tpu.memory_space<semaphore_mem>>) src(%dma_wait3A_51 : memref<128x128xf32, #tpu.memory_space<vmem_shared>>) dst(%arg9 : memref<128x128xf32, #tpu.memory_space<vmem>>)
      tpu.yield
    }) : () -> ()
    %add3A_32 = arith.constant 128 : i32
    %add3A_33 = arith.addi %mul3A_2, %add3A_32 : i32
    "tpu.region"() ({
      %run_scoped3A = tpu.sem_alloc : memref<!tpu.dma_semaphore, #tpu.memory_space<semaphore_mem>>
      %dma_start3A = arith.constant 0 : i32
      %dma_start3A_46 = tpu.memref_slice %arg6[%arg0, %add3A_33, %dma_start3A] : memref<2x10112x128xf32, #tpu.memory_space<hbm>> -> memref<1x128x128xf32, #tpu.memory_space<hbm>>
      %dma_start3A_47 = tpu.memref_squeeze %dma_start3A_46 : memref<1x128x128xf32, #tpu.memory_space<hbm>> -> memref<128x128xf32, #tpu.memory_space<hbm>>
      %dma_start3A_48 = arith.constant 0 : i32
      %dma_start3A_49 = tpu.memref_slice %arg6[%arg0, %add3A_33, %dma_start3A_48] : memref<2x10112x128xf32, #tpu.memory_space<hbm>> -> memref<1x128x128xf32, #tpu.memory_space<hbm>>
      %dma_start3A_50 = tpu.memref_squeeze %dma_start3A_49 : memref<1x128x128xf32, #tpu.memory_space<hbm>> -> memref<128x128xf32, #tpu.memory_space<hbm>>
      tpu.enqueue_dma source(%arg9 : memref<128x128xf32, #tpu.memory_space<vmem>>) target(%dma_start3A_50 : memref<128x128xf32, #tpu.memory_space<hbm>>) target_semaphore(%run_scoped3A : memref<!tpu.dma_semaphore, #tpu.memory_space<semaphore_mem>>)
      %dma_wait3A = arith.constant 0 : i32
      %dma_wait3A_51 = tpu.memref_slice %arg6[%arg0, %add3A_33, %dma_wait3A] : memref<2x10112x128xf32, #tpu.memory_space<hbm>> -> memref<1x128x128xf32, #tpu.memory_space<hbm>>
      %dma_wait3A_52 = tpu.memref_squeeze %dma_wait3A_51 : memref<1x128x128xf32, #tpu.memory_space<hbm>> -> memref<128x128xf32, #tpu.memory_space<hbm>>
      %dma_wait3A_53 = arith.constant 0 : i32
      %dma_wait3A_54 = tpu.memref_slice %arg6[%arg0, %add3A_33, %dma_wait3A_53] : memref<2x10112x128xf32, #tpu.memory_space<hbm>> -> memref<1x128x128xf32, #tpu.memory_space<hbm>>
      %dma_wait3A_55 = tpu.memref_squeeze %dma_wait3A_54 : memref<1x128x128xf32, #tpu.memory_space<hbm>> -> memref<128x128xf32, #tpu.memory_space<hbm>>
      tpu.wait_dma2 semaphore(%run_scoped3A : memref<!tpu.dma_semaphore, #tpu.memory_space<semaphore_mem>>) src(%arg9 : memref<128x128xf32, #tpu.memory_space<vmem>>) dst(%dma_wait3A_55 : memref<128x128xf32, #tpu.memory_space<hbm>>)
      tpu.yield
    }) : () -> ()
    %add3A_34 = arith.constant 256 : i32
    %add3A_35 = arith.addi %mul3A_2, %add3A_34 : i32
    "tpu.region"() ({
      %run_scoped3A = tpu.sem_alloc : memref<!tpu.dma_semaphore, #tpu.memory_space<semaphore_mem>>
      %dma_start3A = arith.constant 0 : i32
      %dma_start3A_46 = tpu.memref_slice %arg10[%add3A_35, %dma_start3A] : memref<10112x128xf32, #tpu.memory_space<vmem_shared>> -> memref<128x128xf32, #tpu.memory_space<vmem_shared>>
      %dma_start3A_47 = arith.constant 0 : i32
      %dma_start3A_48 = tpu.memref_slice %arg10[%add3A_35, %dma_start3A_47] : memref<10112x128xf32, #tpu.memory_space<vmem_shared>> -> memref<128x128xf32, #tpu.memory_space<vmem_shared>>
      tpu.enqueue_dma source(%dma_start3A_48 : memref<128x128xf32, #tpu.memory_space<vmem_shared>>) target(%arg9 : memref<128x128xf32, #tpu.memory_space<vmem>>) target_semaphore(%run_scoped3A : memref<!tpu.dma_semaphore, #tpu.memory_space<semaphore_mem>>)
      %dma_wait3A = arith.constant 0 : i32
      %dma_wait3A_49 = tpu.memref_slice %arg10[%add3A_35, %dma_wait3A] : memref<10112x128xf32, #tpu.memory_space<vmem_shared>> -> memref<128x128xf32, #tpu.memory_space<vmem_shared>>
      %dma_wait3A_50 = arith.constant 0 : i32
      %dma_wait3A_51 = tpu.memref_slice %arg10[%add3A_35, %dma_wait3A_50] : memref<10112x128xf32, #tpu.memory_space<vmem_shared>> -> memref<128x128xf32, #tpu.memory_space<vmem_shared>>
      tpu.wait_dma2 semaphore(%run_scoped3A : memref<!tpu.dma_semaphore, #tpu.memory_space<semaphore_mem>>) src(%dma_wait3A_51 : memref<128x128xf32, #tpu.memory_space<vmem_shared>>) dst(%arg9 : memref<128x128xf32, #tpu.memory_space<vmem>>)
      tpu.yield
    }) : () -> ()
    %add3A_36 = arith.constant 256 : i32
    %add3A_37 = arith.addi %mul3A_2, %add3A_36 : i32
    "tpu.region"() ({
      %run_scoped3A = tpu.sem_alloc : memref<!tpu.dma_semaphore, #tpu.memory_space<semaphore_mem>>
      %dma_start3A = arith.constant 0 : i32
      %dma_start3A_46 = tpu.memref_slice %arg6[%arg0, %add3A_37, %dma_start3A] : memref<2x10112x128xf32, #tpu.memory_space<hbm>> -> memref<1x128x128xf32, #tpu.memory_space<hbm>>
      %dma_start3A_47 = tpu.memref_squeeze %dma_start3A_46 : memref<1x128x128xf32, #tpu.memory_space<hbm>> -> memref<128x128xf32, #tpu.memory_space<hbm>>
      %dma_start3A_48 = arith.constant 0 : i32
      %dma_start3A_49 = tpu.memref_slice %arg6[%arg0, %add3A_37, %dma_start3A_48] : memref<2x10112x128xf32, #tpu.memory_space<hbm>> -> memref<1x128x128xf32, #tpu.memory_space<hbm>>
      %dma_start3A_50 = tpu.memref_squeeze %dma_start3A_49 : memref<1x128x128xf32, #tpu.memory_space<hbm>> -> memref<128x128xf32, #tpu.memory_space<hbm>>
      tpu.enqueue_dma source(%arg9 : memref<128x128xf32, #tpu.memory_space<vmem>>) target(%dma_start3A_50 : memref<128x128xf32, #tpu.memory_space<hbm>>) target_semaphore(%run_scoped3A : memref<!tpu.dma_semaphore, #tpu.memory_space<semaphore_mem>>)
      %dma_wait3A = arith.constant 0 : i32
      %dma_wait3A_51 = tpu.memref_slice %arg6[%arg0, %add3A_37, %dma_wait3A] : memref<2x10112x128xf32, #tpu.memory_space<hbm>> -> memref<1x128x128xf32, #tpu.memory_space<hbm>>
      %dma_wait3A_52 = tpu.memref_squeeze %dma_wait3A_51 : memref<1x128x128xf32, #tpu.memory_space<hbm>> -> memref<128x128xf32, #tpu.memory_space<hbm>>
      %dma_wait3A_53 = arith.constant 0 : i32
      %dma_wait3A_54 = tpu.memref_slice %arg6[%arg0, %add3A_37, %dma_wait3A_53] : memref<2x10112x128xf32, #tpu.memory_space<hbm>> -> memref<1x128x128xf32, #tpu.memory_space<hbm>>
      %dma_wait3A_55 = tpu.memref_squeeze %dma_wait3A_54 : memref<1x128x128xf32, #tpu.memory_space<hbm>> -> memref<128x128xf32, #tpu.memory_space<hbm>>
      tpu.wait_dma2 semaphore(%run_scoped3A : memref<!tpu.dma_semaphore, #tpu.memory_space<semaphore_mem>>) src(%arg9 : memref<128x128xf32, #tpu.memory_space<vmem>>) dst(%dma_wait3A_55 : memref<128x128xf32, #tpu.memory_space<hbm>>)
      tpu.yield
    }) : () -> ()
    %add3A_38 = arith.constant 384 : i32
    %add3A_39 = arith.addi %mul3A_2, %add3A_38 : i32
    "tpu.region"() ({
      %run_scoped3A = tpu.sem_alloc : memref<!tpu.dma_semaphore, #tpu.memory_space<semaphore_mem>>
      %dma_start3A = arith.constant 0 : i32
      %dma_start3A_46 = tpu.memref_slice %arg10[%add3A_39, %dma_start3A] : memref<10112x128xf32, #tpu.memory_space<vmem_shared>> -> memref<128x128xf32, #tpu.memory_space<vmem_shared>>
      %dma_start3A_47 = arith.constant 0 : i32
      %dma_start3A_48 = tpu.memref_slice %arg10[%add3A_39, %dma_start3A_47] : memref<10112x128xf32, #tpu.memory_space<vmem_shared>> -> memref<128x128xf32, #tpu.memory_space<vmem_shared>>
      tpu.enqueue_dma source(%dma_start3A_48 : memref<128x128xf32, #tpu.memory_space<vmem_shared>>) target(%arg9 : memref<128x128xf32, #tpu.memory_space<vmem>>) target_semaphore(%run_scoped3A : memref<!tpu.dma_semaphore, #tpu.memory_space<semaphore_mem>>)
      %dma_wait3A = arith.constant 0 : i32
      %dma_wait3A_49 = tpu.memref_slice %arg10[%add3A_39, %dma_wait3A] : memref<10112x128xf32, #tpu.memory_space<vmem_shared>> -> memref<128x128xf32, #tpu.memory_space<vmem_shared>>
      %dma_wait3A_50 = arith.constant 0 : i32
      %dma_wait3A_51 = tpu.memref_slice %arg10[%add3A_39, %dma_wait3A_50] : memref<10112x128xf32, #tpu.memory_space<vmem_shared>> -> memref<128x128xf32, #tpu.memory_space<vmem_shared>>
      tpu.wait_dma2 semaphore(%run_scoped3A : memref<!tpu.dma_semaphore, #tpu.memory_space<semaphore_mem>>) src(%dma_wait3A_51 : memref<128x128xf32, #tpu.memory_space<vmem_shared>>) dst(%arg9 : memref<128x128xf32, #tpu.memory_space<vmem>>)
      tpu.yield
    }) : () -> ()
    %add3A_40 = arith.constant 384 : i32
    %add3A_41 = arith.addi %mul3A_2, %add3A_40 : i32
    "tpu.region"() ({
      %run_scoped3A = tpu.sem_alloc : memref<!tpu.dma_semaphore, #tpu.memory_space<semaphore_mem>>
      %dma_start3A = arith.constant 0 : i32
      %dma_start3A_46 = tpu.memref_slice %arg6[%arg0, %add3A_41, %dma_start3A] : memref<2x10112x128xf32, #tpu.memory_space<hbm>> -> memref<1x128x128xf32, #tpu.memory_space<hbm>>
      %dma_start3A_47 = tpu.memref_squeeze %dma_start3A_46 : memref<1x128x128xf32, #tpu.memory_space<hbm>> -> memref<128x128xf32, #tpu.memory_space<hbm>>
      %dma_start3A_48 = arith.constant 0 : i32
      %dma_start3A_49 = tpu.memref_slice %arg6[%arg0, %add3A_41, %dma_start3A_48] : memref<2x10112x128xf32, #tpu.memory_space<hbm>> -> memref<1x128x128xf32, #tpu.memory_space<hbm>>
      %dma_start3A_50 = tpu.memref_squeeze %dma_start3A_49 : memref<1x128x128xf32, #tpu.memory_space<hbm>> -> memref<128x128xf32, #tpu.memory_space<hbm>>
      tpu.enqueue_dma source(%arg9 : memref<128x128xf32, #tpu.memory_space<vmem>>) target(%dma_start3A_50 : memref<128x128xf32, #tpu.memory_space<hbm>>) target_semaphore(%run_scoped3A : memref<!tpu.dma_semaphore, #tpu.memory_space<semaphore_mem>>)
      %dma_wait3A = arith.constant 0 : i32
      %dma_wait3A_51 = tpu.memref_slice %arg6[%arg0, %add3A_41, %dma_wait3A] : memref<2x10112x128xf32, #tpu.memory_space<hbm>> -> memref<1x128x128xf32, #tpu.memory_space<hbm>>
      %dma_wait3A_52 = tpu.memref_squeeze %dma_wait3A_51 : memref<1x128x128xf32, #tpu.memory_space<hbm>> -> memref<128x128xf32, #tpu.memory_space<hbm>>
      %dma_wait3A_53 = arith.constant 0 : i32
      %dma_wait3A_54 = tpu.memref_slice %arg6[%arg0, %add3A_41, %dma_wait3A_53] : memref<2x10112x128xf32, #tpu.memory_space<hbm>> -> memref<1x128x128xf32, #tpu.memory_space<hbm>>
      %dma_wait3A_55 = tpu.memref_squeeze %dma_wait3A_54 : memref<1x128x128xf32, #tpu.memory_space<hbm>> -> memref<128x128xf32, #tpu.memory_space<hbm>>
      tpu.wait_dma2 semaphore(%run_scoped3A : memref<!tpu.dma_semaphore, #tpu.memory_space<semaphore_mem>>) src(%arg9 : memref<128x128xf32, #tpu.memory_space<vmem>>) dst(%dma_wait3A_55 : memref<128x128xf32, #tpu.memory_space<hbm>>)
      tpu.yield
    }) : () -> ()
    %add3A_42 = arith.constant 512 : i32
    %add3A_43 = arith.addi %mul3A_2, %add3A_42 : i32
    "tpu.region"() ({
      %run_scoped3A = tpu.sem_alloc : memref<!tpu.dma_semaphore, #tpu.memory_space<semaphore_mem>>
      %dma_start3A = arith.constant 0 : i32
      %dma_start3A_46 = arith.constant 0 : i32
      %dma_start3A_47 = tpu.memref_slice %arg9[%dma_start3A, %dma_start3A_46] : memref<128x128xf32, #tpu.memory_space<vmem>> -> memref<120x128xf32, #tpu.memory_space<vmem>>
      %dma_start3A_48 = arith.constant 0 : i32
      %dma_start3A_49 = tpu.memref_slice %arg10[%add3A_43, %dma_start3A_48] : memref<10112x128xf32, #tpu.memory_space<vmem_shared>> -> memref<120x128xf32, #tpu.memory_space<vmem_shared>>
      %dma_start3A_50 = arith.constant 0 : i32
      %dma_start3A_51 = arith.constant 0 : i32
      %dma_start3A_52 = tpu.memref_slice %arg9[%dma_start3A_50, %dma_start3A_51] : memref<128x128xf32, #tpu.memory_space<vmem>> -> memref<120x128xf32, #tpu.memory_space<vmem>>
      %dma_start3A_53 = arith.constant 0 : i32
      %dma_start3A_54 = tpu.memref_slice %arg10[%add3A_43, %dma_start3A_53] : memref<10112x128xf32, #tpu.memory_space<vmem_shared>> -> memref<120x128xf32, #tpu.memory_space<vmem_shared>>
      tpu.enqueue_dma source(%dma_start3A_54 : memref<120x128xf32, #tpu.memory_space<vmem_shared>>) target(%dma_start3A_52 : memref<120x128xf32, #tpu.memory_space<vmem>>) target_semaphore(%run_scoped3A : memref<!tpu.dma_semaphore, #tpu.memory_space<semaphore_mem>>)
      %dma_wait3A = arith.constant 0 : i32
      %dma_wait3A_55 = arith.constant 0 : i32
      %dma_wait3A_56 = tpu.memref_slice %arg9[%dma_wait3A, %dma_wait3A_55] : memref<128x128xf32, #tpu.memory_space<vmem>> -> memref<120x128xf32, #tpu.memory_space<vmem>>
      %dma_wait3A_57 = arith.constant 0 : i32
      %dma_wait3A_58 = tpu.memref_slice %arg10[%add3A_43, %dma_wait3A_57] : memref<10112x128xf32, #tpu.memory_space<vmem_shared>> -> memref<120x128xf32, #tpu.memory_space<vmem_shared>>
      %dma_wait3A_59 = arith.constant 0 : i32
      %dma_wait3A_60 = arith.constant 0 : i32
      %dma_wait3A_61 = tpu.memref_slice %arg9[%dma_wait3A_59, %dma_wait3A_60] : memref<128x128xf32, #tpu.memory_space<vmem>> -> memref<120x128xf32, #tpu.memory_space<vmem>>
      %dma_wait3A_62 = arith.constant 0 : i32
      %dma_wait3A_63 = tpu.memref_slice %arg10[%add3A_43, %dma_wait3A_62] : memref<10112x128xf32, #tpu.memory_space<vmem_shared>> -> memref<120x128xf32, #tpu.memory_space<vmem_shared>>
      tpu.wait_dma2 semaphore(%run_scoped3A : memref<!tpu.dma_semaphore, #tpu.memory_space<semaphore_mem>>) src(%dma_wait3A_63 : memref<120x128xf32, #tpu.memory_space<vmem_shared>>) dst(%dma_wait3A_61 : memref<120x128xf32, #tpu.memory_space<vmem>>)
      tpu.yield
    }) : () -> ()
    %add3A_44 = arith.constant 512 : i32
    %add3A_45 = arith.addi %mul3A_2, %add3A_44 : i32
    "tpu.region"() ({
      %run_scoped3A = tpu.sem_alloc : memref<!tpu.dma_semaphore, #tpu.memory_space<semaphore_mem>>
      %dma_start3A = arith.constant 0 : i32
      %dma_start3A_46 = arith.constant 0 : i32
      %dma_start3A_47 = tpu.memref_slice %arg9[%dma_start3A, %dma_start3A_46] : memref<128x128xf32, #tpu.memory_space<vmem>> -> memref<120x128xf32, #tpu.memory_space<vmem>>
      %dma_start3A_48 = arith.constant 0 : i32
      %dma_start3A_49 = tpu.memref_slice %arg6[%arg0, %add3A_45, %dma_start3A_48] : memref<2x10112x128xf32, #tpu.memory_space<hbm>> -> memref<1x120x128xf32, #tpu.memory_space<hbm>>
      %dma_start3A_50 = tpu.memref_squeeze %dma_start3A_49 : memref<1x120x128xf32, #tpu.memory_space<hbm>> -> memref<120x128xf32, #tpu.memory_space<hbm>>
      %dma_start3A_51 = arith.constant 0 : i32
      %dma_start3A_52 = tpu.memref_slice %arg6[%arg0, %add3A_45, %dma_start3A_51] : memref<2x10112x128xf32, #tpu.memory_space<hbm>> -> memref<1x120x128xf32, #tpu.memory_space<hbm>>
      %dma_start3A_53 = tpu.memref_squeeze %dma_start3A_52 : memref<1x120x128xf32, #tpu.memory_space<hbm>> -> memref<120x128xf32, #tpu.memory_space<hbm>>
      %dma_start3A_54 = arith.constant 0 : i32
      %dma_start3A_55 = arith.constant 0 : i32
      %dma_start3A_56 = tpu.memref_slice %arg9[%dma_start3A_54, %dma_start3A_55] : memref<128x128xf32, #tpu.memory_space<vmem>> -> memref<120x128xf32, #tpu.memory_space<vmem>>
      tpu.enqueue_dma source(%dma_start3A_56 : memref<120x128xf32, #tpu.memory_space<vmem>>) target(%dma_start3A_53 : memref<120x128xf32, #tpu.memory_space<hbm>>) target_semaphore(%run_scoped3A : memref<!tpu.dma_semaphore, #tpu.memory_space<semaphore_mem>>)
      %dma_wait3A = arith.constant 0 : i32
      %dma_wait3A_57 = arith.constant 0 : i32
      %dma_wait3A_58 = tpu.memref_slice %arg9[%dma_wait3A, %dma_wait3A_57] : memref<128x128xf32, #tpu.memory_space<vmem>> -> memref<120x128xf32, #tpu.memory_space<vmem>>
      %dma_wait3A_59 = arith.constant 0 : i32
      %dma_wait3A_60 = tpu.memref_slice %arg6[%arg0, %add3A_45, %dma_wait3A_59] : memref<2x10112x128xf32, #tpu.memory_space<hbm>> -> memref<1x120x128xf32, #tpu.memory_space<hbm>>
      %dma_wait3A_61 = tpu.memref_squeeze %dma_wait3A_60 : memref<1x120x128xf32, #tpu.memory_space<hbm>> -> memref<120x128xf32, #tpu.memory_space<hbm>>
      %dma_wait3A_62 = arith.constant 0 : i32
      %dma_wait3A_63 = tpu.memref_slice %arg6[%arg0, %add3A_45, %dma_wait3A_62] : memref<2x10112x128xf32, #tpu.memory_space<hbm>> -> memref<1x120x128xf32, #tpu.memory_space<hbm>>
      %dma_wait3A_64 = tpu.memref_squeeze %dma_wait3A_63 : memref<1x120x128xf32, #tpu.memory_space<hbm>> -> memref<120x128xf32, #tpu.memory_space<hbm>>
      %dma_wait3A_65 = arith.constant 0 : i32
      %dma_wait3A_66 = arith.constant 0 : i32
      %dma_wait3A_67 = tpu.memref_slice %arg9[%dma_wait3A_65, %dma_wait3A_66] : memref<128x128xf32, #tpu.memory_space<vmem>> -> memref<120x128xf32, #tpu.memory_space<vmem>>
      tpu.wait_dma2 semaphore(%run_scoped3A : memref<!tpu.dma_semaphore, #tpu.memory_space<semaphore_mem>>) src(%dma_wait3A_67 : memref<120x128xf32, #tpu.memory_space<vmem>>) dst(%dma_wait3A_64 : memref<120x128xf32, #tpu.memory_space<hbm>>)
      tpu.yield
    }) : () -> ()
    return
  }
}

#map = affine_map<(d0, d1) -> (0, 0)>
#map1 = affine_map<(d0, d1) -> (0, 0, 0)>
module attributes {stable_mosaic.version = 14 : i64} {
  func.func @k(%arg0: i32, %arg1: i32, %arg2: memref<10112x128xf32, #tpu.memory_space<hbm>>, %arg3: memref<32x95x128xi32, #tpu.memory_space<hbm>>, %arg4: memref<32x95x128xi32, #tpu.memory_space<hbm>>, %arg5: memref<128x128xf32, #tpu.memory_space<hbm>>, %arg6: memref<2x10112x128xf32, #tpu.memory_space<hbm>>, %arg7: memref<95x128xi32, #tpu.memory_space<vmem>>, %arg8: memref<95x128xi32, #tpu.memory_space<vmem>>, %arg9: memref<128x128xf32, #tpu.memory_space<vmem>>, %arg10: memref<10112x128xf32, #tpu.memory_space<vmem_shared>>, %arg11: memref<!tpu.dma_semaphore, #tpu.memory_space<semaphore_mem>>) attributes {dimension_semantics = [#tpu.dimension_semantics<core_parallel>, #tpu.dimension_semantics<subcore_parallel>], iteration_bounds = array<i64: 2, 16>, scalar_prefetch = 0 : i64, scratch_operands = 5 : i64, tpu.core_type = #tpu.core_type<sc_vector_subcore>, window_params = [{transform_indices = #map}, {transform_indices = #map1}, {transform_indices = #map1}, {transform_indices = #map}, {transform_indices = #map1}]} {
    %mul3A = arith.constant 16 : i32
    %mul3A_0 = arith.muli %arg0, %mul3A : i32
    %add3A = arith.addi %mul3A_0, %arg1 : i32
    %mul3A_1 = arith.constant 632 : i32
    %mul3A_2 = arith.muli %arg1, %mul3A_1 : i32
    %eq3A = arith.constant 0 : i32
    %eq3A_3 = arith.cmpi eq, %arg0, %eq3A : i32
    %select_n3A = arith.constant 62 : i32
    %select_n3A_4 = arith.constant 95 : i32
    %select_n3A_5 = arith.select %eq3A_3, %select_n3A_4, %select_n3A : i32
    "tpu.region"() ({
      %run_scoped3A = tpu.sem_alloc : memref<!tpu.dma_semaphore, #tpu.memory_space<semaphore_mem>>
      tpu.enqueue_dma source(%arg5 : memref<128x128xf32, #tpu.memory_space<hbm>>) target(%arg9 : memref<128x128xf32, #tpu.memory_space<vmem>>) target_semaphore(%run_scoped3A : memref<!tpu.dma_semaphore, #tpu.memory_space<semaphore_mem>>)
      tpu.wait_dma2 semaphore(%run_scoped3A : memref<!tpu.dma_semaphore, #tpu.memory_space<semaphore_mem>>) src(%arg5 : memref<128x128xf32, #tpu.memory_space<hbm>>) dst(%arg9 : memref<128x128xf32, #tpu.memory_space<vmem>>)
      tpu.yield
    }) : () -> ()
    %add3A_6 = arith.constant 0 : i32
    %add3A_7 = arith.addi %mul3A_2, %add3A_6 : i32
    "tpu.region"() ({
      %run_scoped3A = tpu.sem_alloc : memref<!tpu.dma_semaphore, #tpu.memory_space<semaphore_mem>>
      %dma_start3A = arith.constant 0 : i32
      %dma_start3A_46 = tpu.memref_slice %arg10[%add3A_7, %dma_start3A] : memref<10112x128xf32, #tpu.memory_space<vmem_shared>> -> memref<128x128xf32, #tpu.memory_space<vmem_shared>>
      %dma_start3A_47 = arith.constant 0 : i32
      %dma_start3A_48 = tpu.memref_slice %arg10[%add3A_7, %dma_start3A_47] : memref<10112x128xf32, #tpu.memory_space<vmem_shared>> -> memref<128x128xf32, #tpu.memory_space<vmem_shared>>
      tpu.enqueue_dma source(%arg9 : memref<128x128xf32, #tpu.memory_space<vmem>>) target(%dma_start3A_48 : memref<128x128xf32, #tpu.memory_space<vmem_shared>>) target_semaphore(%run_scoped3A : memref<!tpu.dma_semaphore, #tpu.memory_space<semaphore_mem>>)
      %dma_wait3A = arith.constant 0 : i32
      %dma_wait3A_49 = tpu.memref_slice %arg10[%add3A_7, %dma_wait3A] : memref<10112x128xf32, #tpu.memory_space<vmem_shared>> -> memref<128x128xf32, #tpu.memory_space<vmem_shared>>
      %dma_wait3A_50 = arith.constant 0 : i32
      %dma_wait3A_51 = tpu.memref_slice %arg10[%add3A_7, %dma_wait3A_50] : memref<10112x128xf32, #tpu.memory_space<vmem_shared>> -> memref<128x128xf32, #tpu.memory_space<vmem_shared>>
      tpu.wait_dma2 semaphore(%run_scoped3A : memref<!tpu.dma_semaphore, #tpu.memory_space<semaphore_mem>>) src(%arg9 : memref<128x128xf32, #tpu.memory_space<vmem>>) dst(%dma_wait3A_51 : memref<128x128xf32, #tpu.memory_space<vmem_shared>>)
      tpu.yield
    }) : () -> ()
    %add3A_8 = arith.constant 128 : i32
    %add3A_9 = arith.addi %mul3A_2, %add3A_8 : i32
    "tpu.region"() ({
      %run_scoped3A = tpu.sem_alloc : memref<!tpu.dma_semaphore, #tpu.memory_space<semaphore_mem>>
      %dma_start3A = arith.constant 0 : i32
      %dma_start3A_46 = tpu.memref_slice %arg10[%add3A_9, %dma_start3A] : memref<10112x128xf32, #tpu.memory_space<vmem_shared>> -> memref<128x128xf32, #tpu.memory_space<vmem_shared>>
      %dma_start3A_47 = arith.constant 0 : i32
      %dma_start3A_48 = tpu.memref_slice %arg10[%add3A_9, %dma_start3A_47] : memref<10112x128xf32, #tpu.memory_space<vmem_shared>> -> memref<128x128xf32, #tpu.memory_space<vmem_shared>>
      tpu.enqueue_dma source(%arg9 : memref<128x128xf32, #tpu.memory_space<vmem>>) target(%dma_start3A_48 : memref<128x128xf32, #tpu.memory_space<vmem_shared>>) target_semaphore(%run_scoped3A : memref<!tpu.dma_semaphore, #tpu.memory_space<semaphore_mem>>)
      %dma_wait3A = arith.constant 0 : i32
      %dma_wait3A_49 = tpu.memref_slice %arg10[%add3A_9, %dma_wait3A] : memref<10112x128xf32, #tpu.memory_space<vmem_shared>> -> memref<128x128xf32, #tpu.memory_space<vmem_shared>>
      %dma_wait3A_50 = arith.constant 0 : i32
      %dma_wait3A_51 = tpu.memref_slice %arg10[%add3A_9, %dma_wait3A_50] : memref<10112x128xf32, #tpu.memory_space<vmem_shared>> -> memref<128x128xf32, #tpu.memory_space<vmem_shared>>
      tpu.wait_dma2 semaphore(%run_scoped3A : memref<!tpu.dma_semaphore, #tpu.memory_space<semaphore_mem>>) src(%arg9 : memref<128x128xf32, #tpu.memory_space<vmem>>) dst(%dma_wait3A_51 : memref<128x128xf32, #tpu.memory_space<vmem_shared>>)
      tpu.yield
    }) : () -> ()
    %add3A_10 = arith.constant 256 : i32
    %add3A_11 = arith.addi %mul3A_2, %add3A_10 : i32
    "tpu.region"() ({
      %run_scoped3A = tpu.sem_alloc : memref<!tpu.dma_semaphore, #tpu.memory_space<semaphore_mem>>
      %dma_start3A = arith.constant 0 : i32
      %dma_start3A_46 = tpu.memref_slice %arg10[%add3A_11, %dma_start3A] : memref<10112x128xf32, #tpu.memory_space<vmem_shared>> -> memref<128x128xf32, #tpu.memory_space<vmem_shared>>
      %dma_start3A_47 = arith.constant 0 : i32
      %dma_start3A_48 = tpu.memref_slice %arg10[%add3A_11, %dma_start3A_47] : memref<10112x128xf32, #tpu.memory_space<vmem_shared>> -> memref<128x128xf32, #tpu.memory_space<vmem_shared>>
      tpu.enqueue_dma source(%arg9 : memref<128x128xf32, #tpu.memory_space<vmem>>) target(%dma_start3A_48 : memref<128x128xf32, #tpu.memory_space<vmem_shared>>) target_semaphore(%run_scoped3A : memref<!tpu.dma_semaphore, #tpu.memory_space<semaphore_mem>>)
      %dma_wait3A = arith.constant 0 : i32
      %dma_wait3A_49 = tpu.memref_slice %arg10[%add3A_11, %dma_wait3A] : memref<10112x128xf32, #tpu.memory_space<vmem_shared>> -> memref<128x128xf32, #tpu.memory_space<vmem_shared>>
      %dma_wait3A_50 = arith.constant 0 : i32
      %dma_wait3A_51 = tpu.memref_slice %arg10[%add3A_11, %dma_wait3A_50] : memref<10112x128xf32, #tpu.memory_space<vmem_shared>> -> memref<128x128xf32, #tpu.memory_space<vmem_shared>>
      tpu.wait_dma2 semaphore(%run_scoped3A : memref<!tpu.dma_semaphore, #tpu.memory_space<semaphore_mem>>) src(%arg9 : memref<128x128xf32, #tpu.memory_space<vmem>>) dst(%dma_wait3A_51 : memref<128x128xf32, #tpu.memory_space<vmem_shared>>)
      tpu.yield
    }) : () -> ()
    %add3A_12 = arith.constant 384 : i32
    %add3A_13 = arith.addi %mul3A_2, %add3A_12 : i32
    "tpu.region"() ({
      %run_scoped3A = tpu.sem_alloc : memref<!tpu.dma_semaphore, #tpu.memory_space<semaphore_mem>>
      %dma_start3A = arith.constant 0 : i32
      %dma_start3A_46 = tpu.memref_slice %arg10[%add3A_13, %dma_start3A] : memref<10112x128xf32, #tpu.memory_space<vmem_shared>> -> memref<128x128xf32, #tpu.memory_space<vmem_shared>>
      %dma_start3A_47 = arith.constant 0 : i32
      %dma_start3A_48 = tpu.memref_slice %arg10[%add3A_13, %dma_start3A_47] : memref<10112x128xf32, #tpu.memory_space<vmem_shared>> -> memref<128x128xf32, #tpu.memory_space<vmem_shared>>
      tpu.enqueue_dma source(%arg9 : memref<128x128xf32, #tpu.memory_space<vmem>>) target(%dma_start3A_48 : memref<128x128xf32, #tpu.memory_space<vmem_shared>>) target_semaphore(%run_scoped3A : memref<!tpu.dma_semaphore, #tpu.memory_space<semaphore_mem>>)
      %dma_wait3A = arith.constant 0 : i32
      %dma_wait3A_49 = tpu.memref_slice %arg10[%add3A_13, %dma_wait3A] : memref<10112x128xf32, #tpu.memory_space<vmem_shared>> -> memref<128x128xf32, #tpu.memory_space<vmem_shared>>
      %dma_wait3A_50 = arith.constant 0 : i32
      %dma_wait3A_51 = tpu.memref_slice %arg10[%add3A_13, %dma_wait3A_50] : memref<10112x128xf32, #tpu.memory_space<vmem_shared>> -> memref<128x128xf32, #tpu.memory_space<vmem_shared>>
      tpu.wait_dma2 semaphore(%run_scoped3A : memref<!tpu.dma_semaphore, #tpu.memory_space<semaphore_mem>>) src(%arg9 : memref<128x128xf32, #tpu.memory_space<vmem>>) dst(%dma_wait3A_51 : memref<128x128xf32, #tpu.memory_space<vmem_shared>>)
      tpu.yield
    }) : () -> ()
    %add3A_14 = arith.constant 512 : i32
    %add3A_15 = arith.addi %mul3A_2, %add3A_14 : i32
    "tpu.region"() ({
      %run_scoped3A = tpu.sem_alloc : memref<!tpu.dma_semaphore, #tpu.memory_space<semaphore_mem>>
      %dma_start3A = arith.constant 0 : i32
      %dma_start3A_46 = arith.constant 0 : i32
      %dma_start3A_47 = tpu.memref_slice %arg9[%dma_start3A, %dma_start3A_46] : memref<128x128xf32, #tpu.memory_space<vmem>> -> memref<120x128xf32, #tpu.memory_space<vmem>>
      %dma_start3A_48 = arith.constant 0 : i32
      %dma_start3A_49 = tpu.memref_slice %arg10[%add3A_15, %dma_start3A_48] : memref<10112x128xf32, #tpu.memory_space<vmem_shared>> -> memref<120x128xf32, #tpu.memory_space<vmem_shared>>
      %dma_start3A_50 = arith.constant 0 : i32
      %dma_start3A_51 = tpu.memref_slice %arg10[%add3A_15, %dma_start3A_50] : memref<10112x128xf32, #tpu.memory_space<vmem_shared>> -> memref<120x128xf32, #tpu.memory_space<vmem_shared>>
      %dma_start3A_52 = arith.constant 0 : i32
      %dma_start3A_53 = arith.constant 0 : i32
      %dma_start3A_54 = tpu.memref_slice %arg9[%dma_start3A_52, %dma_start3A_53] : memref<128x128xf32, #tpu.memory_space<vmem>> -> memref<120x128xf32, #tpu.memory_space<vmem>>
      tpu.enqueue_dma source(%dma_start3A_54 : memref<120x128xf32, #tpu.memory_space<vmem>>) target(%dma_start3A_51 : memref<120x128xf32, #tpu.memory_space<vmem_shared>>) target_semaphore(%run_scoped3A : memref<!tpu.dma_semaphore, #tpu.memory_space<semaphore_mem>>)
      %dma_wait3A = arith.constant 0 : i32
      %dma_wait3A_55 = arith.constant 0 : i32
      %dma_wait3A_56 = tpu.memref_slice %arg9[%dma_wait3A, %dma_wait3A_55] : memref<128x128xf32, #tpu.memory_space<vmem>> -> memref<120x128xf32, #tpu.memory_space<vmem>>
      %dma_wait3A_57 = arith.constant 0 : i32
      %dma_wait3A_58 = tpu.memref_slice %arg10[%add3A_15, %dma_wait3A_57] : memref<10112x128xf32, #tpu.memory_space<vmem_shared>> -> memref<120x128xf32, #tpu.memory_space<vmem_shared>>
      %dma_wait3A_59 = arith.constant 0 : i32
      %dma_wait3A_60 = tpu.memref_slice %arg10[%add3A_15, %dma_wait3A_59] : memref<10112x128xf32, #tpu.memory_space<vmem_shared>> -> memref<120x128xf32, #tpu.memory_space<vmem_shared>>
      %dma_wait3A_61 = arith.constant 0 : i32
      %dma_wait3A_62 = arith.constant 0 : i32
      %dma_wait3A_63 = tpu.memref_slice %arg9[%dma_wait3A_61, %dma_wait3A_62] : memref<128x128xf32, #tpu.memory_space<vmem>> -> memref<120x128xf32, #tpu.memory_space<vmem>>
      tpu.wait_dma2 semaphore(%run_scoped3A : memref<!tpu.dma_semaphore, #tpu.memory_space<semaphore_mem>>) src(%dma_wait3A_63 : memref<120x128xf32, #tpu.memory_space<vmem>>) dst(%dma_wait3A_60 : memref<120x128xf32, #tpu.memory_space<vmem_shared>>)
      tpu.yield
    }) : () -> ()
    "tpu.region"() ({
      %run_scoped3A = tpu.sem_alloc : memref<!tpu.dma_semaphore, #tpu.memory_space<semaphore_mem>>
      %dma_start3A = arith.constant 0 : i32
      %dma_start3A_46 = arith.constant 0 : i32
      %dma_start3A_47 = tpu.memref_slice %arg3[%add3A, %dma_start3A, %dma_start3A_46] : memref<32x95x128xi32, #tpu.memory_space<hbm>> -> memref<1x95x128xi32, #tpu.memory_space<hbm>>
      %dma_start3A_48 = tpu.memref_squeeze %dma_start3A_47 : memref<1x95x128xi32, #tpu.memory_space<hbm>> -> memref<95x128xi32, #tpu.memory_space<hbm>>
      %dma_start3A_49 = arith.constant 0 : i32
      %dma_start3A_50 = arith.constant 0 : i32
      %dma_start3A_51 = tpu.memref_slice %arg3[%add3A, %dma_start3A_49, %dma_start3A_50] : memref<32x95x128xi32, #tpu.memory_space<hbm>> -> memref<1x95x128xi32, #tpu.memory_space<hbm>>
      %dma_start3A_52 = tpu.memref_squeeze %dma_start3A_51 : memref<1x95x128xi32, #tpu.memory_space<hbm>> -> memref<95x128xi32, #tpu.memory_space<hbm>>
      tpu.enqueue_dma source(%dma_start3A_52 : memref<95x128xi32, #tpu.memory_space<hbm>>) target(%arg7 : memref<95x128xi32, #tpu.memory_space<vmem>>) target_semaphore(%run_scoped3A : memref<!tpu.dma_semaphore, #tpu.memory_space<semaphore_mem>>)
      %dma_wait3A = arith.constant 0 : i32
      %dma_wait3A_53 = arith.constant 0 : i32
      %dma_wait3A_54 = tpu.memref_slice %arg3[%add3A, %dma_wait3A, %dma_wait3A_53] : memref<32x95x128xi32, #tpu.memory_space<hbm>> -> memref<1x95x128xi32, #tpu.memory_space<hbm>>
      %dma_wait3A_55 = tpu.memref_squeeze %dma_wait3A_54 : memref<1x95x128xi32, #tpu.memory_space<hbm>> -> memref<95x128xi32, #tpu.memory_space<hbm>>
      %dma_wait3A_56 = arith.constant 0 : i32
      %dma_wait3A_57 = arith.constant 0 : i32
      %dma_wait3A_58 = tpu.memref_slice %arg3[%add3A, %dma_wait3A_56, %dma_wait3A_57] : memref<32x95x128xi32, #tpu.memory_space<hbm>> -> memref<1x95x128xi32, #tpu.memory_space<hbm>>
      %dma_wait3A_59 = tpu.memref_squeeze %dma_wait3A_58 : memref<1x95x128xi32, #tpu.memory_space<hbm>> -> memref<95x128xi32, #tpu.memory_space<hbm>>
      tpu.wait_dma2 semaphore(%run_scoped3A : memref<!tpu.dma_semaphore, #tpu.memory_space<semaphore_mem>>) src(%dma_wait3A_59 : memref<95x128xi32, #tpu.memory_space<hbm>>) dst(%arg7 : memref<95x128xi32, #tpu.memory_space<vmem>>)
      tpu.yield
    }) : () -> ()
    "tpu.region"() ({
      %run_scoped3A = tpu.sem_alloc : memref<!tpu.dma_semaphore, #tpu.memory_space<semaphore_mem>>
      %dma_start3A = arith.constant 0 : i32
      %dma_start3A_46 = arith.constant 0 : i32
      %dma_start3A_47 = tpu.memref_slice %arg4[%add3A, %dma_start3A, %dma_start3A_46] : memref<32x95x128xi32, #tpu.memory_space<hbm>> -> memref<1x95x128xi32, #tpu.memory_space<hbm>>
      %dma_start3A_48 = tpu.memref_squeeze %dma_start3A_47 : memref<1x95x128xi32, #tpu.memory_space<hbm>> -> memref<95x128xi32, #tpu.memory_space<hbm>>
      %dma_start3A_49 = arith.constant 0 : i32
      %dma_start3A_50 = arith.constant 0 : i32
      %dma_start3A_51 = tpu.memref_slice %arg4[%add3A, %dma_start3A_49, %dma_start3A_50] : memref<32x95x128xi32, #tpu.memory_space<hbm>> -> memref<1x95x128xi32, #tpu.memory_space<hbm>>
      %dma_start3A_52 = tpu.memref_squeeze %dma_start3A_51 : memref<1x95x128xi32, #tpu.memory_space<hbm>> -> memref<95x128xi32, #tpu.memory_space<hbm>>
      tpu.enqueue_dma source(%dma_start3A_52 : memref<95x128xi32, #tpu.memory_space<hbm>>) target(%arg8 : memref<95x128xi32, #tpu.memory_space<vmem>>) target_semaphore(%run_scoped3A : memref<!tpu.dma_semaphore, #tpu.memory_space<semaphore_mem>>)
      %dma_wait3A = arith.constant 0 : i32
      %dma_wait3A_53 = arith.constant 0 : i32
      %dma_wait3A_54 = tpu.memref_slice %arg4[%add3A, %dma_wait3A, %dma_wait3A_53] : memref<32x95x128xi32, #tpu.memory_space<hbm>> -> memref<1x95x128xi32, #tpu.memory_space<hbm>>
      %dma_wait3A_55 = tpu.memref_squeeze %dma_wait3A_54 : memref<1x95x128xi32, #tpu.memory_space<hbm>> -> memref<95x128xi32, #tpu.memory_space<hbm>>
      %dma_wait3A_56 = arith.constant 0 : i32
      %dma_wait3A_57 = arith.constant 0 : i32
      %dma_wait3A_58 = tpu.memref_slice %arg4[%add3A, %dma_wait3A_56, %dma_wait3A_57] : memref<32x95x128xi32, #tpu.memory_space<hbm>> -> memref<1x95x128xi32, #tpu.memory_space<hbm>>
      %dma_wait3A_59 = tpu.memref_squeeze %dma_wait3A_58 : memref<1x95x128xi32, #tpu.memory_space<hbm>> -> memref<95x128xi32, #tpu.memory_space<hbm>>
      tpu.wait_dma2 semaphore(%run_scoped3A : memref<!tpu.dma_semaphore, #tpu.memory_space<semaphore_mem>>) src(%dma_wait3A_59 : memref<95x128xi32, #tpu.memory_space<hbm>>) dst(%arg8 : memref<95x128xi32, #tpu.memory_space<vmem>>)
      tpu.yield
    }) : () -> ()
    %barrier3A = arith.constant 0 : index
    tpu.barrier barrier_id(%barrier3A)
    %while3A = arith.constant 0 : i32
    %while3A_16 = arith.constant 0 : i32
    %while3A_17 = arith.subi %select_n3A_5, %while3A_16 : i32
    %while3A_18 = arith.addi %while3A_16, %while3A_17 : i32
    %while3A_19 = arith.constant 1 : i32
    %while3A_20 = arith.divsi %while3A_17, %while3A_19 : i32
    %while3A_21 = arith.muli %while3A_20, %while3A_19 : i32
    %while3A_22 = arith.addi %while3A_16, %while3A_21 : i32
    %while3A_23 = arith.constant 1 : i32
    scf.for %while3A_46 = %while3A_16 to %while3A_22 step %while3A_23  : i32 {
      %dma_start3A = arith.constant 0 : i32
      %dma_start3A_47 = tpu.memref_slice %arg7[%while3A_46, %dma_start3A] : memref<95x128xi32, #tpu.memory_space<vmem>> -> memref<1x128xi32, #tpu.memory_space<vmem>>
      %dma_start3A_48 = tpu.memref_squeeze %dma_start3A_47 : memref<1x128xi32, #tpu.memory_space<vmem>> -> memref<128xi32, #tpu.memory_space<vmem>>
      %dma_start3A_49 = arith.constant 0 : i32
      %dma_start3A_50 = arith.constant 0 : i32
      %dma_start3A_51 = tpu.memref_slice %arg2[%dma_start3A_49, %dma_start3A_50] : memref<10112x128xf32, #tpu.memory_space<hbm>> -> memref<10112x128xf32, #tpu.memory_space<hbm>>
      tpu.enqueue_indirect_dma source(%dma_start3A_51 : memref<10112x128xf32, #tpu.memory_space<hbm>>) target(%arg9 : memref<128x128xf32, #tpu.memory_space<vmem>>) offsets(%dma_start3A_48 : memref<128xi32, #tpu.memory_space<vmem>>) semaphore(%arg11 : memref<!tpu.dma_semaphore, #tpu.memory_space<semaphore_mem>>)
      %dma_wait3A = arith.constant 0 : i32
      %dma_wait3A_52 = tpu.memref_slice %arg7[%while3A_46, %dma_wait3A] : memref<95x128xi32, #tpu.memory_space<vmem>> -> memref<1x128xi32, #tpu.memory_space<vmem>>
      %dma_wait3A_53 = tpu.memref_squeeze %dma_wait3A_52 : memref<1x128xi32, #tpu.memory_space<vmem>> -> memref<128xi32, #tpu.memory_space<vmem>>
      %dma_wait3A_54 = arith.constant 0 : i32
      %dma_wait3A_55 = arith.constant 0 : i32
      %dma_wait3A_56 = tpu.memref_slice %arg2[%dma_wait3A_54, %dma_wait3A_55] : memref<10112x128xf32, #tpu.memory_space<hbm>> -> memref<10112x128xf32, #tpu.memory_space<hbm>>
      tpu.wait_indirect_dma semaphore(%arg11 : memref<!tpu.dma_semaphore, #tpu.memory_space<semaphore_mem>>) src(%dma_wait3A_56 : memref<10112x128xf32, #tpu.memory_space<hbm>>) dst(%arg9 : memref<128x128xf32, #tpu.memory_space<vmem>>)
      "tpu.region"() ({
        %run_scoped3A = tpu.sem_alloc : memref<!tpu.dma_semaphore, #tpu.memory_space<semaphore_mem>>
        %dma_start3A_57 = arith.constant 0 : i32
        %dma_start3A_58 = tpu.memref_slice %arg8[%while3A_46, %dma_start3A_57] : memref<95x128xi32, #tpu.memory_space<vmem>> -> memref<1x128xi32, #tpu.memory_space<vmem>>
        %dma_start3A_59 = tpu.memref_squeeze %dma_start3A_58 : memref<1x128xi32, #tpu.memory_space<vmem>> -> memref<128xi32, #tpu.memory_space<vmem>>
        %dma_start3A_60 = arith.constant 0 : i32
        %dma_start3A_61 = arith.constant 0 : i32
        %dma_start3A_62 = tpu.memref_slice %arg10[%dma_start3A_60, %dma_start3A_61] : memref<10112x128xf32, #tpu.memory_space<vmem_shared>> -> memref<10112x128xf32, #tpu.memory_space<vmem_shared>>
        tpu.enqueue_indirect_dma source(%arg9 : memref<128x128xf32, #tpu.memory_space<vmem>>) target(%dma_start3A_62 : memref<10112x128xf32, #tpu.memory_space<vmem_shared>>) offsets(%dma_start3A_59 : memref<128xi32, #tpu.memory_space<vmem>>) semaphore(%run_scoped3A : memref<!tpu.dma_semaphore, #tpu.memory_space<semaphore_mem>>) {add = true}
        %dma_wait3A_63 = arith.constant 0 : i32
        %dma_wait3A_64 = tpu.memref_slice %arg8[%while3A_46, %dma_wait3A_63] : memref<95x128xi32, #tpu.memory_space<vmem>> -> memref<1x128xi32, #tpu.memory_space<vmem>>
        %dma_wait3A_65 = tpu.memref_squeeze %dma_wait3A_64 : memref<1x128xi32, #tpu.memory_space<vmem>> -> memref<128xi32, #tpu.memory_space<vmem>>
        %dma_wait3A_66 = arith.constant 0 : i32
        %dma_wait3A_67 = arith.constant 0 : i32
        %dma_wait3A_68 = tpu.memref_slice %arg10[%dma_wait3A_66, %dma_wait3A_67] : memref<10112x128xf32, #tpu.memory_space<vmem_shared>> -> memref<10112x128xf32, #tpu.memory_space<vmem_shared>>
        tpu.wait_indirect_dma semaphore(%run_scoped3A : memref<!tpu.dma_semaphore, #tpu.memory_space<semaphore_mem>>) src(%arg9 : memref<128x128xf32, #tpu.memory_space<vmem>>) dst(%dma_wait3A_68 : memref<10112x128xf32, #tpu.memory_space<vmem_shared>>)
        tpu.yield
      }) : () -> ()
    }
    %while3A_24 = arith.constant 1 : i32
    scf.for %while3A_46 = %while3A_22 to %while3A_18 step %while3A_24  : i32 {
      %dma_start3A = arith.constant 0 : i32
      %dma_start3A_47 = tpu.memref_slice %arg7[%while3A_46, %dma_start3A] : memref<95x128xi32, #tpu.memory_space<vmem>> -> memref<1x128xi32, #tpu.memory_space<vmem>>
      %dma_start3A_48 = tpu.memref_squeeze %dma_start3A_47 : memref<1x128xi32, #tpu.memory_space<vmem>> -> memref<128xi32, #tpu.memory_space<vmem>>
      %dma_start3A_49 = arith.constant 0 : i32
      %dma_start3A_50 = arith.constant 0 : i32
      %dma_start3A_51 = tpu.memref_slice %arg2[%dma_start3A_49, %dma_start3A_50] : memref<10112x128xf32, #tpu.memory_space<hbm>> -> memref<10112x128xf32, #tpu.memory_space<hbm>>
      tpu.enqueue_indirect_dma source(%dma_start3A_51 : memref<10112x128xf32, #tpu.memory_space<hbm>>) target(%arg9 : memref<128x128xf32, #tpu.memory_space<vmem>>) offsets(%dma_start3A_48 : memref<128xi32, #tpu.memory_space<vmem>>) semaphore(%arg11 : memref<!tpu.dma_semaphore, #tpu.memory_space<semaphore_mem>>)
      %dma_wait3A = arith.constant 0 : i32
      %dma_wait3A_52 = tpu.memref_slice %arg7[%while3A_46, %dma_wait3A] : memref<95x128xi32, #tpu.memory_space<vmem>> -> memref<1x128xi32, #tpu.memory_space<vmem>>
      %dma_wait3A_53 = tpu.memref_squeeze %dma_wait3A_52 : memref<1x128xi32, #tpu.memory_space<vmem>> -> memref<128xi32, #tpu.memory_space<vmem>>
      %dma_wait3A_54 = arith.constant 0 : i32
      %dma_wait3A_55 = arith.constant 0 : i32
      %dma_wait3A_56 = tpu.memref_slice %arg2[%dma_wait3A_54, %dma_wait3A_55] : memref<10112x128xf32, #tpu.memory_space<hbm>> -> memref<10112x128xf32, #tpu.memory_space<hbm>>
      tpu.wait_indirect_dma semaphore(%arg11 : memref<!tpu.dma_semaphore, #tpu.memory_space<semaphore_mem>>) src(%dma_wait3A_56 : memref<10112x128xf32, #tpu.memory_space<hbm>>) dst(%arg9 : memref<128x128xf32, #tpu.memory_space<vmem>>)
      "tpu.region"() ({
        %run_scoped3A = tpu.sem_alloc : memref<!tpu.dma_semaphore, #tpu.memory_space<semaphore_mem>>
        %dma_start3A_57 = arith.constant 0 : i32
        %dma_start3A_58 = tpu.memref_slice %arg8[%while3A_46, %dma_start3A_57] : memref<95x128xi32, #tpu.memory_space<vmem>> -> memref<1x128xi32, #tpu.memory_space<vmem>>
        %dma_start3A_59 = tpu.memref_squeeze %dma_start3A_58 : memref<1x128xi32, #tpu.memory_space<vmem>> -> memref<128xi32, #tpu.memory_space<vmem>>
        %dma_start3A_60 = arith.constant 0 : i32
        %dma_start3A_61 = arith.constant 0 : i32
        %dma_start3A_62 = tpu.memref_slice %arg10[%dma_start3A_60, %dma_start3A_61] : memref<10112x128xf32, #tpu.memory_space<vmem_shared>> -> memref<10112x128xf32, #tpu.memory_space<vmem_shared>>
        tpu.enqueue_indirect_dma source(%arg9 : memref<128x128xf32, #tpu.memory_space<vmem>>) target(%dma_start3A_62 : memref<10112x128xf32, #tpu.memory_space<vmem_shared>>) offsets(%dma_start3A_59 : memref<128xi32, #tpu.memory_space<vmem>>) semaphore(%run_scoped3A : memref<!tpu.dma_semaphore, #tpu.memory_space<semaphore_mem>>) {add = true}
        %dma_wait3A_63 = arith.constant 0 : i32
        %dma_wait3A_64 = tpu.memref_slice %arg8[%while3A_46, %dma_wait3A_63] : memref<95x128xi32, #tpu.memory_space<vmem>> -> memref<1x128xi32, #tpu.memory_space<vmem>>
        %dma_wait3A_65 = tpu.memref_squeeze %dma_wait3A_64 : memref<1x128xi32, #tpu.memory_space<vmem>> -> memref<128xi32, #tpu.memory_space<vmem>>
        %dma_wait3A_66 = arith.constant 0 : i32
        %dma_wait3A_67 = arith.constant 0 : i32
        %dma_wait3A_68 = tpu.memref_slice %arg10[%dma_wait3A_66, %dma_wait3A_67] : memref<10112x128xf32, #tpu.memory_space<vmem_shared>> -> memref<10112x128xf32, #tpu.memory_space<vmem_shared>>
        tpu.wait_indirect_dma semaphore(%run_scoped3A : memref<!tpu.dma_semaphore, #tpu.memory_space<semaphore_mem>>) src(%arg9 : memref<128x128xf32, #tpu.memory_space<vmem>>) dst(%dma_wait3A_68 : memref<10112x128xf32, #tpu.memory_space<vmem_shared>>)
        tpu.yield
      }) : () -> ()
    }
    %barrier3A_25 = arith.constant 0 : index
    tpu.barrier barrier_id(%barrier3A_25)
    %add3A_26 = arith.constant 0 : i32
    %add3A_27 = arith.addi %mul3A_2, %add3A_26 : i32
    "tpu.region"() ({
      %run_scoped3A = tpu.sem_alloc : memref<!tpu.dma_semaphore, #tpu.memory_space<semaphore_mem>>
      %dma_start3A = arith.constant 0 : i32
      %dma_start3A_46 = tpu.memref_slice %arg10[%add3A_27, %dma_start3A] : memref<10112x128xf32, #tpu.memory_space<vmem_shared>> -> memref<128x128xf32, #tpu.memory_space<vmem_shared>>
      %dma_start3A_47 = arith.constant 0 : i32
      %dma_start3A_48 = tpu.memref_slice %arg10[%add3A_27, %dma_start3A_47] : memref<10112x128xf32, #tpu.memory_space<vmem_shared>> -> memref<128x128xf32, #tpu.memory_space<vmem_shared>>
      tpu.enqueue_dma source(%dma_start3A_48 : memref<128x128xf32, #tpu.memory_space<vmem_shared>>) target(%arg9 : memref<128x128xf32, #tpu.memory_space<vmem>>) target_semaphore(%run_scoped3A : memref<!tpu.dma_semaphore, #tpu.memory_space<semaphore_mem>>)
      %dma_wait3A = arith.constant 0 : i32
      %dma_wait3A_49 = tpu.memref_slice %arg10[%add3A_27, %dma_wait3A] : memref<10112x128xf32, #tpu.memory_space<vmem_shared>> -> memref<128x128xf32, #tpu.memory_space<vmem_shared>>
      %dma_wait3A_50 = arith.constant 0 : i32
      %dma_wait3A_51 = tpu.memref_slice %arg10[%add3A_27, %dma_wait3A_50] : memref<10112x128xf32, #tpu.memory_space<vmem_shared>> -> memref<128x128xf32, #tpu.memory_space<vmem_shared>>
      tpu.wait_dma2 semaphore(%run_scoped3A : memref<!tpu.dma_semaphore, #tpu.memory_space<semaphore_mem>>) src(%dma_wait3A_51 : memref<128x128xf32, #tpu.memory_space<vmem_shared>>) dst(%arg9 : memref<128x128xf32, #tpu.memory_space<vmem>>)
      tpu.yield
    }) : () -> ()
    %add3A_28 = arith.constant 0 : i32
    %add3A_29 = arith.addi %mul3A_2, %add3A_28 : i32
    "tpu.region"() ({
      %run_scoped3A = tpu.sem_alloc : memref<!tpu.dma_semaphore, #tpu.memory_space<semaphore_mem>>
      %dma_start3A = arith.constant 0 : i32
      %dma_start3A_46 = tpu.memref_slice %arg6[%arg0, %add3A_29, %dma_start3A] : memref<2x10112x128xf32, #tpu.memory_space<hbm>> -> memref<1x128x128xf32, #tpu.memory_space<hbm>>
      %dma_start3A_47 = tpu.memref_squeeze %dma_start3A_46 : memref<1x128x128xf32, #tpu.memory_space<hbm>> -> memref<128x128xf32, #tpu.memory_space<hbm>>
      %dma_start3A_48 = arith.constant 0 : i32
      %dma_start3A_49 = tpu.memref_slice %arg6[%arg0, %add3A_29, %dma_start3A_48] : memref<2x10112x128xf32, #tpu.memory_space<hbm>> -> memref<1x128x128xf32, #tpu.memory_space<hbm>>
      %dma_start3A_50 = tpu.memref_squeeze %dma_start3A_49 : memref<1x128x128xf32, #tpu.memory_space<hbm>> -> memref<128x128xf32, #tpu.memory_space<hbm>>
      tpu.enqueue_dma source(%arg9 : memref<128x128xf32, #tpu.memory_space<vmem>>) target(%dma_start3A_50 : memref<128x128xf32, #tpu.memory_space<hbm>>) target_semaphore(%run_scoped3A : memref<!tpu.dma_semaphore, #tpu.memory_space<semaphore_mem>>)
      %dma_wait3A = arith.constant 0 : i32
      %dma_wait3A_51 = tpu.memref_slice %arg6[%arg0, %add3A_29, %dma_wait3A] : memref<2x10112x128xf32, #tpu.memory_space<hbm>> -> memref<1x128x128xf32, #tpu.memory_space<hbm>>
      %dma_wait3A_52 = tpu.memref_squeeze %dma_wait3A_51 : memref<1x128x128xf32, #tpu.memory_space<hbm>> -> memref<128x128xf32, #tpu.memory_space<hbm>>
      %dma_wait3A_53 = arith.constant 0 : i32
      %dma_wait3A_54 = tpu.memref_slice %arg6[%arg0, %add3A_29, %dma_wait3A_53] : memref<2x10112x128xf32, #tpu.memory_space<hbm>> -> memref<1x128x128xf32, #tpu.memory_space<hbm>>
      %dma_wait3A_55 = tpu.memref_squeeze %dma_wait3A_54 : memref<1x128x128xf32, #tpu.memory_space<hbm>> -> memref<128x128xf32, #tpu.memory_space<hbm>>
      tpu.wait_dma2 semaphore(%run_scoped3A : memref<!tpu.dma_semaphore, #tpu.memory_space<semaphore_mem>>) src(%arg9 : memref<128x128xf32, #tpu.memory_space<vmem>>) dst(%dma_wait3A_55 : memref<128x128xf32, #tpu.memory_space<hbm>>)
      tpu.yield
    }) : () -> ()
    %add3A_30 = arith.constant 128 : i32
    %add3A_31 = arith.addi %mul3A_2, %add3A_30 : i32
    "tpu.region"() ({
      %run_scoped3A = tpu.sem_alloc : memref<!tpu.dma_semaphore, #tpu.memory_space<semaphore_mem>>
      %dma_start3A = arith.constant 0 : i32
      %dma_start3A_46 = tpu.memref_slice %arg10[%add3A_31, %dma_start3A] : memref<10112x128xf32, #tpu.memory_space<vmem_shared>> -> memref<128x128xf32, #tpu.memory_space<vmem_shared>>
      %dma_start3A_47 = arith.constant 0 : i32
      %dma_start3A_48 = tpu.memref_slice %arg10[%add3A_31, %dma_start3A_47] : memref<10112x128xf32, #tpu.memory_space<vmem_shared>> -> memref<128x128xf32, #tpu.memory_space<vmem_shared>>
      tpu.enqueue_dma source(%dma_start3A_48 : memref<128x128xf32, #tpu.memory_space<vmem_shared>>) target(%arg9 : memref<128x128xf32, #tpu.memory_space<vmem>>) target_semaphore(%run_scoped3A : memref<!tpu.dma_semaphore, #tpu.memory_space<semaphore_mem>>)
      %dma_wait3A = arith.constant 0 : i32
      %dma_wait3A_49 = tpu.memref_slice %arg10[%add3A_31, %dma_wait3A] : memref<10112x128xf32, #tpu.memory_space<vmem_shared>> -> memref<128x128xf32, #tpu.memory_space<vmem_shared>>
      %dma_wait3A_50 = arith.constant 0 : i32
      %dma_wait3A_51 = tpu.memref_slice %arg10[%add3A_31, %dma_wait3A_50] : memref<10112x128xf32, #tpu.memory_space<vmem_shared>> -> memref<128x128xf32, #tpu.memory_space<vmem_shared>>
      tpu.wait_dma2 semaphore(%run_scoped3A : memref<!tpu.dma_semaphore, #tpu.memory_space<semaphore_mem>>) src(%dma_wait3A_51 : memref<128x128xf32, #tpu.memory_space<vmem_shared>>) dst(%arg9 : memref<128x128xf32, #tpu.memory_space<vmem>>)
      tpu.yield
    }) : () -> ()
    %add3A_32 = arith.constant 128 : i32
    %add3A_33 = arith.addi %mul3A_2, %add3A_32 : i32
    "tpu.region"() ({
      %run_scoped3A = tpu.sem_alloc : memref<!tpu.dma_semaphore, #tpu.memory_space<semaphore_mem>>
      %dma_start3A = arith.constant 0 : i32
      %dma_start3A_46 = tpu.memref_slice %arg6[%arg0, %add3A_33, %dma_start3A] : memref<2x10112x128xf32, #tpu.memory_space<hbm>> -> memref<1x128x128xf32, #tpu.memory_space<hbm>>
      %dma_start3A_47 = tpu.memref_squeeze %dma_start3A_46 : memref<1x128x128xf32, #tpu.memory_space<hbm>> -> memref<128x128xf32, #tpu.memory_space<hbm>>
      %dma_start3A_48 = arith.constant 0 : i32
      %dma_start3A_49 = tpu.memref_slice %arg6[%arg0, %add3A_33, %dma_start3A_48] : memref<2x10112x128xf32, #tpu.memory_space<hbm>> -> memref<1x128x128xf32, #tpu.memory_space<hbm>>
      %dma_start3A_50 = tpu.memref_squeeze %dma_start3A_49 : memref<1x128x128xf32, #tpu.memory_space<hbm>> -> memref<128x128xf32, #tpu.memory_space<hbm>>
      tpu.enqueue_dma source(%arg9 : memref<128x128xf32, #tpu.memory_space<vmem>>) target(%dma_start3A_50 : memref<128x128xf32, #tpu.memory_space<hbm>>) target_semaphore(%run_scoped3A : memref<!tpu.dma_semaphore, #tpu.memory_space<semaphore_mem>>)
      %dma_wait3A = arith.constant 0 : i32
      %dma_wait3A_51 = tpu.memref_slice %arg6[%arg0, %add3A_33, %dma_wait3A] : memref<2x10112x128xf32, #tpu.memory_space<hbm>> -> memref<1x128x128xf32, #tpu.memory_space<hbm>>
      %dma_wait3A_52 = tpu.memref_squeeze %dma_wait3A_51 : memref<1x128x128xf32, #tpu.memory_space<hbm>> -> memref<128x128xf32, #tpu.memory_space<hbm>>
      %dma_wait3A_53 = arith.constant 0 : i32
      %dma_wait3A_54 = tpu.memref_slice %arg6[%arg0, %add3A_33, %dma_wait3A_53] : memref<2x10112x128xf32, #tpu.memory_space<hbm>> -> memref<1x128x128xf32, #tpu.memory_space<hbm>>
      %dma_wait3A_55 = tpu.memref_squeeze %dma_wait3A_54 : memref<1x128x128xf32, #tpu.memory_space<hbm>> -> memref<128x128xf32, #tpu.memory_space<hbm>>
      tpu.wait_dma2 semaphore(%run_scoped3A : memref<!tpu.dma_semaphore, #tpu.memory_space<semaphore_mem>>) src(%arg9 : memref<128x128xf32, #tpu.memory_space<vmem>>) dst(%dma_wait3A_55 : memref<128x128xf32, #tpu.memory_space<hbm>>)
      tpu.yield
    }) : () -> ()
    %add3A_34 = arith.constant 256 : i32
    %add3A_35 = arith.addi %mul3A_2, %add3A_34 : i32
    "tpu.region"() ({
      %run_scoped3A = tpu.sem_alloc : memref<!tpu.dma_semaphore, #tpu.memory_space<semaphore_mem>>
      %dma_start3A = arith.constant 0 : i32
      %dma_start3A_46 = tpu.memref_slice %arg10[%add3A_35, %dma_start3A] : memref<10112x128xf32, #tpu.memory_space<vmem_shared>> -> memref<128x128xf32, #tpu.memory_space<vmem_shared>>
      %dma_start3A_47 = arith.constant 0 : i32
      %dma_start3A_48 = tpu.memref_slice %arg10[%add3A_35, %dma_start3A_47] : memref<10112x128xf32, #tpu.memory_space<vmem_shared>> -> memref<128x128xf32, #tpu.memory_space<vmem_shared>>
      tpu.enqueue_dma source(%dma_start3A_48 : memref<128x128xf32, #tpu.memory_space<vmem_shared>>) target(%arg9 : memref<128x128xf32, #tpu.memory_space<vmem>>) target_semaphore(%run_scoped3A : memref<!tpu.dma_semaphore, #tpu.memory_space<semaphore_mem>>)
      %dma_wait3A = arith.constant 0 : i32
      %dma_wait3A_49 = tpu.memref_slice %arg10[%add3A_35, %dma_wait3A] : memref<10112x128xf32, #tpu.memory_space<vmem_shared>> -> memref<128x128xf32, #tpu.memory_space<vmem_shared>>
      %dma_wait3A_50 = arith.constant 0 : i32
      %dma_wait3A_51 = tpu.memref_slice %arg10[%add3A_35, %dma_wait3A_50] : memref<10112x128xf32, #tpu.memory_space<vmem_shared>> -> memref<128x128xf32, #tpu.memory_space<vmem_shared>>
      tpu.wait_dma2 semaphore(%run_scoped3A : memref<!tpu.dma_semaphore, #tpu.memory_space<semaphore_mem>>) src(%dma_wait3A_51 : memref<128x128xf32, #tpu.memory_space<vmem_shared>>) dst(%arg9 : memref<128x128xf32, #tpu.memory_space<vmem>>)
      tpu.yield
    }) : () -> ()
    %add3A_36 = arith.constant 256 : i32
    %add3A_37 = arith.addi %mul3A_2, %add3A_36 : i32
    "tpu.region"() ({
      %run_scoped3A = tpu.sem_alloc : memref<!tpu.dma_semaphore, #tpu.memory_space<semaphore_mem>>
      %dma_start3A = arith.constant 0 : i32
      %dma_start3A_46 = tpu.memref_slice %arg6[%arg0, %add3A_37, %dma_start3A] : memref<2x10112x128xf32, #tpu.memory_space<hbm>> -> memref<1x128x128xf32, #tpu.memory_space<hbm>>
      %dma_start3A_47 = tpu.memref_squeeze %dma_start3A_46 : memref<1x128x128xf32, #tpu.memory_space<hbm>> -> memref<128x128xf32, #tpu.memory_space<hbm>>
      %dma_start3A_48 = arith.constant 0 : i32
      %dma_start3A_49 = tpu.memref_slice %arg6[%arg0, %add3A_37, %dma_start3A_48] : memref<2x10112x128xf32, #tpu.memory_space<hbm>> -> memref<1x128x128xf32, #tpu.memory_space<hbm>>
      %dma_start3A_50 = tpu.memref_squeeze %dma_start3A_49 : memref<1x128x128xf32, #tpu.memory_space<hbm>> -> memref<128x128xf32, #tpu.memory_space<hbm>>
      tpu.enqueue_dma source(%arg9 : memref<128x128xf32, #tpu.memory_space<vmem>>) target(%dma_start3A_50 : memref<128x128xf32, #tpu.memory_space<hbm>>) target_semaphore(%run_scoped3A : memref<!tpu.dma_semaphore, #tpu.memory_space<semaphore_mem>>)
      %dma_wait3A = arith.constant 0 : i32
      %dma_wait3A_51 = tpu.memref_slice %arg6[%arg0, %add3A_37, %dma_wait3A] : memref<2x10112x128xf32, #tpu.memory_space<hbm>> -> memref<1x128x128xf32, #tpu.memory_space<hbm>>
      %dma_wait3A_52 = tpu.memref_squeeze %dma_wait3A_51 : memref<1x128x128xf32, #tpu.memory_space<hbm>> -> memref<128x128xf32, #tpu.memory_space<hbm>>
      %dma_wait3A_53 = arith.constant 0 : i32
      %dma_wait3A_54 = tpu.memref_slice %arg6[%arg0, %add3A_37, %dma_wait3A_53] : memref<2x10112x128xf32, #tpu.memory_space<hbm>> -> memref<1x128x128xf32, #tpu.memory_space<hbm>>
      %dma_wait3A_55 = tpu.memref_squeeze %dma_wait3A_54 : memref<1x128x128xf32, #tpu.memory_space<hbm>> -> memref<128x128xf32, #tpu.memory_space<hbm>>
      tpu.wait_dma2 semaphore(%run_scoped3A : memref<!tpu.dma_semaphore, #tpu.memory_space<semaphore_mem>>) src(%arg9 : memref<128x128xf32, #tpu.memory_space<vmem>>) dst(%dma_wait3A_55 : memref<128x128xf32, #tpu.memory_space<hbm>>)
      tpu.yield
    }) : () -> ()
    %add3A_38 = arith.constant 384 : i32
    %add3A_39 = arith.addi %mul3A_2, %add3A_38 : i32
    "tpu.region"() ({
      %run_scoped3A = tpu.sem_alloc : memref<!tpu.dma_semaphore, #tpu.memory_space<semaphore_mem>>
      %dma_start3A = arith.constant 0 : i32
      %dma_start3A_46 = tpu.memref_slice %arg10[%add3A_39, %dma_start3A] : memref<10112x128xf32, #tpu.memory_space<vmem_shared>> -> memref<128x128xf32, #tpu.memory_space<vmem_shared>>
      %dma_start3A_47 = arith.constant 0 : i32
      %dma_start3A_48 = tpu.memref_slice %arg10[%add3A_39, %dma_start3A_47] : memref<10112x128xf32, #tpu.memory_space<vmem_shared>> -> memref<128x128xf32, #tpu.memory_space<vmem_shared>>
      tpu.enqueue_dma source(%dma_start3A_48 : memref<128x128xf32, #tpu.memory_space<vmem_shared>>) target(%arg9 : memref<128x128xf32, #tpu.memory_space<vmem>>) target_semaphore(%run_scoped3A : memref<!tpu.dma_semaphore, #tpu.memory_space<semaphore_mem>>)
      %dma_wait3A = arith.constant 0 : i32
      %dma_wait3A_49 = tpu.memref_slice %arg10[%add3A_39, %dma_wait3A] : memref<10112x128xf32, #tpu.memory_space<vmem_shared>> -> memref<128x128xf32, #tpu.memory_space<vmem_shared>>
      %dma_wait3A_50 = arith.constant 0 : i32
      %dma_wait3A_51 = tpu.memref_slice %arg10[%add3A_39, %dma_wait3A_50] : memref<10112x128xf32, #tpu.memory_space<vmem_shared>> -> memref<128x128xf32, #tpu.memory_space<vmem_shared>>
      tpu.wait_dma2 semaphore(%run_scoped3A : memref<!tpu.dma_semaphore, #tpu.memory_space<semaphore_mem>>) src(%dma_wait3A_51 : memref<128x128xf32, #tpu.memory_space<vmem_shared>>) dst(%arg9 : memref<128x128xf32, #tpu.memory_space<vmem>>)
      tpu.yield
    }) : () -> ()
    %add3A_40 = arith.constant 384 : i32
    %add3A_41 = arith.addi %mul3A_2, %add3A_40 : i32
    "tpu.region"() ({
      %run_scoped3A = tpu.sem_alloc : memref<!tpu.dma_semaphore, #tpu.memory_space<semaphore_mem>>
      %dma_start3A = arith.constant 0 : i32
      %dma_start3A_46 = tpu.memref_slice %arg6[%arg0, %add3A_41, %dma_start3A] : memref<2x10112x128xf32, #tpu.memory_space<hbm>> -> memref<1x128x128xf32, #tpu.memory_space<hbm>>
      %dma_start3A_47 = tpu.memref_squeeze %dma_start3A_46 : memref<1x128x128xf32, #tpu.memory_space<hbm>> -> memref<128x128xf32, #tpu.memory_space<hbm>>
      %dma_start3A_48 = arith.constant 0 : i32
      %dma_start3A_49 = tpu.memref_slice %arg6[%arg0, %add3A_41, %dma_start3A_48] : memref<2x10112x128xf32, #tpu.memory_space<hbm>> -> memref<1x128x128xf32, #tpu.memory_space<hbm>>
      %dma_start3A_50 = tpu.memref_squeeze %dma_start3A_49 : memref<1x128x128xf32, #tpu.memory_space<hbm>> -> memref<128x128xf32, #tpu.memory_space<hbm>>
      tpu.enqueue_dma source(%arg9 : memref<128x128xf32, #tpu.memory_space<vmem>>) target(%dma_start3A_50 : memref<128x128xf32, #tpu.memory_space<hbm>>) target_semaphore(%run_scoped3A : memref<!tpu.dma_semaphore, #tpu.memory_space<semaphore_mem>>)
      %dma_wait3A = arith.constant 0 : i32
      %dma_wait3A_51 = tpu.memref_slice %arg6[%arg0, %add3A_41, %dma_wait3A] : memref<2x10112x128xf32, #tpu.memory_space<hbm>> -> memref<1x128x128xf32, #tpu.memory_space<hbm>>
      %dma_wait3A_52 = tpu.memref_squeeze %dma_wait3A_51 : memref<1x128x128xf32, #tpu.memory_space<hbm>> -> memref<128x128xf32, #tpu.memory_space<hbm>>
      %dma_wait3A_53 = arith.constant 0 : i32
      %dma_wait3A_54 = tpu.memref_slice %arg6[%arg0, %add3A_41, %dma_wait3A_53] : memref<2x10112x128xf32, #tpu.memory_space<hbm>> -> memref<1x128x128xf32, #tpu.memory_space<hbm>>
      %dma_wait3A_55 = tpu.memref_squeeze %dma_wait3A_54 : memref<1x128x128xf32, #tpu.memory_space<hbm>> -> memref<128x128xf32, #tpu.memory_space<hbm>>
      tpu.wait_dma2 semaphore(%run_scoped3A : memref<!tpu.dma_semaphore, #tpu.memory_space<semaphore_mem>>) src(%arg9 : memref<128x128xf32, #tpu.memory_space<vmem>>) dst(%dma_wait3A_55 : memref<128x128xf32, #tpu.memory_space<hbm>>)
      tpu.yield
    }) : () -> ()
    %add3A_42 = arith.constant 512 : i32
    %add3A_43 = arith.addi %mul3A_2, %add3A_42 : i32
    "tpu.region"() ({
      %run_scoped3A = tpu.sem_alloc : memref<!tpu.dma_semaphore, #tpu.memory_space<semaphore_mem>>
      %dma_start3A = arith.constant 0 : i32
      %dma_start3A_46 = arith.constant 0 : i32
      %dma_start3A_47 = tpu.memref_slice %arg9[%dma_start3A, %dma_start3A_46] : memref<128x128xf32, #tpu.memory_space<vmem>> -> memref<120x128xf32, #tpu.memory_space<vmem>>
      %dma_start3A_48 = arith.constant 0 : i32
      %dma_start3A_49 = tpu.memref_slice %arg10[%add3A_43, %dma_start3A_48] : memref<10112x128xf32, #tpu.memory_space<vmem_shared>> -> memref<120x128xf32, #tpu.memory_space<vmem_shared>>
      %dma_start3A_50 = arith.constant 0 : i32
      %dma_start3A_51 = arith.constant 0 : i32
      %dma_start3A_52 = tpu.memref_slice %arg9[%dma_start3A_50, %dma_start3A_51] : memref<128x128xf32, #tpu.memory_space<vmem>> -> memref<120x128xf32, #tpu.memory_space<vmem>>
      %dma_start3A_53 = arith.constant 0 : i32
      %dma_start3A_54 = tpu.memref_slice %arg10[%add3A_43, %dma_start3A_53] : memref<10112x128xf32, #tpu.memory_space<vmem_shared>> -> memref<120x128xf32, #tpu.memory_space<vmem_shared>>
      tpu.enqueue_dma source(%dma_start3A_54 : memref<120x128xf32, #tpu.memory_space<vmem_shared>>) target(%dma_start3A_52 : memref<120x128xf32, #tpu.memory_space<vmem>>) target_semaphore(%run_scoped3A : memref<!tpu.dma_semaphore, #tpu.memory_space<semaphore_mem>>)
      %dma_wait3A = arith.constant 0 : i32
      %dma_wait3A_55 = arith.constant 0 : i32
      %dma_wait3A_56 = tpu.memref_slice %arg9[%dma_wait3A, %dma_wait3A_55] : memref<128x128xf32, #tpu.memory_space<vmem>> -> memref<120x128xf32, #tpu.memory_space<vmem>>
      %dma_wait3A_57 = arith.constant 0 : i32
      %dma_wait3A_58 = tpu.memref_slice %arg10[%add3A_43, %dma_wait3A_57] : memref<10112x128xf32, #tpu.memory_space<vmem_shared>> -> memref<120x128xf32, #tpu.memory_space<vmem_shared>>
      %dma_wait3A_59 = arith.constant 0 : i32
      %dma_wait3A_60 = arith.constant 0 : i32
      %dma_wait3A_61 = tpu.memref_slice %arg9[%dma_wait3A_59, %dma_wait3A_60] : memref<128x128xf32, #tpu.memory_space<vmem>> -> memref<120x128xf32, #tpu.memory_space<vmem>>
      %dma_wait3A_62 = arith.constant 0 : i32
      %dma_wait3A_63 = tpu.memref_slice %arg10[%add3A_43, %dma_wait3A_62] : memref<10112x128xf32, #tpu.memory_space<vmem_shared>> -> memref<120x128xf32, #tpu.memory_space<vmem_shared>>
      tpu.wait_dma2 semaphore(%run_scoped3A : memref<!tpu.dma_semaphore, #tpu.memory_space<semaphore_mem>>) src(%dma_wait3A_63 : memref<120x128xf32, #tpu.memory_space<vmem_shared>>) dst(%dma_wait3A_61 : memref<120x128xf32, #tpu.memory_space<vmem>>)
      tpu.yield
    }) : () -> ()
    %add3A_44 = arith.constant 512 : i32
    %add3A_45 = arith.addi %mul3A_2, %add3A_44 : i32
    "tpu.region"() ({
      %run_scoped3A = tpu.sem_alloc : memref<!tpu.dma_semaphore, #tpu.memory_space<semaphore_mem>>
      %dma_start3A = arith.constant 0 : i32
      %dma_start3A_46 = arith.constant 0 : i32
      %dma_start3A_47 = tpu.memref_slice %arg9[%dma_start3A, %dma_start3A_46] : memref<128x128xf32, #tpu.memory_space<vmem>> -> memref<120x128xf32, #tpu.memory_space<vmem>>
      %dma_start3A_48 = arith.constant 0 : i32
      %dma_start3A_49 = tpu.memref_slice %arg6[%arg0, %add3A_45, %dma_start3A_48] : memref<2x10112x128xf32, #tpu.memory_space<hbm>> -> memref<1x120x128xf32, #tpu.memory_space<hbm>>
      %dma_start3A_50 = tpu.memref_squeeze %dma_start3A_49 : memref<1x120x128xf32, #tpu.memory_space<hbm>> -> memref<120x128xf32, #tpu.memory_space<hbm>>
      %dma_start3A_51 = arith.constant 0 : i32
      %dma_start3A_52 = tpu.memref_slice %arg6[%arg0, %add3A_45, %dma_start3A_51] : memref<2x10112x128xf32, #tpu.memory_space<hbm>> -> memref<1x120x128xf32, #tpu.memory_space<hbm>>
      %dma_start3A_53 = tpu.memref_squeeze %dma_start3A_52 : memref<1x120x128xf32, #tpu.memory_space<hbm>> -> memref<120x128xf32, #tpu.memory_space<hbm>>
      %dma_start3A_54 = arith.constant 0 : i32
      %dma_start3A_55 = arith.constant 0 : i32
      %dma_start3A_56 = tpu.memref_slice %arg9[%dma_start3A_54, %dma_start3A_55] : memref<128x128xf32, #tpu.memory_space<vmem>> -> memref<120x128xf32, #tpu.memory_space<vmem>>
      tpu.enqueue_dma source(%dma_start3A_56 : memref<120x128xf32, #tpu.memory_space<vmem>>) target(%dma_start3A_53 : memref<120x128xf32, #tpu.memory_space<hbm>>) target_semaphore(%run_scoped3A : memref<!tpu.dma_semaphore, #tpu.memory_space<semaphore_mem>>)
      %dma_wait3A = arith.constant 0 : i32
      %dma_wait3A_57 = arith.constant 0 : i32
      %dma_wait3A_58 = tpu.memref_slice %arg9[%dma_wait3A, %dma_wait3A_57] : memref<128x128xf32, #tpu.memory_space<vmem>> -> memref<120x128xf32, #tpu.memory_space<vmem>>
      %dma_wait3A_59 = arith.constant 0 : i32
      %dma_wait3A_60 = tpu.memref_slice %arg6[%arg0, %add3A_45, %dma_wait3A_59] : memref<2x10112x128xf32, #tpu.memory_space<hbm>> -> memref<1x120x128xf32, #tpu.memory_space<hbm>>
      %dma_wait3A_61 = tpu.memref_squeeze %dma_wait3A_60 : memref<1x120x128xf32, #tpu.memory_space<hbm>> -> memref<120x128xf32, #tpu.memory_space<hbm>>
      %dma_wait3A_62 = arith.constant 0 : i32
      %dma_wait3A_63 = tpu.memref_slice %arg6[%arg0, %add3A_45, %dma_wait3A_62] : memref<2x10112x128xf32, #tpu.memory_space<hbm>> -> memref<1x120x128xf32, #tpu.memory_space<hbm>>
      %dma_wait3A_64 = tpu.memref_squeeze %dma_wait3A_63 : memref<1x120x128xf32, #tpu.memory_space<hbm>> -> memref<120x128xf32, #tpu.memory_space<hbm>>
      %dma_wait3A_65 = arith.constant 0 : i32
      %dma_wait3A_66 = arith.constant 0 : i32
      %dma_wait3A_67 = tpu.memref_slice %arg9[%dma_wait3A_65, %dma_wait3A_66] : memref<128x128xf32, #tpu.memory_space<vmem>> -> memref<120x128xf32, #tpu.memory_space<vmem>>
      tpu.wait_dma2 semaphore(%run_scoped3A : memref<!tpu.dma_semaphore, #tpu.memory_space<semaphore_mem>>) src(%dma_wait3A_67 : memref<120x128xf32, #tpu.memory_space<vmem>>) dst(%dma_wait3A_64 : memref<120x128xf32, #tpu.memory_space<hbm>>)
      tpu.yield
    }) : () -> ()
    return
  }
}

module attributes {stable_mosaic.version = 14 : i64} {
  func.func @_prep_body(%arg0: i32, %arg1: memref<128x128xf32, #tpu.memory_space<vmem>>, %arg2: memref<1x1x128xf32, #tpu.memory_space<vmem>>, %arg3: memref<128x128xf32, #tpu.memory_space<vmem>>, %arg4: memref<128x128xf32, #tpu.memory_space<vmem>>) attributes {dimension_semantics = [#tpu.dimension_semantics<arbitrary>], iteration_bounds = array<i64: 79>, scalar_prefetch = 0 : i64, scratch_operands = 0 : i64, tpu.core_type = #tpu.core_type<tc>, window_params = [{transform_indices = @transform_0, window_bounds = array<i64: 128, 128>}, {transform_indices = @transform_1, window_bounds = array<i64: 1, 1, 128>}, {pipeline_mode = #tpu.pipeline_mode<synchronous>, transform_indices = @transform_2, window_bounds = array<i64: 128, 128>}, {transform_indices = @transform_3, window_bounds = array<i64: 128, 128>}]} {
    %get3A = arith.constant 0 : index
    %get3A_0 = arith.constant 0 : index
    %get3A_1 = arith.constant 0 : index
    %get3A_2 = vector.load %arg2[%get3A, %get3A_0, %get3A_1] : memref<1x1x128xf32, #tpu.memory_space<vmem>>, vector<1x1x128xf32>
    %get3A_3 = vector.shape_cast %get3A_2 : vector<1x1x128xf32> to vector<128xf32>
    %get3A_4 = arith.constant 0 : index
    %get3A_5 = arith.constant 0 : index
    %get3A_6 = vector.load %arg1[%get3A_4, %get3A_5] : memref<128x128xf32, #tpu.memory_space<vmem>>, vector<128x128xf32>
    %get3A_7 = arith.constant 0 : index
    %get3A_8 = arith.constant 0 : index
    %get3A_9 = vector.load %arg3[%get3A_7, %get3A_8] : memref<128x128xf32, #tpu.memory_space<vmem>>, vector<128x128xf32>
    %dot_general3A = arith.constant dense<0.000000e+00> : vector<128x128xf32>
    %dot_general3A_10 = tpu.matmul %get3A_6, %get3A_9, %dot_general3A {dimension_numbers = #tpu.dot_dimension_numbers<[1], [0], [0], [1], [0, 0, 1, 1], [], []>, transpose_lhs_hint = false} : vector<128x128xf32>, vector<128x128xf32>, vector<128x128xf32> -> vector<128x128xf32>
    %broadcast_in_dim3A = vector.shape_cast %get3A_3 : vector<128xf32> to vector<128x1xf32>
    %mul3A = vector.broadcast %broadcast_in_dim3A : vector<128x1xf32> to vector<128x128xf32>
    %mul3A_11 = arith.mulf %dot_general3A_10, %mul3A : vector<128x128xf32>
    %swap3A = arith.constant 0 : index
    %swap3A_12 = arith.constant 0 : index
    %swap3A_13 = vector.load %arg4[%swap3A, %swap3A_12] : memref<128x128xf32, #tpu.memory_space<vmem>>, vector<128x128xf32>
    tpu.vector_store %arg4[%swap3A, %swap3A_12], %mul3A_11 {strides = array<i32>} : memref<128x128xf32, #tpu.memory_space<vmem>>, vector<128x128xf32>,
    return
  }
  func.func @transform_0(%arg0: i32) -> (i32, i32) {
    %c0_i32 = arith.constant 0 : i32
    %c0_i32_0 = arith.constant 0 : i32
    return %arg0, %c0_i32 : i32, i32
  }
  func.func @transform_1(%arg0: i32) -> (i32, i32, i32) {
    %c0_i32 = arith.constant 0 : i32
    %c0_i32_0 = arith.constant 0 : i32
    %c0_i32_1 = arith.constant 0 : i32
    return %arg0, %c0_i32, %c0_i32_0 : i32, i32, i32
  }
  func.func @transform_2(%arg0: i32) -> (i32, i32) {
    %c0_i32 = arith.constant 0 : i32
    %c0_i32_0 = arith.constant 0 : i32
    %c0_i32_1 = arith.constant 0 : i32
    return %c0_i32, %c0_i32_0 : i32, i32
  }
  func.func @transform_3(%arg0: i32) -> (i32, i32) {
    %c0_i32 = arith.constant 0 : i32
    %c0_i32_0 = arith.constant 0 : i32
    return %arg0, %c0_i32 : i32, i32
  }
}

module attributes {stable_mosaic.version = 14 : i64} {
  func.func @_dis_body(%arg0: memref<2x79x128xf32, #tpu.memory_space<vmem>>, %arg1: memref<79x128xf32, #tpu.memory_space<vmem>>) attributes {dimension_semantics = [], scalar_prefetch = 0 : i64, scratch_operands = 0 : i64, tpu.core_type = #tpu.core_type<tc>} {
    %get3A = arith.constant 0 : index
    %get3A_0 = arith.constant 0 : index
    %get3A_1 = arith.constant 0 : index
    %get3A_2 = vector.load %arg0[%get3A, %get3A_0, %get3A_1] : memref<2x79x128xf32, #tpu.memory_space<vmem>>, vector<2x79x128xf32>
    %slice3A = vector.extract_strided_slice %get3A_2 {offsets = [0, 0, 0], sizes = [1, 79, 128], strides = [1, 1, 1]} : vector<2x79x128xf32> to vector<1x79x128xf32>
    %squeeze3A = vector.shape_cast %slice3A : vector<1x79x128xf32> to vector<79x128xf32>
    %slice3A_3 = vector.extract_strided_slice %get3A_2 {offsets = [1, 0, 0], sizes = [1, 79, 128], strides = [1, 1, 1]} : vector<2x79x128xf32> to vector<1x79x128xf32>
    %squeeze3A_4 = vector.shape_cast %slice3A_3 : vector<1x79x128xf32> to vector<79x128xf32>
    %add3A = arith.addf %squeeze3A, %squeeze3A_4 : vector<79x128xf32>
    %add3A_5 = arith.constant 1.000000e+00 : f32
    %add3A_6 = vector.broadcast %add3A_5 : f32 to vector<79x128xf32>
    %add3A_7 = arith.addf %add3A, %add3A_6 : vector<79x128xf32>
    %rsqrt3A = math.rsqrt %add3A_7 : vector<79x128xf32>
    %swap3A = arith.constant 0 : index
    %swap3A_8 = arith.constant 0 : index
    %swap3A_9 = vector.load %arg1[%swap3A, %swap3A_8] : memref<79x128xf32, #tpu.memory_space<vmem>>, vector<79x128xf32>
    tpu.vector_store %arg1[%swap3A, %swap3A_8], %rsqrt3A {strides = array<i32>} : memref<79x128xf32, #tpu.memory_space<vmem>>, vector<79x128xf32>,
    return
  }
}

module attributes {stable_mosaic.version = 14 : i64} {
  func.func @_layer_body(%arg0: i32, %arg1: memref<2x632x128xf32, #tpu.memory_space<vmem>>, %arg2: memref<632x128xf32, #tpu.memory_space<vmem>>, %arg3: memref<632x1xf32, #tpu.memory_space<vmem>>, %arg4: memref<128x128xf32, #tpu.memory_space<vmem>>, %arg5: memref<1x128xf32, #tpu.memory_space<vmem>>, %arg6: memref<632x128xf32, #tpu.memory_space<vmem>>, %arg7: memref<632x128xf32, #tpu.memory_space<vmem>>) attributes {dimension_semantics = [#tpu.dimension_semantics<arbitrary>], iteration_bounds = array<i64: 16>, scalar_prefetch = 0 : i64, scratch_operands = 0 : i64, tpu.core_type = #tpu.core_type<tc>, window_params = [{transform_indices = @transform_0, window_bounds = array<i64: 2, 632, 128>}, {transform_indices = @transform_1, window_bounds = array<i64: 632, 128>}, {transform_indices = @transform_2, window_bounds = array<i64: 632, 1>}, {pipeline_mode = #tpu.pipeline_mode<synchronous>, transform_indices = @transform_3, window_bounds = array<i64: 128, 128>}, {pipeline_mode = #tpu.pipeline_mode<synchronous>, transform_indices = @transform_4, window_bounds = array<i64: 1, 128>}, {transform_indices = @transform_5, window_bounds = array<i64: 632, 128>}, {transform_indices = @transform_6, window_bounds = array<i64: 632, 128>}]} {
    %get3A = arith.constant 0 : index
    %get3A_0 = arith.constant 0 : index
    %get3A_1 = vector.load %arg3[%get3A, %get3A_0] : memref<632x1xf32, #tpu.memory_space<vmem>>, vector<632x1xf32>
    %get3A_2 = arith.constant 0 : index
    %get3A_3 = arith.constant 0 : index
    %get3A_4 = arith.constant 0 : index
    %get3A_5 = vector.load %arg1[%get3A_2, %get3A_3, %get3A_4] : memref<2x632x128xf32, #tpu.memory_space<vmem>>, vector<2x632x128xf32>
    %slice3A = vector.extract_strided_slice %get3A_5 {offsets = [0, 0, 0], sizes = [1, 632, 128], strides = [1, 1, 1]} : vector<2x632x128xf32> to vector<1x632x128xf32>
    %squeeze3A = vector.shape_cast %slice3A : vector<1x632x128xf32> to vector<632x128xf32>
    %slice3A_6 = vector.extract_strided_slice %get3A_5 {offsets = [1, 0, 0], sizes = [1, 632, 128], strides = [1, 1, 1]} : vector<2x632x128xf32> to vector<1x632x128xf32>
    %squeeze3A_7 = vector.shape_cast %slice3A_6 : vector<1x632x128xf32> to vector<632x128xf32>
    %add3A = arith.addf %squeeze3A, %squeeze3A_7 : vector<632x128xf32>
    %get3A_8 = arith.constant 0 : index
    %get3A_9 = arith.constant 0 : index
    %get3A_10 = vector.load %arg2[%get3A_8, %get3A_9] : memref<632x128xf32, #tpu.memory_space<vmem>>, vector<632x128xf32>
    %add3A_11 = arith.addf %add3A, %get3A_10 : vector<632x128xf32>
    %mul3A = vector.broadcast %get3A_1 : vector<632x1xf32> to vector<632x128xf32>
    %mul3A_12 = arith.mulf %add3A_11, %mul3A : vector<632x128xf32>
    %get3A_13 = arith.constant 0 : index
    %get3A_14 = arith.constant 0 : index
    %get3A_15 = vector.load %arg5[%get3A_13, %get3A_14] : memref<1x128xf32, #tpu.memory_space<vmem>>, vector<1x128xf32>
    %add3A_16 = vector.broadcast %get3A_15 : vector<1x128xf32> to vector<632x128xf32>
    %add3A_17 = arith.addf %mul3A_12, %add3A_16 : vector<632x128xf32>
    %max3A = arith.constant 0.000000e+00 : f32
    %max3A_18 = vector.broadcast %max3A : f32 to vector<632x128xf32>
    %max3A_19 = arith.maximumf %add3A_17, %max3A_18 : vector<632x128xf32>
    %swap3A = arith.constant 0 : index
    %swap3A_20 = arith.constant 0 : index
    %swap3A_21 = vector.load %arg7[%swap3A, %swap3A_20] : memref<632x128xf32, #tpu.memory_space<vmem>>, vector<632x128xf32>
    tpu.vector_store %arg7[%swap3A, %swap3A_20], %max3A_19 {strides = array<i32>} : memref<632x128xf32, #tpu.memory_space<vmem>>, vector<632x128xf32>,
    %get3A_22 = arith.constant 0 : index
    %get3A_23 = arith.constant 0 : index
    %get3A_24 = vector.load %arg4[%get3A_22, %get3A_23] : memref<128x128xf32, #tpu.memory_space<vmem>>, vector<128x128xf32>
    %dot_general3A = arith.constant dense<0.000000e+00> : vector<632x128xf32>
    %dot_general3A_25 = tpu.matmul %max3A_19, %get3A_24, %dot_general3A {dimension_numbers = #tpu.dot_dimension_numbers<[1], [0], [0], [1], [0, 0, 1, 1], [], []>, transpose_lhs_hint = false} : vector<632x128xf32>, vector<128x128xf32>, vector<632x128xf32> -> vector<632x128xf32>
    %mul3A_26 = vector.broadcast %get3A_1 : vector<632x1xf32> to vector<632x128xf32>
    %mul3A_27 = arith.mulf %dot_general3A_25, %mul3A_26 : vector<632x128xf32>
    %swap3A_28 = arith.constant 0 : index
    %swap3A_29 = arith.constant 0 : index
    %swap3A_30 = vector.load %arg6[%swap3A_28, %swap3A_29] : memref<632x128xf32, #tpu.memory_space<vmem>>, vector<632x128xf32>
    tpu.vector_store %arg6[%swap3A_28, %swap3A_29], %mul3A_27 {strides = array<i32>} : memref<632x128xf32, #tpu.memory_space<vmem>>, vector<632x128xf32>,
    return
  }
  func.func @transform_0(%arg0: i32) -> (i32, i32, i32) {
    %c0_i32 = arith.constant 0 : i32
    %c0_i32_0 = arith.constant 0 : i32
    %c0_i32_1 = arith.constant 0 : i32
    return %c0_i32, %arg0, %c0_i32_0 : i32, i32, i32
  }
  func.func @transform_1(%arg0: i32) -> (i32, i32) {
    %c0_i32 = arith.constant 0 : i32
    %c0_i32_0 = arith.constant 0 : i32
    return %arg0, %c0_i32 : i32, i32
  }
  func.func @transform_2(%arg0: i32) -> (i32, i32) {
    %c0_i32 = arith.constant 0 : i32
    %c0_i32_0 = arith.constant 0 : i32
    return %arg0, %c0_i32 : i32, i32
  }
  func.func @transform_3(%arg0: i32) -> (i32, i32) {
    %c0_i32 = arith.constant 0 : i32
    %c0_i32_0 = arith.constant 0 : i32
    %c0_i32_1 = arith.constant 0 : i32
    return %c0_i32, %c0_i32_0 : i32, i32
  }
  func.func @transform_4(%arg0: i32) -> (i32, i32) {
    %c0_i32 = arith.constant 0 : i32
    %c0_i32_0 = arith.constant 0 : i32
    %c0_i32_1 = arith.constant 0 : i32
    return %c0_i32, %c0_i32_0 : i32, i32
  }
  func.func @transform_5(%arg0: i32) -> (i32, i32) {
    %c0_i32 = arith.constant 0 : i32
    %c0_i32_0 = arith.constant 0 : i32
    return %arg0, %c0_i32 : i32, i32
  }
  func.func @transform_6(%arg0: i32) -> (i32, i32) {
    %c0_i32 = arith.constant 0 : i32
    %c0_i32_0 = arith.constant 0 : i32
    return %arg0, %c0_i32 : i32, i32
  }
}

module attributes {stable_mosaic.version = 14 : i64} {
  func.func @_cnt_body(%arg0: i32, %arg1: memref<1x1x128xi32, #tpu.memory_space<vmem>>, %arg2: memref<1x64xf32, #tpu.memory_space<vmem>>) attributes {dimension_semantics = [#tpu.dimension_semantics<arbitrary>], iteration_bounds = array<i64: 79>, scalar_prefetch = 0 : i64, scratch_operands = 0 : i64, tpu.core_type = #tpu.core_type<tc>, window_params = [{transform_indices = @transform_0, window_bounds = array<i64: 1, 1, 128>}, {pipeline_mode = #tpu.pipeline_mode<synchronous>, transform_indices = @transform_1, window_bounds = array<i64: 1, 64>}]} {
    %eq3A = arith.constant 0 : i32
    %eq3A_0 = arith.cmpi eq, %arg0, %eq3A : i32
    %convert_element_type3A = arith.extui %eq3A_0 : i1 to i32
    %cond3A = arith.constant 0 : i32
    %cond3A_1 = arith.cmpi ne, %convert_element_type3A, %cond3A : i32
    scf.if %cond3A_1 {
      %broadcast_in_dim3A_17 = arith.constant 0.000000e+00 : f32
      %broadcast_in_dim3A_18 = vector.broadcast %broadcast_in_dim3A_17 : f32 to vector<1x64xf32>
      %swap3A_19 = arith.constant 0 : index
      %swap3A_20 = arith.constant 0 : index
      %swap3A_21 = vector.load %arg2[%swap3A_19, %swap3A_20] : memref<1x64xf32, #tpu.memory_space<vmem>>, vector<1x64xf32>
      tpu.vector_store %arg2[%swap3A_19, %swap3A_20], %broadcast_in_dim3A_18 {strides = array<i32>} : memref<1x64xf32, #tpu.memory_space<vmem>>, vector<1x64xf32>,
    } else {
    }
    %get3A = arith.constant 0 : index
    %get3A_2 = arith.constant 0 : index
    %get3A_3 = arith.constant 0 : index
    %get3A_4 = vector.load %arg1[%get3A, %get3A_2, %get3A_3] : memref<1x1x128xi32, #tpu.memory_space<vmem>>, vector<1x1x128xi32>
    %get3A_5 = vector.shape_cast %get3A_4 : vector<1x1x128xi32> to vector<128xi32>
    %broadcast_in_dim3A = vector.shape_cast %get3A_5 : vector<128xi32> to vector<128x1xi32>
    %iota3A = tpu.iota {dimensions = array<i32: 1>} : vector<128x64xi32>
    %eq3A_6 = vector.broadcast %broadcast_in_dim3A : vector<128x1xi32> to vector<128x64xi32>
    %eq3A_7 = arith.cmpi eq, %eq3A_6, %iota3A : vector<128x64xi32>
    %convert_element_type3A_8 = arith.extui %eq3A_7 : vector<128x64xi1> to vector<128x64xi32>
    %convert_element_type3A_9 = arith.sitofp %convert_element_type3A_8 : vector<128x64xi32> to vector<128x64xf32>
    %get3A_10 = arith.constant 0 : index
    %get3A_11 = arith.constant 0 : index
    %get3A_12 = vector.load %arg2[%get3A_10, %get3A_11] : memref<1x64xf32, #tpu.memory_space<vmem>>, vector<1x64xf32>
    %reduce_sum3A = arith.constant dense<0.000000e+00> : vector<64xf32>
    %reduce_sum3A_13 = vector.multi_reduction <add>, %convert_element_type3A_9, %reduce_sum3A [0] : vector<128x64xf32> to vector<64xf32>
    %broadcast_in_dim3A_14 = vector.shape_cast %reduce_sum3A_13 : vector<64xf32> to vector<1x64xf32>
    %add3A = arith.addf %get3A_12, %broadcast_in_dim3A_14 : vector<1x64xf32>
    %swap3A = arith.constant 0 : index
    %swap3A_15 = arith.constant 0 : index
    %swap3A_16 = vector.load %arg2[%swap3A, %swap3A_15] : memref<1x64xf32, #tpu.memory_space<vmem>>, vector<1x64xf32>
    tpu.vector_store %arg2[%swap3A, %swap3A_15], %add3A {strides = array<i32>} : memref<1x64xf32, #tpu.memory_space<vmem>>, vector<1x64xf32>,
    return
  }
  func.func @transform_0(%arg0: i32) -> (i32, i32, i32) {
    %c0_i32 = arith.constant 0 : i32
    %c0_i32_0 = arith.constant 0 : i32
    %c0_i32_1 = arith.constant 0 : i32
    return %arg0, %c0_i32, %c0_i32_0 : i32, i32, i32
  }
  func.func @transform_1(%arg0: i32) -> (i32, i32) {
    %c0_i32 = arith.constant 0 : i32
    %c0_i32_0 = arith.constant 0 : i32
    %c0_i32_1 = arith.constant 0 : i32
    return %c0_i32, %c0_i32_0 : i32, i32
  }
}

module attributes {stable_mosaic.version = 14 : i64} {
  func.func @_u_body(%arg0: i32, %arg1: memref<1x1x128xi32, #tpu.memory_space<vmem>>, %arg2: memref<1x1x128xf32, #tpu.memory_space<vmem>>, %arg3: memref<1x64xf32, #tpu.memory_space<vmem>>, %arg4: memref<128x128xf32, #tpu.memory_space<vmem>>) attributes {dimension_semantics = [#tpu.dimension_semantics<arbitrary>], iteration_bounds = array<i64: 79>, scalar_prefetch = 0 : i64, scratch_operands = 0 : i64, tpu.core_type = #tpu.core_type<tc>, window_params = [{transform_indices = @transform_0, window_bounds = array<i64: 1, 1, 128>}, {transform_indices = @transform_1, window_bounds = array<i64: 1, 1, 128>}, {pipeline_mode = #tpu.pipeline_mode<synchronous>, transform_indices = @transform_2, window_bounds = array<i64: 1, 64>}, {transform_indices = @transform_3, window_bounds = array<i64: 128, 128>}]} {
    %get3A = arith.constant 0 : index
    %get3A_0 = arith.constant 0 : index
    %get3A_1 = arith.constant 0 : index
    %get3A_2 = vector.load %arg1[%get3A, %get3A_0, %get3A_1] : memref<1x1x128xi32, #tpu.memory_space<vmem>>, vector<1x1x128xi32>
    %get3A_3 = vector.shape_cast %get3A_2 : vector<1x1x128xi32> to vector<128xi32>
    %get3A_4 = arith.constant 0 : index
    %get3A_5 = arith.constant 0 : index
    %get3A_6 = arith.constant 0 : index
    %get3A_7 = vector.load %arg2[%get3A_4, %get3A_5, %get3A_6] : memref<1x1x128xf32, #tpu.memory_space<vmem>>, vector<1x1x128xf32>
    %get3A_8 = vector.shape_cast %get3A_7 : vector<1x1x128xf32> to vector<128xf32>
    %broadcast_in_dim3A = vector.shape_cast %get3A_3 : vector<128xi32> to vector<128x1xi32>
    %iota3A = tpu.iota {dimensions = array<i32: 1>} : vector<128x128xi32>
    %eq3A = vector.broadcast %broadcast_in_dim3A : vector<128x1xi32> to vector<128x128xi32>
    %eq3A_9 = arith.cmpi eq, %eq3A, %iota3A : vector<128x128xi32>
    %convert_element_type3A = arith.extui %eq3A_9 : vector<128x128xi1> to vector<128x128xi32>
    %convert_element_type3A_10 = arith.sitofp %convert_element_type3A : vector<128x128xi32> to vector<128x128xf32>
    %get3A_11 = arith.constant 0 : index
    %get3A_12 = arith.constant 0 : index
    %get3A_13 = vector.load %arg3[%get3A_11, %get3A_12] : memref<1x64xf32, #tpu.memory_space<vmem>>, vector<1x64xf32>
    %max3A = arith.constant 1.000000e+00 : f32
    %max3A_14 = vector.broadcast %max3A : f32 to vector<1x64xf32>
    %max3A_15 = arith.maximumf %get3A_13, %max3A_14 : vector<1x64xf32>
    %div3A = arith.constant 1.000000e+00 : f32
    %div3A_16 = vector.broadcast %div3A : f32 to vector<1x64xf32>
    %div3A_17 = arith.divf %div3A_16, %max3A_15 : vector<1x64xf32>
    %broadcast_in_dim3A_18 = arith.constant 1.000000e+00 : f32
    %broadcast_in_dim3A_19 = vector.broadcast %broadcast_in_dim3A_18 : f32 to vector<1x64xf32>
    %concatenate3A = tpu.concatenate %div3A_17, %broadcast_in_dim3A_19 in 1 : vector<1x64xf32>, vector<1x64xf32> -> vector<1x128xf32>
    %broadcast_in_dim3A_20 = vector.shape_cast %get3A_8 : vector<128xf32> to vector<128x1xf32>
    %mul3A = vector.broadcast %broadcast_in_dim3A_20 : vector<128x1xf32> to vector<128x128xf32>
    %mul3A_21 = arith.mulf %convert_element_type3A_10, %mul3A : vector<128x128xf32>
    %mul3A_22 = vector.broadcast %concatenate3A : vector<1x128xf32> to vector<128x128xf32>
    %mul3A_23 = arith.mulf %mul3A_21, %mul3A_22 : vector<128x128xf32>
    %swap3A = arith.constant 0 : index
    %swap3A_24 = arith.constant 0 : index
    %swap3A_25 = vector.load %arg4[%swap3A, %swap3A_24] : memref<128x128xf32, #tpu.memory_space<vmem>>, vector<128x128xf32>
    tpu.vector_store %arg4[%swap3A, %swap3A_24], %mul3A_23 {strides = array<i32>} : memref<128x128xf32, #tpu.memory_space<vmem>>, vector<128x128xf32>,
    return
  }
  func.func @transform_0(%arg0: i32) -> (i32, i32, i32) {
    %c0_i32 = arith.constant 0 : i32
    %c0_i32_0 = arith.constant 0 : i32
    %c0_i32_1 = arith.constant 0 : i32
    return %arg0, %c0_i32, %c0_i32_0 : i32, i32, i32
  }
  func.func @transform_1(%arg0: i32) -> (i32, i32, i32) {
    %c0_i32 = arith.constant 0 : i32
    %c0_i32_0 = arith.constant 0 : i32
    %c0_i32_1 = arith.constant 0 : i32
    return %arg0, %c0_i32, %c0_i32_0 : i32, i32, i32
  }
  func.func @transform_2(%arg0: i32) -> (i32, i32) {
    %c0_i32 = arith.constant 0 : i32
    %c0_i32_0 = arith.constant 0 : i32
    %c0_i32_1 = arith.constant 0 : i32
    return %c0_i32, %c0_i32_0 : i32, i32
  }
  func.func @transform_3(%arg0: i32) -> (i32, i32) {
    %c0_i32 = arith.constant 0 : i32
    %c0_i32_0 = arith.constant 0 : i32
    return %arg0, %c0_i32 : i32, i32
  }
}

module attributes {stable_mosaic.version = 14 : i64} {
  func.func @_qt_body(%arg0: i32, %arg1: memref<2x128x128xf32, #tpu.memory_space<vmem>>, %arg2: memref<128x128xf32, #tpu.memory_space<vmem>>, %arg3: memref<1x1x128xf32, #tpu.memory_space<vmem>>, %arg4: memref<128x64xf32, #tpu.memory_space<vmem>>) attributes {dimension_semantics = [#tpu.dimension_semantics<arbitrary>], iteration_bounds = array<i64: 79>, scalar_prefetch = 0 : i64, scratch_operands = 0 : i64, tpu.core_type = #tpu.core_type<tc>, window_params = [{transform_indices = @transform_0, window_bounds = array<i64: 2, 128, 128>}, {transform_indices = @transform_1, window_bounds = array<i64: 128, 128>}, {transform_indices = @transform_2, window_bounds = array<i64: 1, 1, 128>}, {transform_indices = @transform_3, window_bounds = array<i64: 128, 64>}]} {
    %get3A = arith.constant 0 : index
    %get3A_0 = arith.constant 0 : index
    %get3A_1 = arith.constant 0 : index
    %get3A_2 = vector.load %arg3[%get3A, %get3A_0, %get3A_1] : memref<1x1x128xf32, #tpu.memory_space<vmem>>, vector<1x1x128xf32>
    %get3A_3 = vector.shape_cast %get3A_2 : vector<1x1x128xf32> to vector<128xf32>
    %get3A_4 = arith.constant 0 : index
    %get3A_5 = arith.constant 0 : index
    %get3A_6 = arith.constant 0 : index
    %get3A_7 = vector.load %arg1[%get3A_4, %get3A_5, %get3A_6] : memref<2x128x128xf32, #tpu.memory_space<vmem>>, vector<2x128x128xf32>
    %mul3A = arith.constant 128 : i32
    %mul3A_8 = arith.muli %arg0, %mul3A : i32
    %iota3A = tpu.iota {dimensions = array<i32: 0>} : vector<128x64xi32>
    %add3A = vector.broadcast %mul3A_8 : i32 to vector<128x64xi32>
    %add3A_9 = arith.addi %add3A, %iota3A : vector<128x64xi32>
    %slice3A = vector.extract_strided_slice %get3A_7 {offsets = [0, 0, 0], sizes = [1, 128, 128], strides = [1, 1, 1]} : vector<2x128x128xf32> to vector<1x128x128xf32>
    %squeeze3A = vector.shape_cast %slice3A : vector<1x128x128xf32> to vector<128x128xf32>
    %slice3A_10 = vector.extract_strided_slice %get3A_7 {offsets = [1, 0, 0], sizes = [1, 128, 128], strides = [1, 1, 1]} : vector<2x128x128xf32> to vector<1x128x128xf32>
    %squeeze3A_11 = vector.shape_cast %slice3A_10 : vector<1x128x128xf32> to vector<128x128xf32>
    %add3A_12 = arith.addf %squeeze3A, %squeeze3A_11 : vector<128x128xf32>
    %get3A_13 = arith.constant 0 : index
    %get3A_14 = arith.constant 0 : index
    %get3A_15 = vector.load %arg2[%get3A_13, %get3A_14] : memref<128x128xf32, #tpu.memory_space<vmem>>, vector<128x128xf32>
    %add3A_16 = arith.addf %add3A_12, %get3A_15 : vector<128x128xf32>
    %broadcast_in_dim3A = vector.shape_cast %get3A_3 : vector<128xf32> to vector<128x1xf32>
    %mul3A_17 = vector.broadcast %broadcast_in_dim3A : vector<128x1xf32> to vector<128x128xf32>
    %mul3A_18 = arith.mulf %add3A_16, %mul3A_17 : vector<128x128xf32>
    %slice3A_19 = vector.extract_strided_slice %mul3A_18 {offsets = [0, 0], sizes = [128, 64], strides = [1, 1]} : vector<128x128xf32> to vector<128x64xf32>
    %lt3A = arith.constant 10000 : i32
    %lt3A_20 = vector.broadcast %lt3A : i32 to vector<128x64xi32>
    %lt3A_21 = arith.cmpi slt, %add3A_9, %lt3A_20 : vector<128x64xi32>
    %jit3A = arith.constant 0.000000e+00 : f32
    %broadcast_in_dim3A_22 = vector.broadcast %jit3A : f32 to vector<128x64xf32>
    %select_n3A = arith.select %lt3A_21, %slice3A_19, %broadcast_in_dim3A_22 : vector<128x64xi1>, vector<128x64xf32>
    %swap3A = arith.constant 0 : index
    %swap3A_23 = arith.constant 0 : index
    %swap3A_24 = vector.load %arg4[%swap3A, %swap3A_23] : memref<128x64xf32, #tpu.memory_space<vmem>>, vector<128x64xf32>
    tpu.vector_store %arg4[%swap3A, %swap3A_23], %select_n3A {strides = array<i32>} : memref<128x64xf32, #tpu.memory_space<vmem>>, vector<128x64xf32>,
    return
  }
  func.func @transform_0(%arg0: i32) -> (i32, i32, i32) {
    %c0_i32 = arith.constant 0 : i32
    %c0_i32_0 = arith.constant 0 : i32
    %c0_i32_1 = arith.constant 0 : i32
    return %c0_i32, %arg0, %c0_i32_0 : i32, i32, i32
  }
  func.func @transform_1(%arg0: i32) -> (i32, i32) {
    %c0_i32 = arith.constant 0 : i32
    %c0_i32_0 = arith.constant 0 : i32
    return %arg0, %c0_i32 : i32, i32
  }
  func.func @transform_2(%arg0: i32) -> (i32, i32, i32) {
    %c0_i32 = arith.constant 0 : i32
    %c0_i32_0 = arith.constant 0 : i32
    %c0_i32_1 = arith.constant 0 : i32
    return %arg0, %c0_i32, %c0_i32_0 : i32, i32, i32
  }
  func.func @transform_3(%arg0: i32) -> (i32, i32) {
    %c0_i32 = arith.constant 0 : i32
    %c0_i32_0 = arith.constant 0 : i32
    return %arg0, %c0_i32 : i32, i32
  }
}

module attributes {stable_mosaic.version = 14 : i64} {
  func.func @_final_body(%arg0: memref<10112x64xf32, #tpu.memory_space<vmem>>, %arg1: memref<10112x128xf32, #tpu.memory_space<vmem>>, %arg2: memref<128x128xf32, #tpu.memory_space<vmem>>, %arg3: memref<128x40xf32, #tpu.memory_space<vmem>>, %arg4: memref<1x128xf32, #tpu.memory_space<vmem>>, %arg5: memref<1x40xf32, #tpu.memory_space<vmem>>, %arg6: memref<64x40xf32, #tpu.memory_space<vmem>>) attributes {dimension_semantics = [], scalar_prefetch = 0 : i64, scratch_operands = 0 : i64, tpu.core_type = #tpu.core_type<tc>} {
    %get3A = arith.constant 0 : index
    %get3A_0 = arith.constant 0 : index
    %get3A_1 = vector.load %arg0[%get3A, %get3A_0] : memref<10112x64xf32, #tpu.memory_space<vmem>>, vector<10112x64xf32>
    %get3A_2 = arith.constant 0 : index
    %get3A_3 = arith.constant 0 : index
    %get3A_4 = vector.load %arg1[%get3A_2, %get3A_3] : memref<10112x128xf32, #tpu.memory_space<vmem>>, vector<10112x128xf32>
    %dot_general3A = arith.constant dense<0.000000e+00> : vector<64x128xf32>
    %dot_general3A_5 = tpu.matmul %get3A_1, %get3A_4, %dot_general3A {dimension_numbers = #tpu.dot_dimension_numbers<[0], [0], [1], [1], [0, 1, 1, 1], [], []>, transpose_lhs_hint = false} : vector<10112x64xf32>, vector<10112x128xf32>, vector<64x128xf32> -> vector<64x128xf32>
    %get3A_6 = arith.constant 0 : index
    %get3A_7 = arith.constant 0 : index
    %get3A_8 = vector.load %arg2[%get3A_6, %get3A_7] : memref<128x128xf32, #tpu.memory_space<vmem>>, vector<128x128xf32>
    %get3A_9 = arith.constant 0 : index
    %get3A_10 = arith.constant 0 : index
    %get3A_11 = vector.load %arg3[%get3A_9, %get3A_10] : memref<128x40xf32, #tpu.memory_space<vmem>>, vector<128x40xf32>
    %dot_general3A_12 = arith.constant dense<0.000000e+00> : vector<128x40xf32>
    %dot_general3A_13 = tpu.matmul %get3A_8, %get3A_11, %dot_general3A_12 {dimension_numbers = #tpu.dot_dimension_numbers<[1], [0], [0], [1], [0, 0, 1, 1], [], []>, transpose_lhs_hint = false} : vector<128x128xf32>, vector<128x40xf32>, vector<128x40xf32> -> vector<128x40xf32>
    %dot_general3A_14 = arith.constant dense<0.000000e+00> : vector<64x40xf32>
    %dot_general3A_15 = tpu.matmul %dot_general3A_5, %dot_general3A_13, %dot_general3A_14 {dimension_numbers = #tpu.dot_dimension_numbers<[1], [0], [0], [1], [0, 0, 1, 1], [], []>, transpose_lhs_hint = false} : vector<64x128xf32>, vector<128x40xf32>, vector<64x40xf32> -> vector<64x40xf32>
    %get3A_16 = arith.constant 0 : index
    %get3A_17 = arith.constant 0 : index
    %get3A_18 = vector.load %arg4[%get3A_16, %get3A_17] : memref<1x128xf32, #tpu.memory_space<vmem>>, vector<1x128xf32>
    %get3A_19 = arith.constant 0 : index
    %get3A_20 = arith.constant 0 : index
    %get3A_21 = vector.load %arg3[%get3A_19, %get3A_20] : memref<128x40xf32, #tpu.memory_space<vmem>>, vector<128x40xf32>
    %dot_general3A_22 = arith.constant dense<0.000000e+00> : vector<1x40xf32>
    %dot_general3A_23 = tpu.matmul %get3A_18, %get3A_21, %dot_general3A_22 {dimension_numbers = #tpu.dot_dimension_numbers<[1], [0], [0], [1], [0, 0, 1, 1], [], []>, transpose_lhs_hint = false} : vector<1x128xf32>, vector<128x40xf32>, vector<1x40xf32> -> vector<1x40xf32>
    %add3A = vector.broadcast %dot_general3A_23 : vector<1x40xf32> to vector<64x40xf32>
    %add3A_24 = arith.addf %dot_general3A_15, %add3A : vector<64x40xf32>
    %get3A_25 = arith.constant 0 : index
    %get3A_26 = arith.constant 0 : index
    %get3A_27 = vector.load %arg5[%get3A_25, %get3A_26] : memref<1x40xf32, #tpu.memory_space<vmem>>, vector<1x40xf32>
    %add3A_28 = vector.broadcast %get3A_27 : vector<1x40xf32> to vector<64x40xf32>
    %add3A_29 = arith.addf %add3A_24, %add3A_28 : vector<64x40xf32>
    %swap3A = arith.constant 0 : index
    %swap3A_30 = arith.constant 0 : index
    %swap3A_31 = vector.load %arg6[%swap3A, %swap3A_30] : memref<64x40xf32, #tpu.memory_space<vmem>>, vector<64x40xf32>
    tpu.vector_store %arg6[%swap3A, %swap3A_30], %add3A_29 {strides = array<i32>} : memref<64x40xf32, #tpu.memory_space<vmem>>, vector<64x40xf32>,
    return
  }
}

module attributes {stable_mosaic.version = 14 : i64} {
  func.func @_comb5_body(%arg0: i32, %arg1: memref<2x128x128xf32, #tpu.memory_space<vmem>>, %arg2: memref<128x128xf32, #tpu.memory_space<vmem>>, %arg3: memref<1x1x128xf32, #tpu.memory_space<vmem>>, %arg4: memref<1x128xf32, #tpu.memory_space<vmem>>, %arg5: memref<128x128xf32, #tpu.memory_space<vmem>>) attributes {dimension_semantics = [#tpu.dimension_semantics<arbitrary>], iteration_bounds = array<i64: 79>, scalar_prefetch = 0 : i64, scratch_operands = 0 : i64, tpu.core_type = #tpu.core_type<tc>, window_params = [{transform_indices = @transform_0, window_bounds = array<i64: 2, 128, 128>}, {transform_indices = @transform_1, window_bounds = array<i64: 128, 128>}, {transform_indices = @transform_2, window_bounds = array<i64: 1, 1, 128>}, {pipeline_mode = #tpu.pipeline_mode<synchronous>, transform_indices = @transform_3, window_bounds = array<i64: 1, 128>}, {transform_indices = @transform_4, window_bounds = array<i64: 128, 128>}]} {
    %get3A = arith.constant 0 : index
    %get3A_0 = arith.constant 0 : index
    %get3A_1 = arith.constant 0 : index
    %get3A_2 = vector.load %arg3[%get3A, %get3A_0, %get3A_1] : memref<1x1x128xf32, #tpu.memory_space<vmem>>, vector<1x1x128xf32>
    %get3A_3 = vector.shape_cast %get3A_2 : vector<1x1x128xf32> to vector<128xf32>
    %get3A_4 = arith.constant 0 : index
    %get3A_5 = arith.constant 0 : index
    %get3A_6 = arith.constant 0 : index
    %get3A_7 = vector.load %arg1[%get3A_4, %get3A_5, %get3A_6] : memref<2x128x128xf32, #tpu.memory_space<vmem>>, vector<2x128x128xf32>
    %slice3A = vector.extract_strided_slice %get3A_7 {offsets = [0, 0, 0], sizes = [1, 128, 128], strides = [1, 1, 1]} : vector<2x128x128xf32> to vector<1x128x128xf32>
    %squeeze3A = vector.shape_cast %slice3A : vector<1x128x128xf32> to vector<128x128xf32>
    %slice3A_8 = vector.extract_strided_slice %get3A_7 {offsets = [1, 0, 0], sizes = [1, 128, 128], strides = [1, 1, 1]} : vector<2x128x128xf32> to vector<1x128x128xf32>
    %squeeze3A_9 = vector.shape_cast %slice3A_8 : vector<1x128x128xf32> to vector<128x128xf32>
    %add3A = arith.addf %squeeze3A, %squeeze3A_9 : vector<128x128xf32>
    %get3A_10 = arith.constant 0 : index
    %get3A_11 = arith.constant 0 : index
    %get3A_12 = vector.load %arg2[%get3A_10, %get3A_11] : memref<128x128xf32, #tpu.memory_space<vmem>>, vector<128x128xf32>
    %add3A_13 = arith.addf %add3A, %get3A_12 : vector<128x128xf32>
    %broadcast_in_dim3A = vector.shape_cast %get3A_3 : vector<128xf32> to vector<128x1xf32>
    %mul3A = vector.broadcast %broadcast_in_dim3A : vector<128x1xf32> to vector<128x128xf32>
    %mul3A_14 = arith.mulf %add3A_13, %mul3A : vector<128x128xf32>
    %get3A_15 = arith.constant 0 : index
    %get3A_16 = arith.constant 0 : index
    %get3A_17 = vector.load %arg4[%get3A_15, %get3A_16] : memref<1x128xf32, #tpu.memory_space<vmem>>, vector<1x128xf32>
    %add3A_18 = vector.broadcast %get3A_17 : vector<1x128xf32> to vector<128x128xf32>
    %add3A_19 = arith.addf %mul3A_14, %add3A_18 : vector<128x128xf32>
    %max3A = arith.constant 0.000000e+00 : f32
    %max3A_20 = vector.broadcast %max3A : f32 to vector<128x128xf32>
    %max3A_21 = arith.maximumf %add3A_19, %max3A_20 : vector<128x128xf32>
    %swap3A = arith.constant 0 : index
    %swap3A_22 = arith.constant 0 : index
    %swap3A_23 = vector.load %arg5[%swap3A, %swap3A_22] : memref<128x128xf32, #tpu.memory_space<vmem>>, vector<128x128xf32>
    tpu.vector_store %arg5[%swap3A, %swap3A_22], %max3A_21 {strides = array<i32>} : memref<128x128xf32, #tpu.memory_space<vmem>>, vector<128x128xf32>,
    return
  }
  func.func @transform_0(%arg0: i32) -> (i32, i32, i32) {
    %c0_i32 = arith.constant 0 : i32
    %c0_i32_0 = arith.constant 0 : i32
    %c0_i32_1 = arith.constant 0 : i32
    return %c0_i32, %arg0, %c0_i32_0 : i32, i32, i32
  }
  func.func @transform_1(%arg0: i32) -> (i32, i32) {
    %c0_i32 = arith.constant 0 : i32
    %c0_i32_0 = arith.constant 0 : i32
    return %arg0, %c0_i32 : i32, i32
  }
  func.func @transform_2(%arg0: i32) -> (i32, i32, i32) {
    %c0_i32 = arith.constant 0 : i32
    %c0_i32_0 = arith.constant 0 : i32
    %c0_i32_1 = arith.constant 0 : i32
    return %arg0, %c0_i32, %c0_i32_0 : i32, i32, i32
  }
  func.func @transform_3(%arg0: i32) -> (i32, i32) {
    %c0_i32 = arith.constant 0 : i32
    %c0_i32_0 = arith.constant 0 : i32
    %c0_i32_1 = arith.constant 0 : i32
    return %c0_i32, %c0_i32_0 : i32, i32
  }
  func.func @transform_4(%arg0: i32) -> (i32, i32) {
    %c0_i32 = arith.constant 0 : i32
    %c0_i32_0 = arith.constant 0 : i32
    return %arg0, %c0_i32 : i32, i32
  }
}

</mosaic_0001>

<sc_bundles>
// kernel: kernel.20.cloned.1.call-start
scs
__scs_entry_jumppad:
0x0: {  	(pc) =	sbr.rel $0x88, $3  }
0x1: {  	(tag) =	ssettag $0x0;
	lr =	simm.s32 $0x1  }
0x2: {  	[smem:$0x3F90] =	sst lr;
	_ =	strace $0xD0000000  }
0x3: {  	_ = 	snop  }
0x4: {  	_ = 	snop  }
0x5: {  	_ = 	snop  }
0x6: {  	_ = 	snop  }
0x7: {  	_ = 	snop  }
__scs_overlays_trampoline_lowered:
0x8: {  	[smem:$0x3F9F] =	sst s0  }
0x9: {  	[smem:$0x3FA0] =	sst s1  }
0xa: {  	[smem:$0x3FA1] =	sst s2  }
0xb: {  	[smem:$0x3FA2] =	sst s3  }
0xc: {  	[smem:$0x3FA3] =	sst s4  }
0xd: {  	[smem:$0x3FA4] =	sst s5  }
0xe: {  	[smem:$0x3FA5] =	sst s6  }
0xf: {  	[smem:$0x3FA6] =	sst s7  }
0x10: {  	[smem:$0x3FA7] =	sst s8  }
0x11: {  	[smem:$0x3FA8] =	sst s9;
	s0 =	simm.s32 @!p0 $0x0  }
0x12: {  	s1 =	sld [smem:$0x3F8E];
	s0 =	simm.s32 @p0 $0x1  }
0x13: {  	[smem:$0x3FA9] =	sst s0;
	s0 =	simm.s32 @!p1 $0x0  }
0x14: {  	s2 =	sld [smem:$0x3F8D];
	s0 =	simm.s32 @p1 $0x1  }
0x15: {  	[smem:$0x3FAA] =	sst s0;
	s0 =	simm.s32 @!p2 $0x0  }
0x16: {  	s3 =	sld [smem:$0x3FDB];
	s0 =	simm.s32 @p2 $0x1  }
0x17: {  	s4 =	simm.s32 $0x1BF5;
	[smem:$0x3FAC] =	sst s0  }
0x18: {  	s0 =	sld [smem:$0x3F8F];
	_ =	swait.ge [sflag:s4], $0x0  }
0x19: {  	s7 =	sld [smem:$0x3F90]  }
0x1a: {  	s8 =	sadd.s32 $0xFFFFE003, lr  }
0x1b: {  	s9 =	sadd.s32 $0xFFFFFEF7, lr;
	s5 =	simm.s32 $0xFFFFFFFF;
	p2 =	slt.u32 s8, $0xFFFFF086  }
0x1c: {  	p1 =	slt.u32 s9, $0xF7A;
	s5 =	simm.s32 @!p2 $0x0  }
0x1d: {  	s5 =	simm.s32 @p1 $0x1;
	p0 =	seq.s32 s7, s2  }
0x1e: {  	s7 =	smul.u32 @!p0 $0xF7A, s2;
	p2 =	seq.s32 @!p0 s5, $0x0  }
0x1f: {  	s9 =	smul.u32 $0xF7A, s1;
	s8 =	simm.s32 @!p0 $0x1BF5;
	p2 =	por !p2, p0  }
0x20: {  	[sflag:s8] =	ssyncset.s32 @!p0 $0xFFFFF086;
	s6 =	sadd.s32 @!p0 s3, s7;
	s7 =	simm.s32 @!p0 $0x108  }
0x21: {  	s3 =	sadd.s32 s3, s9;
	s6 =	sadd.s32 @!p0 $0x88, s6;
	s7 =	simm.s32 @p2 $0x1082  }
0x22: {  	[simem:s7], [sflag:s8] =	dma.local @!p0 [hbm:s6], $0xF7A  }
0x23: {  	s9 =	sor.u32 $0xD0000000, s2;
	s6 =	simm.s32 $0x108;
	_ =	swait.ge @!p0 [sflag:s8], $0x0  }
0x24: {  	s3 =	sadd.s32 $0x88, s3;
	s6 =	simm.s32 @!p1 $0x1082;
	[sflag:s4] =	ssyncset.s32 $0xFFFFF086  }
0x25: {  	[simem:s6], [sflag:s4] =	dma.local [hbm:s3], $0xF7A  }
0x26: {  	[smem:$0x3F90] =	sst s1;
	(tag) =	ssettag s2;
	_ =	strace s9  }
0x27: {  	s1 =	sld [smem:$0x3FA0]  }
0x28: {  	s2 =	sld [smem:$0x3FA1]  }
0x29: {  	s4 =	sld [smem:$0x3FA3]  }
0x2a: {  	p0 =	seq.s32 s5, $0x0;
	s5 =	sld [smem:$0x3FA4]  }
0x2b: {  	s6 =	sld [smem:$0x3FA5]  }
0x2c: {  	s7 =	sld [smem:$0x3FA6]  }
0x2d: {  	s3 =	simm.s32 $0x108;
	s8 =	sld [smem:$0x3FA7]  }
0x2e: {  	s3 =	simm.s32 @!p0 $0x1082;
	s9 =	sld [smem:$0x3FA8]  }
0x2f: {  	lr =	sadd.s32 s0, s3;
	s0 =	sld [smem:$0x3F9F]  }
0x30: {  	s3 =	sld [smem:$0x3FA2]  }
0x31: {  	[smem:$0x3FAB] =	sst s10  }
0x32: {  	s10 =	sld [smem:$0x3FA9];
	_ =	sdelay $0x3  }
0x33: {  	p0 =	seq.s32 s10, $0x1;
	s10 =	sld [smem:$0x3FAB];
	_ =	sdelay $0x3  }
0x34: {  	[smem:$0x3FAB] =	sst s10  }
0x35: {  	s10 =	sld [smem:$0x3FAA];
	_ =	sdelay $0x3  }
0x36: {  	p1 =	seq.s32 s10, $0x1;
	s10 =	sld [smem:$0x3FAB];
	_ =	sdelay $0x3  }
0x37: {  	[smem:$0x3FAB] =	sst s10  }
0x38: {  	s10 =	sld [smem:$0x3FAC]  }
0x39: {  	_ = 	snop;
	(pc) =	sbr.ind lr, $3  }
0x3a: {  	_ = 	snop  }
0x3b: {  	_ = 	snop  }
0x3c: {  	p2 =	seq.s32 s10, $0x1;
	s10 =	sld [smem:$0x3FAB]  }
0x3d: {  	_ =	shalt  }
0x3e: {  	_ =	shalt  }
0x3f: {  	_ =	shalt  }
0x40: {  	_ =	shalt  }
0x41: {  	_ =	shalt  }
0x42: {  	_ =	shalt  }
0x43: {  	_ =	shalt  }
0x44: {  	_ =	shalt  }
0x45: {  	_ =	shalt  }
0x46: {  	_ =	shalt  }
0x47: {  	_ =	shalt  }
0x48: {  	_ =	shalt  }
0x49: {  	_ =	shalt  }
0x4a: {  	_ =	shalt  }
0x4b: {  	_ =	shalt  }
0x4c: {  	_ =	shalt  }
0x4d: {  	_ =	shalt  }
0x4e: {  	_ =	shalt  }
0x4f: {  	_ =	shalt  }
0x50: {  	_ =	shalt  }
0x51: {  	_ =	shalt  }
0x52: {  	_ =	shalt  }
0x53: {  	_ =	shalt  }
0x54: {  	_ =	shalt  }
0x55: {  	_ =	shalt  }
0x56: {  	_ =	shalt  }
0x57: {  	_ =	shalt  }
0x58: {  	_ =	shalt  }
0x59: {  	_ =	shalt  }
0x5a: {  	_ =	shalt  }
0x5b: {  	_ =	shalt  }
0x5c: {  	_ =	shalt  }
0x5d: {  	_ =	shalt  }
0x5e: {  	_ =	shalt  }
0x5f: {  	_ =	shalt  }
0x60: {  	_ =	shalt  }
0x61: {  	_ =	shalt  }
0x62: {  	_ =	shalt  }
0x63: {  	_ =	shalt  }
0x64: {  	_ =	shalt  }
0x65: {  	_ =	shalt  }
0x66: {  	_ =	shalt  }
0x67: {  	_ =	shalt  }
0x68: {  	_ =	shalt  }
0x69: {  	_ =	shalt  }
0x6a: {  	_ =	shalt  }
0x6b: {  	_ =	shalt  }
0x6c: {  	_ =	shalt  }
0x6d: {  	_ =	shalt  }
0x6e: {  	_ =	shalt  }
0x6f: {  	_ =	shalt  }
0x70: {  	_ =	shalt  }
0x71: {  	_ =	shalt  }
0x72: {  	_ =	shalt  }
0x73: {  	_ =	shalt  }
0x74: {  	_ =	shalt  }
0x75: {  	_ =	shalt  }
0x76: {  	_ =	shalt  }
0x77: {  	_ =	shalt  }
0x78: {  	_ =	shalt  }
0x79: {  	_ =	shalt  }
0x7a: {  	_ =	shalt  }
0x7b: {  	_ =	shalt  }
0x7c: {  	_ =	shalt  }
0x7d: {  	_ =	shalt  }
0x7e: {  	_ =	shalt  }
0x7f: {  	_ =	shalt  }
0x80: {  	_ =	shalt  }
0x81: {  	_ =	shalt  }
0x82: {  	_ =	shalt  }
0x83: {  	_ =	shalt  }
0x84: {  	_ =	shalt  }
0x85: {  	_ =	shalt  }
0x86: {  	_ =	shalt  }
0x87: {  	_ =	shalt  }
.Lfunc_end0:
.L_simem_size_0:
called_computation_lowered:
.L_overlay_start_0:
0x88: {  	s2 =	sld [smem:$0x3FD9]  }
0x89: {  	s3 =	sld [smem:$0x3FFE];
	_ =	sdelay $0x1  }
0x8a: {  	s1 =	srdreg.scid  }
0x8b: {  	s0 =	sand.u32 $0x1, s1  }
0x8c: {  	s17 =	sshll.u32 s0, $0xA;
	s2 =	sadd.s32 s3, s2  }
0x8d: {  	s2 =	sadd.s32 s2, s17  }
0x8e: {  	[smem:$0x3FB7] =	sst s2  }
0x8f: {  	_ = 	snop  }
0x90: {  	s2 =	sld [smem:$0x3FD0];
	(tm) =	ssettm $0x1  }
0x91: {  	s18 =	sld [smem:$0x3FFB];
	_ =	sdelay $0x3  }
0x92: {  	_ =	strace s18  }
0x93: {  	s3 =	sld [smem:$0x3FFC];
	_ =	sdelay $0x3  }
0x94: {  	_ =	strace s3  }
0x95: {  	s3 =	sld [smem:$0x3FFD];
	_ =	sdelay $0x3  }
0x96: {  	_ =	strace s3  }
0x97: {  	_ =	strace $0x8FFFFFFF  }
0x98: {  	s19 =	sld [smem:$0x3FDB];
	_ =	sdelay $0x1  }
0x99: {  	s4 =	simm.s32 $_scs_section_size  }
0x9a: {  	s5 =	simm.s32 $_size__tile_overlayer_lowered;
	s6 =	simm.s32 $_tile_overlayer_lowered  }
0x9b: {  	s22 =	simm.s32 $0x1BFF;
	s21 =	sshll.u32 s6, $0x1;
	s3 =	sadd.s32 s4, s19  }
0x9c: {  	s7 =	simm.s32 $0x0;
	s20 =	sshll.u32 s5, $0x1;
	s5 =	sadd.s32 s21, s3  }
0x9d: {  	[timem:s7], [sflag:s22] =	dma.local [hbm:s5], s20  }
0x9e: {  	_ =	swait.ge [sflag:s22], s20  }
0x9f: {  	s4 =	ssub.s32 $0x0, s20;
	[sflag:s22] =	ssyncset.done $0x0  }
0xa0: {  	[sflag:s22] =	ssyncadd.s32 s4;
	_ =	sdelay $0x1  }
0xa1: {  	s23 =	simm.s32 $0x1B8B  }
0xa2: {  	_ =	swait.ge [sflag:s23], $0x1  }
0xa3: {  	[sflag:s23] =	ssyncset.done $0x0  }
0xa4: {  	s25 =	simm.s32 $0x1B8E;
	s24 =	sld [smem:$0x3FFE];
	[sflag:s23] =	ssyncadd.s32 $0xFFFFFFFF  }
0xa5: {  	s26 =	simm.s32 $execute0_lowered;
	[smem:$0x3FD2] =	sst s25  }
0xa6: {  	s5 =	sshll.u32 s26, $0x1;
	_ =	strace $0x80000046;
	[dreg:$0x1] =	wrdreg $0xFFFFFFFF  }
0xa7: {  	s28 =	simm.s32 $_size_execute0_lowered;
	s3 =	sadd.s32 s3, s5;
	[dreg:$0x0] =	wrdreg $0x0  }
0xa8: {  	s5 =	sshll.u32 s28, $0x1;
	[dreg:$0x2] =	wrdreg s3  }
0xa9: {  	[dreg:$0x3] =	wrdreg s5  }
0xaa: {  	[dreg:$0x4] =	wrdreg $0xC0  }
0xab: {  	_ =	task [dreg:s7], $0x5FFFF  }
0xac: {  	[dreg:$0x1] =	wrdreg $0xFFFFFFFF  }
0xad: {  	[dreg:$0x0] =	wrdreg $0x60  }
0xae: {  	[dreg:$0x2] =	wrdreg s24  }
0xaf: {  	[dreg:$0x3] =	wrdreg s2  }
0xb0: {  	[dreg:$0x4] =	wrdreg $0x33000  }
0xb1: {  	[dreg:$0x5] =	wrdreg $0x9  }
0xb2: {  	_ =	task.clear_ibuf [dreg:s7], $0x6FFFF;
	_ =	strace $0x90000046  }
0xb3: {  	s29 =	simm.s32 $0x9;
	_ =	strace $0x80000048  }
0xb4: {  	_ =	swait.ge [sflag:s29], $0x1  }
0xb5: {  	[sflag:s29] =	ssyncadd.s32 $0xFFFFFFFF  }
0xb6: {  	_ =	strace $0x90000048  }
0xb7: {  	_ =	sfence  }
0xb8: {  	s30 =	sld [smem:$0x0];
	_ =	sdelay $0x2  }
0xb9: {  	s31 =	sshll.u32 s1, $0xD;
	s1 =	sshrl.u32 s1, $0x2  }
0xba: {  	s3 =	sand.u32 $0x4000, s31;
	s1 =	sadd.s32 s1, s30  }
0xbb: {  	s0 =	sor.u32 s3, s0;
	s1 =	sshll.u32 s1, $0x11  }
0xbc: {  	s0 =	sor.u32 s1, s0  }
0xbd: {  	s0 =	sadd.s32 $0x8F2B, s0  }
0xbe: {  	[sflag:s0] =	ssyncadd.remote.s32 $0x1  }
0xbf: {  	_ =	sfence.sel $0xFFFF  }
0xc0: {  	[dreg:$0x0] =	wrdreg $0xFFFFFFFF;
	(pc) =	sbr.abs _section_cstart, $3  }
0xc1: {  	[dreg:$0x1] =	wrdreg $0xFFFFFFFF  }
0xc2: {  	_ =	task.clear_ibuf [dreg:s7], $0x2FFFF;
	_ =	strace $0x9FFFFFFF  }
0xc3: {  	(tm) =	ssettm $0x7FFFFFFF  }
tec
execute0_lowered:
.L_overlay_start_1:
0x0: {  	(tag) =	ssettag $0x1  }
0x1: {  	s7 =	rddreg [dreg:$0x0]  }
0x2: {  	s2 =	rddreg [dreg:$0x1]  }
0x3: {  	s0 =	srdreg.scid;
	s3 =	rddreg [dreg:$0x2];
	s4 =	simm.s32 $0x0  }
0x4: {  	s13 =	simm.s32 $0x3000;
	s6 =	sand.u32 $0x1, s0;
	s0 =	stileid.u32  }
0x5: {  	s14 =	simm.s32 $0x80;
	s15 =	simm.s32 $0x0;
	s8 =	smul.u32 $0x278, s0  }
0x6: {  	[smem:$0x7FF] =	sst s4;
	s1 =	sshll.u32 s6, $0x4;
	s9 =	smul.u32 $0x2780, s6  }
0x7: {  	s11 =	ssub.s32 $0x2, s6;
	p0 =	seq.s32 s6, $0x0;
	s6 =	simm.s32 $0x5F  }
0x8: {  	s1 =	sor.u32 s0, s1;
	s12 =	sshrl.u32 s11, $0x1;
	s6 =	simm.s32 @!p0 $0x3E  }
0x9: {  	s5 =	smul.u32 $0x600, s1;
	s1 =	rddreg [dreg:$0x3];
	_ =	strace $0x80000047  }
0xa: {  	s9 =	sadd.s32 s8, s9;
	s11 =	ssub.s32 s11, s12;
	s12 =	simm.s32 $0x1  }
0xb: {  	s9 =	sshrl.u32 s9, $0x3;
	s10 =	sadd.s32 s5, s7;
	s5 =	sadd.s32 $0x1F400, s7  }
0xc: {  	s9 =	sadd.s32 s9, s7;
	s7 =	sadd.s32 s8, s3;
	s8 =	sadd.s32 $0x13400, s10  }
0xd: {  	s9 =	sadd.s32 $0x1F600, s9;
	s10 =	smax.u32 s11, $0x1;
	s11 =	simm.s32 $0x3080  }
.LBB2_1:
0xe: {  	[tilespmem:s11], [sflag:$0x1] =	stream.linear.gather [hbm4b:s2+s4], $0x280, $0x38;
	[tilespmem:$0x3578] =	vst v63  }
0xf: {  	_ =	swait.ge [sflag:s12], $0x280  }
0x10: {  	[sflag:s12] =	ssyncset.done $0x0  }
0x11: {  	[sflag:s12] =	ssyncadd.s32 $0xFFFFFD80  }
0x12: {  	[spmem:s7] =	stream.linear.scatter [tilespmem:s11], [sflag:$0x1], $0x278, $0x38;
	[tilespmem:$0x3578] =	vst v63  }
0x13: {  	_ =	swait.ge [sflag:s12], $0x278  }
0x14: {  	[sflag:s12] =	ssyncset.done $0x0  }
0x15: {  	[sflag:s12] =	ssyncadd.s32 $0xFFFFFD88  }
0x16: {  	[tilespmem:s13], [sflag:$0x1] =	stream.linear.gather [hbm4b:s5+s4], $0x80, $0x38;
	[tilespmem:$0x3578] =	vst v63  }
0x17: {  	_ =	swait.ge [sflag:s12], $0x80  }
0x18: {  	[sflag:s12] =	ssyncset.done $0x0  }
0x19: {  	[sflag:s12] =	ssyncadd.s32 $0xFFFFFF80  }
0x1a: {  	[tilespmem:s4], [sflag:$0x1] =	stream.linear.gather [hbm4b:s8+s4], $0x2F80, $0x38;
	[tilespmem:$0x3578] =	vst v63  }
0x1b: {  	_ =	swait.ge [sflag:s12], $0x2F80  }
0x1c: {  	p0 =	sne.s32 s6, $0x1;
	[sflag:s12] =	ssyncset.done $0x0  }
.Ltmp0:
0x1d: {  	[sflag:s12] =	ssyncadd.s32 $0xFFFFD080;
	(pc) =	sbr.rel @!p0 .LBB2_3-.Ltmp0, $4  }
0x1e: {  	[bflag:$0x0] =	sbarrier.arrive $0xFFFF  }
0x1f: {  	[spmem:s3] =	stream.indirect.scatter.add.f32 [tilespmem:s13], [sflag:$0x1], $0x1, s4, s14, $0xb8;
	[tilespmem:$0x3578] =	vst v63  }
0x20: {  	_ =	swait.ge [sflag:s12], $0x80  }
0x21: {  	s16 =	sadd.s32 $0xFFFFFFFF, s6;
	s17 =	simm.s32 $0x0;
	[sflag:s12] =	ssyncset.done $0x0  }
.LBB2_2:
0x22: {  	p0 =	sne.s32 s16, $0x1;
	[sflag:s12] =	ssyncadd.s32 $0xFFFFFF80;
	s17 =	sadd.s32 $0x80, s17  }
.Ltmp1:
0x23: {  	s16 =	sadd.s32 $0xFFFFFFFF, s16;
	(pc) =	sbr.rel @p0 .LBB2_2-.Ltmp1, $4  }
0x24: {  	_ = 	snop  }
0x25: {  	[spmem:s3] =	stream.indirect.scatter.add.f32 [tilespmem:s13], [sflag:$0x1], $0x1, s17, s14, $0xb8;
	[tilespmem:$0x3578] =	vst v63  }
0x26: {  	_ =	swait.ge [sflag:s12], $0x80  }
0x27: {  	[sflag:s12] =	ssyncset.done $0x0  }
.LBB2_3:
0x28: {  	[sflag:s12] =	ssyncadd.s32 $0xFFFFFF80  }
0x29: {  	[bflag:$0x0] =	sbarrier.arrive $0xFFFF  }
0x2a: {  	[tilespmem:s11], [sflag:$0x1] =	stream.linear.gather [spmem:s7], $0x278, $0x38;
	[tilespmem:$0x3578] =	vst v63  }
0x2b: {  	s15 =	sadd.s32 $0x1, s15;
	_ =	swait.ge [sflag:s12], $0x278  }
0x2c: {  	p0 =	sne.s32 s15, s10;
	[sflag:s12] =	ssyncset.done $0x0  }
.Ltmp2:
0x2d: {  	[sflag:s12] =	ssyncadd.s32 $0xFFFFFD88;
	(pc) =	sbr.rel @p0 .LBB2_1-.Ltmp2, $4  }
0x2e: {  	[hbm4b:s9+s4] =	stream.linear.scatter [tilespmem:s11], [sflag:$0x1], $0x278, $0x38;
	[tilespmem:$0x3578] =	vst v63  }
0x2f: {  	_ =	swait.ge [sflag:s12], $0x278  }
0x30: {  	[sflag:s12] =	ssyncset.done $0x0  }
0x31: {  	[sflag:s12] =	ssyncadd.s32 $0xFFFFFD88  }
0x32: {  	_ =	sfence.sel $0x180000  }
0x33: {  	[bflag:$0x0] =	sbarrier.arrive $0xFFFF  }
0x34: {  	p0 =	sne.s32 s0, $0x0;
	_ =	strace $0x90000047  }
0x35: {  	s0 =	sadd.s32 @!p0 $0x100000, s1;
	[bflag:$0x2] =	sbarrier.arrive $0xFFFF  }
0x36: {  	[sflag:s0] =	ssyncadd.tile.s32 @!p0 $0x1;
	_ =	shalt  }
.Lfunc_end2:
_tile_overlayer_lowered:
.L_overlay_start_2:
0x37: {  	(tag) =	ssettag $0x2  }
0x38: {  	s0 =	rddreg [dreg:$0x0];
	s2 =	stileid.u32  }
0x39: {  	s1 =	rddreg [dreg:$0x1];
	p0 =	sne.s32 s2, $0x0  }
0x3a: {  	s3 =	rddreg [dreg:$0x2];
	[bflag:$0x3] =	sbarrier.arrive $0xFFFF;
	s2 =	simm.s32 @!p0 $0x1C01  }
0x3b: {  	[timem:s3], [sflag:s2] =	dma.local @!p0 [hbm:s0], s1  }
0x3c: {  	s0 =	simm.s32 @!p0 $0x1  }
0x3d: {  	_ =	swait.ge @!p0 [sflag:s0], s1  }
0x3e: {  	s1 =	ssub.s32 @!p0 $0x0, s1;
	[sflag:s0] =	ssyncset.done @!p0 $0x0  }
0x3f: {  	[sflag:s0] =	ssyncadd.s32 @!p0 s1  }
0x40: {  	[bflag:$0x3] =	sbarrier.arrive $0xFFFF  }
0x41: {  	_ =	shalt  }

// kernel: kernel.23.cloned.1.call-start
scs
__scs_entry_jumppad:
0x0: {  	(pc) =	sbr.rel $0x88, $3  }
0x1: {  	(tag) =	ssettag $0x0;
	lr =	simm.s32 $0x1  }
0x2: {  	[smem:$0x3F90] =	sst lr;
	_ =	strace $0xD0000000  }
0x3: {  	_ = 	snop  }
0x4: {  	_ = 	snop  }
0x5: {  	_ = 	snop  }
0x6: {  	_ = 	snop  }
0x7: {  	_ = 	snop  }
__scs_overlays_trampoline_lowered:
0x8: {  	[smem:$0x3F9F] =	sst s0  }
0x9: {  	[smem:$0x3FA0] =	sst s1  }
0xa: {  	[smem:$0x3FA1] =	sst s2  }
0xb: {  	[smem:$0x3FA2] =	sst s3  }
0xc: {  	[smem:$0x3FA3] =	sst s4  }
0xd: {  	[smem:$0x3FA4] =	sst s5  }
0xe: {  	[smem:$0x3FA5] =	sst s6  }
0xf: {  	[smem:$0x3FA6] =	sst s7  }
0x10: {  	[smem:$0x3FA7] =	sst s8  }
0x11: {  	[smem:$0x3FA8] =	sst s9;
	s0 =	simm.s32 @!p0 $0x0  }
0x12: {  	s1 =	sld [smem:$0x3F8E];
	s0 =	simm.s32 @p0 $0x1  }
0x13: {  	[smem:$0x3FA9] =	sst s0;
	s0 =	simm.s32 @!p1 $0x0  }
0x14: {  	s2 =	sld [smem:$0x3F8D];
	s0 =	simm.s32 @p1 $0x1  }
0x15: {  	[smem:$0x3FAA] =	sst s0;
	s0 =	simm.s32 @!p2 $0x0  }
0x16: {  	s3 =	sld [smem:$0x3FDB];
	s0 =	simm.s32 @p2 $0x1  }
0x17: {  	s4 =	simm.s32 $0x1BF5;
	[smem:$0x3FAC] =	sst s0  }
0x18: {  	s0 =	sld [smem:$0x3F8F];
	_ =	swait.ge [sflag:s4], $0x0  }
0x19: {  	s7 =	sld [smem:$0x3F90]  }
0x1a: {  	s8 =	sadd.s32 $0xFFFFE003, lr  }
0x1b: {  	s9 =	sadd.s32 $0xFFFFFEF7, lr;
	s5 =	simm.s32 $0xFFFFFFFF;
	p2 =	slt.u32 s8, $0xFFFFF086  }
0x1c: {  	p1 =	slt.u32 s9, $0xF7A;
	s5 =	simm.s32 @!p2 $0x0  }
0x1d: {  	s5 =	simm.s32 @p1 $0x1;
	p0 =	seq.s32 s7, s2  }
0x1e: {  	s7 =	smul.u32 @!p0 $0xF7A, s2;
	p2 =	seq.s32 @!p0 s5, $0x0  }
0x1f: {  	s9 =	smul.u32 $0xF7A, s1;
	s8 =	simm.s32 @!p0 $0x1BF5;
	p2 =	por !p2, p0  }
0x20: {  	[sflag:s8] =	ssyncset.s32 @!p0 $0xFFFFF086;
	s6 =	sadd.s32 @!p0 s3, s7;
	s7 =	simm.s32 @!p0 $0x108  }
0x21: {  	s3 =	sadd.s32 s3, s9;
	s6 =	sadd.s32 @!p0 $0x88, s6;
	s7 =	simm.s32 @p2 $0x1082  }
0x22: {  	[simem:s7], [sflag:s8] =	dma.local @!p0 [hbm:s6], $0xF7A  }
0x23: {  	s9 =	sor.u32 $0xD0000000, s2;
	s6 =	simm.s32 $0x108;
	_ =	swait.ge @!p0 [sflag:s8], $0x0  }
0x24: {  	s3 =	sadd.s32 $0x88, s3;
	s6 =	simm.s32 @!p1 $0x1082;
	[sflag:s4] =	ssyncset.s32 $0xFFFFF086  }
0x25: {  	[simem:s6], [sflag:s4] =	dma.local [hbm:s3], $0xF7A  }
0x26: {  	[smem:$0x3F90] =	sst s1;
	(tag) =	ssettag s2;
	_ =	strace s9  }
0x27: {  	s1 =	sld [smem:$0x3FA0]  }
0x28: {  	s2 =	sld [smem:$0x3FA1]  }
0x29: {  	s4 =	sld [smem:$0x3FA3]  }
0x2a: {  	p0 =	seq.s32 s5, $0x0;
	s5 =	sld [smem:$0x3FA4]  }
0x2b: {  	s6 =	sld [smem:$0x3FA5]  }
0x2c: {  	s7 =	sld [smem:$0x3FA6]  }
0x2d: {  	s3 =	simm.s32 $0x108;
	s8 =	sld [smem:$0x3FA7]  }
0x2e: {  	s3 =	simm.s32 @!p0 $0x1082;
	s9 =	sld [smem:$0x3FA8]  }
0x2f: {  	lr =	sadd.s32 s0, s3;
	s0 =	sld [smem:$0x3F9F]  }
0x30: {  	s3 =	sld [smem:$0x3FA2]  }
0x31: {  	[smem:$0x3FAB] =	sst s10  }
0x32: {  	s10 =	sld [smem:$0x3FA9];
	_ =	sdelay $0x3  }
0x33: {  	p0 =	seq.s32 s10, $0x1;
	s10 =	sld [smem:$0x3FAB];
	_ =	sdelay $0x3  }
0x34: {  	[smem:$0x3FAB] =	sst s10  }
0x35: {  	s10 =	sld [smem:$0x3FAA];
	_ =	sdelay $0x3  }
0x36: {  	p1 =	seq.s32 s10, $0x1;
	s10 =	sld [smem:$0x3FAB];
	_ =	sdelay $0x3  }
0x37: {  	[smem:$0x3FAB] =	sst s10  }
0x38: {  	s10 =	sld [smem:$0x3FAC]  }
0x39: {  	_ = 	snop;
	(pc) =	sbr.ind lr, $3  }
0x3a: {  	_ = 	snop  }
0x3b: {  	_ = 	snop  }
0x3c: {  	p2 =	seq.s32 s10, $0x1;
	s10 =	sld [smem:$0x3FAB]  }
0x3d: {  	_ =	shalt  }
0x3e: {  	_ =	shalt  }
0x3f: {  	_ =	shalt  }
0x40: {  	_ =	shalt  }
0x41: {  	_ =	shalt  }
0x42: {  	_ =	shalt  }
0x43: {  	_ =	shalt  }
0x44: {  	_ =	shalt  }
0x45: {  	_ =	shalt  }
0x46: {  	_ =	shalt  }
0x47: {  	_ =	shalt  }
0x48: {  	_ =	shalt  }
0x49: {  	_ =	shalt  }
0x4a: {  	_ =	shalt  }
0x4b: {  	_ =	shalt  }
0x4c: {  	_ =	shalt  }
0x4d: {  	_ =	shalt  }
0x4e: {  	_ =	shalt  }
0x4f: {  	_ =	shalt  }
0x50: {  	_ =	shalt  }
0x51: {  	_ =	shalt  }
0x52: {  	_ =	shalt  }
0x53: {  	_ =	shalt  }
0x54: {  	_ =	shalt  }
0x55: {  	_ =	shalt  }
0x56: {  	_ =	shalt  }
0x57: {  	_ =	shalt  }
0x58: {  	_ =	shalt  }
0x59: {  	_ =	shalt  }
0x5a: {  	_ =	shalt  }
0x5b: {  	_ =	shalt  }
0x5c: {  	_ =	shalt  }
0x5d: {  	_ =	shalt  }
0x5e: {  	_ =	shalt  }
0x5f: {  	_ =	shalt  }
0x60: {  	_ =	shalt  }
0x61: {  	_ =	shalt  }
0x62: {  	_ =	shalt  }
0x63: {  	_ =	shalt  }
0x64: {  	_ =	shalt  }
0x65: {  	_ =	shalt  }
0x66: {  	_ =	shalt  }
0x67: {  	_ =	shalt  }
0x68: {  	_ =	shalt  }
0x69: {  	_ =	shalt  }
0x6a: {  	_ =	shalt  }
0x6b: {  	_ =	shalt  }
0x6c: {  	_ =	shalt  }
0x6d: {  	_ =	shalt  }
0x6e: {  	_ =	shalt  }
0x6f: {  	_ =	shalt  }
0x70: {  	_ =	shalt  }
0x71: {  	_ =	shalt  }
0x72: {  	_ =	shalt  }
0x73: {  	_ =	shalt  }
0x74: {  	_ =	shalt  }
0x75: {  	_ =	shalt  }
0x76: {  	_ =	shalt  }
0x77: {  	_ =	shalt  }
0x78: {  	_ =	shalt  }
0x79: {  	_ =	shalt  }
0x7a: {  	_ =	shalt  }
0x7b: {  	_ =	shalt  }
0x7c: {  	_ =	shalt  }
0x7d: {  	_ =	shalt  }
0x7e: {  	_ =	shalt  }
0x7f: {  	_ =	shalt  }
0x80: {  	_ =	shalt  }
0x81: {  	_ =	shalt  }
0x82: {  	_ =	shalt  }
0x83: {  	_ =	shalt  }
0x84: {  	_ =	shalt  }
0x85: {  	_ =	shalt  }
0x86: {  	_ =	shalt  }
0x87: {  	_ =	shalt  }
.Lfunc_end0:
.L_simem_size_0:
called_computation.1_lowered:
.L_overlay_start_0:
0x88: {  	s2 =	sld [smem:$0x3FD9]  }
0x89: {  	s3 =	sld [smem:$0x3FFE];
	_ =	sdelay $0x1  }
0x8a: {  	s1 =	srdreg.scid  }
0x8b: {  	s0 =	sand.u32 $0x1, s1  }
0x8c: {  	s17 =	sshll.u32 s0, $0xA;
	s2 =	sadd.s32 s3, s2  }
0x8d: {  	s2 =	sadd.s32 s2, s17  }
0x8e: {  	[smem:$0x3FB7] =	sst s2  }
0x8f: {  	_ = 	snop  }
0x90: {  	(tm) =	ssettm $0x1  }
0x91: {  	s18 =	sld [smem:$0x3FFB];
	_ =	sdelay $0x3  }
0x92: {  	_ =	strace s18  }
0x93: {  	s2 =	sld [smem:$0x3FFC];
	_ =	sdelay $0x3  }
0x94: {  	_ =	strace s2  }
0x95: {  	s2 =	sld [smem:$0x3FFD];
	_ =	sdelay $0x3  }
0x96: {  	_ =	strace s2  }
0x97: {  	_ =	strace $0x8FFFFFFF  }
0x98: {  	s19 =	sld [smem:$0x3FDB];
	_ =	sdelay $0x1  }
0x99: {  	s20 =	simm.s32 $_scs_section_size  }
0x9a: {  	s4 =	simm.s32 $_size__tile_overlayer_lowered;
	s5 =	simm.s32 $_tile_overlayer_lowered  }
0x9b: {  	s6 =	simm.s32 $0x1BFF;
	s21 =	sshll.u32 s5, $0x1;
	s3 =	sadd.s32 s20, s19  }
0x9c: {  	s22 =	simm.s32 $0x0;
	s4 =	sshll.u32 s4, $0x1;
	s5 =	sadd.s32 s21, s3  }
0x9d: {  	[timem:s22], [sflag:s6] =	dma.local [hbm:s5], s4  }
0x9e: {  	_ =	swait.ge [sflag:s6], s4  }
0x9f: {  	s4 =	ssub.s32 $0x0, s4;
	[sflag:s6] =	ssyncset.done $0x0  }
0xa0: {  	[sflag:s6] =	ssyncadd.s32 s4;
	_ =	sdelay $0x1  }
0xa1: {  	s23 =	simm.s32 $0x1B8B  }
0xa2: {  	_ =	swait.ge [sflag:s23], $0x1  }
0xa3: {  	[sflag:s23] =	ssyncset.done $0x0  }
0xa4: {  	[sflag:s23] =	ssyncadd.s32 $0xFFFFFFFF  }
0xa5: {  	s4 =	sld [smem:$0x0]  }
0xa6: {  	s5 =	sand.u32 $0xFFFFFFFE, s1  }
0xa7: {  	p0 =	sne.s32 s1, s5  }
0xa8: {  	s5 =	sshll.u32 @p0 s5, $0xE  }
0xa9: {  	s5 =	sadd.s32 @p0 $0x11B8D, s5;
	s6 =	sshll.u32 @p0 s4, $0x11  }
0xaa: {  	s5 =	sor.u32 @p0 s6, s5  }
0xab: {  	[sflag:s5] =	ssyncadd.remote.s32 @p0 $0x1;
	_ =	sdelay $0x1  }
0xac: {  	s5 =	simm.s32 @p0 $0x1B8D  }
0xad: {  	_ =	swait.eq @p0 [sflag:s5], $0x1  }
0xae: {  	[sflag:s5] =	ssyncadd.s32 @p0 $0xFFFFFFFF  }
0xaf: {  	s6 =	sshll.u32 @!p0 s1, $0xE  }
0xb0: {  	s6 =	sor.u32 @!p0 $0x4000, s6;
	s5 =	simm.s32 @!p0 $0x1B8D  }
0xb1: {  	s4 =	sshll.u32 @!p0 s4, $0x11;
	s6 =	sadd.s32 @!p0 $0x11B8D, s6;
	_ =	swait.eq @!p0 [sflag:s5], $0x1  }
0xb2: {  	s4 =	sor.u32 @!p0 s4, s6;
	[sflag:s5] =	ssyncadd.s32 @!p0 $0xFFFFFFFF  }
0xb3: {  	s25 =	simm.s32 $0x1B8E;
	s24 =	sld [smem:$0x3FFE];
	[sflag:s4] =	ssyncadd.remote.s32 @!p0 $0x1  }
0xb4: {  	s26 =	simm.s32 $execute0_lowered;
	[smem:$0x3FD2] =	sst s25  }
0xb5: {  	s5 =	sshll.u32 s26, $0x1;
	_ =	strace $0x80000055;
	[dreg:$0x1] =	wrdreg $0xFFFFFFFF  }
0xb6: {  	s28 =	simm.s32 $_size_execute0_lowered;
	s3 =	sadd.s32 s3, s5;
	[dreg:$0x0] =	wrdreg $0x0  }
0xb7: {  	s5 =	sshll.u32 s28, $0x1;
	[dreg:$0x2] =	wrdreg s3  }
0xb8: {  	[dreg:$0x3] =	wrdreg s5  }
0xb9: {  	[dreg:$0x4] =	wrdreg $0xC0  }
0xba: {  	_ =	task [dreg:s22], $0x5FFFF  }
0xbb: {  	[dreg:$0x1] =	wrdreg $0xFFFFFFFF  }
0xbc: {  	[dreg:$0x0] =	wrdreg $0x60  }
0xbd: {  	[dreg:$0x2] =	wrdreg s24  }
0xbe: {  	[dreg:$0x3] =	wrdreg $0xA0000  }
0xbf: {  	[dreg:$0x4] =	wrdreg $0x9  }
0xc0: {  	_ =	task.clear_ibuf [dreg:s22], $0x5FFFF;
	_ =	strace $0x90000055  }
0xc1: {  	s29 =	simm.s32 $0x9;
	_ =	strace $0x80000057  }
0xc2: {  	_ =	swait.ge [sflag:s29], $0x1  }
0xc3: {  	[sflag:s29] =	ssyncadd.s32 $0xFFFFFFFF  }
0xc4: {  	_ =	strace $0x90000057  }
0xc5: {  	_ =	sfence  }
0xc6: {  	s30 =	sld [smem:$0x0];
	_ =	sdelay $0x2  }
0xc7: {  	s31 =	sshll.u32 s1, $0xD;
	s1 =	sshrl.u32 s1, $0x2  }
0xc8: {  	s4 =	sand.u32 $0x4000, s31;
	s1 =	sadd.s32 s1, s30  }
0xc9: {  	s0 =	sor.u32 s4, s0;
	s1 =	sshll.u32 s1, $0x11  }
0xca: {  	s0 =	sor.u32 s1, s0  }
0xcb: {  	s0 =	sadd.s32 $0x8F2B, s0  }
0xcc: {  	[sflag:s0] =	ssyncadd.remote.s32 $0x1  }
0xcd: {  	_ =	sfence.sel $0xFFFF  }
0xce: {  	[dreg:$0x0] =	wrdreg $0xFFFFFFFF;
	(pc) =	sbr.abs _section_cstart, $3  }
0xcf: {  	[dreg:$0x1] =	wrdreg $0xFFFFFFFF  }
0xd0: {  	_ =	task.clear_ibuf [dreg:s22], $0x2FFFF;
	_ =	strace $0x9FFFFFFF  }
0xd1: {  	(tm) =	ssettm $0x7FFFFFFF  }
tec
execute0_lowered:
.L_overlay_start_1:
0x0: {  	(tag) =	ssettag $0x1  }
0x1: {  	s0 =	srdreg.scid;
	s6 =	rddreg [dreg:$0x0]  }
0x2: {  	s2 =	rddreg [dreg:$0x1];
	s1 =	stileid.u32  }
0x3: {  	s3 =	simm.s32 $0x0;
	s23 =	simm.s32 $0x1;
	s24 =	simm.s32 $0x0  }
0x4: {  	s9 =	sand.u32 $0x1, s0;
	s0 =	rddreg [dreg:$0x2];
	s8 =	smul.u32 $0x4F000, s1  }
0x5: {  	[smem:$0x7FF] =	sst s3;
	s12 =	smul.u32 $0x13C00, s1;
	s18 =	sadd.s32 $0xD6000, s6  }
0x6: {  	s4 =	sshll.u32 s9, $0x4;
	_ =	strace $0x80000056;
	s7 =	ssub.s32 $0x2, s9  }
0x7: {  	p0 =	seq.s32 s9, $0x0;
	s20 =	smul.u32 $0x13C000, s9;
	s4 =	sor.u32 s1, s4  }
0x8: {  	s10 =	sshrl.u32 s7, $0x1;
	s31 =	sshrl.u32 s8, $0x2;
	s14 =	sadd.s32 $0x4000, s12  }
0x9: {  	s16 =	sadd.s32 $0x8000, s12;
	s17 =	sadd.s32 $0xC000, s12;
	s21 =	sadd.s32 $0x10000, s12  }
0xa: {  	s5 =	smul.u32 $0x600, s4;
	s4 =	sadd.s32 $0xAE800, s6;
	s19 =	ssub.s32 s7, s10  }
0xb: {  	s7 =	sadd.s32 s31, s2;
	s8 =	sadd.s32 s14, s2;
	s9 =	sadd.s32 s16, s2  }
0xc: {  	s10 =	sadd.s32 s17, s2;
	s11 =	sadd.s32 s21, s2;
	s15 =	sadd.s32 s12, s20  }
0xd: {  	s14 =	sadd.s32 s20, s14;
	s16 =	sadd.s32 s20, s16;
	s17 =	sadd.s32 s20, s17  }
0xe: {  	s20 =	sadd.s32 s20, s21;
	s21 =	simm.s32 $0x2;
	s15 =	sshrl.u32 s15, $0x3  }
0xf: {  	s22 =	sshrl.u32 s14, $0x3;
	s16 =	sshrl.u32 s16, $0x3;
	s17 =	sshrl.u32 s17, $0x3  }
0x10: {  	s20 =	sshrl.u32 s20, $0x3;
	s19 =	smax.u32 s19, $0x1;
	s13 =	sadd.s32 s5, s6  }
0x11: {  	s5 =	sadd.s32 $0x1F400, s6;
	s6 =	simm.s32 $0x5F;
	s14 =	sadd.s32 s18, s15  }
0x12: {  	s15 =	sadd.s32 s18, s22;
	s16 =	sadd.s32 s18, s16;
	s17 =	sadd.s32 s18, s17  }
0x13: {  	s18 =	sadd.s32 s18, s20;
	s20 =	simm.s32 $0x6000;
	s22 =	simm.s32 $0x80  }
0x14: {  	s6 =	simm.s32 @!p0 $0x3E;
	s12 =	sadd.s32 $0x7400, s13;
	s13 =	sadd.s32 $0x20000, s13  }
.LBB2_1:
0x15: {  	[tilespmem:s20], [sflag:$0x2] =	stream.linear.gather [hbm4b:s5+s3], $0x4000, $0x38;
	[tilespmem:$0x1DC00] =	vst v63  }
0x16: {  	_ =	swait.ge [sflag:s21], $0x4000  }
0x17: {  	[sflag:s21] =	ssyncset.done $0x0  }
0x18: {  	[sflag:s21] =	ssyncadd.s32 $0xFFFFC000  }
0x19: {  	[spmem:s7] =	stream.linear.scatter [tilespmem:s20], [sflag:$0x2], $0x4000, $0x38;
	[tilespmem:$0x1DC00] =	vst v63  }
0x1a: {  	_ =	swait.ge [sflag:s21], $0x4000  }
0x1b: {  	[sflag:s21] =	ssyncset.done $0x0  }
0x1c: {  	[sflag:s21] =	ssyncadd.s32 $0xFFFFC000  }
0x1d: {  	[spmem:s8] =	stream.linear.scatter [tilespmem:s20], [sflag:$0x2], $0x4000, $0x38;
	[tilespmem:$0x1DC00] =	vst v63  }
0x1e: {  	_ =	swait.ge [sflag:s21], $0x4000  }
0x1f: {  	[sflag:s21] =	ssyncset.done $0x0  }
0x20: {  	[sflag:s21] =	ssyncadd.s32 $0xFFFFC000  }
0x21: {  	[spmem:s9] =	stream.linear.scatter [tilespmem:s20], [sflag:$0x2], $0x4000, $0x38;
	[tilespmem:$0x1DC00] =	vst v63  }
0x22: {  	_ =	swait.ge [sflag:s21], $0x4000  }
0x23: {  	[sflag:s21] =	ssyncset.done $0x0  }
0x24: {  	[sflag:s21] =	ssyncadd.s32 $0xFFFFC000  }
0x25: {  	[spmem:s10] =	stream.linear.scatter [tilespmem:s20], [sflag:$0x2], $0x4000, $0x38;
	[tilespmem:$0x1DC00] =	vst v63  }
0x26: {  	_ =	swait.ge [sflag:s21], $0x4000  }
0x27: {  	[sflag:s21] =	ssyncset.done $0x0  }
0x28: {  	[sflag:s21] =	ssyncadd.s32 $0xFFFFC000  }
0x29: {  	[spmem:s11] =	stream.linear.scatter [tilespmem:s20], [sflag:$0x2], $0x3C00, $0x38;
	[tilespmem:$0x1DC00] =	vst v63  }
0x2a: {  	_ =	swait.ge [sflag:s21], $0x3C00  }
0x2b: {  	[sflag:s21] =	ssyncset.done $0x0  }
0x2c: {  	[sflag:s21] =	ssyncadd.s32 $0xFFFFC400  }
0x2d: {  	[tilespmem:s3], [sflag:$0x2] =	stream.linear.gather [hbm4b:s12+s3], $0x2F80, $0x38;
	[tilespmem:$0x1DC00] =	vst v63  }
0x2e: {  	_ =	swait.ge [sflag:s21], $0x2F80  }
0x2f: {  	[sflag:s21] =	ssyncset.done $0x0  }
0x30: {  	s25 =	simm.s32 $0x3000;
	[sflag:s21] =	ssyncadd.s32 $0xFFFFD080  }
0x31: {  	[tilespmem:s25], [sflag:$0x2] =	stream.linear.gather [hbm4b:s13+s3], $0x2F80, $0x38;
	[tilespmem:$0x1DC00] =	vst v63  }
0x32: {  	_ =	swait.ge [sflag:s21], $0x2F80  }
0x33: {  	[sflag:s21] =	ssyncset.done $0x0  }
0x34: {  	[sflag:s21] =	ssyncadd.s32 $0xFFFFD080  }
0x35: {  	[bflag:$0x0] =	sbarrier.arrive $0xFFFF  }
0x36: {  	[tilespmem:s20], [sflag:$0x1] =	stream.indirect.gather [hbm4b:s4+s22], $0x80, s3, s22, $0xb8;
	[tilespmem:$0x1DC00] =	vst v63  }
0x37: {  	p0 =	sne.s32 s6, $0x1;
	_ =	swait.ge [sflag:s23], $0x4000  }
.Ltmp0:
0x38: {  	[sflag:s23] =	ssyncset.done $0x0;
	(pc) =	sbr.rel @!p0 .LBB2_3-.Ltmp0, $4  }
0x39: {  	[sflag:s23] =	ssyncadd.s32 $0xFFFFC000  }
0x3a: {  	[spmem:s2] =	stream.indirect.scatter.add.f32 [tilespmem:s20], [sflag:$0x2], $0x80, s25, s22, $0xb8;
	[tilespmem:$0x1DC00] =	vst v63  }
0x3b: {  	_ =	swait.ge [sflag:s21], $0x4000  }
0x3c: {  	s26 =	sadd.s32 $0xFFFFFFFF, s6;
	s28 =	simm.s32 $0x0;
	[sflag:s21] =	ssyncset.done $0x0  }
.LBB2_2:
0x3d: {  	[sflag:s21] =	ssyncadd.s32 $0xFFFFC000;
	s28 =	sadd.s32 $0x80, s28;
	s25 =	sadd.s32 $0x80, s25  }
0x3e: {  	[tilespmem:s20], [sflag:$0x1] =	stream.indirect.gather [hbm4b:s4+s22], $0x80, s28, s22, $0xb8;
	[tilespmem:$0x1DC00] =	vst v63  }
0x3f: {  	p0 =	sne.s32 s26, $0x1;
	s26 =	sadd.s32 $0xFFFFFFFF, s26;
	_ =	swait.ge [sflag:s23], $0x4000  }
.Ltmp1:
0x40: {  	[sflag:s23] =	ssyncset.done $0x0;
	(pc) =	sbr.rel @p0 .LBB2_2-.Ltmp1, $4  }
0x41: {  	[sflag:s23] =	ssyncadd.s32 $0xFFFFC000  }
0x42: {  	[spmem:s2] =	stream.indirect.scatter.add.f32 [tilespmem:s20], [sflag:$0x2], $0x80, s25, s22, $0xb8;
	[tilespmem:$0x1DC00] =	vst v63  }
0x43: {  	_ =	swait.ge [sflag:s21], $0x4000  }
0x44: {  	[sflag:s21] =	ssyncset.done $0x0  }
.LBB2_3:
0x45: {  	[sflag:s21] =	ssyncadd.s32 $0xFFFFC000  }
0x46: {  	[bflag:$0x0] =	sbarrier.arrive $0xFFFF  }
0x47: {  	[tilespmem:s20], [sflag:$0x2] =	stream.linear.gather [spmem:s7], $0x4000, $0x38;
	[tilespmem:$0x1DC00] =	vst v63  }
0x48: {  	_ =	swait.ge [sflag:s21], $0x4000  }
0x49: {  	[sflag:s21] =	ssyncset.done $0x0  }
0x4a: {  	[sflag:s21] =	ssyncadd.s32 $0xFFFFC000  }
0x4b: {  	[hbm4b:s14+s3] =	stream.linear.scatter [tilespmem:s20], [sflag:$0x2], $0x4000, $0x38;
	[tilespmem:$0x1DC00] =	vst v63  }
0x4c: {  	_ =	swait.ge [sflag:s21], $0x4000  }
0x4d: {  	[sflag:s21] =	ssyncset.done $0x0  }
0x4e: {  	[sflag:s21] =	ssyncadd.s32 $0xFFFFC000  }
0x4f: {  	[tilespmem:s20], [sflag:$0x2] =	stream.linear.gather [spmem:s8], $0x4000, $0x38;
	[tilespmem:$0x1DC00] =	vst v63  }
0x50: {  	_ =	swait.ge [sflag:s21], $0x4000  }
0x51: {  	[sflag:s21] =	ssyncset.done $0x0  }
0x52: {  	[sflag:s21] =	ssyncadd.s32 $0xFFFFC000  }
0x53: {  	[hbm4b:s15+s3] =	stream.linear.scatter [tilespmem:s20], [sflag:$0x2], $0x4000, $0x38;
	[tilespmem:$0x1DC00] =	vst v63  }
0x54: {  	_ =	swait.ge [sflag:s21], $0x4000  }
0x55: {  	[sflag:s21] =	ssyncset.done $0x0  }
0x56: {  	[sflag:s21] =	ssyncadd.s32 $0xFFFFC000  }
0x57: {  	[tilespmem:s20], [sflag:$0x2] =	stream.linear.gather [spmem:s9], $0x4000, $0x38;
	[tilespmem:$0x1DC00] =	vst v63  }
0x58: {  	_ =	swait.ge [sflag:s21], $0x4000  }
0x59: {  	[sflag:s21] =	ssyncset.done $0x0  }
0x5a: {  	[sflag:s21] =	ssyncadd.s32 $0xFFFFC000  }
0x5b: {  	[hbm4b:s16+s3] =	stream.linear.scatter [tilespmem:s20], [sflag:$0x2], $0x4000, $0x38;
	[tilespmem:$0x1DC00] =	vst v63  }
0x5c: {  	_ =	swait.ge [sflag:s21], $0x4000  }
0x5d: {  	[sflag:s21] =	ssyncset.done $0x0  }
0x5e: {  	[sflag:s21] =	ssyncadd.s32 $0xFFFFC000  }
0x5f: {  	[tilespmem:s20], [sflag:$0x2] =	stream.linear.gather [spmem:s10], $0x4000, $0x38;
	[tilespmem:$0x1DC00] =	vst v63  }
0x60: {  	_ =	swait.ge [sflag:s21], $0x4000  }
0x61: {  	[sflag:s21] =	ssyncset.done $0x0  }
0x62: {  	[sflag:s21] =	ssyncadd.s32 $0xFFFFC000  }
0x63: {  	[hbm4b:s17+s3] =	stream.linear.scatter [tilespmem:s20], [sflag:$0x2], $0x4000, $0x38;
	[tilespmem:$0x1DC00] =	vst v63  }
0x64: {  	_ =	swait.ge [sflag:s21], $0x4000  }
0x65: {  	[sflag:s21] =	ssyncset.done $0x0  }
0x66: {  	[sflag:s21] =	ssyncadd.s32 $0xFFFFC000  }
0x67: {  	[tilespmem:s20], [sflag:$0x2] =	stream.linear.gather [spmem:s11], $0x3C00, $0x38;
	[tilespmem:$0x1DC00] =	vst v63  }
0x68: {  	s24 =	sadd.s32 $0x1, s24;
	_ =	swait.ge [sflag:s21], $0x3C00  }
0x69: {  	p0 =	sne.s32 s24, s19;
	[sflag:s21] =	ssyncset.done $0x0  }
.Ltmp2:
0x6a: {  	[sflag:s21] =	ssyncadd.s32 $0xFFFFC400;
	(pc) =	sbr.rel @p0 .LBB2_1-.Ltmp2, $4  }
0x6b: {  	[hbm4b:s18+s3] =	stream.linear.scatter [tilespmem:s20], [sflag:$0x2], $0x3C00, $0x38;
	[tilespmem:$0x1DC00] =	vst v63  }
0x6c: {  	_ =	swait.ge [sflag:s21], $0x3C00  }
0x6d: {  	[sflag:s21] =	ssyncset.done $0x0  }
0x6e: {  	[sflag:s21] =	ssyncadd.s32 $0xFFFFC400  }
0x6f: {  	_ =	sfence.sel $0x180000  }
0x70: {  	[bflag:$0x0] =	sbarrier.arrive $0xFFFF  }
0x71: {  	p0 =	sne.s32 s1, $0x0;
	_ =	strace $0x90000056  }
0x72: {  	s0 =	sadd.s32 @!p0 $0x100000, s0;
	[bflag:$0x2] =	sbarrier.arrive $0xFFFF  }
0x73: {  	[sflag:s0] =	ssyncadd.tile.s32 @!p0 $0x1;
	_ =	shalt  }
.Lfunc_end2:
_tile_overlayer_lowered:
.L_overlay_start_2:
0x74: {  	(tag) =	ssettag $0x2  }
0x75: {  	s0 =	rddreg [dreg:$0x0];
	s2 =	stileid.u32  }
0x76: {  	s1 =	rddreg [dreg:$0x1];
	p0 =	sne.s32 s2, $0x0  }
0x77: {  	s3 =	rddreg [dreg:$0x2];
	[bflag:$0x3] =	sbarrier.arrive $0xFFFF;
	s2 =	simm.s32 @!p0 $0x1C02  }
0x78: {  	[timem:s3], [sflag:s2] =	dma.local @!p0 [hbm:s0], s1  }
0x79: {  	s0 =	simm.s32 @!p0 $0x2  }
0x7a: {  	_ =	swait.ge @!p0 [sflag:s0], s1  }
0x7b: {  	s1 =	ssub.s32 @!p0 $0x0, s1;
	[sflag:s0] =	ssyncset.done @!p0 $0x0  }
0x7c: {  	[sflag:s0] =	ssyncadd.s32 @!p0 s1  }
0x7d: {  	[bflag:$0x3] =	sbarrier.arrive $0xFFFF  }
0x7e: {  	_ =	shalt  }

// kernel: kernel.26.cloned.1.call-start
scs
__scs_entry_jumppad:
0x0: {  	(pc) =	sbr.rel $0x88, $3  }
0x1: {  	(tag) =	ssettag $0x0;
	lr =	simm.s32 $0x1  }
0x2: {  	[smem:$0x3F90] =	sst lr;
	_ =	strace $0xD0000000  }
0x3: {  	_ = 	snop  }
0x4: {  	_ = 	snop  }
0x5: {  	_ = 	snop  }
0x6: {  	_ = 	snop  }
0x7: {  	_ = 	snop  }
__scs_overlays_trampoline_lowered:
0x8: {  	[smem:$0x3F9F] =	sst s0  }
0x9: {  	[smem:$0x3FA0] =	sst s1  }
0xa: {  	[smem:$0x3FA1] =	sst s2  }
0xb: {  	[smem:$0x3FA2] =	sst s3  }
0xc: {  	[smem:$0x3FA3] =	sst s4  }
0xd: {  	[smem:$0x3FA4] =	sst s5  }
0xe: {  	[smem:$0x3FA5] =	sst s6  }
0xf: {  	[smem:$0x3FA6] =	sst s7  }
0x10: {  	[smem:$0x3FA7] =	sst s8  }
0x11: {  	[smem:$0x3FA8] =	sst s9;
	s0 =	simm.s32 @!p0 $0x0  }
0x12: {  	s1 =	sld [smem:$0x3F8E];
	s0 =	simm.s32 @p0 $0x1  }
0x13: {  	[smem:$0x3FA9] =	sst s0;
	s0 =	simm.s32 @!p1 $0x0  }
0x14: {  	s2 =	sld [smem:$0x3F8D];
	s0 =	simm.s32 @p1 $0x1  }
0x15: {  	[smem:$0x3FAA] =	sst s0;
	s0 =	simm.s32 @!p2 $0x0  }
0x16: {  	s3 =	sld [smem:$0x3FDB];
	s0 =	simm.s32 @p2 $0x1  }
0x17: {  	s4 =	simm.s32 $0x1BF5;
	[smem:$0x3FAC] =	sst s0  }
0x18: {  	s0 =	sld [smem:$0x3F8F];
	_ =	swait.ge [sflag:s4], $0x0  }
0x19: {  	s7 =	sld [smem:$0x3F90]  }
0x1a: {  	s8 =	sadd.s32 $0xFFFFE003, lr  }
0x1b: {  	s9 =	sadd.s32 $0xFFFFFEF7, lr;
	s5 =	simm.s32 $0xFFFFFFFF;
	p2 =	slt.u32 s8, $0xFFFFF086  }
0x1c: {  	p1 =	slt.u32 s9, $0xF7A;
	s5 =	simm.s32 @!p2 $0x0  }
0x1d: {  	s5 =	simm.s32 @p1 $0x1;
	p0 =	seq.s32 s7, s2  }
0x1e: {  	s7 =	smul.u32 @!p0 $0xF7A, s2;
	p2 =	seq.s32 @!p0 s5, $0x0  }
0x1f: {  	s9 =	smul.u32 $0xF7A, s1;
	s8 =	simm.s32 @!p0 $0x1BF5;
	p2 =	por !p2, p0  }
0x20: {  	[sflag:s8] =	ssyncset.s32 @!p0 $0xFFFFF086;
	s6 =	sadd.s32 @!p0 s3, s7;
	s7 =	simm.s32 @!p0 $0x108  }
0x21: {  	s3 =	sadd.s32 s3, s9;
	s6 =	sadd.s32 @!p0 $0x88, s6;
	s7 =	simm.s32 @p2 $0x1082  }
0x22: {  	[simem:s7], [sflag:s8] =	dma.local @!p0 [hbm:s6], $0xF7A  }
0x23: {  	s9 =	sor.u32 $0xD0000000, s2;
	s6 =	simm.s32 $0x108;
	_ =	swait.ge @!p0 [sflag:s8], $0x0  }
0x24: {  	s3 =	sadd.s32 $0x88, s3;
	s6 =	simm.s32 @!p1 $0x1082;
	[sflag:s4] =	ssyncset.s32 $0xFFFFF086  }
0x25: {  	[simem:s6], [sflag:s4] =	dma.local [hbm:s3], $0xF7A  }
0x26: {  	[smem:$0x3F90] =	sst s1;
	(tag) =	ssettag s2;
	_ =	strace s9  }
0x27: {  	s1 =	sld [smem:$0x3FA0]  }
0x28: {  	s2 =	sld [smem:$0x3FA1]  }
0x29: {  	s4 =	sld [smem:$0x3FA3]  }
0x2a: {  	p0 =	seq.s32 s5, $0x0;
	s5 =	sld [smem:$0x3FA4]  }
0x2b: {  	s6 =	sld [smem:$0x3FA5]  }
0x2c: {  	s7 =	sld [smem:$0x3FA6]  }
0x2d: {  	s3 =	simm.s32 $0x108;
	s8 =	sld [smem:$0x3FA7]  }
0x2e: {  	s3 =	simm.s32 @!p0 $0x1082;
	s9 =	sld [smem:$0x3FA8]  }
0x2f: {  	lr =	sadd.s32 s0, s3;
	s0 =	sld [smem:$0x3F9F]  }
0x30: {  	s3 =	sld [smem:$0x3FA2]  }
0x31: {  	[smem:$0x3FAB] =	sst s10  }
0x32: {  	s10 =	sld [smem:$0x3FA9];
	_ =	sdelay $0x3  }
0x33: {  	p0 =	seq.s32 s10, $0x1;
	s10 =	sld [smem:$0x3FAB];
	_ =	sdelay $0x3  }
0x34: {  	[smem:$0x3FAB] =	sst s10  }
0x35: {  	s10 =	sld [smem:$0x3FAA];
	_ =	sdelay $0x3  }
0x36: {  	p1 =	seq.s32 s10, $0x1;
	s10 =	sld [smem:$0x3FAB];
	_ =	sdelay $0x3  }
0x37: {  	[smem:$0x3FAB] =	sst s10  }
0x38: {  	s10 =	sld [smem:$0x3FAC]  }
0x39: {  	_ = 	snop;
	(pc) =	sbr.ind lr, $3  }
0x3a: {  	_ = 	snop  }
0x3b: {  	_ = 	snop  }
0x3c: {  	p2 =	seq.s32 s10, $0x1;
	s10 =	sld [smem:$0x3FAB]  }
0x3d: {  	_ =	shalt  }
0x3e: {  	_ =	shalt  }
0x3f: {  	_ =	shalt  }
0x40: {  	_ =	shalt  }
0x41: {  	_ =	shalt  }
0x42: {  	_ =	shalt  }
0x43: {  	_ =	shalt  }
0x44: {  	_ =	shalt  }
0x45: {  	_ =	shalt  }
0x46: {  	_ =	shalt  }
0x47: {  	_ =	shalt  }
0x48: {  	_ =	shalt  }
0x49: {  	_ =	shalt  }
0x4a: {  	_ =	shalt  }
0x4b: {  	_ =	shalt  }
0x4c: {  	_ =	shalt  }
0x4d: {  	_ =	shalt  }
0x4e: {  	_ =	shalt  }
0x4f: {  	_ =	shalt  }
0x50: {  	_ =	shalt  }
0x51: {  	_ =	shalt  }
0x52: {  	_ =	shalt  }
0x53: {  	_ =	shalt  }
0x54: {  	_ =	shalt  }
0x55: {  	_ =	shalt  }
0x56: {  	_ =	shalt  }
0x57: {  	_ =	shalt  }
0x58: {  	_ =	shalt  }
0x59: {  	_ =	shalt  }
0x5a: {  	_ =	shalt  }
0x5b: {  	_ =	shalt  }
0x5c: {  	_ =	shalt  }
0x5d: {  	_ =	shalt  }
0x5e: {  	_ =	shalt  }
0x5f: {  	_ =	shalt  }
0x60: {  	_ =	shalt  }
0x61: {  	_ =	shalt  }
0x62: {  	_ =	shalt  }
0x63: {  	_ =	shalt  }
0x64: {  	_ =	shalt  }
0x65: {  	_ =	shalt  }
0x66: {  	_ =	shalt  }
0x67: {  	_ =	shalt  }
0x68: {  	_ =	shalt  }
0x69: {  	_ =	shalt  }
0x6a: {  	_ =	shalt  }
0x6b: {  	_ =	shalt  }
0x6c: {  	_ =	shalt  }
0x6d: {  	_ =	shalt  }
0x6e: {  	_ =	shalt  }
0x6f: {  	_ =	shalt  }
0x70: {  	_ =	shalt  }
0x71: {  	_ =	shalt  }
0x72: {  	_ =	shalt  }
0x73: {  	_ =	shalt  }
0x74: {  	_ =	shalt  }
0x75: {  	_ =	shalt  }
0x76: {  	_ =	shalt  }
0x77: {  	_ =	shalt  }
0x78: {  	_ =	shalt  }
0x79: {  	_ =	shalt  }
0x7a: {  	_ =	shalt  }
0x7b: {  	_ =	shalt  }
0x7c: {  	_ =	shalt  }
0x7d: {  	_ =	shalt  }
0x7e: {  	_ =	shalt  }
0x7f: {  	_ =	shalt  }
0x80: {  	_ =	shalt  }
0x81: {  	_ =	shalt  }
0x82: {  	_ =	shalt  }
0x83: {  	_ =	shalt  }
0x84: {  	_ =	shalt  }
0x85: {  	_ =	shalt  }
0x86: {  	_ =	shalt  }
0x87: {  	_ =	shalt  }
.Lfunc_end0:
.L_simem_size_0:
called_computation.2_lowered:
.L_overlay_start_0:
0x88: {  	s2 =	sld [smem:$0x3FD9]  }
0x89: {  	s3 =	sld [smem:$0x3FFE];
	_ =	sdelay $0x1  }
0x8a: {  	s1 =	srdreg.scid  }
0x8b: {  	s0 =	sand.u32 $0x1, s1  }
0x8c: {  	s16 =	sshll.u32 s0, $0xA;
	s2 =	sadd.s32 s3, s2  }
0x8d: {  	s2 =	sadd.s32 s2, s16  }
0x8e: {  	[smem:$0x3FB7] =	sst s2  }
0x8f: {  	_ = 	snop  }
0x90: {  	(tm) =	ssettm $0x1  }
0x91: {  	s17 =	sld [smem:$0x3FFB];
	_ =	sdelay $0x3  }
0x92: {  	_ =	strace s17  }
0x93: {  	s2 =	sld [smem:$0x3FFC];
	_ =	sdelay $0x3  }
0x94: {  	_ =	strace s2  }
0x95: {  	s2 =	sld [smem:$0x3FFD];
	_ =	sdelay $0x3  }
0x96: {  	_ =	strace s2  }
0x97: {  	_ =	strace $0x8FFFFFFF  }
0x98: {  	s18 =	sld [smem:$0x3FDB];
	_ =	sdelay $0x1  }
0x99: {  	s19 =	simm.s32 $_scs_section_size  }
0x9a: {  	s4 =	simm.s32 $_size__tile_overlayer_lowered;
	s5 =	simm.s32 $_tile_overlayer_lowered  }
0x9b: {  	s22 =	simm.s32 $0x1BFF;
	s21 =	sshll.u32 s5, $0x1;
	s2 =	sadd.s32 s19, s18  }
0x9c: {  	s6 =	simm.s32 $0x0;
	s20 =	sshll.u32 s4, $0x1;
	s4 =	sadd.s32 s21, s2  }
0x9d: {  	[timem:s6], [sflag:s22] =	dma.local [hbm:s4], s20  }
0x9e: {  	_ =	swait.ge [sflag:s22], s20  }
0x9f: {  	s3 =	ssub.s32 $0x0, s20;
	[sflag:s22] =	ssyncset.done $0x0  }
0xa0: {  	[sflag:s22] =	ssyncadd.s32 s3;
	_ =	sdelay $0x1  }
0xa1: {  	s23 =	simm.s32 $0x1B8B  }
0xa2: {  	_ =	swait.ge [sflag:s23], $0x1  }
0xa3: {  	[sflag:s23] =	ssyncset.done $0x0  }
0xa4: {  	s25 =	simm.s32 $0x1B8E;
	s24 =	sld [smem:$0x3FFE];
	[sflag:s23] =	ssyncadd.s32 $0xFFFFFFFF  }
0xa5: {  	s26 =	simm.s32 $execute0_lowered;
	[smem:$0x3FD2] =	sst s25  }
0xa6: {  	s4 =	sshll.u32 s26, $0x1;
	_ =	strace $0x80000049;
	[dreg:$0x1] =	wrdreg $0xFFFFFFFF  }
0xa7: {  	s28 =	simm.s32 $_size_execute0_lowered;
	s2 =	sadd.s32 s2, s4;
	[dreg:$0x0] =	wrdreg $0x0  }
0xa8: {  	s4 =	sshll.u32 s28, $0x1;
	[dreg:$0x2] =	wrdreg s2  }
0xa9: {  	[dreg:$0x3] =	wrdreg s4  }
0xaa: {  	[dreg:$0x4] =	wrdreg $0xC0  }
0xab: {  	_ =	task [dreg:s6], $0x5FFFF  }
0xac: {  	[dreg:$0x1] =	wrdreg $0xFFFFFFFF  }
0xad: {  	[dreg:$0x0] =	wrdreg $0x60  }
0xae: {  	[dreg:$0x2] =	wrdreg s24  }
0xaf: {  	[dreg:$0x3] =	wrdreg $0xA0000  }
0xb0: {  	[dreg:$0x4] =	wrdreg $0x9  }
0xb1: {  	_ =	task.clear_ibuf [dreg:s6], $0x5FFFF;
	_ =	strace $0x90000049  }
0xb2: {  	s29 =	simm.s32 $0x9;
	_ =	strace $0x8000004B  }
0xb3: {  	_ =	swait.ge [sflag:s29], $0x1  }
0xb4: {  	[sflag:s29] =	ssyncadd.s32 $0xFFFFFFFF  }
0xb5: {  	_ =	strace $0x9000004B  }
0xb6: {  	_ =	sfence  }
0xb7: {  	s30 =	sld [smem:$0x0];
	_ =	sdelay $0x2  }
0xb8: {  	s31 =	sshll.u32 s1, $0xD;
	s1 =	sshrl.u32 s1, $0x2  }
0xb9: {  	s3 =	sand.u32 $0x4000, s31;
	s1 =	sadd.s32 s1, s30  }
0xba: {  	s0 =	sor.u32 s3, s0;
	s1 =	sshll.u32 s1, $0x11  }
0xbb: {  	s0 =	sor.u32 s1, s0  }
0xbc: {  	s0 =	sadd.s32 $0x8F2B, s0  }
0xbd: {  	[sflag:s0] =	ssyncadd.remote.s32 $0x1  }
0xbe: {  	_ =	sfence.sel $0xFFFF  }
0xbf: {  	[dreg:$0x0] =	wrdreg $0xFFFFFFFF;
	(pc) =	sbr.abs _section_cstart, $3  }
0xc0: {  	[dreg:$0x1] =	wrdreg $0xFFFFFFFF  }
0xc1: {  	_ =	task.clear_ibuf [dreg:s6], $0x2FFFF;
	_ =	strace $0x9FFFFFFF  }
0xc2: {  	(tm) =	ssettm $0x7FFFFFFF  }
0xc3: {  	_ =	shalt  }
tec
execute0_lowered:
.L_overlay_start_1:
0x0: {  	(tag) =	ssettag $0x1  }
0x1: {  	s0 =	srdreg.scid;
	s6 =	rddreg [dreg:$0x0]  }
0x2: {  	s2 =	rddreg [dreg:$0x1];
	s1 =	stileid.u32  }
0x3: {  	s3 =	simm.s32 $0x0;
	s23 =	simm.s32 $0x1;
	s24 =	simm.s32 $0x0  }
0x4: {  	s9 =	sand.u32 $0x1, s0;
	s0 =	rddreg [dreg:$0x2];
	s8 =	smul.u32 $0x4F000, s1  }
0x5: {  	[smem:$0x7FF] =	sst s3;
	s12 =	smul.u32 $0x13C00, s1;
	s18 =	sadd.s32 $0x5F800, s6  }
0x6: {  	s4 =	sshll.u32 s9, $0x4;
	_ =	strace $0x8000004A;
	s7 =	ssub.s32 $0x2, s9  }
0x7: {  	p0 =	seq.s32 s9, $0x0;
	s20 =	smul.u32 $0x13C000, s9;
	s4 =	sor.u32 s1, s4  }
0x8: {  	s10 =	sshrl.u32 s7, $0x1;
	s31 =	sshrl.u32 s8, $0x2;
	s14 =	sadd.s32 $0x4000, s12  }
0x9: {  	s16 =	sadd.s32 $0x8000, s12;
	s17 =	sadd.s32 $0xC000, s12;
	s21 =	sadd.s32 $0x10000, s12  }
0xa: {  	s5 =	smul.u32 $0x600, s4;
	s4 =	sadd.s32 $0x38000, s6;
	s19 =	ssub.s32 s7, s10  }
0xb: {  	s7 =	sadd.s32 s31, s2;
	s8 =	sadd.s32 s14, s2;
	s9 =	sadd.s32 s16, s2  }
0xc: {  	s10 =	sadd.s32 s17, s2;
	s11 =	sadd.s32 s21, s2;
	s15 =	sadd.s32 s12, s20  }
0xd: {  	s14 =	sadd.s32 s20, s14;
	s16 =	sadd.s32 s20, s16;
	s17 =	sadd.s32 s20, s17  }
0xe: {  	s20 =	sadd.s32 s20, s21;
	s21 =	simm.s32 $0x2;
	s15 =	sshrl.u32 s15, $0x3  }
0xf: {  	s22 =	sshrl.u32 s14, $0x3;
	s16 =	sshrl.u32 s16, $0x3;
	s17 =	sshrl.u32 s17, $0x3  }
0x10: {  	s20 =	sshrl.u32 s20, $0x3;
	s19 =	smax.u32 s19, $0x1;
	s13 =	sadd.s32 s5, s6  }
0x11: {  	s5 =	sadd.s32 $0x1F400, s6;
	s6 =	simm.s32 $0x5F;
	s14 =	sadd.s32 s18, s15  }
0x12: {  	s15 =	sadd.s32 s18, s22;
	s16 =	sadd.s32 s18, s16;
	s17 =	sadd.s32 s18, s17  }
0x13: {  	s18 =	sadd.s32 s18, s20;
	s20 =	simm.s32 $0x6000;
	s22 =	simm.s32 $0x80  }
0x14: {  	s6 =	simm.s32 @!p0 $0x3E;
	s12 =	sadd.s32 $0x2C000, s13;
	s13 =	sadd.s32 $0x13400, s13  }
.LBB2_1:
0x15: {  	[tilespmem:s20], [sflag:$0x2] =	stream.linear.gather [hbm4b:s5+s3], $0x4000, $0x38;
	[tilespmem:$0x1DC00] =	vst v63  }
0x16: {  	_ =	swait.ge [sflag:s21], $0x4000  }
0x17: {  	[sflag:s21] =	ssyncset.done $0x0  }
0x18: {  	[sflag:s21] =	ssyncadd.s32 $0xFFFFC000  }
0x19: {  	[spmem:s7] =	stream.linear.scatter [tilespmem:s20], [sflag:$0x2], $0x4000, $0x38;
	[tilespmem:$0x1DC00] =	vst v63  }
0x1a: {  	_ =	swait.ge [sflag:s21], $0x4000  }
0x1b: {  	[sflag:s21] =	ssyncset.done $0x0  }
0x1c: {  	[sflag:s21] =	ssyncadd.s32 $0xFFFFC000  }
0x1d: {  	[spmem:s8] =	stream.linear.scatter [tilespmem:s20], [sflag:$0x2], $0x4000, $0x38;
	[tilespmem:$0x1DC00] =	vst v63  }
0x1e: {  	_ =	swait.ge [sflag:s21], $0x4000  }
0x1f: {  	[sflag:s21] =	ssyncset.done $0x0  }
0x20: {  	[sflag:s21] =	ssyncadd.s32 $0xFFFFC000  }
0x21: {  	[spmem:s9] =	stream.linear.scatter [tilespmem:s20], [sflag:$0x2], $0x4000, $0x38;
	[tilespmem:$0x1DC00] =	vst v63  }
0x22: {  	_ =	swait.ge [sflag:s21], $0x4000  }
0x23: {  	[sflag:s21] =	ssyncset.done $0x0  }
0x24: {  	[sflag:s21] =	ssyncadd.s32 $0xFFFFC000  }
0x25: {  	[spmem:s10] =	stream.linear.scatter [tilespmem:s20], [sflag:$0x2], $0x4000, $0x38;
	[tilespmem:$0x1DC00] =	vst v63  }
0x26: {  	_ =	swait.ge [sflag:s21], $0x4000  }
0x27: {  	[sflag:s21] =	ssyncset.done $0x0  }
0x28: {  	[sflag:s21] =	ssyncadd.s32 $0xFFFFC000  }
0x29: {  	[spmem:s11] =	stream.linear.scatter [tilespmem:s20], [sflag:$0x2], $0x3C00, $0x38;
	[tilespmem:$0x1DC00] =	vst v63  }
0x2a: {  	_ =	swait.ge [sflag:s21], $0x3C00  }
0x2b: {  	[sflag:s21] =	ssyncset.done $0x0  }
0x2c: {  	[sflag:s21] =	ssyncadd.s32 $0xFFFFC400  }
0x2d: {  	[tilespmem:s3], [sflag:$0x2] =	stream.linear.gather [hbm4b:s12+s3], $0x2F80, $0x38;
	[tilespmem:$0x1DC00] =	vst v63  }
0x2e: {  	_ =	swait.ge [sflag:s21], $0x2F80  }
0x2f: {  	[sflag:s21] =	ssyncset.done $0x0  }
0x30: {  	s25 =	simm.s32 $0x3000;
	[sflag:s21] =	ssyncadd.s32 $0xFFFFD080  }
0x31: {  	[tilespmem:s25], [sflag:$0x2] =	stream.linear.gather [hbm4b:s13+s3], $0x2F80, $0x38;
	[tilespmem:$0x1DC00] =	vst v63  }
0x32: {  	_ =	swait.ge [sflag:s21], $0x2F80  }
0x33: {  	[sflag:s21] =	ssyncset.done $0x0  }
0x34: {  	[sflag:s21] =	ssyncadd.s32 $0xFFFFD080  }
0x35: {  	[bflag:$0x0] =	sbarrier.arrive $0xFFFF  }
0x36: {  	[tilespmem:s20], [sflag:$0x1] =	stream.indirect.gather [hbm4b:s4+s22], $0x80, s3, s22, $0xb8;
	[tilespmem:$0x1DC00] =	vst v63  }
0x37: {  	p0 =	sne.s32 s6, $0x1;
	_ =	swait.ge [sflag:s23], $0x4000  }
.Ltmp0:
0x38: {  	[sflag:s23] =	ssyncset.done $0x0;
	(pc) =	sbr.rel @!p0 .LBB2_3-.Ltmp0, $4  }
0x39: {  	[sflag:s23] =	ssyncadd.s32 $0xFFFFC000  }
0x3a: {  	[spmem:s2] =	stream.indirect.scatter.add.f32 [tilespmem:s20], [sflag:$0x2], $0x80, s25, s22, $0xb8;
	[tilespmem:$0x1DC00] =	vst v63  }
0x3b: {  	_ =	swait.ge [sflag:s21], $0x4000  }
0x3c: {  	s26 =	sadd.s32 $0xFFFFFFFF, s6;
	s28 =	simm.s32 $0x0;
	[sflag:s21] =	ssyncset.done $0x0  }
.LBB2_2:
0x3d: {  	[sflag:s21] =	ssyncadd.s32 $0xFFFFC000;
	s28 =	sadd.s32 $0x80, s28;
	s25 =	sadd.s32 $0x80, s25  }
0x3e: {  	[tilespmem:s20], [sflag:$0x1] =	stream.indirect.gather [hbm4b:s4+s22], $0x80, s28, s22, $0xb8;
	[tilespmem:$0x1DC00] =	vst v63  }
0x3f: {  	p0 =	sne.s32 s26, $0x1;
	s26 =	sadd.s32 $0xFFFFFFFF, s26;
	_ =	swait.ge [sflag:s23], $0x4000  }
.Ltmp1:
0x40: {  	[sflag:s23] =	ssyncset.done $0x0;
	(pc) =	sbr.rel @p0 .LBB2_2-.Ltmp1, $4  }
0x41: {  	[sflag:s23] =	ssyncadd.s32 $0xFFFFC000  }
0x42: {  	[spmem:s2] =	stream.indirect.scatter.add.f32 [tilespmem:s20], [sflag:$0x2], $0x80, s25, s22, $0xb8;
	[tilespmem:$0x1DC00] =	vst v63  }
0x43: {  	_ =	swait.ge [sflag:s21], $0x4000  }
0x44: {  	[sflag:s21] =	ssyncset.done $0x0  }
.LBB2_3:
0x45: {  	[sflag:s21] =	ssyncadd.s32 $0xFFFFC000  }
0x46: {  	[bflag:$0x0] =	sbarrier.arrive $0xFFFF  }
0x47: {  	[tilespmem:s20], [sflag:$0x2] =	stream.linear.gather [spmem:s7], $0x4000, $0x38;
	[tilespmem:$0x1DC00] =	vst v63  }
0x48: {  	_ =	swait.ge [sflag:s21], $0x4000  }
0x49: {  	[sflag:s21] =	ssyncset.done $0x0  }
0x4a: {  	[sflag:s21] =	ssyncadd.s32 $0xFFFFC000  }
0x4b: {  	[hbm4b:s14+s3] =	stream.linear.scatter [tilespmem:s20], [sflag:$0x2], $0x4000, $0x38;
	[tilespmem:$0x1DC00] =	vst v63  }
0x4c: {  	_ =	swait.ge [sflag:s21], $0x4000  }
0x4d: {  	[sflag:s21] =	ssyncset.done $0x0  }
0x4e: {  	[sflag:s21] =	ssyncadd.s32 $0xFFFFC000  }
0x4f: {  	[tilespmem:s20], [sflag:$0x2] =	stream.linear.gather [spmem:s8], $0x4000, $0x38;
	[tilespmem:$0x1DC00] =	vst v63  }
0x50: {  	_ =	swait.ge [sflag:s21], $0x4000  }
0x51: {  	[sflag:s21] =	ssyncset.done $0x0  }
0x52: {  	[sflag:s21] =	ssyncadd.s32 $0xFFFFC000  }
0x53: {  	[hbm4b:s15+s3] =	stream.linear.scatter [tilespmem:s20], [sflag:$0x2], $0x4000, $0x38;
	[tilespmem:$0x1DC00] =	vst v63  }
0x54: {  	_ =	swait.ge [sflag:s21], $0x4000  }
0x55: {  	[sflag:s21] =	ssyncset.done $0x0  }
0x56: {  	[sflag:s21] =	ssyncadd.s32 $0xFFFFC000  }
0x57: {  	[tilespmem:s20], [sflag:$0x2] =	stream.linear.gather [spmem:s9], $0x4000, $0x38;
	[tilespmem:$0x1DC00] =	vst v63  }
0x58: {  	_ =	swait.ge [sflag:s21], $0x4000  }
0x59: {  	[sflag:s21] =	ssyncset.done $0x0  }
0x5a: {  	[sflag:s21] =	ssyncadd.s32 $0xFFFFC000  }
0x5b: {  	[hbm4b:s16+s3] =	stream.linear.scatter [tilespmem:s20], [sflag:$0x2], $0x4000, $0x38;
	[tilespmem:$0x1DC00] =	vst v63  }
0x5c: {  	_ =	swait.ge [sflag:s21], $0x4000  }
0x5d: {  	[sflag:s21] =	ssyncset.done $0x0  }
0x5e: {  	[sflag:s21] =	ssyncadd.s32 $0xFFFFC000  }
0x5f: {  	[tilespmem:s20], [sflag:$0x2] =	stream.linear.gather [spmem:s10], $0x4000, $0x38;
	[tilespmem:$0x1DC00] =	vst v63  }
0x60: {  	_ =	swait.ge [sflag:s21], $0x4000  }
0x61: {  	[sflag:s21] =	ssyncset.done $0x0  }
0x62: {  	[sflag:s21] =	ssyncadd.s32 $0xFFFFC000  }
0x63: {  	[hbm4b:s17+s3] =	stream.linear.scatter [tilespmem:s20], [sflag:$0x2], $0x4000, $0x38;
	[tilespmem:$0x1DC00] =	vst v63  }
0x64: {  	_ =	swait.ge [sflag:s21], $0x4000  }
0x65: {  	[sflag:s21] =	ssyncset.done $0x0  }
0x66: {  	[sflag:s21] =	ssyncadd.s32 $0xFFFFC000  }
0x67: {  	[tilespmem:s20], [sflag:$0x2] =	stream.linear.gather [spmem:s11], $0x3C00, $0x38;
	[tilespmem:$0x1DC00] =	vst v63  }
0x68: {  	s24 =	sadd.s32 $0x1, s24;
	_ =	swait.ge [sflag:s21], $0x3C00  }
0x69: {  	p0 =	sne.s32 s24, s19;
	[sflag:s21] =	ssyncset.done $0x0  }
.Ltmp2:
0x6a: {  	[sflag:s21] =	ssyncadd.s32 $0xFFFFC400;
	(pc) =	sbr.rel @p0 .LBB2_1-.Ltmp2, $4  }
0x6b: {  	[hbm4b:s18+s3] =	stream.linear.scatter [tilespmem:s20], [sflag:$0x2], $0x3C00, $0x38;
	[tilespmem:$0x1DC00] =	vst v63  }
0x6c: {  	_ =	swait.ge [sflag:s21], $0x3C00  }
0x6d: {  	[sflag:s21] =	ssyncset.done $0x0  }
0x6e: {  	[sflag:s21] =	ssyncadd.s32 $0xFFFFC400  }
0x6f: {  	_ =	sfence.sel $0x180000  }
0x70: {  	[bflag:$0x0] =	sbarrier.arrive $0xFFFF  }
0x71: {  	p0 =	sne.s32 s1, $0x0;
	_ =	strace $0x9000004A  }
0x72: {  	s0 =	sadd.s32 @!p0 $0x100000, s0;
	[bflag:$0x2] =	sbarrier.arrive $0xFFFF  }
0x73: {  	[sflag:s0] =	ssyncadd.tile.s32 @!p0 $0x1;
	_ =	shalt  }
.Lfunc_end2:
_tile_overlayer_lowered:
.L_overlay_start_2:
0x74: {  	(tag) =	ssettag $0x2  }
0x75: {  	s0 =	rddreg [dreg:$0x0];
	s2 =	stileid.u32  }
0x76: {  	s1 =	rddreg [dreg:$0x1];
	p0 =	sne.s32 s2, $0x0  }
0x77: {  	s3 =	rddreg [dreg:$0x2];
	[bflag:$0x3] =	sbarrier.arrive $0xFFFF;
	s2 =	simm.s32 @!p0 $0x1C02  }
0x78: {  	[timem:s3], [sflag:s2] =	dma.local @!p0 [hbm:s0], s1  }
0x79: {  	s0 =	simm.s32 @!p0 $0x2  }
0x7a: {  	_ =	swait.ge @!p0 [sflag:s0], s1  }
0x7b: {  	s1 =	ssub.s32 @!p0 $0x0, s1;
	[sflag:s0] =	ssyncset.done @!p0 $0x0  }
0x7c: {  	[sflag:s0] =	ssyncadd.s32 @!p0 s1  }
0x7d: {  	[bflag:$0x3] =	sbarrier.arrive $0xFFFF  }
0x7e: {  	_ =	shalt  }

// kernel: kernel.29.cloned.1.call-start
scs
__scs_entry_jumppad:
0x0: {  	(pc) =	sbr.rel $0x88, $3  }
0x1: {  	(tag) =	ssettag $0x0;
	lr =	simm.s32 $0x1  }
0x2: {  	[smem:$0x3F90] =	sst lr;
	_ =	strace $0xD0000000  }
0x3: {  	_ = 	snop  }
0x4: {  	_ = 	snop  }
0x5: {  	_ = 	snop  }
0x6: {  	_ = 	snop  }
0x7: {  	_ = 	snop  }
__scs_overlays_trampoline_lowered:
0x8: {  	[smem:$0x3F9F] =	sst s0  }
0x9: {  	[smem:$0x3FA0] =	sst s1  }
0xa: {  	[smem:$0x3FA1] =	sst s2  }
0xb: {  	[smem:$0x3FA2] =	sst s3  }
0xc: {  	[smem:$0x3FA3] =	sst s4  }
0xd: {  	[smem:$0x3FA4] =	sst s5  }
0xe: {  	[smem:$0x3FA5] =	sst s6  }
0xf: {  	[smem:$0x3FA6] =	sst s7  }
0x10: {  	[smem:$0x3FA7] =	sst s8  }
0x11: {  	[smem:$0x3FA8] =	sst s9;
	s0 =	simm.s32 @!p0 $0x0  }
0x12: {  	s1 =	sld [smem:$0x3F8E];
	s0 =	simm.s32 @p0 $0x1  }
0x13: {  	[smem:$0x3FA9] =	sst s0;
	s0 =	simm.s32 @!p1 $0x0  }
0x14: {  	s2 =	sld [smem:$0x3F8D];
	s0 =	simm.s32 @p1 $0x1  }
0x15: {  	[smem:$0x3FAA] =	sst s0;
	s0 =	simm.s32 @!p2 $0x0  }
0x16: {  	s3 =	sld [smem:$0x3FDB];
	s0 =	simm.s32 @p2 $0x1  }
0x17: {  	s4 =	simm.s32 $0x1BF5;
	[smem:$0x3FAC] =	sst s0  }
0x18: {  	s0 =	sld [smem:$0x3F8F];
	_ =	swait.ge [sflag:s4], $0x0  }
0x19: {  	s7 =	sld [smem:$0x3F90]  }
0x1a: {  	s8 =	sadd.s32 $0xFFFFE003, lr  }
0x1b: {  	s9 =	sadd.s32 $0xFFFFFEF7, lr;
	s5 =	simm.s32 $0xFFFFFFFF;
	p2 =	slt.u32 s8, $0xFFFFF086  }
0x1c: {  	p1 =	slt.u32 s9, $0xF7A;
	s5 =	simm.s32 @!p2 $0x0  }
0x1d: {  	s5 =	simm.s32 @p1 $0x1;
	p0 =	seq.s32 s7, s2  }
0x1e: {  	s7 =	smul.u32 @!p0 $0xF7A, s2;
	p2 =	seq.s32 @!p0 s5, $0x0  }
0x1f: {  	s9 =	smul.u32 $0xF7A, s1;
	s8 =	simm.s32 @!p0 $0x1BF5;
	p2 =	por !p2, p0  }
0x20: {  	[sflag:s8] =	ssyncset.s32 @!p0 $0xFFFFF086;
	s6 =	sadd.s32 @!p0 s3, s7;
	s7 =	simm.s32 @!p0 $0x108  }
0x21: {  	s3 =	sadd.s32 s3, s9;
	s6 =	sadd.s32 @!p0 $0x88, s6;
	s7 =	simm.s32 @p2 $0x1082  }
0x22: {  	[simem:s7], [sflag:s8] =	dma.local @!p0 [hbm:s6], $0xF7A  }
0x23: {  	s9 =	sor.u32 $0xD0000000, s2;
	s6 =	simm.s32 $0x108;
	_ =	swait.ge @!p0 [sflag:s8], $0x0  }
0x24: {  	s3 =	sadd.s32 $0x88, s3;
	s6 =	simm.s32 @!p1 $0x1082;
	[sflag:s4] =	ssyncset.s32 $0xFFFFF086  }
0x25: {  	[simem:s6], [sflag:s4] =	dma.local [hbm:s3], $0xF7A  }
0x26: {  	[smem:$0x3F90] =	sst s1;
	(tag) =	ssettag s2;
	_ =	strace s9  }
0x27: {  	s1 =	sld [smem:$0x3FA0]  }
0x28: {  	s2 =	sld [smem:$0x3FA1]  }
0x29: {  	s4 =	sld [smem:$0x3FA3]  }
0x2a: {  	p0 =	seq.s32 s5, $0x0;
	s5 =	sld [smem:$0x3FA4]  }
0x2b: {  	s6 =	sld [smem:$0x3FA5]  }
0x2c: {  	s7 =	sld [smem:$0x3FA6]  }
0x2d: {  	s3 =	simm.s32 $0x108;
	s8 =	sld [smem:$0x3FA7]  }
0x2e: {  	s3 =	simm.s32 @!p0 $0x1082;
	s9 =	sld [smem:$0x3FA8]  }
0x2f: {  	lr =	sadd.s32 s0, s3;
	s0 =	sld [smem:$0x3F9F]  }
0x30: {  	s3 =	sld [smem:$0x3FA2]  }
0x31: {  	[smem:$0x3FAB] =	sst s10  }
0x32: {  	s10 =	sld [smem:$0x3FA9];
	_ =	sdelay $0x3  }
0x33: {  	p0 =	seq.s32 s10, $0x1;
	s10 =	sld [smem:$0x3FAB];
	_ =	sdelay $0x3  }
0x34: {  	[smem:$0x3FAB] =	sst s10  }
0x35: {  	s10 =	sld [smem:$0x3FAA];
	_ =	sdelay $0x3  }
0x36: {  	p1 =	seq.s32 s10, $0x1;
	s10 =	sld [smem:$0x3FAB];
	_ =	sdelay $0x3  }
0x37: {  	[smem:$0x3FAB] =	sst s10  }
0x38: {  	s10 =	sld [smem:$0x3FAC]  }
0x39: {  	_ = 	snop;
	(pc) =	sbr.ind lr, $3  }
0x3a: {  	_ = 	snop  }
0x3b: {  	_ = 	snop  }
0x3c: {  	p2 =	seq.s32 s10, $0x1;
	s10 =	sld [smem:$0x3FAB]  }
0x3d: {  	_ =	shalt  }
0x3e: {  	_ =	shalt  }
0x3f: {  	_ =	shalt  }
0x40: {  	_ =	shalt  }
0x41: {  	_ =	shalt  }
0x42: {  	_ =	shalt  }
0x43: {  	_ =	shalt  }
0x44: {  	_ =	shalt  }
0x45: {  	_ =	shalt  }
0x46: {  	_ =	shalt  }
0x47: {  	_ =	shalt  }
0x48: {  	_ =	shalt  }
0x49: {  	_ =	shalt  }
0x4a: {  	_ =	shalt  }
0x4b: {  	_ =	shalt  }
0x4c: {  	_ =	shalt  }
0x4d: {  	_ =	shalt  }
0x4e: {  	_ =	shalt  }
0x4f: {  	_ =	shalt  }
0x50: {  	_ =	shalt  }
0x51: {  	_ =	shalt  }
0x52: {  	_ =	shalt  }
0x53: {  	_ =	shalt  }
0x54: {  	_ =	shalt  }
0x55: {  	_ =	shalt  }
0x56: {  	_ =	shalt  }
0x57: {  	_ =	shalt  }
0x58: {  	_ =	shalt  }
0x59: {  	_ =	shalt  }
0x5a: {  	_ =	shalt  }
0x5b: {  	_ =	shalt  }
0x5c: {  	_ =	shalt  }
0x5d: {  	_ =	shalt  }
0x5e: {  	_ =	shalt  }
0x5f: {  	_ =	shalt  }
0x60: {  	_ =	shalt  }
0x61: {  	_ =	shalt  }
0x62: {  	_ =	shalt  }
0x63: {  	_ =	shalt  }
0x64: {  	_ =	shalt  }
0x65: {  	_ =	shalt  }
0x66: {  	_ =	shalt  }
0x67: {  	_ =	shalt  }
0x68: {  	_ =	shalt  }
0x69: {  	_ =	shalt  }
0x6a: {  	_ =	shalt  }
0x6b: {  	_ =	shalt  }
0x6c: {  	_ =	shalt  }
0x6d: {  	_ =	shalt  }
0x6e: {  	_ =	shalt  }
0x6f: {  	_ =	shalt  }
0x70: {  	_ =	shalt  }
0x71: {  	_ =	shalt  }
0x72: {  	_ =	shalt  }
0x73: {  	_ =	shalt  }
0x74: {  	_ =	shalt  }
0x75: {  	_ =	shalt  }
0x76: {  	_ =	shalt  }
0x77: {  	_ =	shalt  }
0x78: {  	_ =	shalt  }
0x79: {  	_ =	shalt  }
0x7a: {  	_ =	shalt  }
0x7b: {  	_ =	shalt  }
0x7c: {  	_ =	shalt  }
0x7d: {  	_ =	shalt  }
0x7e: {  	_ =	shalt  }
0x7f: {  	_ =	shalt  }
0x80: {  	_ =	shalt  }
0x81: {  	_ =	shalt  }
0x82: {  	_ =	shalt  }
0x83: {  	_ =	shalt  }
0x84: {  	_ =	shalt  }
0x85: {  	_ =	shalt  }
0x86: {  	_ =	shalt  }
0x87: {  	_ =	shalt  }
.Lfunc_end0:
.L_simem_size_0:
called_computation.3_lowered:
.L_overlay_start_0:
0x88: {  	s2 =	sld [smem:$0x3FD9]  }
0x89: {  	s3 =	sld [smem:$0x3FFE];
	_ =	sdelay $0x1  }
0x8a: {  	s1 =	srdreg.scid  }
0x8b: {  	s0 =	sand.u32 $0x1, s1  }
0x8c: {  	s16 =	sshll.u32 s0, $0xA;
	s2 =	sadd.s32 s3, s2  }
0x8d: {  	s2 =	sadd.s32 s2, s16  }
0x8e: {  	[smem:$0x3FB7] =	sst s2  }
0x8f: {  	_ = 	snop  }
0x90: {  	(tm) =	ssettm $0x1  }
0x91: {  	s17 =	sld [smem:$0x3FFB];
	_ =	sdelay $0x3  }
0x92: {  	_ =	strace s17  }
0x93: {  	s2 =	sld [smem:$0x3FFC];
	_ =	sdelay $0x3  }
0x94: {  	_ =	strace s2  }
0x95: {  	s2 =	sld [smem:$0x3FFD];
	_ =	sdelay $0x3  }
0x96: {  	_ =	strace s2  }
0x97: {  	_ =	strace $0x8FFFFFFF  }
0x98: {  	s18 =	sld [smem:$0x3FDB];
	_ =	sdelay $0x1  }
0x99: {  	s19 =	simm.s32 $_scs_section_size  }
0x9a: {  	s4 =	simm.s32 $_size__tile_overlayer_lowered;
	s5 =	simm.s32 $_tile_overlayer_lowered  }
0x9b: {  	s22 =	simm.s32 $0x1BFF;
	s21 =	sshll.u32 s5, $0x1;
	s2 =	sadd.s32 s19, s18  }
0x9c: {  	s6 =	simm.s32 $0x0;
	s20 =	sshll.u32 s4, $0x1;
	s4 =	sadd.s32 s21, s2  }
0x9d: {  	[timem:s6], [sflag:s22] =	dma.local [hbm:s4], s20  }
0x9e: {  	_ =	swait.ge [sflag:s22], s20  }
0x9f: {  	s3 =	ssub.s32 $0x0, s20;
	[sflag:s22] =	ssyncset.done $0x0  }
0xa0: {  	[sflag:s22] =	ssyncadd.s32 s3;
	_ =	sdelay $0x1  }
0xa1: {  	s23 =	simm.s32 $0x1B8B  }
0xa2: {  	_ =	swait.ge [sflag:s23], $0x1  }
0xa3: {  	[sflag:s23] =	ssyncset.done $0x0  }
0xa4: {  	s25 =	simm.s32 $0x1B8E;
	s24 =	sld [smem:$0x3FFE];
	[sflag:s23] =	ssyncadd.s32 $0xFFFFFFFF  }
0xa5: {  	s26 =	simm.s32 $execute0_lowered;
	[smem:$0x3FD2] =	sst s25  }
0xa6: {  	s4 =	sshll.u32 s26, $0x1;
	_ =	strace $0x8000004C;
	[dreg:$0x1] =	wrdreg $0xFFFFFFFF  }
0xa7: {  	s28 =	simm.s32 $_size_execute0_lowered;
	s2 =	sadd.s32 s2, s4;
	[dreg:$0x0] =	wrdreg $0x0  }
0xa8: {  	s4 =	sshll.u32 s28, $0x1;
	[dreg:$0x2] =	wrdreg s2  }
0xa9: {  	[dreg:$0x3] =	wrdreg s4  }
0xaa: {  	[dreg:$0x4] =	wrdreg $0xC0  }
0xab: {  	_ =	task [dreg:s6], $0x5FFFF  }
0xac: {  	[dreg:$0x1] =	wrdreg $0xFFFFFFFF  }
0xad: {  	[dreg:$0x0] =	wrdreg $0x60  }
0xae: {  	[dreg:$0x2] =	wrdreg s24  }
0xaf: {  	[dreg:$0x3] =	wrdreg $0xA0000  }
0xb0: {  	[dreg:$0x4] =	wrdreg $0x9  }
0xb1: {  	_ =	task.clear_ibuf [dreg:s6], $0x5FFFF;
	_ =	strace $0x9000004C  }
0xb2: {  	s29 =	simm.s32 $0x9;
	_ =	strace $0x8000004E  }
0xb3: {  	_ =	swait.ge [sflag:s29], $0x1  }
0xb4: {  	[sflag:s29] =	ssyncadd.s32 $0xFFFFFFFF  }
0xb5: {  	_ =	strace $0x9000004E  }
0xb6: {  	_ =	sfence  }
0xb7: {  	s30 =	sld [smem:$0x0];
	_ =	sdelay $0x2  }
0xb8: {  	s31 =	sshll.u32 s1, $0xD;
	s1 =	sshrl.u32 s1, $0x2  }
0xb9: {  	s3 =	sand.u32 $0x4000, s31;
	s1 =	sadd.s32 s1, s30  }
0xba: {  	s0 =	sor.u32 s3, s0;
	s1 =	sshll.u32 s1, $0x11  }
0xbb: {  	s0 =	sor.u32 s1, s0  }
0xbc: {  	s0 =	sadd.s32 $0x8F2B, s0  }
0xbd: {  	[sflag:s0] =	ssyncadd.remote.s32 $0x1  }
0xbe: {  	_ =	sfence.sel $0xFFFF  }
0xbf: {  	[dreg:$0x0] =	wrdreg $0xFFFFFFFF;
	(pc) =	sbr.abs _section_cstart, $3  }
0xc0: {  	[dreg:$0x1] =	wrdreg $0xFFFFFFFF  }
0xc1: {  	_ =	task.clear_ibuf [dreg:s6], $0x2FFFF;
	_ =	strace $0x9FFFFFFF  }
0xc2: {  	(tm) =	ssettm $0x7FFFFFFF  }
0xc3: {  	_ =	shalt  }
tec
execute0_lowered:
.L_overlay_start_1:
0x0: {  	(tag) =	ssettag $0x1  }
0x1: {  	s0 =	srdreg.scid;
	s6 =	rddreg [dreg:$0x0]  }
0x2: {  	s2 =	rddreg [dreg:$0x1];
	s1 =	stileid.u32  }
0x3: {  	s3 =	simm.s32 $0x0;
	s23 =	simm.s32 $0x1;
	s24 =	simm.s32 $0x0  }
0x4: {  	s9 =	sand.u32 $0x1, s0;
	s0 =	rddreg [dreg:$0x2];
	s8 =	smul.u32 $0x4F000, s1  }
0x5: {  	[smem:$0x7FF] =	sst s3;
	s12 =	smul.u32 $0x13C00, s1;
	s18 =	sadd.s32 $0x5F800, s6  }
0x6: {  	s4 =	sshll.u32 s9, $0x4;
	_ =	strace $0x8000004D;
	s7 =	ssub.s32 $0x2, s9  }
0x7: {  	p0 =	seq.s32 s9, $0x0;
	s20 =	smul.u32 $0x13C000, s9;
	s4 =	sor.u32 s1, s4  }
0x8: {  	s10 =	sshrl.u32 s7, $0x1;
	s31 =	sshrl.u32 s8, $0x2;
	s14 =	sadd.s32 $0x4000, s12  }
0x9: {  	s16 =	sadd.s32 $0x8000, s12;
	s17 =	sadd.s32 $0xC000, s12;
	s21 =	sadd.s32 $0x10000, s12  }
0xa: {  	s5 =	smul.u32 $0x600, s4;
	s4 =	sadd.s32 $0x38000, s6;
	s19 =	ssub.s32 s7, s10  }
0xb: {  	s7 =	sadd.s32 s31, s2;
	s8 =	sadd.s32 s14, s2;
	s9 =	sadd.s32 s16, s2  }
0xc: {  	s10 =	sadd.s32 s17, s2;
	s11 =	sadd.s32 s21, s2;
	s15 =	sadd.s32 s12, s20  }
0xd: {  	s14 =	sadd.s32 s20, s14;
	s16 =	sadd.s32 s20, s16;
	s17 =	sadd.s32 s20, s17  }
0xe: {  	s20 =	sadd.s32 s20, s21;
	s21 =	simm.s32 $0x2;
	s15 =	sshrl.u32 s15, $0x3  }
0xf: {  	s22 =	sshrl.u32 s14, $0x3;
	s16 =	sshrl.u32 s16, $0x3;
	s17 =	sshrl.u32 s17, $0x3  }
0x10: {  	s20 =	sshrl.u32 s20, $0x3;
	s19 =	smax.u32 s19, $0x1;
	s13 =	sadd.s32 s5, s6  }
0x11: {  	s5 =	sadd.s32 $0x1F400, s6;
	s6 =	simm.s32 $0x5F;
	s14 =	sadd.s32 s18, s15  }
0x12: {  	s15 =	sadd.s32 s18, s22;
	s16 =	sadd.s32 s18, s16;
	s17 =	sadd.s32 s18, s17  }
0x13: {  	s18 =	sadd.s32 s18, s20;
	s20 =	simm.s32 $0x6000;
	s22 =	simm.s32 $0x80  }
0x14: {  	s6 =	simm.s32 @!p0 $0x3E;
	s12 =	sadd.s32 $0x2C000, s13;
	s13 =	sadd.s32 $0x13400, s13  }
.LBB2_1:
0x15: {  	[tilespmem:s20], [sflag:$0x2] =	stream.linear.gather [hbm4b:s5+s3], $0x4000, $0x38;
	[tilespmem:$0x1DC00] =	vst v63  }
0x16: {  	_ =	swait.ge [sflag:s21], $0x4000  }
0x17: {  	[sflag:s21] =	ssyncset.done $0x0  }
0x18: {  	[sflag:s21] =	ssyncadd.s32 $0xFFFFC000  }
0x19: {  	[spmem:s7] =	stream.linear.scatter [tilespmem:s20], [sflag:$0x2], $0x4000, $0x38;
	[tilespmem:$0x1DC00] =	vst v63  }
0x1a: {  	_ =	swait.ge [sflag:s21], $0x4000  }
0x1b: {  	[sflag:s21] =	ssyncset.done $0x0  }
0x1c: {  	[sflag:s21] =	ssyncadd.s32 $0xFFFFC000  }
0x1d: {  	[spmem:s8] =	stream.linear.scatter [tilespmem:s20], [sflag:$0x2], $0x4000, $0x38;
	[tilespmem:$0x1DC00] =	vst v63  }
0x1e: {  	_ =	swait.ge [sflag:s21], $0x4000  }
0x1f: {  	[sflag:s21] =	ssyncset.done $0x0  }
0x20: {  	[sflag:s21] =	ssyncadd.s32 $0xFFFFC000  }
0x21: {  	[spmem:s9] =	stream.linear.scatter [tilespmem:s20], [sflag:$0x2], $0x4000, $0x38;
	[tilespmem:$0x1DC00] =	vst v63  }
0x22: {  	_ =	swait.ge [sflag:s21], $0x4000  }
0x23: {  	[sflag:s21] =	ssyncset.done $0x0  }
0x24: {  	[sflag:s21] =	ssyncadd.s32 $0xFFFFC000  }
0x25: {  	[spmem:s10] =	stream.linear.scatter [tilespmem:s20], [sflag:$0x2], $0x4000, $0x38;
	[tilespmem:$0x1DC00] =	vst v63  }
0x26: {  	_ =	swait.ge [sflag:s21], $0x4000  }
0x27: {  	[sflag:s21] =	ssyncset.done $0x0  }
0x28: {  	[sflag:s21] =	ssyncadd.s32 $0xFFFFC000  }
0x29: {  	[spmem:s11] =	stream.linear.scatter [tilespmem:s20], [sflag:$0x2], $0x3C00, $0x38;
	[tilespmem:$0x1DC00] =	vst v63  }
0x2a: {  	_ =	swait.ge [sflag:s21], $0x3C00  }
0x2b: {  	[sflag:s21] =	ssyncset.done $0x0  }
0x2c: {  	[sflag:s21] =	ssyncadd.s32 $0xFFFFC400  }
0x2d: {  	[tilespmem:s3], [sflag:$0x2] =	stream.linear.gather [hbm4b:s12+s3], $0x2F80, $0x38;
	[tilespmem:$0x1DC00] =	vst v63  }
0x2e: {  	_ =	swait.ge [sflag:s21], $0x2F80  }
0x2f: {  	[sflag:s21] =	ssyncset.done $0x0  }
0x30: {  	s25 =	simm.s32 $0x3000;
	[sflag:s21] =	ssyncadd.s32 $0xFFFFD080  }
0x31: {  	[tilespmem:s25], [sflag:$0x2] =	stream.linear.gather [hbm4b:s13+s3], $0x2F80, $0x38;
	[tilespmem:$0x1DC00] =	vst v63  }
0x32: {  	_ =	swait.ge [sflag:s21], $0x2F80  }
0x33: {  	[sflag:s21] =	ssyncset.done $0x0  }
0x34: {  	[sflag:s21] =	ssyncadd.s32 $0xFFFFD080  }
0x35: {  	[bflag:$0x0] =	sbarrier.arrive $0xFFFF  }
0x36: {  	[tilespmem:s20], [sflag:$0x1] =	stream.indirect.gather [hbm4b:s4+s22], $0x80, s3, s22, $0xb8;
	[tilespmem:$0x1DC00] =	vst v63  }
0x37: {  	p0 =	sne.s32 s6, $0x1;
	_ =	swait.ge [sflag:s23], $0x4000  }
.Ltmp0:
0x38: {  	[sflag:s23] =	ssyncset.done $0x0;
	(pc) =	sbr.rel @!p0 .LBB2_3-.Ltmp0, $4  }
0x39: {  	[sflag:s23] =	ssyncadd.s32 $0xFFFFC000  }
0x3a: {  	[spmem:s2] =	stream.indirect.scatter.add.f32 [tilespmem:s20], [sflag:$0x2], $0x80, s25, s22, $0xb8;
	[tilespmem:$0x1DC00] =	vst v63  }
0x3b: {  	_ =	swait.ge [sflag:s21], $0x4000  }
0x3c: {  	s26 =	sadd.s32 $0xFFFFFFFF, s6;
	s28 =	simm.s32 $0x0;
	[sflag:s21] =	ssyncset.done $0x0  }
.LBB2_2:
0x3d: {  	[sflag:s21] =	ssyncadd.s32 $0xFFFFC000;
	s28 =	sadd.s32 $0x80, s28;
	s25 =	sadd.s32 $0x80, s25  }
0x3e: {  	[tilespmem:s20], [sflag:$0x1] =	stream.indirect.gather [hbm4b:s4+s22], $0x80, s28, s22, $0xb8;
	[tilespmem:$0x1DC00] =	vst v63  }
0x3f: {  	p0 =	sne.s32 s26, $0x1;
	s26 =	sadd.s32 $0xFFFFFFFF, s26;
	_ =	swait.ge [sflag:s23], $0x4000  }
.Ltmp1:
0x40: {  	[sflag:s23] =	ssyncset.done $0x0;
	(pc) =	sbr.rel @p0 .LBB2_2-.Ltmp1, $4  }
0x41: {  	[sflag:s23] =	ssyncadd.s32 $0xFFFFC000  }
0x42: {  	[spmem:s2] =	stream.indirect.scatter.add.f32 [tilespmem:s20], [sflag:$0x2], $0x80, s25, s22, $0xb8;
	[tilespmem:$0x1DC00] =	vst v63  }
0x43: {  	_ =	swait.ge [sflag:s21], $0x4000  }
0x44: {  	[sflag:s21] =	ssyncset.done $0x0  }
.LBB2_3:
0x45: {  	[sflag:s21] =	ssyncadd.s32 $0xFFFFC000  }
0x46: {  	[bflag:$0x0] =	sbarrier.arrive $0xFFFF  }
0x47: {  	[tilespmem:s20], [sflag:$0x2] =	stream.linear.gather [spmem:s7], $0x4000, $0x38;
	[tilespmem:$0x1DC00] =	vst v63  }
0x48: {  	_ =	swait.ge [sflag:s21], $0x4000  }
0x49: {  	[sflag:s21] =	ssyncset.done $0x0  }
0x4a: {  	[sflag:s21] =	ssyncadd.s32 $0xFFFFC000  }
0x4b: {  	[hbm4b:s14+s3] =	stream.linear.scatter [tilespmem:s20], [sflag:$0x2], $0x4000, $0x38;
	[tilespmem:$0x1DC00] =	vst v63  }
0x4c: {  	_ =	swait.ge [sflag:s21], $0x4000  }
0x4d: {  	[sflag:s21] =	ssyncset.done $0x0  }
0x4e: {  	[sflag:s21] =	ssyncadd.s32 $0xFFFFC000  }
0x4f: {  	[tilespmem:s20], [sflag:$0x2] =	stream.linear.gather [spmem:s8], $0x4000, $0x38;
	[tilespmem:$0x1DC00] =	vst v63  }
0x50: {  	_ =	swait.ge [sflag:s21], $0x4000  }
0x51: {  	[sflag:s21] =	ssyncset.done $0x0  }
0x52: {  	[sflag:s21] =	ssyncadd.s32 $0xFFFFC000  }
0x53: {  	[hbm4b:s15+s3] =	stream.linear.scatter [tilespmem:s20], [sflag:$0x2], $0x4000, $0x38;
	[tilespmem:$0x1DC00] =	vst v63  }
0x54: {  	_ =	swait.ge [sflag:s21], $0x4000  }
0x55: {  	[sflag:s21] =	ssyncset.done $0x0  }
0x56: {  	[sflag:s21] =	ssyncadd.s32 $0xFFFFC000  }
0x57: {  	[tilespmem:s20], [sflag:$0x2] =	stream.linear.gather [spmem:s9], $0x4000, $0x38;
	[tilespmem:$0x1DC00] =	vst v63  }
0x58: {  	_ =	swait.ge [sflag:s21], $0x4000  }
0x59: {  	[sflag:s21] =	ssyncset.done $0x0  }
0x5a: {  	[sflag:s21] =	ssyncadd.s32 $0xFFFFC000  }
0x5b: {  	[hbm4b:s16+s3] =	stream.linear.scatter [tilespmem:s20], [sflag:$0x2], $0x4000, $0x38;
	[tilespmem:$0x1DC00] =	vst v63  }
0x5c: {  	_ =	swait.ge [sflag:s21], $0x4000  }
0x5d: {  	[sflag:s21] =	ssyncset.done $0x0  }
0x5e: {  	[sflag:s21] =	ssyncadd.s32 $0xFFFFC000  }
0x5f: {  	[tilespmem:s20], [sflag:$0x2] =	stream.linear.gather [spmem:s10], $0x4000, $0x38;
	[tilespmem:$0x1DC00] =	vst v63  }
0x60: {  	_ =	swait.ge [sflag:s21], $0x4000  }
0x61: {  	[sflag:s21] =	ssyncset.done $0x0  }
0x62: {  	[sflag:s21] =	ssyncadd.s32 $0xFFFFC000  }
0x63: {  	[hbm4b:s17+s3] =	stream.linear.scatter [tilespmem:s20], [sflag:$0x2], $0x4000, $0x38;
	[tilespmem:$0x1DC00] =	vst v63  }
0x64: {  	_ =	swait.ge [sflag:s21], $0x4000  }
0x65: {  	[sflag:s21] =	ssyncset.done $0x0  }
0x66: {  	[sflag:s21] =	ssyncadd.s32 $0xFFFFC000  }
0x67: {  	[tilespmem:s20], [sflag:$0x2] =	stream.linear.gather [spmem:s11], $0x3C00, $0x38;
	[tilespmem:$0x1DC00] =	vst v63  }
0x68: {  	s24 =	sadd.s32 $0x1, s24;
	_ =	swait.ge [sflag:s21], $0x3C00  }
0x69: {  	p0 =	sne.s32 s24, s19;
	[sflag:s21] =	ssyncset.done $0x0  }
.Ltmp2:
0x6a: {  	[sflag:s21] =	ssyncadd.s32 $0xFFFFC400;
	(pc) =	sbr.rel @p0 .LBB2_1-.Ltmp2, $4  }
0x6b: {  	[hbm4b:s18+s3] =	stream.linear.scatter [tilespmem:s20], [sflag:$0x2], $0x3C00, $0x38;
	[tilespmem:$0x1DC00] =	vst v63  }
0x6c: {  	_ =	swait.ge [sflag:s21], $0x3C00  }
0x6d: {  	[sflag:s21] =	ssyncset.done $0x0  }
0x6e: {  	[sflag:s21] =	ssyncadd.s32 $0xFFFFC400  }
0x6f: {  	_ =	sfence.sel $0x180000  }
0x70: {  	[bflag:$0x0] =	sbarrier.arrive $0xFFFF  }
0x71: {  	p0 =	sne.s32 s1, $0x0;
	_ =	strace $0x9000004D  }
0x72: {  	s0 =	sadd.s32 @!p0 $0x100000, s0;
	[bflag:$0x2] =	sbarrier.arrive $0xFFFF  }
0x73: {  	[sflag:s0] =	ssyncadd.tile.s32 @!p0 $0x1;
	_ =	shalt  }
.Lfunc_end2:
_tile_overlayer_lowered:
.L_overlay_start_2:
0x74: {  	(tag) =	ssettag $0x2  }
0x75: {  	s0 =	rddreg [dreg:$0x0];
	s2 =	stileid.u32  }
0x76: {  	s1 =	rddreg [dreg:$0x1];
	p0 =	sne.s32 s2, $0x0  }
0x77: {  	s3 =	rddreg [dreg:$0x2];
	[bflag:$0x3] =	sbarrier.arrive $0xFFFF;
	s2 =	simm.s32 @!p0 $0x1C02  }
0x78: {  	[timem:s3], [sflag:s2] =	dma.local @!p0 [hbm:s0], s1  }
0x79: {  	s0 =	simm.s32 @!p0 $0x2  }
0x7a: {  	_ =	swait.ge @!p0 [sflag:s0], s1  }
0x7b: {  	s1 =	ssub.s32 @!p0 $0x0, s1;
	[sflag:s0] =	ssyncset.done @!p0 $0x0  }
0x7c: {  	[sflag:s0] =	ssyncadd.s32 @!p0 s1  }
0x7d: {  	[bflag:$0x3] =	sbarrier.arrive $0xFFFF  }
0x7e: {  	_ =	shalt  }

// kernel: kernel.32.cloned.1.call-start
scs
__scs_entry_jumppad:
0x0: {  	(pc) =	sbr.rel $0x88, $3  }
0x1: {  	(tag) =	ssettag $0x0;
	lr =	simm.s32 $0x1  }
0x2: {  	[smem:$0x3F90] =	sst lr;
	_ =	strace $0xD0000000  }
0x3: {  	_ = 	snop  }
0x4: {  	_ = 	snop  }
0x5: {  	_ = 	snop  }
0x6: {  	_ = 	snop  }
0x7: {  	_ = 	snop  }
__scs_overlays_trampoline_lowered:
0x8: {  	[smem:$0x3F9F] =	sst s0  }
0x9: {  	[smem:$0x3FA0] =	sst s1  }
0xa: {  	[smem:$0x3FA1] =	sst s2  }
0xb: {  	[smem:$0x3FA2] =	sst s3  }
0xc: {  	[smem:$0x3FA3] =	sst s4  }
0xd: {  	[smem:$0x3FA4] =	sst s5  }
0xe: {  	[smem:$0x3FA5] =	sst s6  }
0xf: {  	[smem:$0x3FA6] =	sst s7  }
0x10: {  	[smem:$0x3FA7] =	sst s8  }
0x11: {  	[smem:$0x3FA8] =	sst s9;
	s0 =	simm.s32 @!p0 $0x0  }
0x12: {  	s1 =	sld [smem:$0x3F8E];
	s0 =	simm.s32 @p0 $0x1  }
0x13: {  	[smem:$0x3FA9] =	sst s0;
	s0 =	simm.s32 @!p1 $0x0  }
0x14: {  	s2 =	sld [smem:$0x3F8D];
	s0 =	simm.s32 @p1 $0x1  }
0x15: {  	[smem:$0x3FAA] =	sst s0;
	s0 =	simm.s32 @!p2 $0x0  }
0x16: {  	s3 =	sld [smem:$0x3FDB];
	s0 =	simm.s32 @p2 $0x1  }
0x17: {  	s4 =	simm.s32 $0x1BF5;
	[smem:$0x3FAC] =	sst s0  }
0x18: {  	s0 =	sld [smem:$0x3F8F];
	_ =	swait.ge [sflag:s4], $0x0  }
0x19: {  	s7 =	sld [smem:$0x3F90]  }
0x1a: {  	s8 =	sadd.s32 $0xFFFFE003, lr  }
0x1b: {  	s9 =	sadd.s32 $0xFFFFFEF7, lr;
	s5 =	simm.s32 $0xFFFFFFFF;
	p2 =	slt.u32 s8, $0xFFFFF086  }
0x1c: {  	p1 =	slt.u32 s9, $0xF7A;
	s5 =	simm.s32 @!p2 $0x0  }
0x1d: {  	s5 =	simm.s32 @p1 $0x1;
	p0 =	seq.s32 s7, s2  }
0x1e: {  	s7 =	smul.u32 @!p0 $0xF7A, s2;
	p2 =	seq.s32 @!p0 s5, $0x0  }
0x1f: {  	s9 =	smul.u32 $0xF7A, s1;
	s8 =	simm.s32 @!p0 $0x1BF5;
	p2 =	por !p2, p0  }
0x20: {  	[sflag:s8] =	ssyncset.s32 @!p0 $0xFFFFF086;
	s6 =	sadd.s32 @!p0 s3, s7;
	s7 =	simm.s32 @!p0 $0x108  }
0x21: {  	s3 =	sadd.s32 s3, s9;
	s6 =	sadd.s32 @!p0 $0x88, s6;
	s7 =	simm.s32 @p2 $0x1082  }
0x22: {  	[simem:s7], [sflag:s8] =	dma.local @!p0 [hbm:s6], $0xF7A  }
0x23: {  	s9 =	sor.u32 $0xD0000000, s2;
	s6 =	simm.s32 $0x108;
	_ =	swait.ge @!p0 [sflag:s8], $0x0  }
0x24: {  	s3 =	sadd.s32 $0x88, s3;
	s6 =	simm.s32 @!p1 $0x1082;
	[sflag:s4] =	ssyncset.s32 $0xFFFFF086  }
0x25: {  	[simem:s6], [sflag:s4] =	dma.local [hbm:s3], $0xF7A  }
0x26: {  	[smem:$0x3F90] =	sst s1;
	(tag) =	ssettag s2;
	_ =	strace s9  }
0x27: {  	s1 =	sld [smem:$0x3FA0]  }
0x28: {  	s2 =	sld [smem:$0x3FA1]  }
0x29: {  	s4 =	sld [smem:$0x3FA3]  }
0x2a: {  	p0 =	seq.s32 s5, $0x0;
	s5 =	sld [smem:$0x3FA4]  }
0x2b: {  	s6 =	sld [smem:$0x3FA5]  }
0x2c: {  	s7 =	sld [smem:$0x3FA6]  }
0x2d: {  	s3 =	simm.s32 $0x108;
	s8 =	sld [smem:$0x3FA7]  }
0x2e: {  	s3 =	simm.s32 @!p0 $0x1082;
	s9 =	sld [smem:$0x3FA8]  }
0x2f: {  	lr =	sadd.s32 s0, s3;
	s0 =	sld [smem:$0x3F9F]  }
0x30: {  	s3 =	sld [smem:$0x3FA2]  }
0x31: {  	[smem:$0x3FAB] =	sst s10  }
0x32: {  	s10 =	sld [smem:$0x3FA9];
	_ =	sdelay $0x3  }
0x33: {  	p0 =	seq.s32 s10, $0x1;
	s10 =	sld [smem:$0x3FAB];
	_ =	sdelay $0x3  }
0x34: {  	[smem:$0x3FAB] =	sst s10  }
0x35: {  	s10 =	sld [smem:$0x3FAA];
	_ =	sdelay $0x3  }
0x36: {  	p1 =	seq.s32 s10, $0x1;
	s10 =	sld [smem:$0x3FAB];
	_ =	sdelay $0x3  }
0x37: {  	[smem:$0x3FAB] =	sst s10  }
0x38: {  	s10 =	sld [smem:$0x3FAC]  }
0x39: {  	_ = 	snop;
	(pc) =	sbr.ind lr, $3  }
0x3a: {  	_ = 	snop  }
0x3b: {  	_ = 	snop  }
0x3c: {  	p2 =	seq.s32 s10, $0x1;
	s10 =	sld [smem:$0x3FAB]  }
0x3d: {  	_ =	shalt  }
0x3e: {  	_ =	shalt  }
0x3f: {  	_ =	shalt  }
0x40: {  	_ =	shalt  }
0x41: {  	_ =	shalt  }
0x42: {  	_ =	shalt  }
0x43: {  	_ =	shalt  }
0x44: {  	_ =	shalt  }
0x45: {  	_ =	shalt  }
0x46: {  	_ =	shalt  }
0x47: {  	_ =	shalt  }
0x48: {  	_ =	shalt  }
0x49: {  	_ =	shalt  }
0x4a: {  	_ =	shalt  }
0x4b: {  	_ =	shalt  }
0x4c: {  	_ =	shalt  }
0x4d: {  	_ =	shalt  }
0x4e: {  	_ =	shalt  }
0x4f: {  	_ =	shalt  }
0x50: {  	_ =	shalt  }
0x51: {  	_ =	shalt  }
0x52: {  	_ =	shalt  }
0x53: {  	_ =	shalt  }
0x54: {  	_ =	shalt  }
0x55: {  	_ =	shalt  }
0x56: {  	_ =	shalt  }
0x57: {  	_ =	shalt  }
0x58: {  	_ =	shalt  }
0x59: {  	_ =	shalt  }
0x5a: {  	_ =	shalt  }
0x5b: {  	_ =	shalt  }
0x5c: {  	_ =	shalt  }
0x5d: {  	_ =	shalt  }
0x5e: {  	_ =	shalt  }
0x5f: {  	_ =	shalt  }
0x60: {  	_ =	shalt  }
0x61: {  	_ =	shalt  }
0x62: {  	_ =	shalt  }
0x63: {  	_ =	shalt  }
0x64: {  	_ =	shalt  }
0x65: {  	_ =	shalt  }
0x66: {  	_ =	shalt  }
0x67: {  	_ =	shalt  }
0x68: {  	_ =	shalt  }
0x69: {  	_ =	shalt  }
0x6a: {  	_ =	shalt  }
0x6b: {  	_ =	shalt  }
0x6c: {  	_ =	shalt  }
0x6d: {  	_ =	shalt  }
0x6e: {  	_ =	shalt  }
0x6f: {  	_ =	shalt  }
0x70: {  	_ =	shalt  }
0x71: {  	_ =	shalt  }
0x72: {  	_ =	shalt  }
0x73: {  	_ =	shalt  }
0x74: {  	_ =	shalt  }
0x75: {  	_ =	shalt  }
0x76: {  	_ =	shalt  }
0x77: {  	_ =	shalt  }
0x78: {  	_ =	shalt  }
0x79: {  	_ =	shalt  }
0x7a: {  	_ =	shalt  }
0x7b: {  	_ =	shalt  }
0x7c: {  	_ =	shalt  }
0x7d: {  	_ =	shalt  }
0x7e: {  	_ =	shalt  }
0x7f: {  	_ =	shalt  }
0x80: {  	_ =	shalt  }
0x81: {  	_ =	shalt  }
0x82: {  	_ =	shalt  }
0x83: {  	_ =	shalt  }
0x84: {  	_ =	shalt  }
0x85: {  	_ =	shalt  }
0x86: {  	_ =	shalt  }
0x87: {  	_ =	shalt  }
.Lfunc_end0:
.L_simem_size_0:
called_computation.4_lowered:
.L_overlay_start_0:
0x88: {  	s2 =	sld [smem:$0x3FD9]  }
0x89: {  	s3 =	sld [smem:$0x3FFE];
	_ =	sdelay $0x1  }
0x8a: {  	s1 =	srdreg.scid  }
0x8b: {  	s0 =	sand.u32 $0x1, s1  }
0x8c: {  	s16 =	sshll.u32 s0, $0xA;
	s2 =	sadd.s32 s3, s2  }
0x8d: {  	s2 =	sadd.s32 s2, s16  }
0x8e: {  	[smem:$0x3FB7] =	sst s2  }
0x8f: {  	_ = 	snop  }
0x90: {  	(tm) =	ssettm $0x1  }
0x91: {  	s17 =	sld [smem:$0x3FFB];
	_ =	sdelay $0x3  }
0x92: {  	_ =	strace s17  }
0x93: {  	s2 =	sld [smem:$0x3FFC];
	_ =	sdelay $0x3  }
0x94: {  	_ =	strace s2  }
0x95: {  	s2 =	sld [smem:$0x3FFD];
	_ =	sdelay $0x3  }
0x96: {  	_ =	strace s2  }
0x97: {  	_ =	strace $0x8FFFFFFF  }
0x98: {  	s18 =	sld [smem:$0x3FDB];
	_ =	sdelay $0x1  }
0x99: {  	s19 =	simm.s32 $_scs_section_size  }
0x9a: {  	s4 =	simm.s32 $_size__tile_overlayer_lowered;
	s5 =	simm.s32 $_tile_overlayer_lowered  }
0x9b: {  	s22 =	simm.s32 $0x1BFF;
	s21 =	sshll.u32 s5, $0x1;
	s2 =	sadd.s32 s19, s18  }
0x9c: {  	s6 =	simm.s32 $0x0;
	s20 =	sshll.u32 s4, $0x1;
	s4 =	sadd.s32 s21, s2  }
0x9d: {  	[timem:s6], [sflag:s22] =	dma.local [hbm:s4], s20  }
0x9e: {  	_ =	swait.ge [sflag:s22], s20  }
0x9f: {  	s3 =	ssub.s32 $0x0, s20;
	[sflag:s22] =	ssyncset.done $0x0  }
0xa0: {  	[sflag:s22] =	ssyncadd.s32 s3;
	_ =	sdelay $0x1  }
0xa1: {  	s23 =	simm.s32 $0x1B8B  }
0xa2: {  	_ =	swait.ge [sflag:s23], $0x1  }
0xa3: {  	[sflag:s23] =	ssyncset.done $0x0  }
0xa4: {  	s25 =	simm.s32 $0x1B8E;
	s24 =	sld [smem:$0x3FFE];
	[sflag:s23] =	ssyncadd.s32 $0xFFFFFFFF  }
0xa5: {  	s26 =	simm.s32 $execute0_lowered;
	[smem:$0x3FD2] =	sst s25  }
0xa6: {  	s4 =	sshll.u32 s26, $0x1;
	_ =	strace $0x8000004F;
	[dreg:$0x1] =	wrdreg $0xFFFFFFFF  }
0xa7: {  	s28 =	simm.s32 $_size_execute0_lowered;
	s2 =	sadd.s32 s2, s4;
	[dreg:$0x0] =	wrdreg $0x0  }
0xa8: {  	s4 =	sshll.u32 s28, $0x1;
	[dreg:$0x2] =	wrdreg s2  }
0xa9: {  	[dreg:$0x3] =	wrdreg s4  }
0xaa: {  	[dreg:$0x4] =	wrdreg $0xC0  }
0xab: {  	_ =	task [dreg:s6], $0x5FFFF  }
0xac: {  	[dreg:$0x1] =	wrdreg $0xFFFFFFFF  }
0xad: {  	[dreg:$0x0] =	wrdreg $0x60  }
0xae: {  	[dreg:$0x2] =	wrdreg s24  }
0xaf: {  	[dreg:$0x3] =	wrdreg $0xA0000  }
0xb0: {  	[dreg:$0x4] =	wrdreg $0x9  }
0xb1: {  	_ =	task.clear_ibuf [dreg:s6], $0x5FFFF;
	_ =	strace $0x9000004F  }
0xb2: {  	s29 =	simm.s32 $0x9;
	_ =	strace $0x80000051  }
0xb3: {  	_ =	swait.ge [sflag:s29], $0x1  }
0xb4: {  	[sflag:s29] =	ssyncadd.s32 $0xFFFFFFFF  }
0xb5: {  	_ =	strace $0x90000051  }
0xb6: {  	_ =	sfence  }
0xb7: {  	s30 =	sld [smem:$0x0];
	_ =	sdelay $0x2  }
0xb8: {  	s31 =	sshll.u32 s1, $0xD;
	s1 =	sshrl.u32 s1, $0x2  }
0xb9: {  	s3 =	sand.u32 $0x4000, s31;
	s1 =	sadd.s32 s1, s30  }
0xba: {  	s0 =	sor.u32 s3, s0;
	s1 =	sshll.u32 s1, $0x11  }
0xbb: {  	s0 =	sor.u32 s1, s0  }
0xbc: {  	s0 =	sadd.s32 $0x8F2B, s0  }
0xbd: {  	[sflag:s0] =	ssyncadd.remote.s32 $0x1  }
0xbe: {  	_ =	sfence.sel $0xFFFF  }
0xbf: {  	[dreg:$0x0] =	wrdreg $0xFFFFFFFF;
	(pc) =	sbr.abs _section_cstart, $3  }
0xc0: {  	[dreg:$0x1] =	wrdreg $0xFFFFFFFF  }
0xc1: {  	_ =	task.clear_ibuf [dreg:s6], $0x2FFFF;
	_ =	strace $0x9FFFFFFF  }
0xc2: {  	(tm) =	ssettm $0x7FFFFFFF  }
0xc3: {  	_ =	shalt  }
tec
execute0_lowered:
.L_overlay_start_1:
0x0: {  	(tag) =	ssettag $0x1  }
0x1: {  	s0 =	srdreg.scid;
	s6 =	rddreg [dreg:$0x0]  }
0x2: {  	s2 =	rddreg [dreg:$0x1];
	s1 =	stileid.u32  }
0x3: {  	s3 =	simm.s32 $0x0;
	s23 =	simm.s32 $0x1;
	s24 =	simm.s32 $0x0  }
0x4: {  	s9 =	sand.u32 $0x1, s0;
	s0 =	rddreg [dreg:$0x2];
	s8 =	smul.u32 $0x4F000, s1  }
0x5: {  	[smem:$0x7FF] =	sst s3;
	s12 =	smul.u32 $0x13C00, s1;
	s18 =	sadd.s32 $0x5F800, s6  }
0x6: {  	s4 =	sshll.u32 s9, $0x4;
	_ =	strace $0x80000050;
	s7 =	ssub.s32 $0x2, s9  }
0x7: {  	p0 =	seq.s32 s9, $0x0;
	s20 =	smul.u32 $0x13C000, s9;
	s4 =	sor.u32 s1, s4  }
0x8: {  	s10 =	sshrl.u32 s7, $0x1;
	s31 =	sshrl.u32 s8, $0x2;
	s14 =	sadd.s32 $0x4000, s12  }
0x9: {  	s16 =	sadd.s32 $0x8000, s12;
	s17 =	sadd.s32 $0xC000, s12;
	s21 =	sadd.s32 $0x10000, s12  }
0xa: {  	s5 =	smul.u32 $0x600, s4;
	s4 =	sadd.s32 $0x38000, s6;
	s19 =	ssub.s32 s7, s10  }
0xb: {  	s7 =	sadd.s32 s31, s2;
	s8 =	sadd.s32 s14, s2;
	s9 =	sadd.s32 s16, s2  }
0xc: {  	s10 =	sadd.s32 s17, s2;
	s11 =	sadd.s32 s21, s2;
	s15 =	sadd.s32 s12, s20  }
0xd: {  	s14 =	sadd.s32 s20, s14;
	s16 =	sadd.s32 s20, s16;
	s17 =	sadd.s32 s20, s17  }
0xe: {  	s20 =	sadd.s32 s20, s21;
	s21 =	simm.s32 $0x2;
	s15 =	sshrl.u32 s15, $0x3  }
0xf: {  	s22 =	sshrl.u32 s14, $0x3;
	s16 =	sshrl.u32 s16, $0x3;
	s17 =	sshrl.u32 s17, $0x3  }
0x10: {  	s20 =	sshrl.u32 s20, $0x3;
	s19 =	smax.u32 s19, $0x1;
	s13 =	sadd.s32 s5, s6  }
0x11: {  	s5 =	sadd.s32 $0x1F400, s6;
	s6 =	simm.s32 $0x5F;
	s14 =	sadd.s32 s18, s15  }
0x12: {  	s15 =	sadd.s32 s18, s22;
	s16 =	sadd.s32 s18, s16;
	s17 =	sadd.s32 s18, s17  }
0x13: {  	s18 =	sadd.s32 s18, s20;
	s20 =	simm.s32 $0x6000;
	s22 =	simm.s32 $0x80  }
0x14: {  	s6 =	simm.s32 @!p0 $0x3E;
	s12 =	sadd.s32 $0x2C000, s13;
	s13 =	sadd.s32 $0x13400, s13  }
.LBB2_1:
0x15: {  	[tilespmem:s20], [sflag:$0x2] =	stream.linear.gather [hbm4b:s5+s3], $0x4000, $0x38;
	[tilespmem:$0x1DC00] =	vst v63  }
0x16: {  	_ =	swait.ge [sflag:s21], $0x4000  }
0x17: {  	[sflag:s21] =	ssyncset.done $0x0  }
0x18: {  	[sflag:s21] =	ssyncadd.s32 $0xFFFFC000  }
0x19: {  	[spmem:s7] =	stream.linear.scatter [tilespmem:s20], [sflag:$0x2], $0x4000, $0x38;
	[tilespmem:$0x1DC00] =	vst v63  }
0x1a: {  	_ =	swait.ge [sflag:s21], $0x4000  }
0x1b: {  	[sflag:s21] =	ssyncset.done $0x0  }
0x1c: {  	[sflag:s21] =	ssyncadd.s32 $0xFFFFC000  }
0x1d: {  	[spmem:s8] =	stream.linear.scatter [tilespmem:s20], [sflag:$0x2], $0x4000, $0x38;
	[tilespmem:$0x1DC00] =	vst v63  }
0x1e: {  	_ =	swait.ge [sflag:s21], $0x4000  }
0x1f: {  	[sflag:s21] =	ssyncset.done $0x0  }
0x20: {  	[sflag:s21] =	ssyncadd.s32 $0xFFFFC000  }
0x21: {  	[spmem:s9] =	stream.linear.scatter [tilespmem:s20], [sflag:$0x2], $0x4000, $0x38;
	[tilespmem:$0x1DC00] =	vst v63  }
0x22: {  	_ =	swait.ge [sflag:s21], $0x4000  }
0x23: {  	[sflag:s21] =	ssyncset.done $0x0  }
0x24: {  	[sflag:s21] =	ssyncadd.s32 $0xFFFFC000  }
0x25: {  	[spmem:s10] =	stream.linear.scatter [tilespmem:s20], [sflag:$0x2], $0x4000, $0x38;
	[tilespmem:$0x1DC00] =	vst v63  }
0x26: {  	_ =	swait.ge [sflag:s21], $0x4000  }
0x27: {  	[sflag:s21] =	ssyncset.done $0x0  }
0x28: {  	[sflag:s21] =	ssyncadd.s32 $0xFFFFC000  }
0x29: {  	[spmem:s11] =	stream.linear.scatter [tilespmem:s20], [sflag:$0x2], $0x3C00, $0x38;
	[tilespmem:$0x1DC00] =	vst v63  }
0x2a: {  	_ =	swait.ge [sflag:s21], $0x3C00  }
0x2b: {  	[sflag:s21] =	ssyncset.done $0x0  }
0x2c: {  	[sflag:s21] =	ssyncadd.s32 $0xFFFFC400  }
0x2d: {  	[tilespmem:s3], [sflag:$0x2] =	stream.linear.gather [hbm4b:s12+s3], $0x2F80, $0x38;
	[tilespmem:$0x1DC00] =	vst v63  }
0x2e: {  	_ =	swait.ge [sflag:s21], $0x2F80  }
0x2f: {  	[sflag:s21] =	ssyncset.done $0x0  }
0x30: {  	s25 =	simm.s32 $0x3000;
	[sflag:s21] =	ssyncadd.s32 $0xFFFFD080  }
0x31: {  	[tilespmem:s25], [sflag:$0x2] =	stream.linear.gather [hbm4b:s13+s3], $0x2F80, $0x38;
	[tilespmem:$0x1DC00] =	vst v63  }
0x32: {  	_ =	swait.ge [sflag:s21], $0x2F80  }
0x33: {  	[sflag:s21] =	ssyncset.done $0x0  }
0x34: {  	[sflag:s21] =	ssyncadd.s32 $0xFFFFD080  }
0x35: {  	[bflag:$0x0] =	sbarrier.arrive $0xFFFF  }
0x36: {  	[tilespmem:s20], [sflag:$0x1] =	stream.indirect.gather [hbm4b:s4+s22], $0x80, s3, s22, $0xb8;
	[tilespmem:$0x1DC00] =	vst v63  }
0x37: {  	p0 =	sne.s32 s6, $0x1;
	_ =	swait.ge [sflag:s23], $0x4000  }
.Ltmp0:
0x38: {  	[sflag:s23] =	ssyncset.done $0x0;
	(pc) =	sbr.rel @!p0 .LBB2_3-.Ltmp0, $4  }
0x39: {  	[sflag:s23] =	ssyncadd.s32 $0xFFFFC000  }
0x3a: {  	[spmem:s2] =	stream.indirect.scatter.add.f32 [tilespmem:s20], [sflag:$0x2], $0x80, s25, s22, $0xb8;
	[tilespmem:$0x1DC00] =	vst v63  }
0x3b: {  	_ =	swait.ge [sflag:s21], $0x4000  }
0x3c: {  	s26 =	sadd.s32 $0xFFFFFFFF, s6;
	s28 =	simm.s32 $0x0;
	[sflag:s21] =	ssyncset.done $0x0  }
.LBB2_2:
0x3d: {  	[sflag:s21] =	ssyncadd.s32 $0xFFFFC000;
	s28 =	sadd.s32 $0x80, s28;
	s25 =	sadd.s32 $0x80, s25  }
0x3e: {  	[tilespmem:s20], [sflag:$0x1] =	stream.indirect.gather [hbm4b:s4+s22], $0x80, s28, s22, $0xb8;
	[tilespmem:$0x1DC00] =	vst v63  }
0x3f: {  	p0 =	sne.s32 s26, $0x1;
	s26 =	sadd.s32 $0xFFFFFFFF, s26;
	_ =	swait.ge [sflag:s23], $0x4000  }
.Ltmp1:
0x40: {  	[sflag:s23] =	ssyncset.done $0x0;
	(pc) =	sbr.rel @p0 .LBB2_2-.Ltmp1, $4  }
0x41: {  	[sflag:s23] =	ssyncadd.s32 $0xFFFFC000  }
0x42: {  	[spmem:s2] =	stream.indirect.scatter.add.f32 [tilespmem:s20], [sflag:$0x2], $0x80, s25, s22, $0xb8;
	[tilespmem:$0x1DC00] =	vst v63  }
0x43: {  	_ =	swait.ge [sflag:s21], $0x4000  }
0x44: {  	[sflag:s21] =	ssyncset.done $0x0  }
.LBB2_3:
0x45: {  	[sflag:s21] =	ssyncadd.s32 $0xFFFFC000  }
0x46: {  	[bflag:$0x0] =	sbarrier.arrive $0xFFFF  }
0x47: {  	[tilespmem:s20], [sflag:$0x2] =	stream.linear.gather [spmem:s7], $0x4000, $0x38;
	[tilespmem:$0x1DC00] =	vst v63  }
0x48: {  	_ =	swait.ge [sflag:s21], $0x4000  }
0x49: {  	[sflag:s21] =	ssyncset.done $0x0  }
0x4a: {  	[sflag:s21] =	ssyncadd.s32 $0xFFFFC000  }
0x4b: {  	[hbm4b:s14+s3] =	stream.linear.scatter [tilespmem:s20], [sflag:$0x2], $0x4000, $0x38;
	[tilespmem:$0x1DC00] =	vst v63  }
0x4c: {  	_ =	swait.ge [sflag:s21], $0x4000  }
0x4d: {  	[sflag:s21] =	ssyncset.done $0x0  }
0x4e: {  	[sflag:s21] =	ssyncadd.s32 $0xFFFFC000  }
0x4f: {  	[tilespmem:s20], [sflag:$0x2] =	stream.linear.gather [spmem:s8], $0x4000, $0x38;
	[tilespmem:$0x1DC00] =	vst v63  }
0x50: {  	_ =	swait.ge [sflag:s21], $0x4000  }
0x51: {  	[sflag:s21] =	ssyncset.done $0x0  }
0x52: {  	[sflag:s21] =	ssyncadd.s32 $0xFFFFC000  }
0x53: {  	[hbm4b:s15+s3] =	stream.linear.scatter [tilespmem:s20], [sflag:$0x2], $0x4000, $0x38;
	[tilespmem:$0x1DC00] =	vst v63  }
0x54: {  	_ =	swait.ge [sflag:s21], $0x4000  }
0x55: {  	[sflag:s21] =	ssyncset.done $0x0  }
0x56: {  	[sflag:s21] =	ssyncadd.s32 $0xFFFFC000  }
0x57: {  	[tilespmem:s20], [sflag:$0x2] =	stream.linear.gather [spmem:s9], $0x4000, $0x38;
	[tilespmem:$0x1DC00] =	vst v63  }
0x58: {  	_ =	swait.ge [sflag:s21], $0x4000  }
0x59: {  	[sflag:s21] =	ssyncset.done $0x0  }
0x5a: {  	[sflag:s21] =	ssyncadd.s32 $0xFFFFC000  }
0x5b: {  	[hbm4b:s16+s3] =	stream.linear.scatter [tilespmem:s20], [sflag:$0x2], $0x4000, $0x38;
	[tilespmem:$0x1DC00] =	vst v63  }
0x5c: {  	_ =	swait.ge [sflag:s21], $0x4000  }
0x5d: {  	[sflag:s21] =	ssyncset.done $0x0  }
0x5e: {  	[sflag:s21] =	ssyncadd.s32 $0xFFFFC000  }
0x5f: {  	[tilespmem:s20], [sflag:$0x2] =	stream.linear.gather [spmem:s10], $0x4000, $0x38;
	[tilespmem:$0x1DC00] =	vst v63  }
0x60: {  	_ =	swait.ge [sflag:s21], $0x4000  }
0x61: {  	[sflag:s21] =	ssyncset.done $0x0  }
0x62: {  	[sflag:s21] =	ssyncadd.s32 $0xFFFFC000  }
0x63: {  	[hbm4b:s17+s3] =	stream.linear.scatter [tilespmem:s20], [sflag:$0x2], $0x4000, $0x38;
	[tilespmem:$0x1DC00] =	vst v63  }
0x64: {  	_ =	swait.ge [sflag:s21], $0x4000  }
0x65: {  	[sflag:s21] =	ssyncset.done $0x0  }
0x66: {  	[sflag:s21] =	ssyncadd.s32 $0xFFFFC000  }
0x67: {  	[tilespmem:s20], [sflag:$0x2] =	stream.linear.gather [spmem:s11], $0x3C00, $0x38;
	[tilespmem:$0x1DC00] =	vst v63  }
0x68: {  	s24 =	sadd.s32 $0x1, s24;
	_ =	swait.ge [sflag:s21], $0x3C00  }
0x69: {  	p0 =	sne.s32 s24, s19;
	[sflag:s21] =	ssyncset.done $0x0  }
.Ltmp2:
0x6a: {  	[sflag:s21] =	ssyncadd.s32 $0xFFFFC400;
	(pc) =	sbr.rel @p0 .LBB2_1-.Ltmp2, $4  }
0x6b: {  	[hbm4b:s18+s3] =	stream.linear.scatter [tilespmem:s20], [sflag:$0x2], $0x3C00, $0x38;
	[tilespmem:$0x1DC00] =	vst v63  }
0x6c: {  	_ =	swait.ge [sflag:s21], $0x3C00  }
0x6d: {  	[sflag:s21] =	ssyncset.done $0x0  }
0x6e: {  	[sflag:s21] =	ssyncadd.s32 $0xFFFFC400  }
0x6f: {  	_ =	sfence.sel $0x180000  }
0x70: {  	[bflag:$0x0] =	sbarrier.arrive $0xFFFF  }
0x71: {  	p0 =	sne.s32 s1, $0x0;
	_ =	strace $0x90000050  }
0x72: {  	s0 =	sadd.s32 @!p0 $0x100000, s0;
	[bflag:$0x2] =	sbarrier.arrive $0xFFFF  }
0x73: {  	[sflag:s0] =	ssyncadd.tile.s32 @!p0 $0x1;
	_ =	shalt  }
.Lfunc_end2:
_tile_overlayer_lowered:
.L_overlay_start_2:
0x74: {  	(tag) =	ssettag $0x2  }
0x75: {  	s0 =	rddreg [dreg:$0x0];
	s2 =	stileid.u32  }
0x76: {  	s1 =	rddreg [dreg:$0x1];
	p0 =	sne.s32 s2, $0x0  }
0x77: {  	s3 =	rddreg [dreg:$0x2];
	[bflag:$0x3] =	sbarrier.arrive $0xFFFF;
	s2 =	simm.s32 @!p0 $0x1C02  }
0x78: {  	[timem:s3], [sflag:s2] =	dma.local @!p0 [hbm:s0], s1  }
0x79: {  	s0 =	simm.s32 @!p0 $0x2  }
0x7a: {  	_ =	swait.ge @!p0 [sflag:s0], s1  }
0x7b: {  	s1 =	ssub.s32 @!p0 $0x0, s1;
	[sflag:s0] =	ssyncset.done @!p0 $0x0  }
0x7c: {  	[sflag:s0] =	ssyncadd.s32 @!p0 s1  }
0x7d: {  	[bflag:$0x3] =	sbarrier.arrive $0xFFFF  }
0x7e: {  	_ =	shalt  }

// kernel: kernel.35.cloned.1.call-start
scs
__scs_entry_jumppad:
0x0: {  	(pc) =	sbr.rel $0x88, $3  }
0x1: {  	(tag) =	ssettag $0x0;
	lr =	simm.s32 $0x1  }
0x2: {  	[smem:$0x3F90] =	sst lr;
	_ =	strace $0xD0000000  }
0x3: {  	_ = 	snop  }
0x4: {  	_ = 	snop  }
0x5: {  	_ = 	snop  }
0x6: {  	_ = 	snop  }
0x7: {  	_ = 	snop  }
__scs_overlays_trampoline_lowered:
0x8: {  	[smem:$0x3F9F] =	sst s0  }
0x9: {  	[smem:$0x3FA0] =	sst s1  }
0xa: {  	[smem:$0x3FA1] =	sst s2  }
0xb: {  	[smem:$0x3FA2] =	sst s3  }
0xc: {  	[smem:$0x3FA3] =	sst s4  }
0xd: {  	[smem:$0x3FA4] =	sst s5  }
0xe: {  	[smem:$0x3FA5] =	sst s6  }
0xf: {  	[smem:$0x3FA6] =	sst s7  }
0x10: {  	[smem:$0x3FA7] =	sst s8  }
0x11: {  	[smem:$0x3FA8] =	sst s9;
	s0 =	simm.s32 @!p0 $0x0  }
0x12: {  	s1 =	sld [smem:$0x3F8E];
	s0 =	simm.s32 @p0 $0x1  }
0x13: {  	[smem:$0x3FA9] =	sst s0;
	s0 =	simm.s32 @!p1 $0x0  }
0x14: {  	s2 =	sld [smem:$0x3F8D];
	s0 =	simm.s32 @p1 $0x1  }
0x15: {  	[smem:$0x3FAA] =	sst s0;
	s0 =	simm.s32 @!p2 $0x0  }
0x16: {  	s3 =	sld [smem:$0x3FDB];
	s0 =	simm.s32 @p2 $0x1  }
0x17: {  	s4 =	simm.s32 $0x1BF5;
	[smem:$0x3FAC] =	sst s0  }
0x18: {  	s0 =	sld [smem:$0x3F8F];
	_ =	swait.ge [sflag:s4], $0x0  }
0x19: {  	s7 =	sld [smem:$0x3F90]  }
0x1a: {  	s8 =	sadd.s32 $0xFFFFE003, lr  }
0x1b: {  	s9 =	sadd.s32 $0xFFFFFEF7, lr;
	s5 =	simm.s32 $0xFFFFFFFF;
	p2 =	slt.u32 s8, $0xFFFFF086  }
0x1c: {  	p1 =	slt.u32 s9, $0xF7A;
	s5 =	simm.s32 @!p2 $0x0  }
0x1d: {  	s5 =	simm.s32 @p1 $0x1;
	p0 =	seq.s32 s7, s2  }
0x1e: {  	s7 =	smul.u32 @!p0 $0xF7A, s2;
	p2 =	seq.s32 @!p0 s5, $0x0  }
0x1f: {  	s9 =	smul.u32 $0xF7A, s1;
	s8 =	simm.s32 @!p0 $0x1BF5;
	p2 =	por !p2, p0  }
0x20: {  	[sflag:s8] =	ssyncset.s32 @!p0 $0xFFFFF086;
	s6 =	sadd.s32 @!p0 s3, s7;
	s7 =	simm.s32 @!p0 $0x108  }
0x21: {  	s3 =	sadd.s32 s3, s9;
	s6 =	sadd.s32 @!p0 $0x88, s6;
	s7 =	simm.s32 @p2 $0x1082  }
0x22: {  	[simem:s7], [sflag:s8] =	dma.local @!p0 [hbm:s6], $0xF7A  }
0x23: {  	s9 =	sor.u32 $0xD0000000, s2;
	s6 =	simm.s32 $0x108;
	_ =	swait.ge @!p0 [sflag:s8], $0x0  }
0x24: {  	s3 =	sadd.s32 $0x88, s3;
	s6 =	simm.s32 @!p1 $0x1082;
	[sflag:s4] =	ssyncset.s32 $0xFFFFF086  }
0x25: {  	[simem:s6], [sflag:s4] =	dma.local [hbm:s3], $0xF7A  }
0x26: {  	[smem:$0x3F90] =	sst s1;
	(tag) =	ssettag s2;
	_ =	strace s9  }
0x27: {  	s1 =	sld [smem:$0x3FA0]  }
0x28: {  	s2 =	sld [smem:$0x3FA1]  }
0x29: {  	s4 =	sld [smem:$0x3FA3]  }
0x2a: {  	p0 =	seq.s32 s5, $0x0;
	s5 =	sld [smem:$0x3FA4]  }
0x2b: {  	s6 =	sld [smem:$0x3FA5]  }
0x2c: {  	s7 =	sld [smem:$0x3FA6]  }
0x2d: {  	s3 =	simm.s32 $0x108;
	s8 =	sld [smem:$0x3FA7]  }
0x2e: {  	s3 =	simm.s32 @!p0 $0x1082;
	s9 =	sld [smem:$0x3FA8]  }
0x2f: {  	lr =	sadd.s32 s0, s3;
	s0 =	sld [smem:$0x3F9F]  }
0x30: {  	s3 =	sld [smem:$0x3FA2]  }
0x31: {  	[smem:$0x3FAB] =	sst s10  }
0x32: {  	s10 =	sld [smem:$0x3FA9];
	_ =	sdelay $0x3  }
0x33: {  	p0 =	seq.s32 s10, $0x1;
	s10 =	sld [smem:$0x3FAB];
	_ =	sdelay $0x3  }
0x34: {  	[smem:$0x3FAB] =	sst s10  }
0x35: {  	s10 =	sld [smem:$0x3FAA];
	_ =	sdelay $0x3  }
0x36: {  	p1 =	seq.s32 s10, $0x1;
	s10 =	sld [smem:$0x3FAB];
	_ =	sdelay $0x3  }
0x37: {  	[smem:$0x3FAB] =	sst s10  }
0x38: {  	s10 =	sld [smem:$0x3FAC]  }
0x39: {  	_ = 	snop;
	(pc) =	sbr.ind lr, $3  }
0x3a: {  	_ = 	snop  }
0x3b: {  	_ = 	snop  }
0x3c: {  	p2 =	seq.s32 s10, $0x1;
	s10 =	sld [smem:$0x3FAB]  }
0x3d: {  	_ =	shalt  }
0x3e: {  	_ =	shalt  }
0x3f: {  	_ =	shalt  }
0x40: {  	_ =	shalt  }
0x41: {  	_ =	shalt  }
0x42: {  	_ =	shalt  }
0x43: {  	_ =	shalt  }
0x44: {  	_ =	shalt  }
0x45: {  	_ =	shalt  }
0x46: {  	_ =	shalt  }
0x47: {  	_ =	shalt  }
0x48: {  	_ =	shalt  }
0x49: {  	_ =	shalt  }
0x4a: {  	_ =	shalt  }
0x4b: {  	_ =	shalt  }
0x4c: {  	_ =	shalt  }
0x4d: {  	_ =	shalt  }
0x4e: {  	_ =	shalt  }
0x4f: {  	_ =	shalt  }
0x50: {  	_ =	shalt  }
0x51: {  	_ =	shalt  }
0x52: {  	_ =	shalt  }
0x53: {  	_ =	shalt  }
0x54: {  	_ =	shalt  }
0x55: {  	_ =	shalt  }
0x56: {  	_ =	shalt  }
0x57: {  	_ =	shalt  }
0x58: {  	_ =	shalt  }
0x59: {  	_ =	shalt  }
0x5a: {  	_ =	shalt  }
0x5b: {  	_ =	shalt  }
0x5c: {  	_ =	shalt  }
0x5d: {  	_ =	shalt  }
0x5e: {  	_ =	shalt  }
0x5f: {  	_ =	shalt  }
0x60: {  	_ =	shalt  }
0x61: {  	_ =	shalt  }
0x62: {  	_ =	shalt  }
0x63: {  	_ =	shalt  }
0x64: {  	_ =	shalt  }
0x65: {  	_ =	shalt  }
0x66: {  	_ =	shalt  }
0x67: {  	_ =	shalt  }
0x68: {  	_ =	shalt  }
0x69: {  	_ =	shalt  }
0x6a: {  	_ =	shalt  }
0x6b: {  	_ =	shalt  }
0x6c: {  	_ =	shalt  }
0x6d: {  	_ =	shalt  }
0x6e: {  	_ =	shalt  }
0x6f: {  	_ =	shalt  }
0x70: {  	_ =	shalt  }
0x71: {  	_ =	shalt  }
0x72: {  	_ =	shalt  }
0x73: {  	_ =	shalt  }
0x74: {  	_ =	shalt  }
0x75: {  	_ =	shalt  }
0x76: {  	_ =	shalt  }
0x77: {  	_ =	shalt  }
0x78: {  	_ =	shalt  }
0x79: {  	_ =	shalt  }
0x7a: {  	_ =	shalt  }
0x7b: {  	_ =	shalt  }
0x7c: {  	_ =	shalt  }
0x7d: {  	_ =	shalt  }
0x7e: {  	_ =	shalt  }
0x7f: {  	_ =	shalt  }
0x80: {  	_ =	shalt  }
0x81: {  	_ =	shalt  }
0x82: {  	_ =	shalt  }
0x83: {  	_ =	shalt  }
0x84: {  	_ =	shalt  }
0x85: {  	_ =	shalt  }
0x86: {  	_ =	shalt  }
0x87: {  	_ =	shalt  }
.Lfunc_end0:
.L_simem_size_0:
called_computation.5_lowered:
.L_overlay_start_0:
0x88: {  	s2 =	sld [smem:$0x3FD9]  }
0x89: {  	s3 =	sld [smem:$0x3FFE];
	_ =	sdelay $0x1  }
0x8a: {  	s1 =	srdreg.scid  }
0x8b: {  	s0 =	sand.u32 $0x1, s1  }
0x8c: {  	s16 =	sshll.u32 s0, $0xA;
	s2 =	sadd.s32 s3, s2  }
0x8d: {  	s2 =	sadd.s32 s2, s16  }
0x8e: {  	[smem:$0x3FB7] =	sst s2  }
0x8f: {  	_ = 	snop  }
0x90: {  	(tm) =	ssettm $0x1  }
0x91: {  	s17 =	sld [smem:$0x3FFB];
	_ =	sdelay $0x3  }
0x92: {  	_ =	strace s17  }
0x93: {  	s2 =	sld [smem:$0x3FFC];
	_ =	sdelay $0x3  }
0x94: {  	_ =	strace s2  }
0x95: {  	s2 =	sld [smem:$0x3FFD];
	_ =	sdelay $0x3  }
0x96: {  	_ =	strace s2  }
0x97: {  	_ =	strace $0x8FFFFFFF  }
0x98: {  	s18 =	sld [smem:$0x3FDB];
	_ =	sdelay $0x1  }
0x99: {  	s19 =	simm.s32 $_scs_section_size  }
0x9a: {  	s4 =	simm.s32 $_size__tile_overlayer_lowered;
	s5 =	simm.s32 $_tile_overlayer_lowered  }
0x9b: {  	s22 =	simm.s32 $0x1BFF;
	s21 =	sshll.u32 s5, $0x1;
	s2 =	sadd.s32 s19, s18  }
0x9c: {  	s6 =	simm.s32 $0x0;
	s20 =	sshll.u32 s4, $0x1;
	s4 =	sadd.s32 s21, s2  }
0x9d: {  	[timem:s6], [sflag:s22] =	dma.local [hbm:s4], s20  }
0x9e: {  	_ =	swait.ge [sflag:s22], s20  }
0x9f: {  	s3 =	ssub.s32 $0x0, s20;
	[sflag:s22] =	ssyncset.done $0x0  }
0xa0: {  	[sflag:s22] =	ssyncadd.s32 s3;
	_ =	sdelay $0x1  }
0xa1: {  	s23 =	simm.s32 $0x1B8B  }
0xa2: {  	_ =	swait.ge [sflag:s23], $0x1  }
0xa3: {  	[sflag:s23] =	ssyncset.done $0x0  }
0xa4: {  	s25 =	simm.s32 $0x1B8E;
	s24 =	sld [smem:$0x3FFE];
	[sflag:s23] =	ssyncadd.s32 $0xFFFFFFFF  }
0xa5: {  	s26 =	simm.s32 $execute0_lowered;
	[smem:$0x3FD2] =	sst s25  }
0xa6: {  	s4 =	sshll.u32 s26, $0x1;
	_ =	strace $0x80000052;
	[dreg:$0x1] =	wrdreg $0xFFFFFFFF  }
0xa7: {  	s28 =	simm.s32 $_size_execute0_lowered;
	s2 =	sadd.s32 s2, s4;
	[dreg:$0x0] =	wrdreg $0x0  }
0xa8: {  	s4 =	sshll.u32 s28, $0x1;
	[dreg:$0x2] =	wrdreg s2  }
0xa9: {  	[dreg:$0x3] =	wrdreg s4  }
0xaa: {  	[dreg:$0x4] =	wrdreg $0xC0  }
0xab: {  	_ =	task [dreg:s6], $0x5FFFF  }
0xac: {  	[dreg:$0x1] =	wrdreg $0xFFFFFFFF  }
0xad: {  	[dreg:$0x0] =	wrdreg $0x60  }
0xae: {  	[dreg:$0x2] =	wrdreg s24  }
0xaf: {  	[dreg:$0x3] =	wrdreg $0xA0000  }
0xb0: {  	[dreg:$0x4] =	wrdreg $0xA  }
0xb1: {  	_ =	task.clear_ibuf [dreg:s6], $0x5FFFF;
	_ =	strace $0x90000052  }
0xb2: {  	s29 =	simm.s32 $0xA;
	_ =	strace $0x80000054  }
0xb3: {  	_ =	swait.ge [sflag:s29], $0x1  }
0xb4: {  	[sflag:s29] =	ssyncadd.s32 $0xFFFFFFFF  }
0xb5: {  	_ =	strace $0x90000054  }
0xb6: {  	_ =	sfence  }
0xb7: {  	s30 =	sld [smem:$0x0];
	_ =	sdelay $0x2  }
0xb8: {  	s31 =	sshll.u32 s1, $0xD;
	s1 =	sshrl.u32 s1, $0x2  }
0xb9: {  	s3 =	sand.u32 $0x4000, s31;
	s1 =	sadd.s32 s1, s30  }
0xba: {  	s0 =	sor.u32 s3, s0;
	s1 =	sshll.u32 s1, $0x11  }
0xbb: {  	s0 =	sor.u32 s1, s0  }
0xbc: {  	s0 =	sadd.s32 $0x8F2B, s0  }
0xbd: {  	[sflag:s0] =	ssyncadd.remote.s32 $0x1  }
0xbe: {  	_ =	sfence.sel $0xFFFF  }
0xbf: {  	[dreg:$0x0] =	wrdreg $0xFFFFFFFF;
	(pc) =	sbr.abs _section_cstart, $3  }
0xc0: {  	[dreg:$0x1] =	wrdreg $0xFFFFFFFF  }
0xc1: {  	_ =	task.clear_ibuf [dreg:s6], $0x2FFFF;
	_ =	strace $0x9FFFFFFF  }
0xc2: {  	(tm) =	ssettm $0x7FFFFFFF  }
0xc3: {  	_ =	shalt  }
tec
execute0_lowered:
.L_overlay_start_1:
0x0: {  	(tag) =	ssettag $0x1  }
0x1: {  	s0 =	srdreg.scid;
	s6 =	rddreg [dreg:$0x0]  }
0x2: {  	s2 =	rddreg [dreg:$0x1];
	s1 =	stileid.u32  }
0x3: {  	s3 =	simm.s32 $0x0;
	s23 =	simm.s32 $0x1;
	s24 =	simm.s32 $0x0  }
0x4: {  	s9 =	sand.u32 $0x1, s0;
	s0 =	rddreg [dreg:$0x2];
	s8 =	smul.u32 $0x4F000, s1  }
0x5: {  	[smem:$0x7FF] =	sst s3;
	s12 =	smul.u32 $0x13C00, s1;
	s18 =	sadd.s32 $0x5F800, s6  }
0x6: {  	s4 =	sshll.u32 s9, $0x4;
	_ =	strace $0x80000053;
	s7 =	ssub.s32 $0x2, s9  }
0x7: {  	p0 =	seq.s32 s9, $0x0;
	s20 =	smul.u32 $0x13C000, s9;
	s4 =	sor.u32 s1, s4  }
0x8: {  	s10 =	sshrl.u32 s7, $0x1;
	s31 =	sshrl.u32 s8, $0x2;
	s14 =	sadd.s32 $0x4000, s12  }
0x9: {  	s16 =	sadd.s32 $0x8000, s12;
	s17 =	sadd.s32 $0xC000, s12;
	s21 =	sadd.s32 $0x10000, s12  }
0xa: {  	s5 =	smul.u32 $0x600, s4;
	s4 =	sadd.s32 $0x38000, s6;
	s19 =	ssub.s32 s7, s10  }
0xb: {  	s7 =	sadd.s32 s31, s2;
	s8 =	sadd.s32 s14, s2;
	s9 =	sadd.s32 s16, s2  }
0xc: {  	s10 =	sadd.s32 s17, s2;
	s11 =	sadd.s32 s21, s2;
	s15 =	sadd.s32 s12, s20  }
0xd: {  	s14 =	sadd.s32 s20, s14;
	s16 =	sadd.s32 s20, s16;
	s17 =	sadd.s32 s20, s17  }
0xe: {  	s20 =	sadd.s32 s20, s21;
	s21 =	simm.s32 $0x2;
	s15 =	sshrl.u32 s15, $0x3  }
0xf: {  	s22 =	sshrl.u32 s14, $0x3;
	s16 =	sshrl.u32 s16, $0x3;
	s17 =	sshrl.u32 s17, $0x3  }
0x10: {  	s20 =	sshrl.u32 s20, $0x3;
	s19 =	smax.u32 s19, $0x1;
	s13 =	sadd.s32 s5, s6  }
0x11: {  	s5 =	sadd.s32 $0x1F400, s6;
	s6 =	simm.s32 $0x5F;
	s14 =	sadd.s32 s18, s15  }
0x12: {  	s15 =	sadd.s32 s18, s22;
	s16 =	sadd.s32 s18, s16;
	s17 =	sadd.s32 s18, s17  }
0x13: {  	s18 =	sadd.s32 s18, s20;
	s20 =	simm.s32 $0x6000;
	s22 =	simm.s32 $0x80  }
0x14: {  	s6 =	simm.s32 @!p0 $0x3E;
	s12 =	sadd.s32 $0x2C000, s13;
	s13 =	sadd.s32 $0x13400, s13  }
.LBB2_1:
0x15: {  	[tilespmem:s20], [sflag:$0x2] =	stream.linear.gather [hbm4b:s5+s3], $0x4000, $0x38;
	[tilespmem:$0x1DC00] =	vst v63  }
0x16: {  	_ =	swait.ge [sflag:s21], $0x4000  }
0x17: {  	[sflag:s21] =	ssyncset.done $0x0  }
0x18: {  	[sflag:s21] =	ssyncadd.s32 $0xFFFFC000  }
0x19: {  	[spmem:s7] =	stream.linear.scatter [tilespmem:s20], [sflag:$0x2], $0x4000, $0x38;
	[tilespmem:$0x1DC00] =	vst v63  }
0x1a: {  	_ =	swait.ge [sflag:s21], $0x4000  }
0x1b: {  	[sflag:s21] =	ssyncset.done $0x0  }
0x1c: {  	[sflag:s21] =	ssyncadd.s32 $0xFFFFC000  }
0x1d: {  	[spmem:s8] =	stream.linear.scatter [tilespmem:s20], [sflag:$0x2], $0x4000, $0x38;
	[tilespmem:$0x1DC00] =	vst v63  }
0x1e: {  	_ =	swait.ge [sflag:s21], $0x4000  }
0x1f: {  	[sflag:s21] =	ssyncset.done $0x0  }
0x20: {  	[sflag:s21] =	ssyncadd.s32 $0xFFFFC000  }
0x21: {  	[spmem:s9] =	stream.linear.scatter [tilespmem:s20], [sflag:$0x2], $0x4000, $0x38;
	[tilespmem:$0x1DC00] =	vst v63  }
0x22: {  	_ =	swait.ge [sflag:s21], $0x4000  }
0x23: {  	[sflag:s21] =	ssyncset.done $0x0  }
0x24: {  	[sflag:s21] =	ssyncadd.s32 $0xFFFFC000  }
0x25: {  	[spmem:s10] =	stream.linear.scatter [tilespmem:s20], [sflag:$0x2], $0x4000, $0x38;
	[tilespmem:$0x1DC00] =	vst v63  }
0x26: {  	_ =	swait.ge [sflag:s21], $0x4000  }
0x27: {  	[sflag:s21] =	ssyncset.done $0x0  }
0x28: {  	[sflag:s21] =	ssyncadd.s32 $0xFFFFC000  }
0x29: {  	[spmem:s11] =	stream.linear.scatter [tilespmem:s20], [sflag:$0x2], $0x3C00, $0x38;
	[tilespmem:$0x1DC00] =	vst v63  }
0x2a: {  	_ =	swait.ge [sflag:s21], $0x3C00  }
0x2b: {  	[sflag:s21] =	ssyncset.done $0x0  }
0x2c: {  	[sflag:s21] =	ssyncadd.s32 $0xFFFFC400  }
0x2d: {  	[tilespmem:s3], [sflag:$0x2] =	stream.linear.gather [hbm4b:s12+s3], $0x2F80, $0x38;
	[tilespmem:$0x1DC00] =	vst v63  }
0x2e: {  	_ =	swait.ge [sflag:s21], $0x2F80  }
0x2f: {  	[sflag:s21] =	ssyncset.done $0x0  }
0x30: {  	s25 =	simm.s32 $0x3000;
	[sflag:s21] =	ssyncadd.s32 $0xFFFFD080  }
0x31: {  	[tilespmem:s25], [sflag:$0x2] =	stream.linear.gather [hbm4b:s13+s3], $0x2F80, $0x38;
	[tilespmem:$0x1DC00] =	vst v63  }
0x32: {  	_ =	swait.ge [sflag:s21], $0x2F80  }
0x33: {  	[sflag:s21] =	ssyncset.done $0x0  }
0x34: {  	[sflag:s21] =	ssyncadd.s32 $0xFFFFD080  }
0x35: {  	[bflag:$0x0] =	sbarrier.arrive $0xFFFF  }
0x36: {  	[tilespmem:s20], [sflag:$0x1] =	stream.indirect.gather [hbm4b:s4+s22], $0x80, s3, s22, $0xb8;
	[tilespmem:$0x1DC00] =	vst v63  }
0x37: {  	p0 =	sne.s32 s6, $0x1;
	_ =	swait.ge [sflag:s23], $0x4000  }
.Ltmp0:
0x38: {  	[sflag:s23] =	ssyncset.done $0x0;
	(pc) =	sbr.rel @!p0 .LBB2_3-.Ltmp0, $4  }
0x39: {  	[sflag:s23] =	ssyncadd.s32 $0xFFFFC000  }
0x3a: {  	[spmem:s2] =	stream.indirect.scatter.add.f32 [tilespmem:s20], [sflag:$0x2], $0x80, s25, s22, $0xb8;
	[tilespmem:$0x1DC00] =	vst v63  }
0x3b: {  	_ =	swait.ge [sflag:s21], $0x4000  }
0x3c: {  	s26 =	sadd.s32 $0xFFFFFFFF, s6;
	s28 =	simm.s32 $0x0;
	[sflag:s21] =	ssyncset.done $0x0  }
.LBB2_2:
0x3d: {  	[sflag:s21] =	ssyncadd.s32 $0xFFFFC000;
	s28 =	sadd.s32 $0x80, s28;
	s25 =	sadd.s32 $0x80, s25  }
0x3e: {  	[tilespmem:s20], [sflag:$0x1] =	stream.indirect.gather [hbm4b:s4+s22], $0x80, s28, s22, $0xb8;
	[tilespmem:$0x1DC00] =	vst v63  }
0x3f: {  	p0 =	sne.s32 s26, $0x1;
	s26 =	sadd.s32 $0xFFFFFFFF, s26;
	_ =	swait.ge [sflag:s23], $0x4000  }
.Ltmp1:
0x40: {  	[sflag:s23] =	ssyncset.done $0x0;
	(pc) =	sbr.rel @p0 .LBB2_2-.Ltmp1, $4  }
0x41: {  	[sflag:s23] =	ssyncadd.s32 $0xFFFFC000  }
0x42: {  	[spmem:s2] =	stream.indirect.scatter.add.f32 [tilespmem:s20], [sflag:$0x2], $0x80, s25, s22, $0xb8;
	[tilespmem:$0x1DC00] =	vst v63  }
0x43: {  	_ =	swait.ge [sflag:s21], $0x4000  }
0x44: {  	[sflag:s21] =	ssyncset.done $0x0  }
.LBB2_3:
0x45: {  	[sflag:s21] =	ssyncadd.s32 $0xFFFFC000  }
0x46: {  	[bflag:$0x0] =	sbarrier.arrive $0xFFFF  }
0x47: {  	[tilespmem:s20], [sflag:$0x2] =	stream.linear.gather [spmem:s7], $0x4000, $0x38;
	[tilespmem:$0x1DC00] =	vst v63  }
0x48: {  	_ =	swait.ge [sflag:s21], $0x4000  }
0x49: {  	[sflag:s21] =	ssyncset.done $0x0  }
0x4a: {  	[sflag:s21] =	ssyncadd.s32 $0xFFFFC000  }
0x4b: {  	[hbm4b:s14+s3] =	stream.linear.scatter [tilespmem:s20], [sflag:$0x2], $0x4000, $0x38;
	[tilespmem:$0x1DC00] =	vst v63  }
0x4c: {  	_ =	swait.ge [sflag:s21], $0x4000  }
0x4d: {  	[sflag:s21] =	ssyncset.done $0x0  }
0x4e: {  	[sflag:s21] =	ssyncadd.s32 $0xFFFFC000  }
0x4f: {  	[tilespmem:s20], [sflag:$0x2] =	stream.linear.gather [spmem:s8], $0x4000, $0x38;
	[tilespmem:$0x1DC00] =	vst v63  }
0x50: {  	_ =	swait.ge [sflag:s21], $0x4000  }
0x51: {  	[sflag:s21] =	ssyncset.done $0x0  }
0x52: {  	[sflag:s21] =	ssyncadd.s32 $0xFFFFC000  }
0x53: {  	[hbm4b:s15+s3] =	stream.linear.scatter [tilespmem:s20], [sflag:$0x2], $0x4000, $0x38;
	[tilespmem:$0x1DC00] =	vst v63  }
0x54: {  	_ =	swait.ge [sflag:s21], $0x4000  }
0x55: {  	[sflag:s21] =	ssyncset.done $0x0  }
0x56: {  	[sflag:s21] =	ssyncadd.s32 $0xFFFFC000  }
0x57: {  	[tilespmem:s20], [sflag:$0x2] =	stream.linear.gather [spmem:s9], $0x4000, $0x38;
	[tilespmem:$0x1DC00] =	vst v63  }
0x58: {  	_ =	swait.ge [sflag:s21], $0x4000  }
0x59: {  	[sflag:s21] =	ssyncset.done $0x0  }
0x5a: {  	[sflag:s21] =	ssyncadd.s32 $0xFFFFC000  }
0x5b: {  	[hbm4b:s16+s3] =	stream.linear.scatter [tilespmem:s20], [sflag:$0x2], $0x4000, $0x38;
	[tilespmem:$0x1DC00] =	vst v63  }
0x5c: {  	_ =	swait.ge [sflag:s21], $0x4000  }
0x5d: {  	[sflag:s21] =	ssyncset.done $0x0  }
0x5e: {  	[sflag:s21] =	ssyncadd.s32 $0xFFFFC000  }
0x5f: {  	[tilespmem:s20], [sflag:$0x2] =	stream.linear.gather [spmem:s10], $0x4000, $0x38;
	[tilespmem:$0x1DC00] =	vst v63  }
0x60: {  	_ =	swait.ge [sflag:s21], $0x4000  }
0x61: {  	[sflag:s21] =	ssyncset.done $0x0  }
0x62: {  	[sflag:s21] =	ssyncadd.s32 $0xFFFFC000  }
0x63: {  	[hbm4b:s17+s3] =	stream.linear.scatter [tilespmem:s20], [sflag:$0x2], $0x4000, $0x38;
	[tilespmem:$0x1DC00] =	vst v63  }
0x64: {  	_ =	swait.ge [sflag:s21], $0x4000  }
0x65: {  	[sflag:s21] =	ssyncset.done $0x0  }
0x66: {  	[sflag:s21] =	ssyncadd.s32 $0xFFFFC000  }
0x67: {  	[tilespmem:s20], [sflag:$0x2] =	stream.linear.gather [spmem:s11], $0x3C00, $0x38;
	[tilespmem:$0x1DC00] =	vst v63  }
0x68: {  	s24 =	sadd.s32 $0x1, s24;
	_ =	swait.ge [sflag:s21], $0x3C00  }
0x69: {  	p0 =	sne.s32 s24, s19;
	[sflag:s21] =	ssyncset.done $0x0  }
.Ltmp2:
0x6a: {  	[sflag:s21] =	ssyncadd.s32 $0xFFFFC400;
	(pc) =	sbr.rel @p0 .LBB2_1-.Ltmp2, $4  }
0x6b: {  	[hbm4b:s18+s3] =	stream.linear.scatter [tilespmem:s20], [sflag:$0x2], $0x3C00, $0x38;
	[tilespmem:$0x1DC00] =	vst v63  }
0x6c: {  	_ =	swait.ge [sflag:s21], $0x3C00  }
0x6d: {  	[sflag:s21] =	ssyncset.done $0x0  }
0x6e: {  	[sflag:s21] =	ssyncadd.s32 $0xFFFFC400  }
0x6f: {  	_ =	sfence.sel $0x180000  }
0x70: {  	[bflag:$0x0] =	sbarrier.arrive $0xFFFF  }
0x71: {  	p0 =	sne.s32 s1, $0x0;
	_ =	strace $0x90000053  }
0x72: {  	s0 =	sadd.s32 @!p0 $0x100000, s0;
	[bflag:$0x2] =	sbarrier.arrive $0xFFFF  }
0x73: {  	[sflag:s0] =	ssyncadd.tile.s32 @!p0 $0x1;
	_ =	shalt  }
.Lfunc_end2:
_tile_overlayer_lowered:
.L_overlay_start_2:
0x74: {  	(tag) =	ssettag $0x2  }
0x75: {  	s0 =	rddreg [dreg:$0x0];
	s2 =	stileid.u32  }
0x76: {  	s1 =	rddreg [dreg:$0x1];
	p0 =	sne.s32 s2, $0x0  }
0x77: {  	s3 =	rddreg [dreg:$0x2];
	[bflag:$0x3] =	sbarrier.arrive $0xFFFF;
	s2 =	simm.s32 @!p0 $0x1C02  }
0x78: {  	[timem:s3], [sflag:s2] =	dma.local @!p0 [hbm:s0], s1  }
0x79: {  	s0 =	simm.s32 @!p0 $0x2  }
0x7a: {  	_ =	swait.ge @!p0 [sflag:s0], s1  }
0x7b: {  	s1 =	ssub.s32 @!p0 $0x0, s1;
	[sflag:s0] =	ssyncset.done @!p0 $0x0  }
0x7c: {  	[sflag:s0] =	ssyncadd.s32 @!p0 s1  }
0x7d: {  	[bflag:$0x3] =	sbarrier.arrive $0xFFFF  }
0x7e: {  	_ =	shalt  }

// kernel: kernel.38.cloned.1.call-start
scs
__scs_entry_jumppad:
0x0: {  	(pc) =	sbr.rel $0x88, $3  }
0x1: {  	(tag) =	ssettag $0x0;
	lr =	simm.s32 $0x1  }
0x2: {  	[smem:$0x3F90] =	sst lr;
	_ =	strace $0xD0000000  }
0x3: {  	_ = 	snop  }
0x4: {  	_ = 	snop  }
0x5: {  	_ = 	snop  }
0x6: {  	_ = 	snop  }
0x7: {  	_ = 	snop  }
__scs_overlays_trampoline_lowered:
0x8: {  	[smem:$0x3F9F] =	sst s0  }
0x9: {  	[smem:$0x3FA0] =	sst s1  }
0xa: {  	[smem:$0x3FA1] =	sst s2  }
0xb: {  	[smem:$0x3FA2] =	sst s3  }
0xc: {  	[smem:$0x3FA3] =	sst s4  }
0xd: {  	[smem:$0x3FA4] =	sst s5  }
0xe: {  	[smem:$0x3FA5] =	sst s6  }
0xf: {  	[smem:$0x3FA6] =	sst s7  }
0x10: {  	[smem:$0x3FA7] =	sst s8  }
0x11: {  	[smem:$0x3FA8] =	sst s9;
	s0 =	simm.s32 @!p0 $0x0  }
0x12: {  	s1 =	sld [smem:$0x3F8E];
	s0 =	simm.s32 @p0 $0x1  }
0x13: {  	[smem:$0x3FA9] =	sst s0;
	s0 =	simm.s32 @!p1 $0x0  }
0x14: {  	s2 =	sld [smem:$0x3F8D];
	s0 =	simm.s32 @p1 $0x1  }
0x15: {  	[smem:$0x3FAA] =	sst s0;
	s0 =	simm.s32 @!p2 $0x0  }
0x16: {  	s3 =	sld [smem:$0x3FDB];
	s0 =	simm.s32 @p2 $0x1  }
0x17: {  	s4 =	simm.s32 $0x1BF5;
	[smem:$0x3FAC] =	sst s0  }
0x18: {  	s0 =	sld [smem:$0x3F8F];
	_ =	swait.ge [sflag:s4], $0x0  }
0x19: {  	s7 =	sld [smem:$0x3F90]  }
0x1a: {  	s8 =	sadd.s32 $0xFFFFE003, lr  }
0x1b: {  	s9 =	sadd.s32 $0xFFFFFEF7, lr;
	s5 =	simm.s32 $0xFFFFFFFF;
	p2 =	slt.u32 s8, $0xFFFFF086  }
0x1c: {  	p1 =	slt.u32 s9, $0xF7A;
	s5 =	simm.s32 @!p2 $0x0  }
0x1d: {  	s5 =	simm.s32 @p1 $0x1;
	p0 =	seq.s32 s7, s2  }
0x1e: {  	s7 =	smul.u32 @!p0 $0xF7A, s2;
	p2 =	seq.s32 @!p0 s5, $0x0  }
0x1f: {  	s9 =	smul.u32 $0xF7A, s1;
	s8 =	simm.s32 @!p0 $0x1BF5;
	p2 =	por !p2, p0  }
0x20: {  	[sflag:s8] =	ssyncset.s32 @!p0 $0xFFFFF086;
	s6 =	sadd.s32 @!p0 s3, s7;
	s7 =	simm.s32 @!p0 $0x108  }
0x21: {  	s3 =	sadd.s32 s3, s9;
	s6 =	sadd.s32 @!p0 $0x88, s6;
	s7 =	simm.s32 @p2 $0x1082  }
0x22: {  	[simem:s7], [sflag:s8] =	dma.local @!p0 [hbm:s6], $0xF7A  }
0x23: {  	s9 =	sor.u32 $0xD0000000, s2;
	s6 =	simm.s32 $0x108;
	_ =	swait.ge @!p0 [sflag:s8], $0x0  }
0x24: {  	s3 =	sadd.s32 $0x88, s3;
	s6 =	simm.s32 @!p1 $0x1082;
	[sflag:s4] =	ssyncset.s32 $0xFFFFF086  }
0x25: {  	[simem:s6], [sflag:s4] =	dma.local [hbm:s3], $0xF7A  }
0x26: {  	[smem:$0x3F90] =	sst s1;
	(tag) =	ssettag s2;
	_ =	strace s9  }
0x27: {  	s1 =	sld [smem:$0x3FA0]  }
0x28: {  	s2 =	sld [smem:$0x3FA1]  }
0x29: {  	s4 =	sld [smem:$0x3FA3]  }
0x2a: {  	p0 =	seq.s32 s5, $0x0;
	s5 =	sld [smem:$0x3FA4]  }
0x2b: {  	s6 =	sld [smem:$0x3FA5]  }
0x2c: {  	s7 =	sld [smem:$0x3FA6]  }
0x2d: {  	s3 =	simm.s32 $0x108;
	s8 =	sld [smem:$0x3FA7]  }
0x2e: {  	s3 =	simm.s32 @!p0 $0x1082;
	s9 =	sld [smem:$0x3FA8]  }
0x2f: {  	lr =	sadd.s32 s0, s3;
	s0 =	sld [smem:$0x3F9F]  }
0x30: {  	s3 =	sld [smem:$0x3FA2]  }
0x31: {  	[smem:$0x3FAB] =	sst s10  }
0x32: {  	s10 =	sld [smem:$0x3FA9];
	_ =	sdelay $0x3  }
0x33: {  	p0 =	seq.s32 s10, $0x1;
	s10 =	sld [smem:$0x3FAB];
	_ =	sdelay $0x3  }
0x34: {  	[smem:$0x3FAB] =	sst s10  }
0x35: {  	s10 =	sld [smem:$0x3FAA];
	_ =	sdelay $0x3  }
0x36: {  	p1 =	seq.s32 s10, $0x1;
	s10 =	sld [smem:$0x3FAB];
	_ =	sdelay $0x3  }
0x37: {  	[smem:$0x3FAB] =	sst s10  }
0x38: {  	s10 =	sld [smem:$0x3FAC]  }
0x39: {  	_ = 	snop;
	(pc) =	sbr.ind lr, $3  }
0x3a: {  	_ = 	snop  }
0x3b: {  	_ = 	snop  }
0x3c: {  	p2 =	seq.s32 s10, $0x1;
	s10 =	sld [smem:$0x3FAB]  }
0x3d: {  	_ =	shalt  }
0x3e: {  	_ =	shalt  }
0x3f: {  	_ =	shalt  }
0x40: {  	_ =	shalt  }
0x41: {  	_ =	shalt  }
0x42: {  	_ =	shalt  }
0x43: {  	_ =	shalt  }
0x44: {  	_ =	shalt  }
0x45: {  	_ =	shalt  }
0x46: {  	_ =	shalt  }
0x47: {  	_ =	shalt  }
0x48: {  	_ =	shalt  }
0x49: {  	_ =	shalt  }
0x4a: {  	_ =	shalt  }
0x4b: {  	_ =	shalt  }
0x4c: {  	_ =	shalt  }
0x4d: {  	_ =	shalt  }
0x4e: {  	_ =	shalt  }
0x4f: {  	_ =	shalt  }
0x50: {  	_ =	shalt  }
0x51: {  	_ =	shalt  }
0x52: {  	_ =	shalt  }
0x53: {  	_ =	shalt  }
0x54: {  	_ =	shalt  }
0x55: {  	_ =	shalt  }
0x56: {  	_ =	shalt  }
0x57: {  	_ =	shalt  }
0x58: {  	_ =	shalt  }
0x59: {  	_ =	shalt  }
0x5a: {  	_ =	shalt  }
0x5b: {  	_ =	shalt  }
0x5c: {  	_ =	shalt  }
0x5d: {  	_ =	shalt  }
0x5e: {  	_ =	shalt  }
0x5f: {  	_ =	shalt  }
0x60: {  	_ =	shalt  }
0x61: {  	_ =	shalt  }
0x62: {  	_ =	shalt  }
0x63: {  	_ =	shalt  }
0x64: {  	_ =	shalt  }
0x65: {  	_ =	shalt  }
0x66: {  	_ =	shalt  }
0x67: {  	_ =	shalt  }
0x68: {  	_ =	shalt  }
0x69: {  	_ =	shalt  }
0x6a: {  	_ =	shalt  }
0x6b: {  	_ =	shalt  }
0x6c: {  	_ =	shalt  }
0x6d: {  	_ =	shalt  }
0x6e: {  	_ =	shalt  }
0x6f: {  	_ =	shalt  }
0x70: {  	_ =	shalt  }
0x71: {  	_ =	shalt  }
0x72: {  	_ =	shalt  }
0x73: {  	_ =	shalt  }
0x74: {  	_ =	shalt  }
0x75: {  	_ =	shalt  }
0x76: {  	_ =	shalt  }
0x77: {  	_ =	shalt  }
0x78: {  	_ =	shalt  }
0x79: {  	_ =	shalt  }
0x7a: {  	_ =	shalt  }
0x7b: {  	_ =	shalt  }
0x7c: {  	_ =	shalt  }
0x7d: {  	_ =	shalt  }
0x7e: {  	_ =	shalt  }
0x7f: {  	_ =	shalt  }
0x80: {  	_ =	shalt  }
0x81: {  	_ =	shalt  }
0x82: {  	_ =	shalt  }
0x83: {  	_ =	shalt  }
0x84: {  	_ =	shalt  }
0x85: {  	_ =	shalt  }
0x86: {  	_ =	shalt  }
0x87: {  	_ =	shalt  }
.Lfunc_end0:
.L_simem_size_0:
called_computation.6_lowered:
.L_overlay_start_0:
0x88: {  	s2 =	sld [smem:$0x3FD9]  }
0x89: {  	s3 =	sld [smem:$0x3FFE];
	_ =	sdelay $0x1  }
0x8a: {  	s1 =	srdreg.scid  }
0x8b: {  	s0 =	sand.u32 $0x1, s1  }
0x8c: {  	s17 =	sshll.u32 s0, $0xA;
	s2 =	sadd.s32 s3, s2  }
0x8d: {  	s2 =	sadd.s32 s2, s17  }
0x8e: {  	[smem:$0x3FB7] =	sst s2  }
0x8f: {  	_ = 	snop  }
0x90: {  	(tm) =	ssettm $0x1  }
0x91: {  	s18 =	sld [smem:$0x3FFB];
	_ =	sdelay $0x3  }
0x92: {  	_ =	strace s18  }
0x93: {  	s2 =	sld [smem:$0x3FFC];
	_ =	sdelay $0x3  }
0x94: {  	_ =	strace s2  }
0x95: {  	s2 =	sld [smem:$0x3FFD];
	_ =	sdelay $0x3  }
0x96: {  	_ =	strace s2  }
0x97: {  	_ =	strace $0x8FFFFFFF  }
0x98: {  	s19 =	sld [smem:$0x3FDB];
	_ =	sdelay $0x1  }
0x99: {  	s20 =	simm.s32 $_scs_section_size  }
0x9a: {  	s4 =	simm.s32 $_size__tile_overlayer_lowered;
	s5 =	simm.s32 $_tile_overlayer_lowered  }
0x9b: {  	s6 =	simm.s32 $0x1BFF;
	s21 =	sshll.u32 s5, $0x1;
	s3 =	sadd.s32 s20, s19  }
0x9c: {  	s22 =	simm.s32 $0x0;
	s4 =	sshll.u32 s4, $0x1;
	s5 =	sadd.s32 s21, s3  }
0x9d: {  	[timem:s22], [sflag:s6] =	dma.local [hbm:s5], s4  }
0x9e: {  	_ =	swait.ge [sflag:s6], s4  }
0x9f: {  	s4 =	ssub.s32 $0x0, s4;
	[sflag:s6] =	ssyncset.done $0x0  }
0xa0: {  	[sflag:s6] =	ssyncadd.s32 s4;
	_ =	sdelay $0x1  }
0xa1: {  	s23 =	simm.s32 $0x1B8B  }
0xa2: {  	_ =	swait.ge [sflag:s23], $0x1  }
0xa3: {  	[sflag:s23] =	ssyncset.done $0x0  }
0xa4: {  	[sflag:s23] =	ssyncadd.s32 $0xFFFFFFFF  }
0xa5: {  	s4 =	sld [smem:$0x0]  }
0xa6: {  	s5 =	sand.u32 $0xFFFFFFFE, s1  }
0xa7: {  	p0 =	sne.s32 s1, s5  }
0xa8: {  	s5 =	sshll.u32 @p0 s5, $0xE  }
0xa9: {  	s5 =	sadd.s32 @p0 $0x11B8D, s5;
	s6 =	sshll.u32 @p0 s4, $0x11  }
0xaa: {  	s5 =	sor.u32 @p0 s6, s5  }
0xab: {  	[sflag:s5] =	ssyncadd.remote.s32 @p0 $0x1;
	_ =	sdelay $0x1  }
0xac: {  	s5 =	simm.s32 @p0 $0x1B8D  }
0xad: {  	_ =	swait.eq @p0 [sflag:s5], $0x1  }
0xae: {  	[sflag:s5] =	ssyncadd.s32 @p0 $0xFFFFFFFF  }
0xaf: {  	s6 =	sshll.u32 @!p0 s1, $0xE  }
0xb0: {  	s6 =	sor.u32 @!p0 $0x4000, s6;
	s5 =	simm.s32 @!p0 $0x1B8D  }
0xb1: {  	s4 =	sshll.u32 @!p0 s4, $0x11;
	s6 =	sadd.s32 @!p0 $0x11B8D, s6;
	_ =	swait.eq @!p0 [sflag:s5], $0x1  }
0xb2: {  	s4 =	sor.u32 @!p0 s4, s6;
	[sflag:s5] =	ssyncadd.s32 @!p0 $0xFFFFFFFF  }
0xb3: {  	s25 =	simm.s32 $0x1B8E;
	s24 =	sld [smem:$0x3FFE];
	[sflag:s4] =	ssyncadd.remote.s32 @!p0 $0x1  }
0xb4: {  	s26 =	simm.s32 $execute0_lowered;
	[smem:$0x3FD2] =	sst s25  }
0xb5: {  	s5 =	sshll.u32 s26, $0x1;
	_ =	strace $0x80000058;
	[dreg:$0x1] =	wrdreg $0xFFFFFFFF  }
0xb6: {  	s28 =	simm.s32 $_size_execute0_lowered;
	s3 =	sadd.s32 s3, s5;
	[dreg:$0x0] =	wrdreg $0x0  }
0xb7: {  	s5 =	sshll.u32 s28, $0x1;
	[dreg:$0x2] =	wrdreg s3  }
0xb8: {  	[dreg:$0x3] =	wrdreg s5  }
0xb9: {  	[dreg:$0x4] =	wrdreg $0xC0  }
0xba: {  	_ =	task [dreg:s22], $0x5FFFF  }
0xbb: {  	[dreg:$0x1] =	wrdreg $0xFFFFFFFF  }
0xbc: {  	[dreg:$0x0] =	wrdreg $0x60  }
0xbd: {  	[dreg:$0x2] =	wrdreg s24  }
0xbe: {  	[dreg:$0x3] =	wrdreg $0xA0000  }
0xbf: {  	[dreg:$0x4] =	wrdreg $0xA  }
0xc0: {  	_ =	task.clear_ibuf [dreg:s22], $0x5FFFF;
	_ =	strace $0x90000058  }
0xc1: {  	s29 =	simm.s32 $0xA;
	_ =	strace $0x8000005A  }
0xc2: {  	_ =	swait.ge [sflag:s29], $0x1  }
0xc3: {  	[sflag:s29] =	ssyncadd.s32 $0xFFFFFFFF  }
0xc4: {  	_ =	strace $0x9000005A  }
0xc5: {  	_ =	sfence  }
0xc6: {  	s30 =	sld [smem:$0x0];
	_ =	sdelay $0x2  }
0xc7: {  	s31 =	sshll.u32 s1, $0xD;
	s1 =	sshrl.u32 s1, $0x2  }
0xc8: {  	s4 =	sand.u32 $0x4000, s31;
	s1 =	sadd.s32 s1, s30  }
0xc9: {  	s0 =	sor.u32 s4, s0;
	s1 =	sshll.u32 s1, $0x11  }
0xca: {  	s0 =	sor.u32 s1, s0  }
0xcb: {  	s0 =	sadd.s32 $0x8F2B, s0  }
0xcc: {  	[sflag:s0] =	ssyncadd.remote.s32 $0x1  }
0xcd: {  	_ =	sfence.sel $0xFFFF  }
0xce: {  	[dreg:$0x0] =	wrdreg $0xFFFFFFFF;
	(pc) =	sbr.abs _section_cstart, $3  }
0xcf: {  	[dreg:$0x1] =	wrdreg $0xFFFFFFFF  }
0xd0: {  	_ =	task.clear_ibuf [dreg:s22], $0x2FFFF;
	_ =	strace $0x9FFFFFFF  }
0xd1: {  	(tm) =	ssettm $0x7FFFFFFF  }
tec
execute0_lowered:
.L_overlay_start_1:
0x0: {  	(tag) =	ssettag $0x1  }
0x1: {  	s0 =	srdreg.scid;
	s6 =	rddreg [dreg:$0x0]  }
0x2: {  	s2 =	rddreg [dreg:$0x1];
	s1 =	stileid.u32  }
0x3: {  	s3 =	simm.s32 $0x0;
	s23 =	simm.s32 $0x1;
	s24 =	simm.s32 $0x0  }
0x4: {  	s9 =	sand.u32 $0x1, s0;
	s0 =	rddreg [dreg:$0x2];
	s8 =	smul.u32 $0x4F000, s1  }
0x5: {  	[smem:$0x7FF] =	sst s3;
	s12 =	smul.u32 $0x13C00, s1;
	s18 =	sadd.s32 $0x5F800, s6  }
0x6: {  	s4 =	sshll.u32 s9, $0x4;
	_ =	strace $0x80000059;
	s7 =	ssub.s32 $0x2, s9  }
0x7: {  	p0 =	seq.s32 s9, $0x0;
	s20 =	smul.u32 $0x13C000, s9;
	s4 =	sor.u32 s1, s4  }
0x8: {  	s10 =	sshrl.u32 s7, $0x1;
	s31 =	sshrl.u32 s8, $0x2;
	s14 =	sadd.s32 $0x4000, s12  }
0x9: {  	s16 =	sadd.s32 $0x8000, s12;
	s17 =	sadd.s32 $0xC000, s12;
	s21 =	sadd.s32 $0x10000, s12  }
0xa: {  	s5 =	smul.u32 $0x600, s4;
	s4 =	sadd.s32 $0x38000, s6;
	s19 =	ssub.s32 s7, s10  }
0xb: {  	s7 =	sadd.s32 s31, s2;
	s8 =	sadd.s32 s14, s2;
	s9 =	sadd.s32 s16, s2  }
0xc: {  	s10 =	sadd.s32 s17, s2;
	s11 =	sadd.s32 s21, s2;
	s15 =	sadd.s32 s12, s20  }
0xd: {  	s14 =	sadd.s32 s20, s14;
	s16 =	sadd.s32 s20, s16;
	s17 =	sadd.s32 s20, s17  }
0xe: {  	s20 =	sadd.s32 s20, s21;
	s21 =	simm.s32 $0x2;
	s15 =	sshrl.u32 s15, $0x3  }
0xf: {  	s22 =	sshrl.u32 s14, $0x3;
	s16 =	sshrl.u32 s16, $0x3;
	s17 =	sshrl.u32 s17, $0x3  }
0x10: {  	s20 =	sshrl.u32 s20, $0x3;
	s19 =	smax.u32 s19, $0x1;
	s13 =	sadd.s32 s5, s6  }
0x11: {  	s5 =	sadd.s32 $0x1F400, s6;
	s6 =	simm.s32 $0x5F;
	s14 =	sadd.s32 s18, s15  }
0x12: {  	s15 =	sadd.s32 s18, s22;
	s16 =	sadd.s32 s18, s16;
	s17 =	sadd.s32 s18, s17  }
0x13: {  	s18 =	sadd.s32 s18, s20;
	s20 =	simm.s32 $0x6000;
	s22 =	simm.s32 $0x80  }
0x14: {  	s6 =	simm.s32 @!p0 $0x3E;
	s12 =	sadd.s32 $0x2C000, s13;
	s13 =	sadd.s32 $0x13400, s13  }
.LBB2_1:
0x15: {  	[tilespmem:s20], [sflag:$0x2] =	stream.linear.gather [hbm4b:s5+s3], $0x4000, $0x38;
	[tilespmem:$0x1DC00] =	vst v63  }
0x16: {  	_ =	swait.ge [sflag:s21], $0x4000  }
0x17: {  	[sflag:s21] =	ssyncset.done $0x0  }
0x18: {  	[sflag:s21] =	ssyncadd.s32 $0xFFFFC000  }
0x19: {  	[spmem:s7] =	stream.linear.scatter [tilespmem:s20], [sflag:$0x2], $0x4000, $0x38;
	[tilespmem:$0x1DC00] =	vst v63  }
0x1a: {  	_ =	swait.ge [sflag:s21], $0x4000  }
0x1b: {  	[sflag:s21] =	ssyncset.done $0x0  }
0x1c: {  	[sflag:s21] =	ssyncadd.s32 $0xFFFFC000  }
0x1d: {  	[spmem:s8] =	stream.linear.scatter [tilespmem:s20], [sflag:$0x2], $0x4000, $0x38;
	[tilespmem:$0x1DC00] =	vst v63  }
0x1e: {  	_ =	swait.ge [sflag:s21], $0x4000  }
0x1f: {  	[sflag:s21] =	ssyncset.done $0x0  }
0x20: {  	[sflag:s21] =	ssyncadd.s32 $0xFFFFC000  }
0x21: {  	[spmem:s9] =	stream.linear.scatter [tilespmem:s20], [sflag:$0x2], $0x4000, $0x38;
	[tilespmem:$0x1DC00] =	vst v63  }
0x22: {  	_ =	swait.ge [sflag:s21], $0x4000  }
0x23: {  	[sflag:s21] =	ssyncset.done $0x0  }
0x24: {  	[sflag:s21] =	ssyncadd.s32 $0xFFFFC000  }
0x25: {  	[spmem:s10] =	stream.linear.scatter [tilespmem:s20], [sflag:$0x2], $0x4000, $0x38;
	[tilespmem:$0x1DC00] =	vst v63  }
0x26: {  	_ =	swait.ge [sflag:s21], $0x4000  }
0x27: {  	[sflag:s21] =	ssyncset.done $0x0  }
0x28: {  	[sflag:s21] =	ssyncadd.s32 $0xFFFFC000  }
0x29: {  	[spmem:s11] =	stream.linear.scatter [tilespmem:s20], [sflag:$0x2], $0x3C00, $0x38;
	[tilespmem:$0x1DC00] =	vst v63  }
0x2a: {  	_ =	swait.ge [sflag:s21], $0x3C00  }
0x2b: {  	[sflag:s21] =	ssyncset.done $0x0  }
0x2c: {  	[sflag:s21] =	ssyncadd.s32 $0xFFFFC400  }
0x2d: {  	[tilespmem:s3], [sflag:$0x2] =	stream.linear.gather [hbm4b:s12+s3], $0x2F80, $0x38;
	[tilespmem:$0x1DC00] =	vst v63  }
0x2e: {  	_ =	swait.ge [sflag:s21], $0x2F80  }
0x2f: {  	[sflag:s21] =	ssyncset.done $0x0  }
0x30: {  	s25 =	simm.s32 $0x3000;
	[sflag:s21] =	ssyncadd.s32 $0xFFFFD080  }
0x31: {  	[tilespmem:s25], [sflag:$0x2] =	stream.linear.gather [hbm4b:s13+s3], $0x2F80, $0x38;
	[tilespmem:$0x1DC00] =	vst v63  }
0x32: {  	_ =	swait.ge [sflag:s21], $0x2F80  }
0x33: {  	[sflag:s21] =	ssyncset.done $0x0  }
0x34: {  	[sflag:s21] =	ssyncadd.s32 $0xFFFFD080  }
0x35: {  	[bflag:$0x0] =	sbarrier.arrive $0xFFFF  }
0x36: {  	[tilespmem:s20], [sflag:$0x1] =	stream.indirect.gather [hbm4b:s4+s22], $0x80, s3, s22, $0xb8;
	[tilespmem:$0x1DC00] =	vst v63  }
0x37: {  	p0 =	sne.s32 s6, $0x1;
	_ =	swait.ge [sflag:s23], $0x4000  }
.Ltmp0:
0x38: {  	[sflag:s23] =	ssyncset.done $0x0;
	(pc) =	sbr.rel @!p0 .LBB2_3-.Ltmp0, $4  }
0x39: {  	[sflag:s23] =	ssyncadd.s32 $0xFFFFC000  }
0x3a: {  	[spmem:s2] =	stream.indirect.scatter.add.f32 [tilespmem:s20], [sflag:$0x2], $0x80, s25, s22, $0xb8;
	[tilespmem:$0x1DC00] =	vst v63  }
0x3b: {  	_ =	swait.ge [sflag:s21], $0x4000  }
0x3c: {  	s26 =	sadd.s32 $0xFFFFFFFF, s6;
	s28 =	simm.s32 $0x0;
	[sflag:s21] =	ssyncset.done $0x0  }
.LBB2_2:
0x3d: {  	[sflag:s21] =	ssyncadd.s32 $0xFFFFC000;
	s28 =	sadd.s32 $0x80, s28;
	s25 =	sadd.s32 $0x80, s25  }
0x3e: {  	[tilespmem:s20], [sflag:$0x1] =	stream.indirect.gather [hbm4b:s4+s22], $0x80, s28, s22, $0xb8;
	[tilespmem:$0x1DC00] =	vst v63  }
0x3f: {  	p0 =	sne.s32 s26, $0x1;
	s26 =	sadd.s32 $0xFFFFFFFF, s26;
	_ =	swait.ge [sflag:s23], $0x4000  }
.Ltmp1:
0x40: {  	[sflag:s23] =	ssyncset.done $0x0;
	(pc) =	sbr.rel @p0 .LBB2_2-.Ltmp1, $4  }
0x41: {  	[sflag:s23] =	ssyncadd.s32 $0xFFFFC000  }
0x42: {  	[spmem:s2] =	stream.indirect.scatter.add.f32 [tilespmem:s20], [sflag:$0x2], $0x80, s25, s22, $0xb8;
	[tilespmem:$0x1DC00] =	vst v63  }
0x43: {  	_ =	swait.ge [sflag:s21], $0x4000  }
0x44: {  	[sflag:s21] =	ssyncset.done $0x0  }
.LBB2_3:
0x45: {  	[sflag:s21] =	ssyncadd.s32 $0xFFFFC000  }
0x46: {  	[bflag:$0x0] =	sbarrier.arrive $0xFFFF  }
0x47: {  	[tilespmem:s20], [sflag:$0x2] =	stream.linear.gather [spmem:s7], $0x4000, $0x38;
	[tilespmem:$0x1DC00] =	vst v63  }
0x48: {  	_ =	swait.ge [sflag:s21], $0x4000  }
0x49: {  	[sflag:s21] =	ssyncset.done $0x0  }
0x4a: {  	[sflag:s21] =	ssyncadd.s32 $0xFFFFC000  }
0x4b: {  	[hbm4b:s14+s3] =	stream.linear.scatter [tilespmem:s20], [sflag:$0x2], $0x4000, $0x38;
	[tilespmem:$0x1DC00] =	vst v63  }
0x4c: {  	_ =	swait.ge [sflag:s21], $0x4000  }
0x4d: {  	[sflag:s21] =	ssyncset.done $0x0  }
0x4e: {  	[sflag:s21] =	ssyncadd.s32 $0xFFFFC000  }
0x4f: {  	[tilespmem:s20], [sflag:$0x2] =	stream.linear.gather [spmem:s8], $0x4000, $0x38;
	[tilespmem:$0x1DC00] =	vst v63  }
0x50: {  	_ =	swait.ge [sflag:s21], $0x4000  }
0x51: {  	[sflag:s21] =	ssyncset.done $0x0  }
0x52: {  	[sflag:s21] =	ssyncadd.s32 $0xFFFFC000  }
0x53: {  	[hbm4b:s15+s3] =	stream.linear.scatter [tilespmem:s20], [sflag:$0x2], $0x4000, $0x38;
	[tilespmem:$0x1DC00] =	vst v63  }
0x54: {  	_ =	swait.ge [sflag:s21], $0x4000  }
0x55: {  	[sflag:s21] =	ssyncset.done $0x0  }
0x56: {  	[sflag:s21] =	ssyncadd.s32 $0xFFFFC000  }
0x57: {  	[tilespmem:s20], [sflag:$0x2] =	stream.linear.gather [spmem:s9], $0x4000, $0x38;
	[tilespmem:$0x1DC00] =	vst v63  }
0x58: {  	_ =	swait.ge [sflag:s21], $0x4000  }
0x59: {  	[sflag:s21] =	ssyncset.done $0x0  }
0x5a: {  	[sflag:s21] =	ssyncadd.s32 $0xFFFFC000  }
0x5b: {  	[hbm4b:s16+s3] =	stream.linear.scatter [tilespmem:s20], [sflag:$0x2], $0x4000, $0x38;
	[tilespmem:$0x1DC00] =	vst v63  }
0x5c: {  	_ =	swait.ge [sflag:s21], $0x4000  }
0x5d: {  	[sflag:s21] =	ssyncset.done $0x0  }
0x5e: {  	[sflag:s21] =	ssyncadd.s32 $0xFFFFC000  }
0x5f: {  	[tilespmem:s20], [sflag:$0x2] =	stream.linear.gather [spmem:s10], $0x4000, $0x38;
	[tilespmem:$0x1DC00] =	vst v63  }
0x60: {  	_ =	swait.ge [sflag:s21], $0x4000  }
0x61: {  	[sflag:s21] =	ssyncset.done $0x0  }
0x62: {  	[sflag:s21] =	ssyncadd.s32 $0xFFFFC000  }
0x63: {  	[hbm4b:s17+s3] =	stream.linear.scatter [tilespmem:s20], [sflag:$0x2], $0x4000, $0x38;
	[tilespmem:$0x1DC00] =	vst v63  }
0x64: {  	_ =	swait.ge [sflag:s21], $0x4000  }
0x65: {  	[sflag:s21] =	ssyncset.done $0x0  }
0x66: {  	[sflag:s21] =	ssyncadd.s32 $0xFFFFC000  }
0x67: {  	[tilespmem:s20], [sflag:$0x2] =	stream.linear.gather [spmem:s11], $0x3C00, $0x38;
	[tilespmem:$0x1DC00] =	vst v63  }
0x68: {  	s24 =	sadd.s32 $0x1, s24;
	_ =	swait.ge [sflag:s21], $0x3C00  }
0x69: {  	p0 =	sne.s32 s24, s19;
	[sflag:s21] =	ssyncset.done $0x0  }
.Ltmp2:
0x6a: {  	[sflag:s21] =	ssyncadd.s32 $0xFFFFC400;
	(pc) =	sbr.rel @p0 .LBB2_1-.Ltmp2, $4  }
0x6b: {  	[hbm4b:s18+s3] =	stream.linear.scatter [tilespmem:s20], [sflag:$0x2], $0x3C00, $0x38;
	[tilespmem:$0x1DC00] =	vst v63  }
0x6c: {  	_ =	swait.ge [sflag:s21], $0x3C00  }
0x6d: {  	[sflag:s21] =	ssyncset.done $0x0  }
0x6e: {  	[sflag:s21] =	ssyncadd.s32 $0xFFFFC400  }
0x6f: {  	_ =	sfence.sel $0x180000  }
0x70: {  	[bflag:$0x0] =	sbarrier.arrive $0xFFFF  }
0x71: {  	p0 =	sne.s32 s1, $0x0;
	_ =	strace $0x90000059  }
0x72: {  	s0 =	sadd.s32 @!p0 $0x100000, s0;
	[bflag:$0x2] =	sbarrier.arrive $0xFFFF  }
0x73: {  	[sflag:s0] =	ssyncadd.tile.s32 @!p0 $0x1;
	_ =	shalt  }
.Lfunc_end2:
_tile_overlayer_lowered:
.L_overlay_start_2:
0x74: {  	(tag) =	ssettag $0x2  }
0x75: {  	s0 =	rddreg [dreg:$0x0];
	s2 =	stileid.u32  }
0x76: {  	s1 =	rddreg [dreg:$0x1];
	p0 =	sne.s32 s2, $0x0  }
0x77: {  	s3 =	rddreg [dreg:$0x2];
	[bflag:$0x3] =	sbarrier.arrive $0xFFFF;
	s2 =	simm.s32 @!p0 $0x1C02  }
0x78: {  	[timem:s3], [sflag:s2] =	dma.local @!p0 [hbm:s0], s1  }
0x79: {  	s0 =	simm.s32 @!p0 $0x2  }
0x7a: {  	_ =	swait.ge @!p0 [sflag:s0], s1  }
0x7b: {  	s1 =	ssub.s32 @!p0 $0x0, s1;
	[sflag:s0] =	ssyncset.done @!p0 $0x0  }
0x7c: {  	[sflag:s0] =	ssyncadd.s32 @!p0 s1  }
0x7d: {  	[bflag:$0x3] =	sbarrier.arrive $0xFFFF  }
0x7e: {  	_ =	shalt  }

</sc_bundles>
